<compile_context>
chip_gen: v7x
topology: tpu7x:2x2x1
jax: 0.10.2.dev20260603
libtpu: 0.0.44.dev20260713+nightly
codegen_flags: <defaults>
</compile_context>

<pallas_src>
import functools

import jax
import jax.numpy as jnp
from jax import lax
from jax.experimental import pallas as pl
from jax.experimental.pallas import tpu as pltpu
from jax.experimental.pallas import tpu_sc as plsc

_ROWS = 8
_N = 4096
_TOPK = 128
_L = 16
_NCHUNK = _N // _L
_UNROLL = 16
_HBINS = 272


def _bucket_search(hist, sums, kk, iota):
  for j in range(16):
    s = jnp.sum(hist[pl.ds(j * _L, _L)])
    plsc.store_scatter(
        sums, [iota * 0 + j], jnp.broadcast_to(s, (_L,)), mask=iota == 0
    )
  sv = sums[...]
  svr = lax.rev(sv, (0,))
  cums = plsc.cumsum(svr)
  lstar = jnp.sum((cums < kk).astype(jnp.int32))
  jstar = 15 - lstar
  ca_chunks = jnp.sum(jnp.where(iota == lstar, cums - svr, 0))
  h = hist[pl.ds(jstar * _L, _L)]
  hrev = lax.rev(h, (0,))
  c2 = plsc.cumsum(hrev) + ca_chunks
  nlt = jnp.sum((c2 < kk).astype(jnp.int32))
  bucket = jstar * _L + (_L - 1) - nlt
  ca = jnp.sum(jnp.where(iota == nlt, c2 - hrev, 0))
  return bucket, kk - ca


def _zero_hist(hist):
  for j in range(_HBINS // _L):
    hist[pl.ds(j * _L, _L)] = jnp.zeros((_L,), jnp.int32)


_mesh = plsc.VectorSubcoreMesh(
    core_axis_name="c", subcore_axis_name="s", num_cores=1
)


@functools.partial(
    pl.kernel,
    out_type=jax.ShapeDtypeStruct((_ROWS, _N), jnp.float32),
    mesh=_mesh,
    compiler_params=pltpu.CompilerParams(needs_layout_passes=False),
    scratch_types=[
        pltpu.VMEM((_N,), jnp.int32),
        pltpu.VMEM((_N,), jnp.int32),
        pltpu.VMEM((_N,), jnp.float32),
        pltpu.VMEM((_HBINS,), jnp.int32),
        pltpu.VMEM((_L,), jnp.int32),
    ],
)
def _topk_mask_sc(x_hbm, o_hbm, xv, keys, ov, hist, sums):
  wid = lax.axis_index("s")

  @pl.when(wid < _ROWS)
  def _():
    row = wid
    pltpu.sync_copy(x_hbm.at[row], xv)
    iota = lax.iota(jnp.int32, _L)
    ones = jnp.ones((_L,), jnp.int32)

    _zero_hist(hist)

    @plsc.parallel_loop(0, _NCHUNK, unroll=_UNROLL)
    def _sweep_a(i):
      b = xv[pl.ds(i * _L, _L)]
      ks = b ^ ((b >> 31) & jnp.int32(0x7FFFFFFF))
      keys[pl.ds(i * _L, _L)] = ks
      d = (ks >> 24) + 128
      cnt, last = plsc.scan_count(d)
      plsc.addupdate_scatter(hist, [d], cnt, mask=last)
    b1, kk = _bucket_search(hist, sums, _TOPK, iota)
    p_top = b1 - 128

    def level(match_shift, digit_shift, prefix, kk):
      _zero_hist(hist)

      @plsc.parallel_loop(0, _NCHUNK, unroll=_UNROLL)
      def _sweep(i):
        ks = keys[pl.ds(i * _L, _L)]
        match = (ks >> match_shift) == prefix
        d = (ks >> digit_shift) & 0xFF
        plsc.addupdate_scatter(hist, [d], ones, mask=match)
      return _bucket_search(hist, sums, kk, iota)

    b2, kk = level(24, 16, p_top, kk)
    p16 = (p_top << 8) | b2
    b3, kk = level(16, 8, p16, kk)
    p24 = (p16 << 8) | b3
    b4, r = level(8, 0, p24, kk)
    t = (p24 << 8) | b4
    h4 = hist[pl.ds(b4 & -_L, _L)]
    m4 = jnp.sum(jnp.where(iota == (b4 & (_L - 1)), h4, 0))

    @pl.when(r == m4)
    def _():
      @plsc.parallel_loop(0, _NCHUNK, unroll=_UNROLL)
      def _sweep_fast(i):
        ks = keys[pl.ds(i * _L, _L)]
        ov[pl.ds(i * _L, _L)] = jnp.where(ks >= t, 1.0, 0.0).astype(
            jnp.float32
        )

    @pl.when(r != m4)
    def _():
      r_splat = jnp.broadcast_to(r, (_L,))

      @plsc.parallel_loop(
          0, _NCHUNK, unroll=_UNROLL, carry=jnp.zeros((_L,), jnp.int32)
      )
      def _sweep_out(i, runv):
        ks = keys[pl.ds(i * _L, _L)]
        gt = ks > t
        eq = ks == t
        eqi = eq.astype(jnp.int32)
        pref = plsc.cumsum(eqi) - eqi
        sel = eq & ((runv + pref) < r_splat)
        ov[pl.ds(i * _L, _L)] = jnp.where(gt | sel, 1.0, 0.0).astype(
            jnp.float32
        )
        return runv + plsc.all_reduce_population_count(eq)
    pltpu.sync_copy(ov, o_hbm.at[row])


def kernel(x):
  return _topk_mask_sc(lax.bitcast_convert_type(x, jnp.int32))

# --- scband reference (transcript-rebuilt; emitter-appended) ---
"""Pipeline reference for scband-top-k-37125697306650 (READ-ONLY COPY).

The authoritative reference and input builder live on the scoring server;
editing this copy changes nothing except your own understanding.
"""

import jax, jax.numpy as jnp
import numpy as np

K = 128


def setup_inputs(seed: int = 0) -> dict:
    key = jax.random.key(seed)
    x = jax.random.normal(key, (8, 4096), dtype=jnp.float32)
    return {"x": x}


def reference(x):
    # TopKPerturbed.forward: hard top-k mask (1.0 at top-k positions per row, 0 elsewhere)
    _, indices = jax.lax.top_k(x, K)
    rows = jnp.arange(x.shape[0])[:, None]
    out = jnp.zeros_like(x).at[rows, indices].set(1.0)
    return out

if __name__ == "__main__":
    import jax
    _d = setup_inputs()
    print(jax.jit(kernel)(*tuple(_d.values())))

</pallas_src>

<mosaic_0001>
#map = affine_map<(d0, d1) -> (0, 0)>
module attributes {stable_mosaic.version = 14 : i64} {
  func.func @_topk_mask_sc(%arg0: i32, %arg1: i32, %arg2: memref<8x4096xi32, #tpu.memory_space<hbm>>, %arg3: memref<8x4096xf32, #tpu.memory_space<hbm>>, %arg4: memref<4096xi32, #tpu.memory_space<vmem>>, %arg5: memref<4096xi32, #tpu.memory_space<vmem>>, %arg6: memref<4096xf32, #tpu.memory_space<vmem>>, %arg7: memref<272xi32, #tpu.memory_space<vmem>>, %arg8: memref<16xi32, #tpu.memory_space<vmem>>) attributes {dimension_semantics = [#tpu.dimension_semantics<core_parallel>, #tpu.dimension_semantics<subcore_parallel>], iteration_bounds = array<i64: 1, 16>, scalar_prefetch = 0 : i64, scratch_operands = 5 : i64, tpu.core_type = #tpu.core_type<sc_vector_subcore>, window_params = [{transform_indices = #map}, {transform_indices = #map}]} {
    %lt3A = arith.constant 8 : i32
    %lt3A_0 = arith.cmpi slt, %arg1, %lt3A : i32
    %convert_element_type3A = arith.extui %lt3A_0 : i1 to i32
    %cond3A = arith.constant 0 : i32
    %cond3A_1 = arith.cmpi ne, %convert_element_type3A, %cond3A : i32
    scf.if %cond3A_1 {
      "tpu.region"() ({
        %run_scoped3A = tpu.sem_alloc : memref<!tpu.dma_semaphore, #tpu.memory_space<semaphore_mem>>
        %dma_start3A = arith.constant 0 : i32
        %dma_start3A_1596 = tpu.memref_slice %arg2[%arg1, %dma_start3A] : memref<8x4096xi32, #tpu.memory_space<hbm>> -> memref<1x4096xi32, #tpu.memory_space<hbm>>
        %dma_start3A_1597 = tpu.memref_squeeze %dma_start3A_1596 : memref<1x4096xi32, #tpu.memory_space<hbm>> -> memref<4096xi32, #tpu.memory_space<hbm>>
        %dma_start3A_1598 = arith.constant 0 : i32
        %dma_start3A_1599 = tpu.memref_slice %arg2[%arg1, %dma_start3A_1598] : memref<8x4096xi32, #tpu.memory_space<hbm>> -> memref<1x4096xi32, #tpu.memory_space<hbm>>
        %dma_start3A_1600 = tpu.memref_squeeze %dma_start3A_1599 : memref<1x4096xi32, #tpu.memory_space<hbm>> -> memref<4096xi32, #tpu.memory_space<hbm>>
        tpu.enqueue_dma source(%dma_start3A_1600 : memref<4096xi32, #tpu.memory_space<hbm>>) target(%arg4 : memref<4096xi32, #tpu.memory_space<vmem>>) target_semaphore(%run_scoped3A : memref<!tpu.dma_semaphore, #tpu.memory_space<semaphore_mem>>)
        %dma_wait3A = arith.constant 0 : i32
        %dma_wait3A_1601 = tpu.memref_slice %arg2[%arg1, %dma_wait3A] : memref<8x4096xi32, #tpu.memory_space<hbm>> -> memref<1x4096xi32, #tpu.memory_space<hbm>>
        %dma_wait3A_1602 = tpu.memref_squeeze %dma_wait3A_1601 : memref<1x4096xi32, #tpu.memory_space<hbm>> -> memref<4096xi32, #tpu.memory_space<hbm>>
        %dma_wait3A_1603 = arith.constant 0 : i32
        %dma_wait3A_1604 = tpu.memref_slice %arg2[%arg1, %dma_wait3A_1603] : memref<8x4096xi32, #tpu.memory_space<hbm>> -> memref<1x4096xi32, #tpu.memory_space<hbm>>
        %dma_wait3A_1605 = tpu.memref_squeeze %dma_wait3A_1604 : memref<1x4096xi32, #tpu.memory_space<hbm>> -> memref<4096xi32, #tpu.memory_space<hbm>>
        tpu.wait_dma2 semaphore(%run_scoped3A : memref<!tpu.dma_semaphore, #tpu.memory_space<semaphore_mem>>) src(%dma_wait3A_1605 : memref<4096xi32, #tpu.memory_space<hbm>>) dst(%arg4 : memref<4096xi32, #tpu.memory_space<vmem>>)
        tpu.yield
      }) : () -> ()
      %iota3A = tpu.iota {dimensions = array<i32: 0>} : vector<16xi32>
      %broadcast_in_dim3A = arith.constant 1 : i32
      %broadcast_in_dim3A_2 = vector.broadcast %broadcast_in_dim3A : i32 to vector<16xi32>
      %broadcast_in_dim3A_3 = arith.constant 0 : i32
      %broadcast_in_dim3A_4 = vector.broadcast %broadcast_in_dim3A_3 : i32 to vector<16xi32>
      %swap3A = arith.constant 0 : index
      %swap3A_5 = tpu.vector_load %arg7[%swap3A] {strides = array<i32>} : memref<272xi32, #tpu.memory_space<vmem>>, vector<16xi32>,
      tpu.vector_store %arg7[%swap3A], %broadcast_in_dim3A_4 {strides = array<i32>} : memref<272xi32, #tpu.memory_space<vmem>>, vector<16xi32>,
      %broadcast_in_dim3A_6 = arith.constant 0 : i32
      %broadcast_in_dim3A_7 = vector.broadcast %broadcast_in_dim3A_6 : i32 to vector<16xi32>
      %swap3A_8 = arith.constant 16 : index
      %swap3A_9 = tpu.vector_load %arg7[%swap3A_8] {strides = array<i32>} : memref<272xi32, #tpu.memory_space<vmem>>, vector<16xi32>,
      tpu.vector_store %arg7[%swap3A_8], %broadcast_in_dim3A_7 {strides = array<i32>} : memref<272xi32, #tpu.memory_space<vmem>>, vector<16xi32>,
      %broadcast_in_dim3A_10 = arith.constant 0 : i32
      %broadcast_in_dim3A_11 = vector.broadcast %broadcast_in_dim3A_10 : i32 to vector<16xi32>
      %swap3A_12 = arith.constant 32 : index
      %swap3A_13 = tpu.vector_load %arg7[%swap3A_12] {strides = array<i32>} : memref<272xi32, #tpu.memory_space<vmem>>, vector<16xi32>,
      tpu.vector_store %arg7[%swap3A_12], %broadcast_in_dim3A_11 {strides = array<i32>} : memref<272xi32, #tpu.memory_space<vmem>>, vector<16xi32>,
      %broadcast_in_dim3A_14 = arith.constant 0 : i32
      %broadcast_in_dim3A_15 = vector.broadcast %broadcast_in_dim3A_14 : i32 to vector<16xi32>
      %swap3A_16 = arith.constant 48 : index
      %swap3A_17 = tpu.vector_load %arg7[%swap3A_16] {strides = array<i32>} : memref<272xi32, #tpu.memory_space<vmem>>, vector<16xi32>,
      tpu.vector_store %arg7[%swap3A_16], %broadcast_in_dim3A_15 {strides = array<i32>} : memref<272xi32, #tpu.memory_space<vmem>>, vector<16xi32>,
      %broadcast_in_dim3A_18 = arith.constant 0 : i32
      %broadcast_in_dim3A_19 = vector.broadcast %broadcast_in_dim3A_18 : i32 to vector<16xi32>
      %swap3A_20 = arith.constant 64 : index
      %swap3A_21 = tpu.vector_load %arg7[%swap3A_20] {strides = array<i32>} : memref<272xi32, #tpu.memory_space<vmem>>, vector<16xi32>,
      tpu.vector_store %arg7[%swap3A_20], %broadcast_in_dim3A_19 {strides = array<i32>} : memref<272xi32, #tpu.memory_space<vmem>>, vector<16xi32>,
      %broadcast_in_dim3A_22 = arith.constant 0 : i32
      %broadcast_in_dim3A_23 = vector.broadcast %broadcast_in_dim3A_22 : i32 to vector<16xi32>
      %swap3A_24 = arith.constant 80 : index
      %swap3A_25 = tpu.vector_load %arg7[%swap3A_24] {strides = array<i32>} : memref<272xi32, #tpu.memory_space<vmem>>, vector<16xi32>,
      tpu.vector_store %arg7[%swap3A_24], %broadcast_in_dim3A_23 {strides = array<i32>} : memref<272xi32, #tpu.memory_space<vmem>>, vector<16xi32>,
      %broadcast_in_dim3A_26 = arith.constant 0 : i32
      %broadcast_in_dim3A_27 = vector.broadcast %broadcast_in_dim3A_26 : i32 to vector<16xi32>
      %swap3A_28 = arith.constant 96 : index
      %swap3A_29 = tpu.vector_load %arg7[%swap3A_28] {strides = array<i32>} : memref<272xi32, #tpu.memory_space<vmem>>, vector<16xi32>,
      tpu.vector_store %arg7[%swap3A_28], %broadcast_in_dim3A_27 {strides = array<i32>} : memref<272xi32, #tpu.memory_space<vmem>>, vector<16xi32>,
      %broadcast_in_dim3A_30 = arith.constant 0 : i32
      %broadcast_in_dim3A_31 = vector.broadcast %broadcast_in_dim3A_30 : i32 to vector<16xi32>
      %swap3A_32 = arith.constant 112 : index
      %swap3A_33 = tpu.vector_load %arg7[%swap3A_32] {strides = array<i32>} : memref<272xi32, #tpu.memory_space<vmem>>, vector<16xi32>,
      tpu.vector_store %arg7[%swap3A_32], %broadcast_in_dim3A_31 {strides = array<i32>} : memref<272xi32, #tpu.memory_space<vmem>>, vector<16xi32>,
      %broadcast_in_dim3A_34 = arith.constant 0 : i32
      %broadcast_in_dim3A_35 = vector.broadcast %broadcast_in_dim3A_34 : i32 to vector<16xi32>
      %swap3A_36 = arith.constant 128 : index
      %swap3A_37 = tpu.vector_load %arg7[%swap3A_36] {strides = array<i32>} : memref<272xi32, #tpu.memory_space<vmem>>, vector<16xi32>,
      tpu.vector_store %arg7[%swap3A_36], %broadcast_in_dim3A_35 {strides = array<i32>} : memref<272xi32, #tpu.memory_space<vmem>>, vector<16xi32>,
      %broadcast_in_dim3A_38 = arith.constant 0 : i32
      %broadcast_in_dim3A_39 = vector.broadcast %broadcast_in_dim3A_38 : i32 to vector<16xi32>
      %swap3A_40 = arith.constant 144 : index
      %swap3A_41 = tpu.vector_load %arg7[%swap3A_40] {strides = array<i32>} : memref<272xi32, #tpu.memory_space<vmem>>, vector<16xi32>,
      tpu.vector_store %arg7[%swap3A_40], %broadcast_in_dim3A_39 {strides = array<i32>} : memref<272xi32, #tpu.memory_space<vmem>>, vector<16xi32>,
      %broadcast_in_dim3A_42 = arith.constant 0 : i32
      %broadcast_in_dim3A_43 = vector.broadcast %broadcast_in_dim3A_42 : i32 to vector<16xi32>
      %swap3A_44 = arith.constant 160 : index
      %swap3A_45 = tpu.vector_load %arg7[%swap3A_44] {strides = array<i32>} : memref<272xi32, #tpu.memory_space<vmem>>, vector<16xi32>,
      tpu.vector_store %arg7[%swap3A_44], %broadcast_in_dim3A_43 {strides = array<i32>} : memref<272xi32, #tpu.memory_space<vmem>>, vector<16xi32>,
      %broadcast_in_dim3A_46 = arith.constant 0 : i32
      %broadcast_in_dim3A_47 = vector.broadcast %broadcast_in_dim3A_46 : i32 to vector<16xi32>
      %swap3A_48 = arith.constant 176 : index
      %swap3A_49 = tpu.vector_load %arg7[%swap3A_48] {strides = array<i32>} : memref<272xi32, #tpu.memory_space<vmem>>, vector<16xi32>,
      tpu.vector_store %arg7[%swap3A_48], %broadcast_in_dim3A_47 {strides = array<i32>} : memref<272xi32, #tpu.memory_space<vmem>>, vector<16xi32>,
      %broadcast_in_dim3A_50 = arith.constant 0 : i32
      %broadcast_in_dim3A_51 = vector.broadcast %broadcast_in_dim3A_50 : i32 to vector<16xi32>
      %swap3A_52 = arith.constant 192 : index
      %swap3A_53 = tpu.vector_load %arg7[%swap3A_52] {strides = array<i32>} : memref<272xi32, #tpu.memory_space<vmem>>, vector<16xi32>,
      tpu.vector_store %arg7[%swap3A_52], %broadcast_in_dim3A_51 {strides = array<i32>} : memref<272xi32, #tpu.memory_space<vmem>>, vector<16xi32>,
      %broadcast_in_dim3A_54 = arith.constant 0 : i32
      %broadcast_in_dim3A_55 = vector.broadcast %broadcast_in_dim3A_54 : i32 to vector<16xi32>
      %swap3A_56 = arith.constant 208 : index
      %swap3A_57 = tpu.vector_load %arg7[%swap3A_56] {strides = array<i32>} : memref<272xi32, #tpu.memory_space<vmem>>, vector<16xi32>,
      tpu.vector_store %arg7[%swap3A_56], %broadcast_in_dim3A_55 {strides = array<i32>} : memref<272xi32, #tpu.memory_space<vmem>>, vector<16xi32>,
      %broadcast_in_dim3A_58 = arith.constant 0 : i32
      %broadcast_in_dim3A_59 = vector.broadcast %broadcast_in_dim3A_58 : i32 to vector<16xi32>
      %swap3A_60 = arith.constant 224 : index
      %swap3A_61 = tpu.vector_load %arg7[%swap3A_60] {strides = array<i32>} : memref<272xi32, #tpu.memory_space<vmem>>, vector<16xi32>,
      tpu.vector_store %arg7[%swap3A_60], %broadcast_in_dim3A_59 {strides = array<i32>} : memref<272xi32, #tpu.memory_space<vmem>>, vector<16xi32>,
      %broadcast_in_dim3A_62 = arith.constant 0 : i32
      %broadcast_in_dim3A_63 = vector.broadcast %broadcast_in_dim3A_62 : i32 to vector<16xi32>
      %swap3A_64 = arith.constant 240 : index
      %swap3A_65 = tpu.vector_load %arg7[%swap3A_64] {strides = array<i32>} : memref<272xi32, #tpu.memory_space<vmem>>, vector<16xi32>,
      tpu.vector_store %arg7[%swap3A_64], %broadcast_in_dim3A_63 {strides = array<i32>} : memref<272xi32, #tpu.memory_space<vmem>>, vector<16xi32>,
      %broadcast_in_dim3A_66 = arith.constant 0 : i32
      %broadcast_in_dim3A_67 = vector.broadcast %broadcast_in_dim3A_66 : i32 to vector<16xi32>
      %swap3A_68 = arith.constant 256 : index
      %swap3A_69 = tpu.vector_load %arg7[%swap3A_68] {strides = array<i32>} : memref<272xi32, #tpu.memory_space<vmem>>, vector<16xi32>,
      tpu.vector_store %arg7[%swap3A_68], %broadcast_in_dim3A_67 {strides = array<i32>} : memref<272xi32, #tpu.memory_space<vmem>>, vector<16xi32>,
      %parallel_loop3A = arith.constant 0 : i32
      %parallel_loop3A_70 = arith.constant 256 : i32
      %parallel_loop3A_71 = arith.constant 1 : i32
      scf.for %parallel_loop3A_1596 = %parallel_loop3A to %parallel_loop3A_70 step %parallel_loop3A_71  : i32 {
        %parallel_loop3A_1597 = arith.constant 16 : i32
        %parallel_loop3A_1598 = arith.muli %parallel_loop3A_1596, %parallel_loop3A_1597 : i32
        %parallel_loop3A_1599 = arith.index_cast %parallel_loop3A_1598 : i32 to index
        %parallel_loop3A_1600 = tpu.vector_load %arg4[%parallel_loop3A_1599] {strides = array<i32>} : memref<4096xi32, #tpu.memory_space<vmem>>, vector<16xi32>,
        %parallel_loop3A_1601 = arith.constant 31 : i32
        %parallel_loop3A_1602 = vector.broadcast %parallel_loop3A_1601 : i32 to vector<16xi32>
        %parallel_loop3A_1603 = arith.shrsi %parallel_loop3A_1600, %parallel_loop3A_1602 : vector<16xi32>
        %parallel_loop3A_1604 = arith.constant 2147483647 : i32
        %parallel_loop3A_1605 = vector.broadcast %parallel_loop3A_1604 : i32 to vector<16xi32>
        %parallel_loop3A_1606 = arith.andi %parallel_loop3A_1603, %parallel_loop3A_1605 : vector<16xi32>
        %parallel_loop3A_1607 = arith.xori %parallel_loop3A_1600, %parallel_loop3A_1606 : vector<16xi32>
        %parallel_loop3A_1608 = arith.constant 16 : i32
        %parallel_loop3A_1609 = arith.muli %parallel_loop3A_1596, %parallel_loop3A_1608 : i32
        %parallel_loop3A_1610 = arith.index_cast %parallel_loop3A_1609 : i32 to index
        %parallel_loop3A_1611 = tpu.vector_load %arg5[%parallel_loop3A_1610] {strides = array<i32>} : memref<4096xi32, #tpu.memory_space<vmem>>, vector<16xi32>,
        tpu.vector_store %arg5[%parallel_loop3A_1610], %parallel_loop3A_1607 {strides = array<i32>} : memref<4096xi32, #tpu.memory_space<vmem>>, vector<16xi32>,
        %parallel_loop3A_1612 = arith.constant 24 : i32
        %parallel_loop3A_1613 = vector.broadcast %parallel_loop3A_1612 : i32 to vector<16xi32>
        %parallel_loop3A_1614 = arith.shrsi %parallel_loop3A_1607, %parallel_loop3A_1613 : vector<16xi32>
        %parallel_loop3A_1615 = arith.constant 128 : i32
        %parallel_loop3A_1616 = vector.broadcast %parallel_loop3A_1615 : i32 to vector<16xi32>
        %parallel_loop3A_1617 = arith.addi %parallel_loop3A_1614, %parallel_loop3A_1616 : vector<16xi32>
        %parallel_loop3A_1618 = arith.constant true
        %parallel_loop3A_1619 = vector.broadcast %parallel_loop3A_1618 : i1 to vector<16xi1>
        %parallel_loop3A_1620, %parallel_loop3A_1621 = tpu.scan_count mask(%parallel_loop3A_1619 : vector<16xi1>) value(%parallel_loop3A_1617 : vector<16xi32>) : vector<16xi1>, vector<16xi32>
        tpu.vector_store_idx %arg7[%parallel_loop3A_1617], %parallel_loop3A_1621 masked %parallel_loop3A_1620 {add = true} : memref<272xi32, #tpu.memory_space<vmem>>[vector<16xi32>], vector<16xi32>, vector<16xi1>
      } {sc.loop_unroll_factor = 16 : i64, sc.parallel_access}
      %get3A = arith.constant 0 : index
      %get3A_72 = tpu.vector_load %arg7[%get3A] {strides = array<i32>} : memref<272xi32, #tpu.memory_space<vmem>>, vector<16xi32>,
      %reduce_sum3A = arith.constant true
      %reduce_sum3A_73 = vector.broadcast %reduce_sum3A : i1 to vector<16xi1>
      %reduce_sum3A_74 = tpu.scan <sum>, %get3A_72 masked %reduce_sum3A_73 : vector<16xi32>, vector<16xi1> -> vector<16xi32>
      %reduce_sum3A_75 = vector.extract %reduce_sum3A_74[15] : i32 from vector<16xi32>
      %mul3A = arith.constant 0 : i32
      %mul3A_76 = vector.broadcast %mul3A : i32 to vector<16xi32>
      %mul3A_77 = arith.muli %iota3A, %mul3A_76 : vector<16xi32>
      %add3A = arith.constant 0 : i32
      %add3A_78 = vector.broadcast %add3A : i32 to vector<16xi32>
      %add3A_79 = arith.addi %mul3A_77, %add3A_78 : vector<16xi32>
      %broadcast_in_dim3A_80 = vector.broadcast %reduce_sum3A_75 : i32 to vector<16xi32>
      %eq3A = arith.constant 0 : i32
      %eq3A_81 = vector.broadcast %eq3A : i32 to vector<16xi32>
      %eq3A_82 = arith.cmpi eq, %iota3A, %eq3A_81 : vector<16xi32>
      tpu.vector_store_idx %arg8[%add3A_79], %broadcast_in_dim3A_80 masked %eq3A_82 : memref<16xi32, #tpu.memory_space<vmem>>[vector<16xi32>], vector<16xi32>, vector<16xi1>
      %get3A_83 = arith.constant 16 : index
      %get3A_84 = tpu.vector_load %arg7[%get3A_83] {strides = array<i32>} : memref<272xi32, #tpu.memory_space<vmem>>, vector<16xi32>,
      %reduce_sum3A_85 = arith.constant true
      %reduce_sum3A_86 = vector.broadcast %reduce_sum3A_85 : i1 to vector<16xi1>
      %reduce_sum3A_87 = tpu.scan <sum>, %get3A_84 masked %reduce_sum3A_86 : vector<16xi32>, vector<16xi1> -> vector<16xi32>
      %reduce_sum3A_88 = vector.extract %reduce_sum3A_87[15] : i32 from vector<16xi32>
      %mul3A_89 = arith.constant 0 : i32
      %mul3A_90 = vector.broadcast %mul3A_89 : i32 to vector<16xi32>
      %mul3A_91 = arith.muli %iota3A, %mul3A_90 : vector<16xi32>
      %add3A_92 = arith.constant 1 : i32
      %add3A_93 = vector.broadcast %add3A_92 : i32 to vector<16xi32>
      %add3A_94 = arith.addi %mul3A_91, %add3A_93 : vector<16xi32>
      %broadcast_in_dim3A_95 = vector.broadcast %reduce_sum3A_88 : i32 to vector<16xi32>
      %eq3A_96 = arith.constant 0 : i32
      %eq3A_97 = vector.broadcast %eq3A_96 : i32 to vector<16xi32>
      %eq3A_98 = arith.cmpi eq, %iota3A, %eq3A_97 : vector<16xi32>
      tpu.vector_store_idx %arg8[%add3A_94], %broadcast_in_dim3A_95 masked %eq3A_98 : memref<16xi32, #tpu.memory_space<vmem>>[vector<16xi32>], vector<16xi32>, vector<16xi1>
      %get3A_99 = arith.constant 32 : index
      %get3A_100 = tpu.vector_load %arg7[%get3A_99] {strides = array<i32>} : memref<272xi32, #tpu.memory_space<vmem>>, vector<16xi32>,
      %reduce_sum3A_101 = arith.constant true
      %reduce_sum3A_102 = vector.broadcast %reduce_sum3A_101 : i1 to vector<16xi1>
      %reduce_sum3A_103 = tpu.scan <sum>, %get3A_100 masked %reduce_sum3A_102 : vector<16xi32>, vector<16xi1> -> vector<16xi32>
      %reduce_sum3A_104 = vector.extract %reduce_sum3A_103[15] : i32 from vector<16xi32>
      %mul3A_105 = arith.constant 0 : i32
      %mul3A_106 = vector.broadcast %mul3A_105 : i32 to vector<16xi32>
      %mul3A_107 = arith.muli %iota3A, %mul3A_106 : vector<16xi32>
      %add3A_108 = arith.constant 2 : i32
      %add3A_109 = vector.broadcast %add3A_108 : i32 to vector<16xi32>
      %add3A_110 = arith.addi %mul3A_107, %add3A_109 : vector<16xi32>
      %broadcast_in_dim3A_111 = vector.broadcast %reduce_sum3A_104 : i32 to vector<16xi32>
      %eq3A_112 = arith.constant 0 : i32
      %eq3A_113 = vector.broadcast %eq3A_112 : i32 to vector<16xi32>
      %eq3A_114 = arith.cmpi eq, %iota3A, %eq3A_113 : vector<16xi32>
      tpu.vector_store_idx %arg8[%add3A_110], %broadcast_in_dim3A_111 masked %eq3A_114 : memref<16xi32, #tpu.memory_space<vmem>>[vector<16xi32>], vector<16xi32>, vector<16xi1>
      %get3A_115 = arith.constant 48 : index
      %get3A_116 = tpu.vector_load %arg7[%get3A_115] {strides = array<i32>} : memref<272xi32, #tpu.memory_space<vmem>>, vector<16xi32>,
      %reduce_sum3A_117 = arith.constant true
      %reduce_sum3A_118 = vector.broadcast %reduce_sum3A_117 : i1 to vector<16xi1>
      %reduce_sum3A_119 = tpu.scan <sum>, %get3A_116 masked %reduce_sum3A_118 : vector<16xi32>, vector<16xi1> -> vector<16xi32>
      %reduce_sum3A_120 = vector.extract %reduce_sum3A_119[15] : i32 from vector<16xi32>
      %mul3A_121 = arith.constant 0 : i32
      %mul3A_122 = vector.broadcast %mul3A_121 : i32 to vector<16xi32>
      %mul3A_123 = arith.muli %iota3A, %mul3A_122 : vector<16xi32>
      %add3A_124 = arith.constant 3 : i32
      %add3A_125 = vector.broadcast %add3A_124 : i32 to vector<16xi32>
      %add3A_126 = arith.addi %mul3A_123, %add3A_125 : vector<16xi32>
      %broadcast_in_dim3A_127 = vector.broadcast %reduce_sum3A_120 : i32 to vector<16xi32>
      %eq3A_128 = arith.constant 0 : i32
      %eq3A_129 = vector.broadcast %eq3A_128 : i32 to vector<16xi32>
      %eq3A_130 = arith.cmpi eq, %iota3A, %eq3A_129 : vector<16xi32>
      tpu.vector_store_idx %arg8[%add3A_126], %broadcast_in_dim3A_127 masked %eq3A_130 : memref<16xi32, #tpu.memory_space<vmem>>[vector<16xi32>], vector<16xi32>, vector<16xi1>
      %get3A_131 = arith.constant 64 : index
      %get3A_132 = tpu.vector_load %arg7[%get3A_131] {strides = array<i32>} : memref<272xi32, #tpu.memory_space<vmem>>, vector<16xi32>,
      %reduce_sum3A_133 = arith.constant true
      %reduce_sum3A_134 = vector.broadcast %reduce_sum3A_133 : i1 to vector<16xi1>
      %reduce_sum3A_135 = tpu.scan <sum>, %get3A_132 masked %reduce_sum3A_134 : vector<16xi32>, vector<16xi1> -> vector<16xi32>
      %reduce_sum3A_136 = vector.extract %reduce_sum3A_135[15] : i32 from vector<16xi32>
      %mul3A_137 = arith.constant 0 : i32
      %mul3A_138 = vector.broadcast %mul3A_137 : i32 to vector<16xi32>
      %mul3A_139 = arith.muli %iota3A, %mul3A_138 : vector<16xi32>
      %add3A_140 = arith.constant 4 : i32
      %add3A_141 = vector.broadcast %add3A_140 : i32 to vector<16xi32>
      %add3A_142 = arith.addi %mul3A_139, %add3A_141 : vector<16xi32>
      %broadcast_in_dim3A_143 = vector.broadcast %reduce_sum3A_136 : i32 to vector<16xi32>
      %eq3A_144 = arith.constant 0 : i32
      %eq3A_145 = vector.broadcast %eq3A_144 : i32 to vector<16xi32>
      %eq3A_146 = arith.cmpi eq, %iota3A, %eq3A_145 : vector<16xi32>
      tpu.vector_store_idx %arg8[%add3A_142], %broadcast_in_dim3A_143 masked %eq3A_146 : memref<16xi32, #tpu.memory_space<vmem>>[vector<16xi32>], vector<16xi32>, vector<16xi1>
      %get3A_147 = arith.constant 80 : index
      %get3A_148 = tpu.vector_load %arg7[%get3A_147] {strides = array<i32>} : memref<272xi32, #tpu.memory_space<vmem>>, vector<16xi32>,
      %reduce_sum3A_149 = arith.constant true
      %reduce_sum3A_150 = vector.broadcast %reduce_sum3A_149 : i1 to vector<16xi1>
      %reduce_sum3A_151 = tpu.scan <sum>, %get3A_148 masked %reduce_sum3A_150 : vector<16xi32>, vector<16xi1> -> vector<16xi32>
      %reduce_sum3A_152 = vector.extract %reduce_sum3A_151[15] : i32 from vector<16xi32>
      %mul3A_153 = arith.constant 0 : i32
      %mul3A_154 = vector.broadcast %mul3A_153 : i32 to vector<16xi32>
      %mul3A_155 = arith.muli %iota3A, %mul3A_154 : vector<16xi32>
      %add3A_156 = arith.constant 5 : i32
      %add3A_157 = vector.broadcast %add3A_156 : i32 to vector<16xi32>
      %add3A_158 = arith.addi %mul3A_155, %add3A_157 : vector<16xi32>
      %broadcast_in_dim3A_159 = vector.broadcast %reduce_sum3A_152 : i32 to vector<16xi32>
      %eq3A_160 = arith.constant 0 : i32
      %eq3A_161 = vector.broadcast %eq3A_160 : i32 to vector<16xi32>
      %eq3A_162 = arith.cmpi eq, %iota3A, %eq3A_161 : vector<16xi32>
      tpu.vector_store_idx %arg8[%add3A_158], %broadcast_in_dim3A_159 masked %eq3A_162 : memref<16xi32, #tpu.memory_space<vmem>>[vector<16xi32>], vector<16xi32>, vector<16xi1>
      %get3A_163 = arith.constant 96 : index
      %get3A_164 = tpu.vector_load %arg7[%get3A_163] {strides = array<i32>} : memref<272xi32, #tpu.memory_space<vmem>>, vector<16xi32>,
      %reduce_sum3A_165 = arith.constant true
      %reduce_sum3A_166 = vector.broadcast %reduce_sum3A_165 : i1 to vector<16xi1>
      %reduce_sum3A_167 = tpu.scan <sum>, %get3A_164 masked %reduce_sum3A_166 : vector<16xi32>, vector<16xi1> -> vector<16xi32>
      %reduce_sum3A_168 = vector.extract %reduce_sum3A_167[15] : i32 from vector<16xi32>
      %mul3A_169 = arith.constant 0 : i32
      %mul3A_170 = vector.broadcast %mul3A_169 : i32 to vector<16xi32>
      %mul3A_171 = arith.muli %iota3A, %mul3A_170 : vector<16xi32>
      %add3A_172 = arith.constant 6 : i32
      %add3A_173 = vector.broadcast %add3A_172 : i32 to vector<16xi32>
      %add3A_174 = arith.addi %mul3A_171, %add3A_173 : vector<16xi32>
      %broadcast_in_dim3A_175 = vector.broadcast %reduce_sum3A_168 : i32 to vector<16xi32>
      %eq3A_176 = arith.constant 0 : i32
      %eq3A_177 = vector.broadcast %eq3A_176 : i32 to vector<16xi32>
      %eq3A_178 = arith.cmpi eq, %iota3A, %eq3A_177 : vector<16xi32>
      tpu.vector_store_idx %arg8[%add3A_174], %broadcast_in_dim3A_175 masked %eq3A_178 : memref<16xi32, #tpu.memory_space<vmem>>[vector<16xi32>], vector<16xi32>, vector<16xi1>
      %get3A_179 = arith.constant 112 : index
      %get3A_180 = tpu.vector_load %arg7[%get3A_179] {strides = array<i32>} : memref<272xi32, #tpu.memory_space<vmem>>, vector<16xi32>,
      %reduce_sum3A_181 = arith.constant true
      %reduce_sum3A_182 = vector.broadcast %reduce_sum3A_181 : i1 to vector<16xi1>
      %reduce_sum3A_183 = tpu.scan <sum>, %get3A_180 masked %reduce_sum3A_182 : vector<16xi32>, vector<16xi1> -> vector<16xi32>
      %reduce_sum3A_184 = vector.extract %reduce_sum3A_183[15] : i32 from vector<16xi32>
      %mul3A_185 = arith.constant 0 : i32
      %mul3A_186 = vector.broadcast %mul3A_185 : i32 to vector<16xi32>
      %mul3A_187 = arith.muli %iota3A, %mul3A_186 : vector<16xi32>
      %add3A_188 = arith.constant 7 : i32
      %add3A_189 = vector.broadcast %add3A_188 : i32 to vector<16xi32>
      %add3A_190 = arith.addi %mul3A_187, %add3A_189 : vector<16xi32>
      %broadcast_in_dim3A_191 = vector.broadcast %reduce_sum3A_184 : i32 to vector<16xi32>
      %eq3A_192 = arith.constant 0 : i32
      %eq3A_193 = vector.broadcast %eq3A_192 : i32 to vector<16xi32>
      %eq3A_194 = arith.cmpi eq, %iota3A, %eq3A_193 : vector<16xi32>
      tpu.vector_store_idx %arg8[%add3A_190], %broadcast_in_dim3A_191 masked %eq3A_194 : memref<16xi32, #tpu.memory_space<vmem>>[vector<16xi32>], vector<16xi32>, vector<16xi1>
      %get3A_195 = arith.constant 128 : index
      %get3A_196 = tpu.vector_load %arg7[%get3A_195] {strides = array<i32>} : memref<272xi32, #tpu.memory_space<vmem>>, vector<16xi32>,
      %reduce_sum3A_197 = arith.constant true
      %reduce_sum3A_198 = vector.broadcast %reduce_sum3A_197 : i1 to vector<16xi1>
      %reduce_sum3A_199 = tpu.scan <sum>, %get3A_196 masked %reduce_sum3A_198 : vector<16xi32>, vector<16xi1> -> vector<16xi32>
      %reduce_sum3A_200 = vector.extract %reduce_sum3A_199[15] : i32 from vector<16xi32>
      %mul3A_201 = arith.constant 0 : i32
      %mul3A_202 = vector.broadcast %mul3A_201 : i32 to vector<16xi32>
      %mul3A_203 = arith.muli %iota3A, %mul3A_202 : vector<16xi32>
      %add3A_204 = arith.constant 8 : i32
      %add3A_205 = vector.broadcast %add3A_204 : i32 to vector<16xi32>
      %add3A_206 = arith.addi %mul3A_203, %add3A_205 : vector<16xi32>
      %broadcast_in_dim3A_207 = vector.broadcast %reduce_sum3A_200 : i32 to vector<16xi32>
      %eq3A_208 = arith.constant 0 : i32
      %eq3A_209 = vector.broadcast %eq3A_208 : i32 to vector<16xi32>
      %eq3A_210 = arith.cmpi eq, %iota3A, %eq3A_209 : vector<16xi32>
      tpu.vector_store_idx %arg8[%add3A_206], %broadcast_in_dim3A_207 masked %eq3A_210 : memref<16xi32, #tpu.memory_space<vmem>>[vector<16xi32>], vector<16xi32>, vector<16xi1>
      %get3A_211 = arith.constant 144 : index
      %get3A_212 = tpu.vector_load %arg7[%get3A_211] {strides = array<i32>} : memref<272xi32, #tpu.memory_space<vmem>>, vector<16xi32>,
      %reduce_sum3A_213 = arith.constant true
      %reduce_sum3A_214 = vector.broadcast %reduce_sum3A_213 : i1 to vector<16xi1>
      %reduce_sum3A_215 = tpu.scan <sum>, %get3A_212 masked %reduce_sum3A_214 : vector<16xi32>, vector<16xi1> -> vector<16xi32>
      %reduce_sum3A_216 = vector.extract %reduce_sum3A_215[15] : i32 from vector<16xi32>
      %mul3A_217 = arith.constant 0 : i32
      %mul3A_218 = vector.broadcast %mul3A_217 : i32 to vector<16xi32>
      %mul3A_219 = arith.muli %iota3A, %mul3A_218 : vector<16xi32>
      %add3A_220 = arith.constant 9 : i32
      %add3A_221 = vector.broadcast %add3A_220 : i32 to vector<16xi32>
      %add3A_222 = arith.addi %mul3A_219, %add3A_221 : vector<16xi32>
      %broadcast_in_dim3A_223 = vector.broadcast %reduce_sum3A_216 : i32 to vector<16xi32>
      %eq3A_224 = arith.constant 0 : i32
      %eq3A_225 = vector.broadcast %eq3A_224 : i32 to vector<16xi32>
      %eq3A_226 = arith.cmpi eq, %iota3A, %eq3A_225 : vector<16xi32>
      tpu.vector_store_idx %arg8[%add3A_222], %broadcast_in_dim3A_223 masked %eq3A_226 : memref<16xi32, #tpu.memory_space<vmem>>[vector<16xi32>], vector<16xi32>, vector<16xi1>
      %get3A_227 = arith.constant 160 : index
      %get3A_228 = tpu.vector_load %arg7[%get3A_227] {strides = array<i32>} : memref<272xi32, #tpu.memory_space<vmem>>, vector<16xi32>,
      %reduce_sum3A_229 = arith.constant true
      %reduce_sum3A_230 = vector.broadcast %reduce_sum3A_229 : i1 to vector<16xi1>
      %reduce_sum3A_231 = tpu.scan <sum>, %get3A_228 masked %reduce_sum3A_230 : vector<16xi32>, vector<16xi1> -> vector<16xi32>
      %reduce_sum3A_232 = vector.extract %reduce_sum3A_231[15] : i32 from vector<16xi32>
      %mul3A_233 = arith.constant 0 : i32
      %mul3A_234 = vector.broadcast %mul3A_233 : i32 to vector<16xi32>
      %mul3A_235 = arith.muli %iota3A, %mul3A_234 : vector<16xi32>
      %add3A_236 = arith.constant 10 : i32
      %add3A_237 = vector.broadcast %add3A_236 : i32 to vector<16xi32>
      %add3A_238 = arith.addi %mul3A_235, %add3A_237 : vector<16xi32>
      %broadcast_in_dim3A_239 = vector.broadcast %reduce_sum3A_232 : i32 to vector<16xi32>
      %eq3A_240 = arith.constant 0 : i32
      %eq3A_241 = vector.broadcast %eq3A_240 : i32 to vector<16xi32>
      %eq3A_242 = arith.cmpi eq, %iota3A, %eq3A_241 : vector<16xi32>
      tpu.vector_store_idx %arg8[%add3A_238], %broadcast_in_dim3A_239 masked %eq3A_242 : memref<16xi32, #tpu.memory_space<vmem>>[vector<16xi32>], vector<16xi32>, vector<16xi1>
      %get3A_243 = arith.constant 176 : index
      %get3A_244 = tpu.vector_load %arg7[%get3A_243] {strides = array<i32>} : memref<272xi32, #tpu.memory_space<vmem>>, vector<16xi32>,
      %reduce_sum3A_245 = arith.constant true
      %reduce_sum3A_246 = vector.broadcast %reduce_sum3A_245 : i1 to vector<16xi1>
      %reduce_sum3A_247 = tpu.scan <sum>, %get3A_244 masked %reduce_sum3A_246 : vector<16xi32>, vector<16xi1> -> vector<16xi32>
      %reduce_sum3A_248 = vector.extract %reduce_sum3A_247[15] : i32 from vector<16xi32>
      %mul3A_249 = arith.constant 0 : i32
      %mul3A_250 = vector.broadcast %mul3A_249 : i32 to vector<16xi32>
      %mul3A_251 = arith.muli %iota3A, %mul3A_250 : vector<16xi32>
      %add3A_252 = arith.constant 11 : i32
      %add3A_253 = vector.broadcast %add3A_252 : i32 to vector<16xi32>
      %add3A_254 = arith.addi %mul3A_251, %add3A_253 : vector<16xi32>
      %broadcast_in_dim3A_255 = vector.broadcast %reduce_sum3A_248 : i32 to vector<16xi32>
      %eq3A_256 = arith.constant 0 : i32
      %eq3A_257 = vector.broadcast %eq3A_256 : i32 to vector<16xi32>
      %eq3A_258 = arith.cmpi eq, %iota3A, %eq3A_257 : vector<16xi32>
      tpu.vector_store_idx %arg8[%add3A_254], %broadcast_in_dim3A_255 masked %eq3A_258 : memref<16xi32, #tpu.memory_space<vmem>>[vector<16xi32>], vector<16xi32>, vector<16xi1>
      %get3A_259 = arith.constant 192 : index
      %get3A_260 = tpu.vector_load %arg7[%get3A_259] {strides = array<i32>} : memref<272xi32, #tpu.memory_space<vmem>>, vector<16xi32>,
      %reduce_sum3A_261 = arith.constant true
      %reduce_sum3A_262 = vector.broadcast %reduce_sum3A_261 : i1 to vector<16xi1>
      %reduce_sum3A_263 = tpu.scan <sum>, %get3A_260 masked %reduce_sum3A_262 : vector<16xi32>, vector<16xi1> -> vector<16xi32>
      %reduce_sum3A_264 = vector.extract %reduce_sum3A_263[15] : i32 from vector<16xi32>
      %mul3A_265 = arith.constant 0 : i32
      %mul3A_266 = vector.broadcast %mul3A_265 : i32 to vector<16xi32>
      %mul3A_267 = arith.muli %iota3A, %mul3A_266 : vector<16xi32>
      %add3A_268 = arith.constant 12 : i32
      %add3A_269 = vector.broadcast %add3A_268 : i32 to vector<16xi32>
      %add3A_270 = arith.addi %mul3A_267, %add3A_269 : vector<16xi32>
      %broadcast_in_dim3A_271 = vector.broadcast %reduce_sum3A_264 : i32 to vector<16xi32>
      %eq3A_272 = arith.constant 0 : i32
      %eq3A_273 = vector.broadcast %eq3A_272 : i32 to vector<16xi32>
      %eq3A_274 = arith.cmpi eq, %iota3A, %eq3A_273 : vector<16xi32>
      tpu.vector_store_idx %arg8[%add3A_270], %broadcast_in_dim3A_271 masked %eq3A_274 : memref<16xi32, #tpu.memory_space<vmem>>[vector<16xi32>], vector<16xi32>, vector<16xi1>
      %get3A_275 = arith.constant 208 : index
      %get3A_276 = tpu.vector_load %arg7[%get3A_275] {strides = array<i32>} : memref<272xi32, #tpu.memory_space<vmem>>, vector<16xi32>,
      %reduce_sum3A_277 = arith.constant true
      %reduce_sum3A_278 = vector.broadcast %reduce_sum3A_277 : i1 to vector<16xi1>
      %reduce_sum3A_279 = tpu.scan <sum>, %get3A_276 masked %reduce_sum3A_278 : vector<16xi32>, vector<16xi1> -> vector<16xi32>
      %reduce_sum3A_280 = vector.extract %reduce_sum3A_279[15] : i32 from vector<16xi32>
      %mul3A_281 = arith.constant 0 : i32
      %mul3A_282 = vector.broadcast %mul3A_281 : i32 to vector<16xi32>
      %mul3A_283 = arith.muli %iota3A, %mul3A_282 : vector<16xi32>
      %add3A_284 = arith.constant 13 : i32
      %add3A_285 = vector.broadcast %add3A_284 : i32 to vector<16xi32>
      %add3A_286 = arith.addi %mul3A_283, %add3A_285 : vector<16xi32>
      %broadcast_in_dim3A_287 = vector.broadcast %reduce_sum3A_280 : i32 to vector<16xi32>
      %eq3A_288 = arith.constant 0 : i32
      %eq3A_289 = vector.broadcast %eq3A_288 : i32 to vector<16xi32>
      %eq3A_290 = arith.cmpi eq, %iota3A, %eq3A_289 : vector<16xi32>
      tpu.vector_store_idx %arg8[%add3A_286], %broadcast_in_dim3A_287 masked %eq3A_290 : memref<16xi32, #tpu.memory_space<vmem>>[vector<16xi32>], vector<16xi32>, vector<16xi1>
      %get3A_291 = arith.constant 224 : index
      %get3A_292 = tpu.vector_load %arg7[%get3A_291] {strides = array<i32>} : memref<272xi32, #tpu.memory_space<vmem>>, vector<16xi32>,
      %reduce_sum3A_293 = arith.constant true
      %reduce_sum3A_294 = vector.broadcast %reduce_sum3A_293 : i1 to vector<16xi1>
      %reduce_sum3A_295 = tpu.scan <sum>, %get3A_292 masked %reduce_sum3A_294 : vector<16xi32>, vector<16xi1> -> vector<16xi32>
      %reduce_sum3A_296 = vector.extract %reduce_sum3A_295[15] : i32 from vector<16xi32>
      %mul3A_297 = arith.constant 0 : i32
      %mul3A_298 = vector.broadcast %mul3A_297 : i32 to vector<16xi32>
      %mul3A_299 = arith.muli %iota3A, %mul3A_298 : vector<16xi32>
      %add3A_300 = arith.constant 14 : i32
      %add3A_301 = vector.broadcast %add3A_300 : i32 to vector<16xi32>
      %add3A_302 = arith.addi %mul3A_299, %add3A_301 : vector<16xi32>
      %broadcast_in_dim3A_303 = vector.broadcast %reduce_sum3A_296 : i32 to vector<16xi32>
      %eq3A_304 = arith.constant 0 : i32
      %eq3A_305 = vector.broadcast %eq3A_304 : i32 to vector<16xi32>
      %eq3A_306 = arith.cmpi eq, %iota3A, %eq3A_305 : vector<16xi32>
      tpu.vector_store_idx %arg8[%add3A_302], %broadcast_in_dim3A_303 masked %eq3A_306 : memref<16xi32, #tpu.memory_space<vmem>>[vector<16xi32>], vector<16xi32>, vector<16xi1>
      %get3A_307 = arith.constant 240 : index
      %get3A_308 = tpu.vector_load %arg7[%get3A_307] {strides = array<i32>} : memref<272xi32, #tpu.memory_space<vmem>>, vector<16xi32>,
      %reduce_sum3A_309 = arith.constant true
      %reduce_sum3A_310 = vector.broadcast %reduce_sum3A_309 : i1 to vector<16xi1>
      %reduce_sum3A_311 = tpu.scan <sum>, %get3A_308 masked %reduce_sum3A_310 : vector<16xi32>, vector<16xi1> -> vector<16xi32>
      %reduce_sum3A_312 = vector.extract %reduce_sum3A_311[15] : i32 from vector<16xi32>
      %mul3A_313 = arith.constant 0 : i32
      %mul3A_314 = vector.broadcast %mul3A_313 : i32 to vector<16xi32>
      %mul3A_315 = arith.muli %iota3A, %mul3A_314 : vector<16xi32>
      %add3A_316 = arith.constant 15 : i32
      %add3A_317 = vector.broadcast %add3A_316 : i32 to vector<16xi32>
      %add3A_318 = arith.addi %mul3A_315, %add3A_317 : vector<16xi32>
      %broadcast_in_dim3A_319 = vector.broadcast %reduce_sum3A_312 : i32 to vector<16xi32>
      %eq3A_320 = arith.constant 0 : i32
      %eq3A_321 = vector.broadcast %eq3A_320 : i32 to vector<16xi32>
      %eq3A_322 = arith.cmpi eq, %iota3A, %eq3A_321 : vector<16xi32>
      tpu.vector_store_idx %arg8[%add3A_318], %broadcast_in_dim3A_319 masked %eq3A_322 : memref<16xi32, #tpu.memory_space<vmem>>[vector<16xi32>], vector<16xi32>, vector<16xi1>
      %get3A_323 = arith.constant 0 : index
      %get3A_324 = tpu.vector_load %arg8[%get3A_323] {strides = array<i32>} : memref<16xi32, #tpu.memory_space<vmem>>, vector<16xi32>,
      %rev3A = arith.constant 15 : i32
      %rev3A_325 = vector.broadcast %rev3A : i32 to vector<16xi32>
      %rev3A_326 = tpu.iota {dimensions = array<i32: 0>} : vector<16xi32>
      %rev3A_327 = arith.subi %rev3A_325, %rev3A_326 : vector<16xi32>
      %rev3A_328 = tpu.dynamic_gather %get3A_324[%rev3A_327] in [0] : vector<16xi32>, vector<16xi32> -> vector<16xi32>
      %broadcast_in_dim3A_329 = arith.constant true
      %broadcast_in_dim3A_330 = vector.broadcast %broadcast_in_dim3A_329 : i1 to vector<16xi1>
      %masked_cumsum3A = tpu.scan <sum>, %rev3A_328 masked %broadcast_in_dim3A_330 : vector<16xi32>, vector<16xi1> -> vector<16xi32>
      %lt3A_331 = arith.constant 128 : i32
      %lt3A_332 = vector.broadcast %lt3A_331 : i32 to vector<16xi32>
      %lt3A_333 = arith.cmpi slt, %masked_cumsum3A, %lt3A_332 : vector<16xi32>
      %convert_element_type3A_334 = arith.extui %lt3A_333 : vector<16xi1> to vector<16xi32>
      %reduce_sum3A_335 = arith.constant true
      %reduce_sum3A_336 = vector.broadcast %reduce_sum3A_335 : i1 to vector<16xi1>
      %reduce_sum3A_337 = tpu.scan <sum>, %convert_element_type3A_334 masked %reduce_sum3A_336 : vector<16xi32>, vector<16xi1> -> vector<16xi32>
      %reduce_sum3A_338 = vector.extract %reduce_sum3A_337[15] : i32 from vector<16xi32>
      %sub3A = arith.constant 15 : i32
      %sub3A_339 = arith.subi %sub3A, %reduce_sum3A_338 : i32
      %eq3A_340 = vector.broadcast %reduce_sum3A_338 : i32 to vector<16xi32>
      %eq3A_341 = arith.cmpi eq, %iota3A, %eq3A_340 : vector<16xi32>
      %sub3A_342 = arith.subi %masked_cumsum3A, %rev3A_328 : vector<16xi32>
      %jit3A = arith.constant 0 : i32
      %broadcast_in_dim3A_343 = vector.broadcast %jit3A : i32 to vector<16xi32>
      %select_n3A = arith.select %eq3A_341, %sub3A_342, %broadcast_in_dim3A_343 : vector<16xi1>, vector<16xi32>
      %reduce_sum3A_344 = arith.constant true
      %reduce_sum3A_345 = vector.broadcast %reduce_sum3A_344 : i1 to vector<16xi1>
      %reduce_sum3A_346 = tpu.scan <sum>, %select_n3A masked %reduce_sum3A_345 : vector<16xi32>, vector<16xi1> -> vector<16xi32>
      %reduce_sum3A_347 = vector.extract %reduce_sum3A_346[15] : i32 from vector<16xi32>
      %mul3A_348 = arith.constant 16 : i32
      %mul3A_349 = arith.muli %sub3A_339, %mul3A_348 : i32
      %get3A_350 = arith.index_cast %mul3A_349 : i32 to index
      %get3A_351 = tpu.vector_load %arg7[%get3A_350] {strides = array<i32>} : memref<272xi32, #tpu.memory_space<vmem>>, vector<16xi32>,
      %rev3A_352 = arith.constant 15 : i32
      %rev3A_353 = vector.broadcast %rev3A_352 : i32 to vector<16xi32>
      %rev3A_354 = tpu.iota {dimensions = array<i32: 0>} : vector<16xi32>
      %rev3A_355 = arith.subi %rev3A_353, %rev3A_354 : vector<16xi32>
      %rev3A_356 = tpu.dynamic_gather %get3A_351[%rev3A_355] in [0] : vector<16xi32>, vector<16xi32> -> vector<16xi32>
      %broadcast_in_dim3A_357 = arith.constant true
      %broadcast_in_dim3A_358 = vector.broadcast %broadcast_in_dim3A_357 : i1 to vector<16xi1>
      %masked_cumsum3A_359 = tpu.scan <sum>, %rev3A_356 masked %broadcast_in_dim3A_358 : vector<16xi32>, vector<16xi1> -> vector<16xi32>
      %add3A_360 = vector.broadcast %reduce_sum3A_347 : i32 to vector<16xi32>
      %add3A_361 = arith.addi %masked_cumsum3A_359, %add3A_360 : vector<16xi32>
      %lt3A_362 = arith.constant 128 : i32
      %lt3A_363 = vector.broadcast %lt3A_362 : i32 to vector<16xi32>
      %lt3A_364 = arith.cmpi slt, %add3A_361, %lt3A_363 : vector<16xi32>
      %convert_element_type3A_365 = arith.extui %lt3A_364 : vector<16xi1> to vector<16xi32>
      %reduce_sum3A_366 = arith.constant true
      %reduce_sum3A_367 = vector.broadcast %reduce_sum3A_366 : i1 to vector<16xi1>
      %reduce_sum3A_368 = tpu.scan <sum>, %convert_element_type3A_365 masked %reduce_sum3A_367 : vector<16xi32>, vector<16xi1> -> vector<16xi32>
      %reduce_sum3A_369 = vector.extract %reduce_sum3A_368[15] : i32 from vector<16xi32>
      %mul3A_370 = arith.constant 16 : i32
      %mul3A_371 = arith.muli %sub3A_339, %mul3A_370 : i32
      %add3A_372 = arith.constant 15 : i32
      %add3A_373 = arith.addi %mul3A_371, %add3A_372 : i32
      %sub3A_374 = arith.subi %add3A_373, %reduce_sum3A_369 : i32
      %eq3A_375 = vector.broadcast %reduce_sum3A_369 : i32 to vector<16xi32>
      %eq3A_376 = arith.cmpi eq, %iota3A, %eq3A_375 : vector<16xi32>
      %sub3A_377 = arith.subi %add3A_361, %rev3A_356 : vector<16xi32>
      %jit3A_378 = arith.constant 0 : i32
      %broadcast_in_dim3A_379 = vector.broadcast %jit3A_378 : i32 to vector<16xi32>
      %select_n3A_380 = arith.select %eq3A_376, %sub3A_377, %broadcast_in_dim3A_379 : vector<16xi1>, vector<16xi32>
      %reduce_sum3A_381 = arith.constant true
      %reduce_sum3A_382 = vector.broadcast %reduce_sum3A_381 : i1 to vector<16xi1>
      %reduce_sum3A_383 = tpu.scan <sum>, %select_n3A_380 masked %reduce_sum3A_382 : vector<16xi32>, vector<16xi1> -> vector<16xi32>
      %reduce_sum3A_384 = vector.extract %reduce_sum3A_383[15] : i32 from vector<16xi32>
      %sub3A_385 = arith.constant 128 : i32
      %sub3A_386 = arith.subi %sub3A_385, %reduce_sum3A_384 : i32
      %sub3A_387 = arith.constant 128 : i32
      %sub3A_388 = arith.subi %sub3A_374, %sub3A_387 : i32
      %broadcast_in_dim3A_389 = arith.constant 0 : i32
      %broadcast_in_dim3A_390 = vector.broadcast %broadcast_in_dim3A_389 : i32 to vector<16xi32>
      %swap3A_391 = arith.constant 0 : index
      %swap3A_392 = tpu.vector_load %arg7[%swap3A_391] {strides = array<i32>} : memref<272xi32, #tpu.memory_space<vmem>>, vector<16xi32>,
      tpu.vector_store %arg7[%swap3A_391], %broadcast_in_dim3A_390 {strides = array<i32>} : memref<272xi32, #tpu.memory_space<vmem>>, vector<16xi32>,
      %broadcast_in_dim3A_393 = arith.constant 0 : i32
      %broadcast_in_dim3A_394 = vector.broadcast %broadcast_in_dim3A_393 : i32 to vector<16xi32>
      %swap3A_395 = arith.constant 16 : index
      %swap3A_396 = tpu.vector_load %arg7[%swap3A_395] {strides = array<i32>} : memref<272xi32, #tpu.memory_space<vmem>>, vector<16xi32>,
      tpu.vector_store %arg7[%swap3A_395], %broadcast_in_dim3A_394 {strides = array<i32>} : memref<272xi32, #tpu.memory_space<vmem>>, vector<16xi32>,
      %broadcast_in_dim3A_397 = arith.constant 0 : i32
      %broadcast_in_dim3A_398 = vector.broadcast %broadcast_in_dim3A_397 : i32 to vector<16xi32>
      %swap3A_399 = arith.constant 32 : index
      %swap3A_400 = tpu.vector_load %arg7[%swap3A_399] {strides = array<i32>} : memref<272xi32, #tpu.memory_space<vmem>>, vector<16xi32>,
      tpu.vector_store %arg7[%swap3A_399], %broadcast_in_dim3A_398 {strides = array<i32>} : memref<272xi32, #tpu.memory_space<vmem>>, vector<16xi32>,
      %broadcast_in_dim3A_401 = arith.constant 0 : i32
      %broadcast_in_dim3A_402 = vector.broadcast %broadcast_in_dim3A_401 : i32 to vector<16xi32>
      %swap3A_403 = arith.constant 48 : index
      %swap3A_404 = tpu.vector_load %arg7[%swap3A_403] {strides = array<i32>} : memref<272xi32, #tpu.memory_space<vmem>>, vector<16xi32>,
      tpu.vector_store %arg7[%swap3A_403], %broadcast_in_dim3A_402 {strides = array<i32>} : memref<272xi32, #tpu.memory_space<vmem>>, vector<16xi32>,
      %broadcast_in_dim3A_405 = arith.constant 0 : i32
      %broadcast_in_dim3A_406 = vector.broadcast %broadcast_in_dim3A_405 : i32 to vector<16xi32>
      %swap3A_407 = arith.constant 64 : index
      %swap3A_408 = tpu.vector_load %arg7[%swap3A_407] {strides = array<i32>} : memref<272xi32, #tpu.memory_space<vmem>>, vector<16xi32>,
      tpu.vector_store %arg7[%swap3A_407], %broadcast_in_dim3A_406 {strides = array<i32>} : memref<272xi32, #tpu.memory_space<vmem>>, vector<16xi32>,
      %broadcast_in_dim3A_409 = arith.constant 0 : i32
      %broadcast_in_dim3A_410 = vector.broadcast %broadcast_in_dim3A_409 : i32 to vector<16xi32>
      %swap3A_411 = arith.constant 80 : index
      %swap3A_412 = tpu.vector_load %arg7[%swap3A_411] {strides = array<i32>} : memref<272xi32, #tpu.memory_space<vmem>>, vector<16xi32>,
      tpu.vector_store %arg7[%swap3A_411], %broadcast_in_dim3A_410 {strides = array<i32>} : memref<272xi32, #tpu.memory_space<vmem>>, vector<16xi32>,
      %broadcast_in_dim3A_413 = arith.constant 0 : i32
      %broadcast_in_dim3A_414 = vector.broadcast %broadcast_in_dim3A_413 : i32 to vector<16xi32>
      %swap3A_415 = arith.constant 96 : index
      %swap3A_416 = tpu.vector_load %arg7[%swap3A_415] {strides = array<i32>} : memref<272xi32, #tpu.memory_space<vmem>>, vector<16xi32>,
      tpu.vector_store %arg7[%swap3A_415], %broadcast_in_dim3A_414 {strides = array<i32>} : memref<272xi32, #tpu.memory_space<vmem>>, vector<16xi32>,
      %broadcast_in_dim3A_417 = arith.constant 0 : i32
      %broadcast_in_dim3A_418 = vector.broadcast %broadcast_in_dim3A_417 : i32 to vector<16xi32>
      %swap3A_419 = arith.constant 112 : index
      %swap3A_420 = tpu.vector_load %arg7[%swap3A_419] {strides = array<i32>} : memref<272xi32, #tpu.memory_space<vmem>>, vector<16xi32>,
      tpu.vector_store %arg7[%swap3A_419], %broadcast_in_dim3A_418 {strides = array<i32>} : memref<272xi32, #tpu.memory_space<vmem>>, vector<16xi32>,
      %broadcast_in_dim3A_421 = arith.constant 0 : i32
      %broadcast_in_dim3A_422 = vector.broadcast %broadcast_in_dim3A_421 : i32 to vector<16xi32>
      %swap3A_423 = arith.constant 128 : index
      %swap3A_424 = tpu.vector_load %arg7[%swap3A_423] {strides = array<i32>} : memref<272xi32, #tpu.memory_space<vmem>>, vector<16xi32>,
      tpu.vector_store %arg7[%swap3A_423], %broadcast_in_dim3A_422 {strides = array<i32>} : memref<272xi32, #tpu.memory_space<vmem>>, vector<16xi32>,
      %broadcast_in_dim3A_425 = arith.constant 0 : i32
      %broadcast_in_dim3A_426 = vector.broadcast %broadcast_in_dim3A_425 : i32 to vector<16xi32>
      %swap3A_427 = arith.constant 144 : index
      %swap3A_428 = tpu.vector_load %arg7[%swap3A_427] {strides = array<i32>} : memref<272xi32, #tpu.memory_space<vmem>>, vector<16xi32>,
      tpu.vector_store %arg7[%swap3A_427], %broadcast_in_dim3A_426 {strides = array<i32>} : memref<272xi32, #tpu.memory_space<vmem>>, vector<16xi32>,
      %broadcast_in_dim3A_429 = arith.constant 0 : i32
      %broadcast_in_dim3A_430 = vector.broadcast %broadcast_in_dim3A_429 : i32 to vector<16xi32>
      %swap3A_431 = arith.constant 160 : index
      %swap3A_432 = tpu.vector_load %arg7[%swap3A_431] {strides = array<i32>} : memref<272xi32, #tpu.memory_space<vmem>>, vector<16xi32>,
      tpu.vector_store %arg7[%swap3A_431], %broadcast_in_dim3A_430 {strides = array<i32>} : memref<272xi32, #tpu.memory_space<vmem>>, vector<16xi32>,
      %broadcast_in_dim3A_433 = arith.constant 0 : i32
      %broadcast_in_dim3A_434 = vector.broadcast %broadcast_in_dim3A_433 : i32 to vector<16xi32>
      %swap3A_435 = arith.constant 176 : index
      %swap3A_436 = tpu.vector_load %arg7[%swap3A_435] {strides = array<i32>} : memref<272xi32, #tpu.memory_space<vmem>>, vector<16xi32>,
      tpu.vector_store %arg7[%swap3A_435], %broadcast_in_dim3A_434 {strides = array<i32>} : memref<272xi32, #tpu.memory_space<vmem>>, vector<16xi32>,
      %broadcast_in_dim3A_437 = arith.constant 0 : i32
      %broadcast_in_dim3A_438 = vector.broadcast %broadcast_in_dim3A_437 : i32 to vector<16xi32>
      %swap3A_439 = arith.constant 192 : index
      %swap3A_440 = tpu.vector_load %arg7[%swap3A_439] {strides = array<i32>} : memref<272xi32, #tpu.memory_space<vmem>>, vector<16xi32>,
      tpu.vector_store %arg7[%swap3A_439], %broadcast_in_dim3A_438 {strides = array<i32>} : memref<272xi32, #tpu.memory_space<vmem>>, vector<16xi32>,
      %broadcast_in_dim3A_441 = arith.constant 0 : i32
      %broadcast_in_dim3A_442 = vector.broadcast %broadcast_in_dim3A_441 : i32 to vector<16xi32>
      %swap3A_443 = arith.constant 208 : index
      %swap3A_444 = tpu.vector_load %arg7[%swap3A_443] {strides = array<i32>} : memref<272xi32, #tpu.memory_space<vmem>>, vector<16xi32>,
      tpu.vector_store %arg7[%swap3A_443], %broadcast_in_dim3A_442 {strides = array<i32>} : memref<272xi32, #tpu.memory_space<vmem>>, vector<16xi32>,
      %broadcast_in_dim3A_445 = arith.constant 0 : i32
      %broadcast_in_dim3A_446 = vector.broadcast %broadcast_in_dim3A_445 : i32 to vector<16xi32>
      %swap3A_447 = arith.constant 224 : index
      %swap3A_448 = tpu.vector_load %arg7[%swap3A_447] {strides = array<i32>} : memref<272xi32, #tpu.memory_space<vmem>>, vector<16xi32>,
      tpu.vector_store %arg7[%swap3A_447], %broadcast_in_dim3A_446 {strides = array<i32>} : memref<272xi32, #tpu.memory_space<vmem>>, vector<16xi32>,
      %broadcast_in_dim3A_449 = arith.constant 0 : i32
      %broadcast_in_dim3A_450 = vector.broadcast %broadcast_in_dim3A_449 : i32 to vector<16xi32>
      %swap3A_451 = arith.constant 240 : index
      %swap3A_452 = tpu.vector_load %arg7[%swap3A_451] {strides = array<i32>} : memref<272xi32, #tpu.memory_space<vmem>>, vector<16xi32>,
      tpu.vector_store %arg7[%swap3A_451], %broadcast_in_dim3A_450 {strides = array<i32>} : memref<272xi32, #tpu.memory_space<vmem>>, vector<16xi32>,
      %broadcast_in_dim3A_453 = arith.constant 0 : i32
      %broadcast_in_dim3A_454 = vector.broadcast %broadcast_in_dim3A_453 : i32 to vector<16xi32>
      %swap3A_455 = arith.constant 256 : index
      %swap3A_456 = tpu.vector_load %arg7[%swap3A_455] {strides = array<i32>} : memref<272xi32, #tpu.memory_space<vmem>>, vector<16xi32>,
      tpu.vector_store %arg7[%swap3A_455], %broadcast_in_dim3A_454 {strides = array<i32>} : memref<272xi32, #tpu.memory_space<vmem>>, vector<16xi32>,
      %parallel_loop3A_457 = arith.constant 0 : i32
      %parallel_loop3A_458 = arith.constant 256 : i32
      %parallel_loop3A_459 = arith.constant 1 : i32
      scf.for %parallel_loop3A_1596 = %parallel_loop3A_457 to %parallel_loop3A_458 step %parallel_loop3A_459  : i32 {
        %parallel_loop3A_1597 = arith.constant 16 : i32
        %parallel_loop3A_1598 = arith.muli %parallel_loop3A_1596, %parallel_loop3A_1597 : i32
        %parallel_loop3A_1599 = arith.index_cast %parallel_loop3A_1598 : i32 to index
        %parallel_loop3A_1600 = tpu.vector_load %arg5[%parallel_loop3A_1599] {strides = array<i32>} : memref<4096xi32, #tpu.memory_space<vmem>>, vector<16xi32>,
        %parallel_loop3A_1601 = arith.constant 24 : i32
        %parallel_loop3A_1602 = vector.broadcast %parallel_loop3A_1601 : i32 to vector<16xi32>
        %parallel_loop3A_1603 = arith.shrsi %parallel_loop3A_1600, %parallel_loop3A_1602 : vector<16xi32>
        %parallel_loop3A_1604 = vector.broadcast %sub3A_388 : i32 to vector<16xi32>
        %parallel_loop3A_1605 = arith.cmpi eq, %parallel_loop3A_1603, %parallel_loop3A_1604 : vector<16xi32>
        %parallel_loop3A_1606 = arith.constant 16 : i32
        %parallel_loop3A_1607 = vector.broadcast %parallel_loop3A_1606 : i32 to vector<16xi32>
        %parallel_loop3A_1608 = arith.shrsi %parallel_loop3A_1600, %parallel_loop3A_1607 : vector<16xi32>
        %parallel_loop3A_1609 = arith.constant 255 : i32
        %parallel_loop3A_1610 = vector.broadcast %parallel_loop3A_1609 : i32 to vector<16xi32>
        %parallel_loop3A_1611 = arith.andi %parallel_loop3A_1608, %parallel_loop3A_1610 : vector<16xi32>
        tpu.vector_store_idx %arg7[%parallel_loop3A_1611], %broadcast_in_dim3A_2 masked %parallel_loop3A_1605 {add = true} : memref<272xi32, #tpu.memory_space<vmem>>[vector<16xi32>], vector<16xi32>, vector<16xi1>
      } {sc.loop_unroll_factor = 16 : i64, sc.parallel_access}
      %get3A_460 = arith.constant 0 : index
      %get3A_461 = tpu.vector_load %arg7[%get3A_460] {strides = array<i32>} : memref<272xi32, #tpu.memory_space<vmem>>, vector<16xi32>,
      %reduce_sum3A_462 = arith.constant true
      %reduce_sum3A_463 = vector.broadcast %reduce_sum3A_462 : i1 to vector<16xi1>
      %reduce_sum3A_464 = tpu.scan <sum>, %get3A_461 masked %reduce_sum3A_463 : vector<16xi32>, vector<16xi1> -> vector<16xi32>
      %reduce_sum3A_465 = vector.extract %reduce_sum3A_464[15] : i32 from vector<16xi32>
      %mul3A_466 = arith.constant 0 : i32
      %mul3A_467 = vector.broadcast %mul3A_466 : i32 to vector<16xi32>
      %mul3A_468 = arith.muli %iota3A, %mul3A_467 : vector<16xi32>
      %add3A_469 = arith.constant 0 : i32
      %add3A_470 = vector.broadcast %add3A_469 : i32 to vector<16xi32>
      %add3A_471 = arith.addi %mul3A_468, %add3A_470 : vector<16xi32>
      %broadcast_in_dim3A_472 = vector.broadcast %reduce_sum3A_465 : i32 to vector<16xi32>
      %eq3A_473 = arith.constant 0 : i32
      %eq3A_474 = vector.broadcast %eq3A_473 : i32 to vector<16xi32>
      %eq3A_475 = arith.cmpi eq, %iota3A, %eq3A_474 : vector<16xi32>
      tpu.vector_store_idx %arg8[%add3A_471], %broadcast_in_dim3A_472 masked %eq3A_475 : memref<16xi32, #tpu.memory_space<vmem>>[vector<16xi32>], vector<16xi32>, vector<16xi1>
      %get3A_476 = arith.constant 16 : index
      %get3A_477 = tpu.vector_load %arg7[%get3A_476] {strides = array<i32>} : memref<272xi32, #tpu.memory_space<vmem>>, vector<16xi32>,
      %reduce_sum3A_478 = arith.constant true
      %reduce_sum3A_479 = vector.broadcast %reduce_sum3A_478 : i1 to vector<16xi1>
      %reduce_sum3A_480 = tpu.scan <sum>, %get3A_477 masked %reduce_sum3A_479 : vector<16xi32>, vector<16xi1> -> vector<16xi32>
      %reduce_sum3A_481 = vector.extract %reduce_sum3A_480[15] : i32 from vector<16xi32>
      %mul3A_482 = arith.constant 0 : i32
      %mul3A_483 = vector.broadcast %mul3A_482 : i32 to vector<16xi32>
      %mul3A_484 = arith.muli %iota3A, %mul3A_483 : vector<16xi32>
      %add3A_485 = arith.constant 1 : i32
      %add3A_486 = vector.broadcast %add3A_485 : i32 to vector<16xi32>
      %add3A_487 = arith.addi %mul3A_484, %add3A_486 : vector<16xi32>
      %broadcast_in_dim3A_488 = vector.broadcast %reduce_sum3A_481 : i32 to vector<16xi32>
      %eq3A_489 = arith.constant 0 : i32
      %eq3A_490 = vector.broadcast %eq3A_489 : i32 to vector<16xi32>
      %eq3A_491 = arith.cmpi eq, %iota3A, %eq3A_490 : vector<16xi32>
      tpu.vector_store_idx %arg8[%add3A_487], %broadcast_in_dim3A_488 masked %eq3A_491 : memref<16xi32, #tpu.memory_space<vmem>>[vector<16xi32>], vector<16xi32>, vector<16xi1>
      %get3A_492 = arith.constant 32 : index
      %get3A_493 = tpu.vector_load %arg7[%get3A_492] {strides = array<i32>} : memref<272xi32, #tpu.memory_space<vmem>>, vector<16xi32>,
      %reduce_sum3A_494 = arith.constant true
      %reduce_sum3A_495 = vector.broadcast %reduce_sum3A_494 : i1 to vector<16xi1>
      %reduce_sum3A_496 = tpu.scan <sum>, %get3A_493 masked %reduce_sum3A_495 : vector<16xi32>, vector<16xi1> -> vector<16xi32>
      %reduce_sum3A_497 = vector.extract %reduce_sum3A_496[15] : i32 from vector<16xi32>
      %mul3A_498 = arith.constant 0 : i32
      %mul3A_499 = vector.broadcast %mul3A_498 : i32 to vector<16xi32>
      %mul3A_500 = arith.muli %iota3A, %mul3A_499 : vector<16xi32>
      %add3A_501 = arith.constant 2 : i32
      %add3A_502 = vector.broadcast %add3A_501 : i32 to vector<16xi32>
      %add3A_503 = arith.addi %mul3A_500, %add3A_502 : vector<16xi32>
      %broadcast_in_dim3A_504 = vector.broadcast %reduce_sum3A_497 : i32 to vector<16xi32>
      %eq3A_505 = arith.constant 0 : i32
      %eq3A_506 = vector.broadcast %eq3A_505 : i32 to vector<16xi32>
      %eq3A_507 = arith.cmpi eq, %iota3A, %eq3A_506 : vector<16xi32>
      tpu.vector_store_idx %arg8[%add3A_503], %broadcast_in_dim3A_504 masked %eq3A_507 : memref<16xi32, #tpu.memory_space<vmem>>[vector<16xi32>], vector<16xi32>, vector<16xi1>
      %get3A_508 = arith.constant 48 : index
      %get3A_509 = tpu.vector_load %arg7[%get3A_508] {strides = array<i32>} : memref<272xi32, #tpu.memory_space<vmem>>, vector<16xi32>,
      %reduce_sum3A_510 = arith.constant true
      %reduce_sum3A_511 = vector.broadcast %reduce_sum3A_510 : i1 to vector<16xi1>
      %reduce_sum3A_512 = tpu.scan <sum>, %get3A_509 masked %reduce_sum3A_511 : vector<16xi32>, vector<16xi1> -> vector<16xi32>
      %reduce_sum3A_513 = vector.extract %reduce_sum3A_512[15] : i32 from vector<16xi32>
      %mul3A_514 = arith.constant 0 : i32
      %mul3A_515 = vector.broadcast %mul3A_514 : i32 to vector<16xi32>
      %mul3A_516 = arith.muli %iota3A, %mul3A_515 : vector<16xi32>
      %add3A_517 = arith.constant 3 : i32
      %add3A_518 = vector.broadcast %add3A_517 : i32 to vector<16xi32>
      %add3A_519 = arith.addi %mul3A_516, %add3A_518 : vector<16xi32>
      %broadcast_in_dim3A_520 = vector.broadcast %reduce_sum3A_513 : i32 to vector<16xi32>
      %eq3A_521 = arith.constant 0 : i32
      %eq3A_522 = vector.broadcast %eq3A_521 : i32 to vector<16xi32>
      %eq3A_523 = arith.cmpi eq, %iota3A, %eq3A_522 : vector<16xi32>
      tpu.vector_store_idx %arg8[%add3A_519], %broadcast_in_dim3A_520 masked %eq3A_523 : memref<16xi32, #tpu.memory_space<vmem>>[vector<16xi32>], vector<16xi32>, vector<16xi1>
      %get3A_524 = arith.constant 64 : index
      %get3A_525 = tpu.vector_load %arg7[%get3A_524] {strides = array<i32>} : memref<272xi32, #tpu.memory_space<vmem>>, vector<16xi32>,
      %reduce_sum3A_526 = arith.constant true
      %reduce_sum3A_527 = vector.broadcast %reduce_sum3A_526 : i1 to vector<16xi1>
      %reduce_sum3A_528 = tpu.scan <sum>, %get3A_525 masked %reduce_sum3A_527 : vector<16xi32>, vector<16xi1> -> vector<16xi32>
      %reduce_sum3A_529 = vector.extract %reduce_sum3A_528[15] : i32 from vector<16xi32>
      %mul3A_530 = arith.constant 0 : i32
      %mul3A_531 = vector.broadcast %mul3A_530 : i32 to vector<16xi32>
      %mul3A_532 = arith.muli %iota3A, %mul3A_531 : vector<16xi32>
      %add3A_533 = arith.constant 4 : i32
      %add3A_534 = vector.broadcast %add3A_533 : i32 to vector<16xi32>
      %add3A_535 = arith.addi %mul3A_532, %add3A_534 : vector<16xi32>
      %broadcast_in_dim3A_536 = vector.broadcast %reduce_sum3A_529 : i32 to vector<16xi32>
      %eq3A_537 = arith.constant 0 : i32
      %eq3A_538 = vector.broadcast %eq3A_537 : i32 to vector<16xi32>
      %eq3A_539 = arith.cmpi eq, %iota3A, %eq3A_538 : vector<16xi32>
      tpu.vector_store_idx %arg8[%add3A_535], %broadcast_in_dim3A_536 masked %eq3A_539 : memref<16xi32, #tpu.memory_space<vmem>>[vector<16xi32>], vector<16xi32>, vector<16xi1>
      %get3A_540 = arith.constant 80 : index
      %get3A_541 = tpu.vector_load %arg7[%get3A_540] {strides = array<i32>} : memref<272xi32, #tpu.memory_space<vmem>>, vector<16xi32>,
      %reduce_sum3A_542 = arith.constant true
      %reduce_sum3A_543 = vector.broadcast %reduce_sum3A_542 : i1 to vector<16xi1>
      %reduce_sum3A_544 = tpu.scan <sum>, %get3A_541 masked %reduce_sum3A_543 : vector<16xi32>, vector<16xi1> -> vector<16xi32>
      %reduce_sum3A_545 = vector.extract %reduce_sum3A_544[15] : i32 from vector<16xi32>
      %mul3A_546 = arith.constant 0 : i32
      %mul3A_547 = vector.broadcast %mul3A_546 : i32 to vector<16xi32>
      %mul3A_548 = arith.muli %iota3A, %mul3A_547 : vector<16xi32>
      %add3A_549 = arith.constant 5 : i32
      %add3A_550 = vector.broadcast %add3A_549 : i32 to vector<16xi32>
      %add3A_551 = arith.addi %mul3A_548, %add3A_550 : vector<16xi32>
      %broadcast_in_dim3A_552 = vector.broadcast %reduce_sum3A_545 : i32 to vector<16xi32>
      %eq3A_553 = arith.constant 0 : i32
      %eq3A_554 = vector.broadcast %eq3A_553 : i32 to vector<16xi32>
      %eq3A_555 = arith.cmpi eq, %iota3A, %eq3A_554 : vector<16xi32>
      tpu.vector_store_idx %arg8[%add3A_551], %broadcast_in_dim3A_552 masked %eq3A_555 : memref<16xi32, #tpu.memory_space<vmem>>[vector<16xi32>], vector<16xi32>, vector<16xi1>
      %get3A_556 = arith.constant 96 : index
      %get3A_557 = tpu.vector_load %arg7[%get3A_556] {strides = array<i32>} : memref<272xi32, #tpu.memory_space<vmem>>, vector<16xi32>,
      %reduce_sum3A_558 = arith.constant true
      %reduce_sum3A_559 = vector.broadcast %reduce_sum3A_558 : i1 to vector<16xi1>
      %reduce_sum3A_560 = tpu.scan <sum>, %get3A_557 masked %reduce_sum3A_559 : vector<16xi32>, vector<16xi1> -> vector<16xi32>
      %reduce_sum3A_561 = vector.extract %reduce_sum3A_560[15] : i32 from vector<16xi32>
      %mul3A_562 = arith.constant 0 : i32
      %mul3A_563 = vector.broadcast %mul3A_562 : i32 to vector<16xi32>
      %mul3A_564 = arith.muli %iota3A, %mul3A_563 : vector<16xi32>
      %add3A_565 = arith.constant 6 : i32
      %add3A_566 = vector.broadcast %add3A_565 : i32 to vector<16xi32>
      %add3A_567 = arith.addi %mul3A_564, %add3A_566 : vector<16xi32>
      %broadcast_in_dim3A_568 = vector.broadcast %reduce_sum3A_561 : i32 to vector<16xi32>
      %eq3A_569 = arith.constant 0 : i32
      %eq3A_570 = vector.broadcast %eq3A_569 : i32 to vector<16xi32>
      %eq3A_571 = arith.cmpi eq, %iota3A, %eq3A_570 : vector<16xi32>
      tpu.vector_store_idx %arg8[%add3A_567], %broadcast_in_dim3A_568 masked %eq3A_571 : memref<16xi32, #tpu.memory_space<vmem>>[vector<16xi32>], vector<16xi32>, vector<16xi1>
      %get3A_572 = arith.constant 112 : index
      %get3A_573 = tpu.vector_load %arg7[%get3A_572] {strides = array<i32>} : memref<272xi32, #tpu.memory_space<vmem>>, vector<16xi32>,
      %reduce_sum3A_574 = arith.constant true
      %reduce_sum3A_575 = vector.broadcast %reduce_sum3A_574 : i1 to vector<16xi1>
      %reduce_sum3A_576 = tpu.scan <sum>, %get3A_573 masked %reduce_sum3A_575 : vector<16xi32>, vector<16xi1> -> vector<16xi32>
      %reduce_sum3A_577 = vector.extract %reduce_sum3A_576[15] : i32 from vector<16xi32>
      %mul3A_578 = arith.constant 0 : i32
      %mul3A_579 = vector.broadcast %mul3A_578 : i32 to vector<16xi32>
      %mul3A_580 = arith.muli %iota3A, %mul3A_579 : vector<16xi32>
      %add3A_581 = arith.constant 7 : i32
      %add3A_582 = vector.broadcast %add3A_581 : i32 to vector<16xi32>
      %add3A_583 = arith.addi %mul3A_580, %add3A_582 : vector<16xi32>
      %broadcast_in_dim3A_584 = vector.broadcast %reduce_sum3A_577 : i32 to vector<16xi32>
      %eq3A_585 = arith.constant 0 : i32
      %eq3A_586 = vector.broadcast %eq3A_585 : i32 to vector<16xi32>
      %eq3A_587 = arith.cmpi eq, %iota3A, %eq3A_586 : vector<16xi32>
      tpu.vector_store_idx %arg8[%add3A_583], %broadcast_in_dim3A_584 masked %eq3A_587 : memref<16xi32, #tpu.memory_space<vmem>>[vector<16xi32>], vector<16xi32>, vector<16xi1>
      %get3A_588 = arith.constant 128 : index
      %get3A_589 = tpu.vector_load %arg7[%get3A_588] {strides = array<i32>} : memref<272xi32, #tpu.memory_space<vmem>>, vector<16xi32>,
      %reduce_sum3A_590 = arith.constant true
      %reduce_sum3A_591 = vector.broadcast %reduce_sum3A_590 : i1 to vector<16xi1>
      %reduce_sum3A_592 = tpu.scan <sum>, %get3A_589 masked %reduce_sum3A_591 : vector<16xi32>, vector<16xi1> -> vector<16xi32>
      %reduce_sum3A_593 = vector.extract %reduce_sum3A_592[15] : i32 from vector<16xi32>
      %mul3A_594 = arith.constant 0 : i32
      %mul3A_595 = vector.broadcast %mul3A_594 : i32 to vector<16xi32>
      %mul3A_596 = arith.muli %iota3A, %mul3A_595 : vector<16xi32>
      %add3A_597 = arith.constant 8 : i32
      %add3A_598 = vector.broadcast %add3A_597 : i32 to vector<16xi32>
      %add3A_599 = arith.addi %mul3A_596, %add3A_598 : vector<16xi32>
      %broadcast_in_dim3A_600 = vector.broadcast %reduce_sum3A_593 : i32 to vector<16xi32>
      %eq3A_601 = arith.constant 0 : i32
      %eq3A_602 = vector.broadcast %eq3A_601 : i32 to vector<16xi32>
      %eq3A_603 = arith.cmpi eq, %iota3A, %eq3A_602 : vector<16xi32>
      tpu.vector_store_idx %arg8[%add3A_599], %broadcast_in_dim3A_600 masked %eq3A_603 : memref<16xi32, #tpu.memory_space<vmem>>[vector<16xi32>], vector<16xi32>, vector<16xi1>
      %get3A_604 = arith.constant 144 : index
      %get3A_605 = tpu.vector_load %arg7[%get3A_604] {strides = array<i32>} : memref<272xi32, #tpu.memory_space<vmem>>, vector<16xi32>,
      %reduce_sum3A_606 = arith.constant true
      %reduce_sum3A_607 = vector.broadcast %reduce_sum3A_606 : i1 to vector<16xi1>
      %reduce_sum3A_608 = tpu.scan <sum>, %get3A_605 masked %reduce_sum3A_607 : vector<16xi32>, vector<16xi1> -> vector<16xi32>
      %reduce_sum3A_609 = vector.extract %reduce_sum3A_608[15] : i32 from vector<16xi32>
      %mul3A_610 = arith.constant 0 : i32
      %mul3A_611 = vector.broadcast %mul3A_610 : i32 to vector<16xi32>
      %mul3A_612 = arith.muli %iota3A, %mul3A_611 : vector<16xi32>
      %add3A_613 = arith.constant 9 : i32
      %add3A_614 = vector.broadcast %add3A_613 : i32 to vector<16xi32>
      %add3A_615 = arith.addi %mul3A_612, %add3A_614 : vector<16xi32>
      %broadcast_in_dim3A_616 = vector.broadcast %reduce_sum3A_609 : i32 to vector<16xi32>
      %eq3A_617 = arith.constant 0 : i32
      %eq3A_618 = vector.broadcast %eq3A_617 : i32 to vector<16xi32>
      %eq3A_619 = arith.cmpi eq, %iota3A, %eq3A_618 : vector<16xi32>
      tpu.vector_store_idx %arg8[%add3A_615], %broadcast_in_dim3A_616 masked %eq3A_619 : memref<16xi32, #tpu.memory_space<vmem>>[vector<16xi32>], vector<16xi32>, vector<16xi1>
      %get3A_620 = arith.constant 160 : index
      %get3A_621 = tpu.vector_load %arg7[%get3A_620] {strides = array<i32>} : memref<272xi32, #tpu.memory_space<vmem>>, vector<16xi32>,
      %reduce_sum3A_622 = arith.constant true
      %reduce_sum3A_623 = vector.broadcast %reduce_sum3A_622 : i1 to vector<16xi1>
      %reduce_sum3A_624 = tpu.scan <sum>, %get3A_621 masked %reduce_sum3A_623 : vector<16xi32>, vector<16xi1> -> vector<16xi32>
      %reduce_sum3A_625 = vector.extract %reduce_sum3A_624[15] : i32 from vector<16xi32>
      %mul3A_626 = arith.constant 0 : i32
      %mul3A_627 = vector.broadcast %mul3A_626 : i32 to vector<16xi32>
      %mul3A_628 = arith.muli %iota3A, %mul3A_627 : vector<16xi32>
      %add3A_629 = arith.constant 10 : i32
      %add3A_630 = vector.broadcast %add3A_629 : i32 to vector<16xi32>
      %add3A_631 = arith.addi %mul3A_628, %add3A_630 : vector<16xi32>
      %broadcast_in_dim3A_632 = vector.broadcast %reduce_sum3A_625 : i32 to vector<16xi32>
      %eq3A_633 = arith.constant 0 : i32
      %eq3A_634 = vector.broadcast %eq3A_633 : i32 to vector<16xi32>
      %eq3A_635 = arith.cmpi eq, %iota3A, %eq3A_634 : vector<16xi32>
      tpu.vector_store_idx %arg8[%add3A_631], %broadcast_in_dim3A_632 masked %eq3A_635 : memref<16xi32, #tpu.memory_space<vmem>>[vector<16xi32>], vector<16xi32>, vector<16xi1>
      %get3A_636 = arith.constant 176 : index
      %get3A_637 = tpu.vector_load %arg7[%get3A_636] {strides = array<i32>} : memref<272xi32, #tpu.memory_space<vmem>>, vector<16xi32>,
      %reduce_sum3A_638 = arith.constant true
      %reduce_sum3A_639 = vector.broadcast %reduce_sum3A_638 : i1 to vector<16xi1>
      %reduce_sum3A_640 = tpu.scan <sum>, %get3A_637 masked %reduce_sum3A_639 : vector<16xi32>, vector<16xi1> -> vector<16xi32>
      %reduce_sum3A_641 = vector.extract %reduce_sum3A_640[15] : i32 from vector<16xi32>
      %mul3A_642 = arith.constant 0 : i32
      %mul3A_643 = vector.broadcast %mul3A_642 : i32 to vector<16xi32>
      %mul3A_644 = arith.muli %iota3A, %mul3A_643 : vector<16xi32>
      %add3A_645 = arith.constant 11 : i32
      %add3A_646 = vector.broadcast %add3A_645 : i32 to vector<16xi32>
      %add3A_647 = arith.addi %mul3A_644, %add3A_646 : vector<16xi32>
      %broadcast_in_dim3A_648 = vector.broadcast %reduce_sum3A_641 : i32 to vector<16xi32>
      %eq3A_649 = arith.constant 0 : i32
      %eq3A_650 = vector.broadcast %eq3A_649 : i32 to vector<16xi32>
      %eq3A_651 = arith.cmpi eq, %iota3A, %eq3A_650 : vector<16xi32>
      tpu.vector_store_idx %arg8[%add3A_647], %broadcast_in_dim3A_648 masked %eq3A_651 : memref<16xi32, #tpu.memory_space<vmem>>[vector<16xi32>], vector<16xi32>, vector<16xi1>
      %get3A_652 = arith.constant 192 : index
      %get3A_653 = tpu.vector_load %arg7[%get3A_652] {strides = array<i32>} : memref<272xi32, #tpu.memory_space<vmem>>, vector<16xi32>,
      %reduce_sum3A_654 = arith.constant true
      %reduce_sum3A_655 = vector.broadcast %reduce_sum3A_654 : i1 to vector<16xi1>
      %reduce_sum3A_656 = tpu.scan <sum>, %get3A_653 masked %reduce_sum3A_655 : vector<16xi32>, vector<16xi1> -> vector<16xi32>
      %reduce_sum3A_657 = vector.extract %reduce_sum3A_656[15] : i32 from vector<16xi32>
      %mul3A_658 = arith.constant 0 : i32
      %mul3A_659 = vector.broadcast %mul3A_658 : i32 to vector<16xi32>
      %mul3A_660 = arith.muli %iota3A, %mul3A_659 : vector<16xi32>
      %add3A_661 = arith.constant 12 : i32
      %add3A_662 = vector.broadcast %add3A_661 : i32 to vector<16xi32>
      %add3A_663 = arith.addi %mul3A_660, %add3A_662 : vector<16xi32>
      %broadcast_in_dim3A_664 = vector.broadcast %reduce_sum3A_657 : i32 to vector<16xi32>
      %eq3A_665 = arith.constant 0 : i32
      %eq3A_666 = vector.broadcast %eq3A_665 : i32 to vector<16xi32>
      %eq3A_667 = arith.cmpi eq, %iota3A, %eq3A_666 : vector<16xi32>
      tpu.vector_store_idx %arg8[%add3A_663], %broadcast_in_dim3A_664 masked %eq3A_667 : memref<16xi32, #tpu.memory_space<vmem>>[vector<16xi32>], vector<16xi32>, vector<16xi1>
      %get3A_668 = arith.constant 208 : index
      %get3A_669 = tpu.vector_load %arg7[%get3A_668] {strides = array<i32>} : memref<272xi32, #tpu.memory_space<vmem>>, vector<16xi32>,
      %reduce_sum3A_670 = arith.constant true
      %reduce_sum3A_671 = vector.broadcast %reduce_sum3A_670 : i1 to vector<16xi1>
      %reduce_sum3A_672 = tpu.scan <sum>, %get3A_669 masked %reduce_sum3A_671 : vector<16xi32>, vector<16xi1> -> vector<16xi32>
      %reduce_sum3A_673 = vector.extract %reduce_sum3A_672[15] : i32 from vector<16xi32>
      %mul3A_674 = arith.constant 0 : i32
      %mul3A_675 = vector.broadcast %mul3A_674 : i32 to vector<16xi32>
      %mul3A_676 = arith.muli %iota3A, %mul3A_675 : vector<16xi32>
      %add3A_677 = arith.constant 13 : i32
      %add3A_678 = vector.broadcast %add3A_677 : i32 to vector<16xi32>
      %add3A_679 = arith.addi %mul3A_676, %add3A_678 : vector<16xi32>
      %broadcast_in_dim3A_680 = vector.broadcast %reduce_sum3A_673 : i32 to vector<16xi32>
      %eq3A_681 = arith.constant 0 : i32
      %eq3A_682 = vector.broadcast %eq3A_681 : i32 to vector<16xi32>
      %eq3A_683 = arith.cmpi eq, %iota3A, %eq3A_682 : vector<16xi32>
      tpu.vector_store_idx %arg8[%add3A_679], %broadcast_in_dim3A_680 masked %eq3A_683 : memref<16xi32, #tpu.memory_space<vmem>>[vector<16xi32>], vector<16xi32>, vector<16xi1>
      %get3A_684 = arith.constant 224 : index
      %get3A_685 = tpu.vector_load %arg7[%get3A_684] {strides = array<i32>} : memref<272xi32, #tpu.memory_space<vmem>>, vector<16xi32>,
      %reduce_sum3A_686 = arith.constant true
      %reduce_sum3A_687 = vector.broadcast %reduce_sum3A_686 : i1 to vector<16xi1>
      %reduce_sum3A_688 = tpu.scan <sum>, %get3A_685 masked %reduce_sum3A_687 : vector<16xi32>, vector<16xi1> -> vector<16xi32>
      %reduce_sum3A_689 = vector.extract %reduce_sum3A_688[15] : i32 from vector<16xi32>
      %mul3A_690 = arith.constant 0 : i32
      %mul3A_691 = vector.broadcast %mul3A_690 : i32 to vector<16xi32>
      %mul3A_692 = arith.muli %iota3A, %mul3A_691 : vector<16xi32>
      %add3A_693 = arith.constant 14 : i32
      %add3A_694 = vector.broadcast %add3A_693 : i32 to vector<16xi32>
      %add3A_695 = arith.addi %mul3A_692, %add3A_694 : vector<16xi32>
      %broadcast_in_dim3A_696 = vector.broadcast %reduce_sum3A_689 : i32 to vector<16xi32>
      %eq3A_697 = arith.constant 0 : i32
      %eq3A_698 = vector.broadcast %eq3A_697 : i32 to vector<16xi32>
      %eq3A_699 = arith.cmpi eq, %iota3A, %eq3A_698 : vector<16xi32>
      tpu.vector_store_idx %arg8[%add3A_695], %broadcast_in_dim3A_696 masked %eq3A_699 : memref<16xi32, #tpu.memory_space<vmem>>[vector<16xi32>], vector<16xi32>, vector<16xi1>
      %get3A_700 = arith.constant 240 : index
      %get3A_701 = tpu.vector_load %arg7[%get3A_700] {strides = array<i32>} : memref<272xi32, #tpu.memory_space<vmem>>, vector<16xi32>,
      %reduce_sum3A_702 = arith.constant true
      %reduce_sum3A_703 = vector.broadcast %reduce_sum3A_702 : i1 to vector<16xi1>
      %reduce_sum3A_704 = tpu.scan <sum>, %get3A_701 masked %reduce_sum3A_703 : vector<16xi32>, vector<16xi1> -> vector<16xi32>
      %reduce_sum3A_705 = vector.extract %reduce_sum3A_704[15] : i32 from vector<16xi32>
      %mul3A_706 = arith.constant 0 : i32
      %mul3A_707 = vector.broadcast %mul3A_706 : i32 to vector<16xi32>
      %mul3A_708 = arith.muli %iota3A, %mul3A_707 : vector<16xi32>
      %add3A_709 = arith.constant 15 : i32
      %add3A_710 = vector.broadcast %add3A_709 : i32 to vector<16xi32>
      %add3A_711 = arith.addi %mul3A_708, %add3A_710 : vector<16xi32>
      %broadcast_in_dim3A_712 = vector.broadcast %reduce_sum3A_705 : i32 to vector<16xi32>
      %eq3A_713 = arith.constant 0 : i32
      %eq3A_714 = vector.broadcast %eq3A_713 : i32 to vector<16xi32>
      %eq3A_715 = arith.cmpi eq, %iota3A, %eq3A_714 : vector<16xi32>
      tpu.vector_store_idx %arg8[%add3A_711], %broadcast_in_dim3A_712 masked %eq3A_715 : memref<16xi32, #tpu.memory_space<vmem>>[vector<16xi32>], vector<16xi32>, vector<16xi1>
      %get3A_716 = arith.constant 0 : index
      %get3A_717 = tpu.vector_load %arg8[%get3A_716] {strides = array<i32>} : memref<16xi32, #tpu.memory_space<vmem>>, vector<16xi32>,
      %rev3A_718 = arith.constant 15 : i32
      %rev3A_719 = vector.broadcast %rev3A_718 : i32 to vector<16xi32>
      %rev3A_720 = tpu.iota {dimensions = array<i32: 0>} : vector<16xi32>
      %rev3A_721 = arith.subi %rev3A_719, %rev3A_720 : vector<16xi32>
      %rev3A_722 = tpu.dynamic_gather %get3A_717[%rev3A_721] in [0] : vector<16xi32>, vector<16xi32> -> vector<16xi32>
      %broadcast_in_dim3A_723 = arith.constant true
      %broadcast_in_dim3A_724 = vector.broadcast %broadcast_in_dim3A_723 : i1 to vector<16xi1>
      %masked_cumsum3A_725 = tpu.scan <sum>, %rev3A_722 masked %broadcast_in_dim3A_724 : vector<16xi32>, vector<16xi1> -> vector<16xi32>
      %lt3A_726 = vector.broadcast %sub3A_386 : i32 to vector<16xi32>
      %lt3A_727 = arith.cmpi slt, %masked_cumsum3A_725, %lt3A_726 : vector<16xi32>
      %convert_element_type3A_728 = arith.extui %lt3A_727 : vector<16xi1> to vector<16xi32>
      %reduce_sum3A_729 = arith.constant true
      %reduce_sum3A_730 = vector.broadcast %reduce_sum3A_729 : i1 to vector<16xi1>
      %reduce_sum3A_731 = tpu.scan <sum>, %convert_element_type3A_728 masked %reduce_sum3A_730 : vector<16xi32>, vector<16xi1> -> vector<16xi32>
      %reduce_sum3A_732 = vector.extract %reduce_sum3A_731[15] : i32 from vector<16xi32>
      %sub3A_733 = arith.constant 15 : i32
      %sub3A_734 = arith.subi %sub3A_733, %reduce_sum3A_732 : i32
      %eq3A_735 = vector.broadcast %reduce_sum3A_732 : i32 to vector<16xi32>
      %eq3A_736 = arith.cmpi eq, %iota3A, %eq3A_735 : vector<16xi32>
      %sub3A_737 = arith.subi %masked_cumsum3A_725, %rev3A_722 : vector<16xi32>
      %jit3A_738 = arith.constant 0 : i32
      %broadcast_in_dim3A_739 = vector.broadcast %jit3A_738 : i32 to vector<16xi32>
      %select_n3A_740 = arith.select %eq3A_736, %sub3A_737, %broadcast_in_dim3A_739 : vector<16xi1>, vector<16xi32>
      %reduce_sum3A_741 = arith.constant true
      %reduce_sum3A_742 = vector.broadcast %reduce_sum3A_741 : i1 to vector<16xi1>
      %reduce_sum3A_743 = tpu.scan <sum>, %select_n3A_740 masked %reduce_sum3A_742 : vector<16xi32>, vector<16xi1> -> vector<16xi32>
      %reduce_sum3A_744 = vector.extract %reduce_sum3A_743[15] : i32 from vector<16xi32>
      %mul3A_745 = arith.constant 16 : i32
      %mul3A_746 = arith.muli %sub3A_734, %mul3A_745 : i32
      %get3A_747 = arith.index_cast %mul3A_746 : i32 to index
      %get3A_748 = tpu.vector_load %arg7[%get3A_747] {strides = array<i32>} : memref<272xi32, #tpu.memory_space<vmem>>, vector<16xi32>,
      %rev3A_749 = arith.constant 15 : i32
      %rev3A_750 = vector.broadcast %rev3A_749 : i32 to vector<16xi32>
      %rev3A_751 = tpu.iota {dimensions = array<i32: 0>} : vector<16xi32>
      %rev3A_752 = arith.subi %rev3A_750, %rev3A_751 : vector<16xi32>
      %rev3A_753 = tpu.dynamic_gather %get3A_748[%rev3A_752] in [0] : vector<16xi32>, vector<16xi32> -> vector<16xi32>
      %broadcast_in_dim3A_754 = arith.constant true
      %broadcast_in_dim3A_755 = vector.broadcast %broadcast_in_dim3A_754 : i1 to vector<16xi1>
      %masked_cumsum3A_756 = tpu.scan <sum>, %rev3A_753 masked %broadcast_in_dim3A_755 : vector<16xi32>, vector<16xi1> -> vector<16xi32>
      %add3A_757 = vector.broadcast %reduce_sum3A_744 : i32 to vector<16xi32>
      %add3A_758 = arith.addi %masked_cumsum3A_756, %add3A_757 : vector<16xi32>
      %lt3A_759 = vector.broadcast %sub3A_386 : i32 to vector<16xi32>
      %lt3A_760 = arith.cmpi slt, %add3A_758, %lt3A_759 : vector<16xi32>
      %convert_element_type3A_761 = arith.extui %lt3A_760 : vector<16xi1> to vector<16xi32>
      %reduce_sum3A_762 = arith.constant true
      %reduce_sum3A_763 = vector.broadcast %reduce_sum3A_762 : i1 to vector<16xi1>
      %reduce_sum3A_764 = tpu.scan <sum>, %convert_element_type3A_761 masked %reduce_sum3A_763 : vector<16xi32>, vector<16xi1> -> vector<16xi32>
      %reduce_sum3A_765 = vector.extract %reduce_sum3A_764[15] : i32 from vector<16xi32>
      %mul3A_766 = arith.constant 16 : i32
      %mul3A_767 = arith.muli %sub3A_734, %mul3A_766 : i32
      %add3A_768 = arith.constant 15 : i32
      %add3A_769 = arith.addi %mul3A_767, %add3A_768 : i32
      %sub3A_770 = arith.subi %add3A_769, %reduce_sum3A_765 : i32
      %eq3A_771 = vector.broadcast %reduce_sum3A_765 : i32 to vector<16xi32>
      %eq3A_772 = arith.cmpi eq, %iota3A, %eq3A_771 : vector<16xi32>
      %sub3A_773 = arith.subi %add3A_758, %rev3A_753 : vector<16xi32>
      %jit3A_774 = arith.constant 0 : i32
      %broadcast_in_dim3A_775 = vector.broadcast %jit3A_774 : i32 to vector<16xi32>
      %select_n3A_776 = arith.select %eq3A_772, %sub3A_773, %broadcast_in_dim3A_775 : vector<16xi1>, vector<16xi32>
      %reduce_sum3A_777 = arith.constant true
      %reduce_sum3A_778 = vector.broadcast %reduce_sum3A_777 : i1 to vector<16xi1>
      %reduce_sum3A_779 = tpu.scan <sum>, %select_n3A_776 masked %reduce_sum3A_778 : vector<16xi32>, vector<16xi1> -> vector<16xi32>
      %reduce_sum3A_780 = vector.extract %reduce_sum3A_779[15] : i32 from vector<16xi32>
      %sub3A_781 = arith.subi %sub3A_386, %reduce_sum3A_780 : i32
      %shift_left3A = arith.constant 8 : i32
      %shift_left3A_782 = arith.shli %sub3A_388, %shift_left3A : i32
      %or3A = arith.ori %shift_left3A_782, %sub3A_770 : i32
      %broadcast_in_dim3A_783 = arith.constant 0 : i32
      %broadcast_in_dim3A_784 = vector.broadcast %broadcast_in_dim3A_783 : i32 to vector<16xi32>
      %swap3A_785 = arith.constant 0 : index
      %swap3A_786 = tpu.vector_load %arg7[%swap3A_785] {strides = array<i32>} : memref<272xi32, #tpu.memory_space<vmem>>, vector<16xi32>,
      tpu.vector_store %arg7[%swap3A_785], %broadcast_in_dim3A_784 {strides = array<i32>} : memref<272xi32, #tpu.memory_space<vmem>>, vector<16xi32>,
      %broadcast_in_dim3A_787 = arith.constant 0 : i32
      %broadcast_in_dim3A_788 = vector.broadcast %broadcast_in_dim3A_787 : i32 to vector<16xi32>
      %swap3A_789 = arith.constant 16 : index
      %swap3A_790 = tpu.vector_load %arg7[%swap3A_789] {strides = array<i32>} : memref<272xi32, #tpu.memory_space<vmem>>, vector<16xi32>,
      tpu.vector_store %arg7[%swap3A_789], %broadcast_in_dim3A_788 {strides = array<i32>} : memref<272xi32, #tpu.memory_space<vmem>>, vector<16xi32>,
      %broadcast_in_dim3A_791 = arith.constant 0 : i32
      %broadcast_in_dim3A_792 = vector.broadcast %broadcast_in_dim3A_791 : i32 to vector<16xi32>
      %swap3A_793 = arith.constant 32 : index
      %swap3A_794 = tpu.vector_load %arg7[%swap3A_793] {strides = array<i32>} : memref<272xi32, #tpu.memory_space<vmem>>, vector<16xi32>,
      tpu.vector_store %arg7[%swap3A_793], %broadcast_in_dim3A_792 {strides = array<i32>} : memref<272xi32, #tpu.memory_space<vmem>>, vector<16xi32>,
      %broadcast_in_dim3A_795 = arith.constant 0 : i32
      %broadcast_in_dim3A_796 = vector.broadcast %broadcast_in_dim3A_795 : i32 to vector<16xi32>
      %swap3A_797 = arith.constant 48 : index
      %swap3A_798 = tpu.vector_load %arg7[%swap3A_797] {strides = array<i32>} : memref<272xi32, #tpu.memory_space<vmem>>, vector<16xi32>,
      tpu.vector_store %arg7[%swap3A_797], %broadcast_in_dim3A_796 {strides = array<i32>} : memref<272xi32, #tpu.memory_space<vmem>>, vector<16xi32>,
      %broadcast_in_dim3A_799 = arith.constant 0 : i32
      %broadcast_in_dim3A_800 = vector.broadcast %broadcast_in_dim3A_799 : i32 to vector<16xi32>
      %swap3A_801 = arith.constant 64 : index
      %swap3A_802 = tpu.vector_load %arg7[%swap3A_801] {strides = array<i32>} : memref<272xi32, #tpu.memory_space<vmem>>, vector<16xi32>,
      tpu.vector_store %arg7[%swap3A_801], %broadcast_in_dim3A_800 {strides = array<i32>} : memref<272xi32, #tpu.memory_space<vmem>>, vector<16xi32>,
      %broadcast_in_dim3A_803 = arith.constant 0 : i32
      %broadcast_in_dim3A_804 = vector.broadcast %broadcast_in_dim3A_803 : i32 to vector<16xi32>
      %swap3A_805 = arith.constant 80 : index
      %swap3A_806 = tpu.vector_load %arg7[%swap3A_805] {strides = array<i32>} : memref<272xi32, #tpu.memory_space<vmem>>, vector<16xi32>,
      tpu.vector_store %arg7[%swap3A_805], %broadcast_in_dim3A_804 {strides = array<i32>} : memref<272xi32, #tpu.memory_space<vmem>>, vector<16xi32>,
      %broadcast_in_dim3A_807 = arith.constant 0 : i32
      %broadcast_in_dim3A_808 = vector.broadcast %broadcast_in_dim3A_807 : i32 to vector<16xi32>
      %swap3A_809 = arith.constant 96 : index
      %swap3A_810 = tpu.vector_load %arg7[%swap3A_809] {strides = array<i32>} : memref<272xi32, #tpu.memory_space<vmem>>, vector<16xi32>,
      tpu.vector_store %arg7[%swap3A_809], %broadcast_in_dim3A_808 {strides = array<i32>} : memref<272xi32, #tpu.memory_space<vmem>>, vector<16xi32>,
      %broadcast_in_dim3A_811 = arith.constant 0 : i32
      %broadcast_in_dim3A_812 = vector.broadcast %broadcast_in_dim3A_811 : i32 to vector<16xi32>
      %swap3A_813 = arith.constant 112 : index
      %swap3A_814 = tpu.vector_load %arg7[%swap3A_813] {strides = array<i32>} : memref<272xi32, #tpu.memory_space<vmem>>, vector<16xi32>,
      tpu.vector_store %arg7[%swap3A_813], %broadcast_in_dim3A_812 {strides = array<i32>} : memref<272xi32, #tpu.memory_space<vmem>>, vector<16xi32>,
      %broadcast_in_dim3A_815 = arith.constant 0 : i32
      %broadcast_in_dim3A_816 = vector.broadcast %broadcast_in_dim3A_815 : i32 to vector<16xi32>
      %swap3A_817 = arith.constant 128 : index
      %swap3A_818 = tpu.vector_load %arg7[%swap3A_817] {strides = array<i32>} : memref<272xi32, #tpu.memory_space<vmem>>, vector<16xi32>,
      tpu.vector_store %arg7[%swap3A_817], %broadcast_in_dim3A_816 {strides = array<i32>} : memref<272xi32, #tpu.memory_space<vmem>>, vector<16xi32>,
      %broadcast_in_dim3A_819 = arith.constant 0 : i32
      %broadcast_in_dim3A_820 = vector.broadcast %broadcast_in_dim3A_819 : i32 to vector<16xi32>
      %swap3A_821 = arith.constant 144 : index
      %swap3A_822 = tpu.vector_load %arg7[%swap3A_821] {strides = array<i32>} : memref<272xi32, #tpu.memory_space<vmem>>, vector<16xi32>,
      tpu.vector_store %arg7[%swap3A_821], %broadcast_in_dim3A_820 {strides = array<i32>} : memref<272xi32, #tpu.memory_space<vmem>>, vector<16xi32>,
      %broadcast_in_dim3A_823 = arith.constant 0 : i32
      %broadcast_in_dim3A_824 = vector.broadcast %broadcast_in_dim3A_823 : i32 to vector<16xi32>
      %swap3A_825 = arith.constant 160 : index
      %swap3A_826 = tpu.vector_load %arg7[%swap3A_825] {strides = array<i32>} : memref<272xi32, #tpu.memory_space<vmem>>, vector<16xi32>,
      tpu.vector_store %arg7[%swap3A_825], %broadcast_in_dim3A_824 {strides = array<i32>} : memref<272xi32, #tpu.memory_space<vmem>>, vector<16xi32>,
      %broadcast_in_dim3A_827 = arith.constant 0 : i32
      %broadcast_in_dim3A_828 = vector.broadcast %broadcast_in_dim3A_827 : i32 to vector<16xi32>
      %swap3A_829 = arith.constant 176 : index
      %swap3A_830 = tpu.vector_load %arg7[%swap3A_829] {strides = array<i32>} : memref<272xi32, #tpu.memory_space<vmem>>, vector<16xi32>,
      tpu.vector_store %arg7[%swap3A_829], %broadcast_in_dim3A_828 {strides = array<i32>} : memref<272xi32, #tpu.memory_space<vmem>>, vector<16xi32>,
      %broadcast_in_dim3A_831 = arith.constant 0 : i32
      %broadcast_in_dim3A_832 = vector.broadcast %broadcast_in_dim3A_831 : i32 to vector<16xi32>
      %swap3A_833 = arith.constant 192 : index
      %swap3A_834 = tpu.vector_load %arg7[%swap3A_833] {strides = array<i32>} : memref<272xi32, #tpu.memory_space<vmem>>, vector<16xi32>,
      tpu.vector_store %arg7[%swap3A_833], %broadcast_in_dim3A_832 {strides = array<i32>} : memref<272xi32, #tpu.memory_space<vmem>>, vector<16xi32>,
      %broadcast_in_dim3A_835 = arith.constant 0 : i32
      %broadcast_in_dim3A_836 = vector.broadcast %broadcast_in_dim3A_835 : i32 to vector<16xi32>
      %swap3A_837 = arith.constant 208 : index
      %swap3A_838 = tpu.vector_load %arg7[%swap3A_837] {strides = array<i32>} : memref<272xi32, #tpu.memory_space<vmem>>, vector<16xi32>,
      tpu.vector_store %arg7[%swap3A_837], %broadcast_in_dim3A_836 {strides = array<i32>} : memref<272xi32, #tpu.memory_space<vmem>>, vector<16xi32>,
      %broadcast_in_dim3A_839 = arith.constant 0 : i32
      %broadcast_in_dim3A_840 = vector.broadcast %broadcast_in_dim3A_839 : i32 to vector<16xi32>
      %swap3A_841 = arith.constant 224 : index
      %swap3A_842 = tpu.vector_load %arg7[%swap3A_841] {strides = array<i32>} : memref<272xi32, #tpu.memory_space<vmem>>, vector<16xi32>,
      tpu.vector_store %arg7[%swap3A_841], %broadcast_in_dim3A_840 {strides = array<i32>} : memref<272xi32, #tpu.memory_space<vmem>>, vector<16xi32>,
      %broadcast_in_dim3A_843 = arith.constant 0 : i32
      %broadcast_in_dim3A_844 = vector.broadcast %broadcast_in_dim3A_843 : i32 to vector<16xi32>
      %swap3A_845 = arith.constant 240 : index
      %swap3A_846 = tpu.vector_load %arg7[%swap3A_845] {strides = array<i32>} : memref<272xi32, #tpu.memory_space<vmem>>, vector<16xi32>,
      tpu.vector_store %arg7[%swap3A_845], %broadcast_in_dim3A_844 {strides = array<i32>} : memref<272xi32, #tpu.memory_space<vmem>>, vector<16xi32>,
      %broadcast_in_dim3A_847 = arith.constant 0 : i32
      %broadcast_in_dim3A_848 = vector.broadcast %broadcast_in_dim3A_847 : i32 to vector<16xi32>
      %swap3A_849 = arith.constant 256 : index
      %swap3A_850 = tpu.vector_load %arg7[%swap3A_849] {strides = array<i32>} : memref<272xi32, #tpu.memory_space<vmem>>, vector<16xi32>,
      tpu.vector_store %arg7[%swap3A_849], %broadcast_in_dim3A_848 {strides = array<i32>} : memref<272xi32, #tpu.memory_space<vmem>>, vector<16xi32>,
      %parallel_loop3A_851 = arith.constant 0 : i32
      %parallel_loop3A_852 = arith.constant 256 : i32
      %parallel_loop3A_853 = arith.constant 1 : i32
      scf.for %parallel_loop3A_1596 = %parallel_loop3A_851 to %parallel_loop3A_852 step %parallel_loop3A_853  : i32 {
        %parallel_loop3A_1597 = arith.constant 16 : i32
        %parallel_loop3A_1598 = arith.muli %parallel_loop3A_1596, %parallel_loop3A_1597 : i32
        %parallel_loop3A_1599 = arith.index_cast %parallel_loop3A_1598 : i32 to index
        %parallel_loop3A_1600 = tpu.vector_load %arg5[%parallel_loop3A_1599] {strides = array<i32>} : memref<4096xi32, #tpu.memory_space<vmem>>, vector<16xi32>,
        %parallel_loop3A_1601 = arith.constant 16 : i32
        %parallel_loop3A_1602 = vector.broadcast %parallel_loop3A_1601 : i32 to vector<16xi32>
        %parallel_loop3A_1603 = arith.shrsi %parallel_loop3A_1600, %parallel_loop3A_1602 : vector<16xi32>
        %parallel_loop3A_1604 = vector.broadcast %or3A : i32 to vector<16xi32>
        %parallel_loop3A_1605 = arith.cmpi eq, %parallel_loop3A_1603, %parallel_loop3A_1604 : vector<16xi32>
        %parallel_loop3A_1606 = arith.constant 8 : i32
        %parallel_loop3A_1607 = vector.broadcast %parallel_loop3A_1606 : i32 to vector<16xi32>
        %parallel_loop3A_1608 = arith.shrsi %parallel_loop3A_1600, %parallel_loop3A_1607 : vector<16xi32>
        %parallel_loop3A_1609 = arith.constant 255 : i32
        %parallel_loop3A_1610 = vector.broadcast %parallel_loop3A_1609 : i32 to vector<16xi32>
        %parallel_loop3A_1611 = arith.andi %parallel_loop3A_1608, %parallel_loop3A_1610 : vector<16xi32>
        tpu.vector_store_idx %arg7[%parallel_loop3A_1611], %broadcast_in_dim3A_2 masked %parallel_loop3A_1605 {add = true} : memref<272xi32, #tpu.memory_space<vmem>>[vector<16xi32>], vector<16xi32>, vector<16xi1>
      } {sc.loop_unroll_factor = 16 : i64, sc.parallel_access}
      %get3A_854 = arith.constant 0 : index
      %get3A_855 = tpu.vector_load %arg7[%get3A_854] {strides = array<i32>} : memref<272xi32, #tpu.memory_space<vmem>>, vector<16xi32>,
      %reduce_sum3A_856 = arith.constant true
      %reduce_sum3A_857 = vector.broadcast %reduce_sum3A_856 : i1 to vector<16xi1>
      %reduce_sum3A_858 = tpu.scan <sum>, %get3A_855 masked %reduce_sum3A_857 : vector<16xi32>, vector<16xi1> -> vector<16xi32>
      %reduce_sum3A_859 = vector.extract %reduce_sum3A_858[15] : i32 from vector<16xi32>
      %mul3A_860 = arith.constant 0 : i32
      %mul3A_861 = vector.broadcast %mul3A_860 : i32 to vector<16xi32>
      %mul3A_862 = arith.muli %iota3A, %mul3A_861 : vector<16xi32>
      %add3A_863 = arith.constant 0 : i32
      %add3A_864 = vector.broadcast %add3A_863 : i32 to vector<16xi32>
      %add3A_865 = arith.addi %mul3A_862, %add3A_864 : vector<16xi32>
      %broadcast_in_dim3A_866 = vector.broadcast %reduce_sum3A_859 : i32 to vector<16xi32>
      %eq3A_867 = arith.constant 0 : i32
      %eq3A_868 = vector.broadcast %eq3A_867 : i32 to vector<16xi32>
      %eq3A_869 = arith.cmpi eq, %iota3A, %eq3A_868 : vector<16xi32>
      tpu.vector_store_idx %arg8[%add3A_865], %broadcast_in_dim3A_866 masked %eq3A_869 : memref<16xi32, #tpu.memory_space<vmem>>[vector<16xi32>], vector<16xi32>, vector<16xi1>
      %get3A_870 = arith.constant 16 : index
      %get3A_871 = tpu.vector_load %arg7[%get3A_870] {strides = array<i32>} : memref<272xi32, #tpu.memory_space<vmem>>, vector<16xi32>,
      %reduce_sum3A_872 = arith.constant true
      %reduce_sum3A_873 = vector.broadcast %reduce_sum3A_872 : i1 to vector<16xi1>
      %reduce_sum3A_874 = tpu.scan <sum>, %get3A_871 masked %reduce_sum3A_873 : vector<16xi32>, vector<16xi1> -> vector<16xi32>
      %reduce_sum3A_875 = vector.extract %reduce_sum3A_874[15] : i32 from vector<16xi32>
      %mul3A_876 = arith.constant 0 : i32
      %mul3A_877 = vector.broadcast %mul3A_876 : i32 to vector<16xi32>
      %mul3A_878 = arith.muli %iota3A, %mul3A_877 : vector<16xi32>
      %add3A_879 = arith.constant 1 : i32
      %add3A_880 = vector.broadcast %add3A_879 : i32 to vector<16xi32>
      %add3A_881 = arith.addi %mul3A_878, %add3A_880 : vector<16xi32>
      %broadcast_in_dim3A_882 = vector.broadcast %reduce_sum3A_875 : i32 to vector<16xi32>
      %eq3A_883 = arith.constant 0 : i32
      %eq3A_884 = vector.broadcast %eq3A_883 : i32 to vector<16xi32>
      %eq3A_885 = arith.cmpi eq, %iota3A, %eq3A_884 : vector<16xi32>
      tpu.vector_store_idx %arg8[%add3A_881], %broadcast_in_dim3A_882 masked %eq3A_885 : memref<16xi32, #tpu.memory_space<vmem>>[vector<16xi32>], vector<16xi32>, vector<16xi1>
      %get3A_886 = arith.constant 32 : index
      %get3A_887 = tpu.vector_load %arg7[%get3A_886] {strides = array<i32>} : memref<272xi32, #tpu.memory_space<vmem>>, vector<16xi32>,
      %reduce_sum3A_888 = arith.constant true
      %reduce_sum3A_889 = vector.broadcast %reduce_sum3A_888 : i1 to vector<16xi1>
      %reduce_sum3A_890 = tpu.scan <sum>, %get3A_887 masked %reduce_sum3A_889 : vector<16xi32>, vector<16xi1> -> vector<16xi32>
      %reduce_sum3A_891 = vector.extract %reduce_sum3A_890[15] : i32 from vector<16xi32>
      %mul3A_892 = arith.constant 0 : i32
      %mul3A_893 = vector.broadcast %mul3A_892 : i32 to vector<16xi32>
      %mul3A_894 = arith.muli %iota3A, %mul3A_893 : vector<16xi32>
      %add3A_895 = arith.constant 2 : i32
      %add3A_896 = vector.broadcast %add3A_895 : i32 to vector<16xi32>
      %add3A_897 = arith.addi %mul3A_894, %add3A_896 : vector<16xi32>
      %broadcast_in_dim3A_898 = vector.broadcast %reduce_sum3A_891 : i32 to vector<16xi32>
      %eq3A_899 = arith.constant 0 : i32
      %eq3A_900 = vector.broadcast %eq3A_899 : i32 to vector<16xi32>
      %eq3A_901 = arith.cmpi eq, %iota3A, %eq3A_900 : vector<16xi32>
      tpu.vector_store_idx %arg8[%add3A_897], %broadcast_in_dim3A_898 masked %eq3A_901 : memref<16xi32, #tpu.memory_space<vmem>>[vector<16xi32>], vector<16xi32>, vector<16xi1>
      %get3A_902 = arith.constant 48 : index
      %get3A_903 = tpu.vector_load %arg7[%get3A_902] {strides = array<i32>} : memref<272xi32, #tpu.memory_space<vmem>>, vector<16xi32>,
      %reduce_sum3A_904 = arith.constant true
      %reduce_sum3A_905 = vector.broadcast %reduce_sum3A_904 : i1 to vector<16xi1>
      %reduce_sum3A_906 = tpu.scan <sum>, %get3A_903 masked %reduce_sum3A_905 : vector<16xi32>, vector<16xi1> -> vector<16xi32>
      %reduce_sum3A_907 = vector.extract %reduce_sum3A_906[15] : i32 from vector<16xi32>
      %mul3A_908 = arith.constant 0 : i32
      %mul3A_909 = vector.broadcast %mul3A_908 : i32 to vector<16xi32>
      %mul3A_910 = arith.muli %iota3A, %mul3A_909 : vector<16xi32>
      %add3A_911 = arith.constant 3 : i32
      %add3A_912 = vector.broadcast %add3A_911 : i32 to vector<16xi32>
      %add3A_913 = arith.addi %mul3A_910, %add3A_912 : vector<16xi32>
      %broadcast_in_dim3A_914 = vector.broadcast %reduce_sum3A_907 : i32 to vector<16xi32>
      %eq3A_915 = arith.constant 0 : i32
      %eq3A_916 = vector.broadcast %eq3A_915 : i32 to vector<16xi32>
      %eq3A_917 = arith.cmpi eq, %iota3A, %eq3A_916 : vector<16xi32>
      tpu.vector_store_idx %arg8[%add3A_913], %broadcast_in_dim3A_914 masked %eq3A_917 : memref<16xi32, #tpu.memory_space<vmem>>[vector<16xi32>], vector<16xi32>, vector<16xi1>
      %get3A_918 = arith.constant 64 : index
      %get3A_919 = tpu.vector_load %arg7[%get3A_918] {strides = array<i32>} : memref<272xi32, #tpu.memory_space<vmem>>, vector<16xi32>,
      %reduce_sum3A_920 = arith.constant true
      %reduce_sum3A_921 = vector.broadcast %reduce_sum3A_920 : i1 to vector<16xi1>
      %reduce_sum3A_922 = tpu.scan <sum>, %get3A_919 masked %reduce_sum3A_921 : vector<16xi32>, vector<16xi1> -> vector<16xi32>
      %reduce_sum3A_923 = vector.extract %reduce_sum3A_922[15] : i32 from vector<16xi32>
      %mul3A_924 = arith.constant 0 : i32
      %mul3A_925 = vector.broadcast %mul3A_924 : i32 to vector<16xi32>
      %mul3A_926 = arith.muli %iota3A, %mul3A_925 : vector<16xi32>
      %add3A_927 = arith.constant 4 : i32
      %add3A_928 = vector.broadcast %add3A_927 : i32 to vector<16xi32>
      %add3A_929 = arith.addi %mul3A_926, %add3A_928 : vector<16xi32>
      %broadcast_in_dim3A_930 = vector.broadcast %reduce_sum3A_923 : i32 to vector<16xi32>
      %eq3A_931 = arith.constant 0 : i32
      %eq3A_932 = vector.broadcast %eq3A_931 : i32 to vector<16xi32>
      %eq3A_933 = arith.cmpi eq, %iota3A, %eq3A_932 : vector<16xi32>
      tpu.vector_store_idx %arg8[%add3A_929], %broadcast_in_dim3A_930 masked %eq3A_933 : memref<16xi32, #tpu.memory_space<vmem>>[vector<16xi32>], vector<16xi32>, vector<16xi1>
      %get3A_934 = arith.constant 80 : index
      %get3A_935 = tpu.vector_load %arg7[%get3A_934] {strides = array<i32>} : memref<272xi32, #tpu.memory_space<vmem>>, vector<16xi32>,
      %reduce_sum3A_936 = arith.constant true
      %reduce_sum3A_937 = vector.broadcast %reduce_sum3A_936 : i1 to vector<16xi1>
      %reduce_sum3A_938 = tpu.scan <sum>, %get3A_935 masked %reduce_sum3A_937 : vector<16xi32>, vector<16xi1> -> vector<16xi32>
      %reduce_sum3A_939 = vector.extract %reduce_sum3A_938[15] : i32 from vector<16xi32>
      %mul3A_940 = arith.constant 0 : i32
      %mul3A_941 = vector.broadcast %mul3A_940 : i32 to vector<16xi32>
      %mul3A_942 = arith.muli %iota3A, %mul3A_941 : vector<16xi32>
      %add3A_943 = arith.constant 5 : i32
      %add3A_944 = vector.broadcast %add3A_943 : i32 to vector<16xi32>
      %add3A_945 = arith.addi %mul3A_942, %add3A_944 : vector<16xi32>
      %broadcast_in_dim3A_946 = vector.broadcast %reduce_sum3A_939 : i32 to vector<16xi32>
      %eq3A_947 = arith.constant 0 : i32
      %eq3A_948 = vector.broadcast %eq3A_947 : i32 to vector<16xi32>
      %eq3A_949 = arith.cmpi eq, %iota3A, %eq3A_948 : vector<16xi32>
      tpu.vector_store_idx %arg8[%add3A_945], %broadcast_in_dim3A_946 masked %eq3A_949 : memref<16xi32, #tpu.memory_space<vmem>>[vector<16xi32>], vector<16xi32>, vector<16xi1>
      %get3A_950 = arith.constant 96 : index
      %get3A_951 = tpu.vector_load %arg7[%get3A_950] {strides = array<i32>} : memref<272xi32, #tpu.memory_space<vmem>>, vector<16xi32>,
      %reduce_sum3A_952 = arith.constant true
      %reduce_sum3A_953 = vector.broadcast %reduce_sum3A_952 : i1 to vector<16xi1>
      %reduce_sum3A_954 = tpu.scan <sum>, %get3A_951 masked %reduce_sum3A_953 : vector<16xi32>, vector<16xi1> -> vector<16xi32>
      %reduce_sum3A_955 = vector.extract %reduce_sum3A_954[15] : i32 from vector<16xi32>
      %mul3A_956 = arith.constant 0 : i32
      %mul3A_957 = vector.broadcast %mul3A_956 : i32 to vector<16xi32>
      %mul3A_958 = arith.muli %iota3A, %mul3A_957 : vector<16xi32>
      %add3A_959 = arith.constant 6 : i32
      %add3A_960 = vector.broadcast %add3A_959 : i32 to vector<16xi32>
      %add3A_961 = arith.addi %mul3A_958, %add3A_960 : vector<16xi32>
      %broadcast_in_dim3A_962 = vector.broadcast %reduce_sum3A_955 : i32 to vector<16xi32>
      %eq3A_963 = arith.constant 0 : i32
      %eq3A_964 = vector.broadcast %eq3A_963 : i32 to vector<16xi32>
      %eq3A_965 = arith.cmpi eq, %iota3A, %eq3A_964 : vector<16xi32>
      tpu.vector_store_idx %arg8[%add3A_961], %broadcast_in_dim3A_962 masked %eq3A_965 : memref<16xi32, #tpu.memory_space<vmem>>[vector<16xi32>], vector<16xi32>, vector<16xi1>
      %get3A_966 = arith.constant 112 : index
      %get3A_967 = tpu.vector_load %arg7[%get3A_966] {strides = array<i32>} : memref<272xi32, #tpu.memory_space<vmem>>, vector<16xi32>,
      %reduce_sum3A_968 = arith.constant true
      %reduce_sum3A_969 = vector.broadcast %reduce_sum3A_968 : i1 to vector<16xi1>
      %reduce_sum3A_970 = tpu.scan <sum>, %get3A_967 masked %reduce_sum3A_969 : vector<16xi32>, vector<16xi1> -> vector<16xi32>
      %reduce_sum3A_971 = vector.extract %reduce_sum3A_970[15] : i32 from vector<16xi32>
      %mul3A_972 = arith.constant 0 : i32
      %mul3A_973 = vector.broadcast %mul3A_972 : i32 to vector<16xi32>
      %mul3A_974 = arith.muli %iota3A, %mul3A_973 : vector<16xi32>
      %add3A_975 = arith.constant 7 : i32
      %add3A_976 = vector.broadcast %add3A_975 : i32 to vector<16xi32>
      %add3A_977 = arith.addi %mul3A_974, %add3A_976 : vector<16xi32>
      %broadcast_in_dim3A_978 = vector.broadcast %reduce_sum3A_971 : i32 to vector<16xi32>
      %eq3A_979 = arith.constant 0 : i32
      %eq3A_980 = vector.broadcast %eq3A_979 : i32 to vector<16xi32>
      %eq3A_981 = arith.cmpi eq, %iota3A, %eq3A_980 : vector<16xi32>
      tpu.vector_store_idx %arg8[%add3A_977], %broadcast_in_dim3A_978 masked %eq3A_981 : memref<16xi32, #tpu.memory_space<vmem>>[vector<16xi32>], vector<16xi32>, vector<16xi1>
      %get3A_982 = arith.constant 128 : index
      %get3A_983 = tpu.vector_load %arg7[%get3A_982] {strides = array<i32>} : memref<272xi32, #tpu.memory_space<vmem>>, vector<16xi32>,
      %reduce_sum3A_984 = arith.constant true
      %reduce_sum3A_985 = vector.broadcast %reduce_sum3A_984 : i1 to vector<16xi1>
      %reduce_sum3A_986 = tpu.scan <sum>, %get3A_983 masked %reduce_sum3A_985 : vector<16xi32>, vector<16xi1> -> vector<16xi32>
      %reduce_sum3A_987 = vector.extract %reduce_sum3A_986[15] : i32 from vector<16xi32>
      %mul3A_988 = arith.constant 0 : i32
      %mul3A_989 = vector.broadcast %mul3A_988 : i32 to vector<16xi32>
      %mul3A_990 = arith.muli %iota3A, %mul3A_989 : vector<16xi32>
      %add3A_991 = arith.constant 8 : i32
      %add3A_992 = vector.broadcast %add3A_991 : i32 to vector<16xi32>
      %add3A_993 = arith.addi %mul3A_990, %add3A_992 : vector<16xi32>
      %broadcast_in_dim3A_994 = vector.broadcast %reduce_sum3A_987 : i32 to vector<16xi32>
      %eq3A_995 = arith.constant 0 : i32
      %eq3A_996 = vector.broadcast %eq3A_995 : i32 to vector<16xi32>
      %eq3A_997 = arith.cmpi eq, %iota3A, %eq3A_996 : vector<16xi32>
      tpu.vector_store_idx %arg8[%add3A_993], %broadcast_in_dim3A_994 masked %eq3A_997 : memref<16xi32, #tpu.memory_space<vmem>>[vector<16xi32>], vector<16xi32>, vector<16xi1>
      %get3A_998 = arith.constant 144 : index
      %get3A_999 = tpu.vector_load %arg7[%get3A_998] {strides = array<i32>} : memref<272xi32, #tpu.memory_space<vmem>>, vector<16xi32>,
      %reduce_sum3A_1000 = arith.constant true
      %reduce_sum3A_1001 = vector.broadcast %reduce_sum3A_1000 : i1 to vector<16xi1>
      %reduce_sum3A_1002 = tpu.scan <sum>, %get3A_999 masked %reduce_sum3A_1001 : vector<16xi32>, vector<16xi1> -> vector<16xi32>
      %reduce_sum3A_1003 = vector.extract %reduce_sum3A_1002[15] : i32 from vector<16xi32>
      %mul3A_1004 = arith.constant 0 : i32
      %mul3A_1005 = vector.broadcast %mul3A_1004 : i32 to vector<16xi32>
      %mul3A_1006 = arith.muli %iota3A, %mul3A_1005 : vector<16xi32>
      %add3A_1007 = arith.constant 9 : i32
      %add3A_1008 = vector.broadcast %add3A_1007 : i32 to vector<16xi32>
      %add3A_1009 = arith.addi %mul3A_1006, %add3A_1008 : vector<16xi32>
      %broadcast_in_dim3A_1010 = vector.broadcast %reduce_sum3A_1003 : i32 to vector<16xi32>
      %eq3A_1011 = arith.constant 0 : i32
      %eq3A_1012 = vector.broadcast %eq3A_1011 : i32 to vector<16xi32>
      %eq3A_1013 = arith.cmpi eq, %iota3A, %eq3A_1012 : vector<16xi32>
      tpu.vector_store_idx %arg8[%add3A_1009], %broadcast_in_dim3A_1010 masked %eq3A_1013 : memref<16xi32, #tpu.memory_space<vmem>>[vector<16xi32>], vector<16xi32>, vector<16xi1>
      %get3A_1014 = arith.constant 160 : index
      %get3A_1015 = tpu.vector_load %arg7[%get3A_1014] {strides = array<i32>} : memref<272xi32, #tpu.memory_space<vmem>>, vector<16xi32>,
      %reduce_sum3A_1016 = arith.constant true
      %reduce_sum3A_1017 = vector.broadcast %reduce_sum3A_1016 : i1 to vector<16xi1>
      %reduce_sum3A_1018 = tpu.scan <sum>, %get3A_1015 masked %reduce_sum3A_1017 : vector<16xi32>, vector<16xi1> -> vector<16xi32>
      %reduce_sum3A_1019 = vector.extract %reduce_sum3A_1018[15] : i32 from vector<16xi32>
      %mul3A_1020 = arith.constant 0 : i32
      %mul3A_1021 = vector.broadcast %mul3A_1020 : i32 to vector<16xi32>
      %mul3A_1022 = arith.muli %iota3A, %mul3A_1021 : vector<16xi32>
      %add3A_1023 = arith.constant 10 : i32
      %add3A_1024 = vector.broadcast %add3A_1023 : i32 to vector<16xi32>
      %add3A_1025 = arith.addi %mul3A_1022, %add3A_1024 : vector<16xi32>
      %broadcast_in_dim3A_1026 = vector.broadcast %reduce_sum3A_1019 : i32 to vector<16xi32>
      %eq3A_1027 = arith.constant 0 : i32
      %eq3A_1028 = vector.broadcast %eq3A_1027 : i32 to vector<16xi32>
      %eq3A_1029 = arith.cmpi eq, %iota3A, %eq3A_1028 : vector<16xi32>
      tpu.vector_store_idx %arg8[%add3A_1025], %broadcast_in_dim3A_1026 masked %eq3A_1029 : memref<16xi32, #tpu.memory_space<vmem>>[vector<16xi32>], vector<16xi32>, vector<16xi1>
      %get3A_1030 = arith.constant 176 : index
      %get3A_1031 = tpu.vector_load %arg7[%get3A_1030] {strides = array<i32>} : memref<272xi32, #tpu.memory_space<vmem>>, vector<16xi32>,
      %reduce_sum3A_1032 = arith.constant true
      %reduce_sum3A_1033 = vector.broadcast %reduce_sum3A_1032 : i1 to vector<16xi1>
      %reduce_sum3A_1034 = tpu.scan <sum>, %get3A_1031 masked %reduce_sum3A_1033 : vector<16xi32>, vector<16xi1> -> vector<16xi32>
      %reduce_sum3A_1035 = vector.extract %reduce_sum3A_1034[15] : i32 from vector<16xi32>
      %mul3A_1036 = arith.constant 0 : i32
      %mul3A_1037 = vector.broadcast %mul3A_1036 : i32 to vector<16xi32>
      %mul3A_1038 = arith.muli %iota3A, %mul3A_1037 : vector<16xi32>
      %add3A_1039 = arith.constant 11 : i32
      %add3A_1040 = vector.broadcast %add3A_1039 : i32 to vector<16xi32>
      %add3A_1041 = arith.addi %mul3A_1038, %add3A_1040 : vector<16xi32>
      %broadcast_in_dim3A_1042 = vector.broadcast %reduce_sum3A_1035 : i32 to vector<16xi32>
      %eq3A_1043 = arith.constant 0 : i32
      %eq3A_1044 = vector.broadcast %eq3A_1043 : i32 to vector<16xi32>
      %eq3A_1045 = arith.cmpi eq, %iota3A, %eq3A_1044 : vector<16xi32>
      tpu.vector_store_idx %arg8[%add3A_1041], %broadcast_in_dim3A_1042 masked %eq3A_1045 : memref<16xi32, #tpu.memory_space<vmem>>[vector<16xi32>], vector<16xi32>, vector<16xi1>
      %get3A_1046 = arith.constant 192 : index
      %get3A_1047 = tpu.vector_load %arg7[%get3A_1046] {strides = array<i32>} : memref<272xi32, #tpu.memory_space<vmem>>, vector<16xi32>,
      %reduce_sum3A_1048 = arith.constant true
      %reduce_sum3A_1049 = vector.broadcast %reduce_sum3A_1048 : i1 to vector<16xi1>
      %reduce_sum3A_1050 = tpu.scan <sum>, %get3A_1047 masked %reduce_sum3A_1049 : vector<16xi32>, vector<16xi1> -> vector<16xi32>
      %reduce_sum3A_1051 = vector.extract %reduce_sum3A_1050[15] : i32 from vector<16xi32>
      %mul3A_1052 = arith.constant 0 : i32
      %mul3A_1053 = vector.broadcast %mul3A_1052 : i32 to vector<16xi32>
      %mul3A_1054 = arith.muli %iota3A, %mul3A_1053 : vector<16xi32>
      %add3A_1055 = arith.constant 12 : i32
      %add3A_1056 = vector.broadcast %add3A_1055 : i32 to vector<16xi32>
      %add3A_1057 = arith.addi %mul3A_1054, %add3A_1056 : vector<16xi32>
      %broadcast_in_dim3A_1058 = vector.broadcast %reduce_sum3A_1051 : i32 to vector<16xi32>
      %eq3A_1059 = arith.constant 0 : i32
      %eq3A_1060 = vector.broadcast %eq3A_1059 : i32 to vector<16xi32>
      %eq3A_1061 = arith.cmpi eq, %iota3A, %eq3A_1060 : vector<16xi32>
      tpu.vector_store_idx %arg8[%add3A_1057], %broadcast_in_dim3A_1058 masked %eq3A_1061 : memref<16xi32, #tpu.memory_space<vmem>>[vector<16xi32>], vector<16xi32>, vector<16xi1>
      %get3A_1062 = arith.constant 208 : index
      %get3A_1063 = tpu.vector_load %arg7[%get3A_1062] {strides = array<i32>} : memref<272xi32, #tpu.memory_space<vmem>>, vector<16xi32>,
      %reduce_sum3A_1064 = arith.constant true
      %reduce_sum3A_1065 = vector.broadcast %reduce_sum3A_1064 : i1 to vector<16xi1>
      %reduce_sum3A_1066 = tpu.scan <sum>, %get3A_1063 masked %reduce_sum3A_1065 : vector<16xi32>, vector<16xi1> -> vector<16xi32>
      %reduce_sum3A_1067 = vector.extract %reduce_sum3A_1066[15] : i32 from vector<16xi32>
      %mul3A_1068 = arith.constant 0 : i32
      %mul3A_1069 = vector.broadcast %mul3A_1068 : i32 to vector<16xi32>
      %mul3A_1070 = arith.muli %iota3A, %mul3A_1069 : vector<16xi32>
      %add3A_1071 = arith.constant 13 : i32
      %add3A_1072 = vector.broadcast %add3A_1071 : i32 to vector<16xi32>
      %add3A_1073 = arith.addi %mul3A_1070, %add3A_1072 : vector<16xi32>
      %broadcast_in_dim3A_1074 = vector.broadcast %reduce_sum3A_1067 : i32 to vector<16xi32>
      %eq3A_1075 = arith.constant 0 : i32
      %eq3A_1076 = vector.broadcast %eq3A_1075 : i32 to vector<16xi32>
      %eq3A_1077 = arith.cmpi eq, %iota3A, %eq3A_1076 : vector<16xi32>
      tpu.vector_store_idx %arg8[%add3A_1073], %broadcast_in_dim3A_1074 masked %eq3A_1077 : memref<16xi32, #tpu.memory_space<vmem>>[vector<16xi32>], vector<16xi32>, vector<16xi1>
      %get3A_1078 = arith.constant 224 : index
      %get3A_1079 = tpu.vector_load %arg7[%get3A_1078] {strides = array<i32>} : memref<272xi32, #tpu.memory_space<vmem>>, vector<16xi32>,
      %reduce_sum3A_1080 = arith.constant true
      %reduce_sum3A_1081 = vector.broadcast %reduce_sum3A_1080 : i1 to vector<16xi1>
      %reduce_sum3A_1082 = tpu.scan <sum>, %get3A_1079 masked %reduce_sum3A_1081 : vector<16xi32>, vector<16xi1> -> vector<16xi32>
      %reduce_sum3A_1083 = vector.extract %reduce_sum3A_1082[15] : i32 from vector<16xi32>
      %mul3A_1084 = arith.constant 0 : i32
      %mul3A_1085 = vector.broadcast %mul3A_1084 : i32 to vector<16xi32>
      %mul3A_1086 = arith.muli %iota3A, %mul3A_1085 : vector<16xi32>
      %add3A_1087 = arith.constant 14 : i32
      %add3A_1088 = vector.broadcast %add3A_1087 : i32 to vector<16xi32>
      %add3A_1089 = arith.addi %mul3A_1086, %add3A_1088 : vector<16xi32>
      %broadcast_in_dim3A_1090 = vector.broadcast %reduce_sum3A_1083 : i32 to vector<16xi32>
      %eq3A_1091 = arith.constant 0 : i32
      %eq3A_1092 = vector.broadcast %eq3A_1091 : i32 to vector<16xi32>
      %eq3A_1093 = arith.cmpi eq, %iota3A, %eq3A_1092 : vector<16xi32>
      tpu.vector_store_idx %arg8[%add3A_1089], %broadcast_in_dim3A_1090 masked %eq3A_1093 : memref<16xi32, #tpu.memory_space<vmem>>[vector<16xi32>], vector<16xi32>, vector<16xi1>
      %get3A_1094 = arith.constant 240 : index
      %get3A_1095 = tpu.vector_load %arg7[%get3A_1094] {strides = array<i32>} : memref<272xi32, #tpu.memory_space<vmem>>, vector<16xi32>,
      %reduce_sum3A_1096 = arith.constant true
      %reduce_sum3A_1097 = vector.broadcast %reduce_sum3A_1096 : i1 to vector<16xi1>
      %reduce_sum3A_1098 = tpu.scan <sum>, %get3A_1095 masked %reduce_sum3A_1097 : vector<16xi32>, vector<16xi1> -> vector<16xi32>
      %reduce_sum3A_1099 = vector.extract %reduce_sum3A_1098[15] : i32 from vector<16xi32>
      %mul3A_1100 = arith.constant 0 : i32
      %mul3A_1101 = vector.broadcast %mul3A_1100 : i32 to vector<16xi32>
      %mul3A_1102 = arith.muli %iota3A, %mul3A_1101 : vector<16xi32>
      %add3A_1103 = arith.constant 15 : i32
      %add3A_1104 = vector.broadcast %add3A_1103 : i32 to vector<16xi32>
      %add3A_1105 = arith.addi %mul3A_1102, %add3A_1104 : vector<16xi32>
      %broadcast_in_dim3A_1106 = vector.broadcast %reduce_sum3A_1099 : i32 to vector<16xi32>
      %eq3A_1107 = arith.constant 0 : i32
      %eq3A_1108 = vector.broadcast %eq3A_1107 : i32 to vector<16xi32>
      %eq3A_1109 = arith.cmpi eq, %iota3A, %eq3A_1108 : vector<16xi32>
      tpu.vector_store_idx %arg8[%add3A_1105], %broadcast_in_dim3A_1106 masked %eq3A_1109 : memref<16xi32, #tpu.memory_space<vmem>>[vector<16xi32>], vector<16xi32>, vector<16xi1>
      %get3A_1110 = arith.constant 0 : index
      %get3A_1111 = tpu.vector_load %arg8[%get3A_1110] {strides = array<i32>} : memref<16xi32, #tpu.memory_space<vmem>>, vector<16xi32>,
      %rev3A_1112 = arith.constant 15 : i32
      %rev3A_1113 = vector.broadcast %rev3A_1112 : i32 to vector<16xi32>
      %rev3A_1114 = tpu.iota {dimensions = array<i32: 0>} : vector<16xi32>
      %rev3A_1115 = arith.subi %rev3A_1113, %rev3A_1114 : vector<16xi32>
      %rev3A_1116 = tpu.dynamic_gather %get3A_1111[%rev3A_1115] in [0] : vector<16xi32>, vector<16xi32> -> vector<16xi32>
      %broadcast_in_dim3A_1117 = arith.constant true
      %broadcast_in_dim3A_1118 = vector.broadcast %broadcast_in_dim3A_1117 : i1 to vector<16xi1>
      %masked_cumsum3A_1119 = tpu.scan <sum>, %rev3A_1116 masked %broadcast_in_dim3A_1118 : vector<16xi32>, vector<16xi1> -> vector<16xi32>
      %lt3A_1120 = vector.broadcast %sub3A_781 : i32 to vector<16xi32>
      %lt3A_1121 = arith.cmpi slt, %masked_cumsum3A_1119, %lt3A_1120 : vector<16xi32>
      %convert_element_type3A_1122 = arith.extui %lt3A_1121 : vector<16xi1> to vector<16xi32>
      %reduce_sum3A_1123 = arith.constant true
      %reduce_sum3A_1124 = vector.broadcast %reduce_sum3A_1123 : i1 to vector<16xi1>
      %reduce_sum3A_1125 = tpu.scan <sum>, %convert_element_type3A_1122 masked %reduce_sum3A_1124 : vector<16xi32>, vector<16xi1> -> vector<16xi32>
      %reduce_sum3A_1126 = vector.extract %reduce_sum3A_1125[15] : i32 from vector<16xi32>
      %sub3A_1127 = arith.constant 15 : i32
      %sub3A_1128 = arith.subi %sub3A_1127, %reduce_sum3A_1126 : i32
      %eq3A_1129 = vector.broadcast %reduce_sum3A_1126 : i32 to vector<16xi32>
      %eq3A_1130 = arith.cmpi eq, %iota3A, %eq3A_1129 : vector<16xi32>
      %sub3A_1131 = arith.subi %masked_cumsum3A_1119, %rev3A_1116 : vector<16xi32>
      %jit3A_1132 = arith.constant 0 : i32
      %broadcast_in_dim3A_1133 = vector.broadcast %jit3A_1132 : i32 to vector<16xi32>
      %select_n3A_1134 = arith.select %eq3A_1130, %sub3A_1131, %broadcast_in_dim3A_1133 : vector<16xi1>, vector<16xi32>
      %reduce_sum3A_1135 = arith.constant true
      %reduce_sum3A_1136 = vector.broadcast %reduce_sum3A_1135 : i1 to vector<16xi1>
      %reduce_sum3A_1137 = tpu.scan <sum>, %select_n3A_1134 masked %reduce_sum3A_1136 : vector<16xi32>, vector<16xi1> -> vector<16xi32>
      %reduce_sum3A_1138 = vector.extract %reduce_sum3A_1137[15] : i32 from vector<16xi32>
      %mul3A_1139 = arith.constant 16 : i32
      %mul3A_1140 = arith.muli %sub3A_1128, %mul3A_1139 : i32
      %get3A_1141 = arith.index_cast %mul3A_1140 : i32 to index
      %get3A_1142 = tpu.vector_load %arg7[%get3A_1141] {strides = array<i32>} : memref<272xi32, #tpu.memory_space<vmem>>, vector<16xi32>,
      %rev3A_1143 = arith.constant 15 : i32
      %rev3A_1144 = vector.broadcast %rev3A_1143 : i32 to vector<16xi32>
      %rev3A_1145 = tpu.iota {dimensions = array<i32: 0>} : vector<16xi32>
      %rev3A_1146 = arith.subi %rev3A_1144, %rev3A_1145 : vector<16xi32>
      %rev3A_1147 = tpu.dynamic_gather %get3A_1142[%rev3A_1146] in [0] : vector<16xi32>, vector<16xi32> -> vector<16xi32>
      %broadcast_in_dim3A_1148 = arith.constant true
      %broadcast_in_dim3A_1149 = vector.broadcast %broadcast_in_dim3A_1148 : i1 to vector<16xi1>
      %masked_cumsum3A_1150 = tpu.scan <sum>, %rev3A_1147 masked %broadcast_in_dim3A_1149 : vector<16xi32>, vector<16xi1> -> vector<16xi32>
      %add3A_1151 = vector.broadcast %reduce_sum3A_1138 : i32 to vector<16xi32>
      %add3A_1152 = arith.addi %masked_cumsum3A_1150, %add3A_1151 : vector<16xi32>
      %lt3A_1153 = vector.broadcast %sub3A_781 : i32 to vector<16xi32>
      %lt3A_1154 = arith.cmpi slt, %add3A_1152, %lt3A_1153 : vector<16xi32>
      %convert_element_type3A_1155 = arith.extui %lt3A_1154 : vector<16xi1> to vector<16xi32>
      %reduce_sum3A_1156 = arith.constant true
      %reduce_sum3A_1157 = vector.broadcast %reduce_sum3A_1156 : i1 to vector<16xi1>
      %reduce_sum3A_1158 = tpu.scan <sum>, %convert_element_type3A_1155 masked %reduce_sum3A_1157 : vector<16xi32>, vector<16xi1> -> vector<16xi32>
      %reduce_sum3A_1159 = vector.extract %reduce_sum3A_1158[15] : i32 from vector<16xi32>
      %mul3A_1160 = arith.constant 16 : i32
      %mul3A_1161 = arith.muli %sub3A_1128, %mul3A_1160 : i32
      %add3A_1162 = arith.constant 15 : i32
      %add3A_1163 = arith.addi %mul3A_1161, %add3A_1162 : i32
      %sub3A_1164 = arith.subi %add3A_1163, %reduce_sum3A_1159 : i32
      %eq3A_1165 = vector.broadcast %reduce_sum3A_1159 : i32 to vector<16xi32>
      %eq3A_1166 = arith.cmpi eq, %iota3A, %eq3A_1165 : vector<16xi32>
      %sub3A_1167 = arith.subi %add3A_1152, %rev3A_1147 : vector<16xi32>
      %jit3A_1168 = arith.constant 0 : i32
      %broadcast_in_dim3A_1169 = vector.broadcast %jit3A_1168 : i32 to vector<16xi32>
      %select_n3A_1170 = arith.select %eq3A_1166, %sub3A_1167, %broadcast_in_dim3A_1169 : vector<16xi1>, vector<16xi32>
      %reduce_sum3A_1171 = arith.constant true
      %reduce_sum3A_1172 = vector.broadcast %reduce_sum3A_1171 : i1 to vector<16xi1>
      %reduce_sum3A_1173 = tpu.scan <sum>, %select_n3A_1170 masked %reduce_sum3A_1172 : vector<16xi32>, vector<16xi1> -> vector<16xi32>
      %reduce_sum3A_1174 = vector.extract %reduce_sum3A_1173[15] : i32 from vector<16xi32>
      %sub3A_1175 = arith.subi %sub3A_781, %reduce_sum3A_1174 : i32
      %shift_left3A_1176 = arith.constant 8 : i32
      %shift_left3A_1177 = arith.shli %or3A, %shift_left3A_1176 : i32
      %or3A_1178 = arith.ori %shift_left3A_1177, %sub3A_1164 : i32
      %broadcast_in_dim3A_1179 = arith.constant 0 : i32
      %broadcast_in_dim3A_1180 = vector.broadcast %broadcast_in_dim3A_1179 : i32 to vector<16xi32>
      %swap3A_1181 = arith.constant 0 : index
      %swap3A_1182 = tpu.vector_load %arg7[%swap3A_1181] {strides = array<i32>} : memref<272xi32, #tpu.memory_space<vmem>>, vector<16xi32>,
      tpu.vector_store %arg7[%swap3A_1181], %broadcast_in_dim3A_1180 {strides = array<i32>} : memref<272xi32, #tpu.memory_space<vmem>>, vector<16xi32>,
      %broadcast_in_dim3A_1183 = arith.constant 0 : i32
      %broadcast_in_dim3A_1184 = vector.broadcast %broadcast_in_dim3A_1183 : i32 to vector<16xi32>
      %swap3A_1185 = arith.constant 16 : index
      %swap3A_1186 = tpu.vector_load %arg7[%swap3A_1185] {strides = array<i32>} : memref<272xi32, #tpu.memory_space<vmem>>, vector<16xi32>,
      tpu.vector_store %arg7[%swap3A_1185], %broadcast_in_dim3A_1184 {strides = array<i32>} : memref<272xi32, #tpu.memory_space<vmem>>, vector<16xi32>,
      %broadcast_in_dim3A_1187 = arith.constant 0 : i32
      %broadcast_in_dim3A_1188 = vector.broadcast %broadcast_in_dim3A_1187 : i32 to vector<16xi32>
      %swap3A_1189 = arith.constant 32 : index
      %swap3A_1190 = tpu.vector_load %arg7[%swap3A_1189] {strides = array<i32>} : memref<272xi32, #tpu.memory_space<vmem>>, vector<16xi32>,
      tpu.vector_store %arg7[%swap3A_1189], %broadcast_in_dim3A_1188 {strides = array<i32>} : memref<272xi32, #tpu.memory_space<vmem>>, vector<16xi32>,
      %broadcast_in_dim3A_1191 = arith.constant 0 : i32
      %broadcast_in_dim3A_1192 = vector.broadcast %broadcast_in_dim3A_1191 : i32 to vector<16xi32>
      %swap3A_1193 = arith.constant 48 : index
      %swap3A_1194 = tpu.vector_load %arg7[%swap3A_1193] {strides = array<i32>} : memref<272xi32, #tpu.memory_space<vmem>>, vector<16xi32>,
      tpu.vector_store %arg7[%swap3A_1193], %broadcast_in_dim3A_1192 {strides = array<i32>} : memref<272xi32, #tpu.memory_space<vmem>>, vector<16xi32>,
      %broadcast_in_dim3A_1195 = arith.constant 0 : i32
      %broadcast_in_dim3A_1196 = vector.broadcast %broadcast_in_dim3A_1195 : i32 to vector<16xi32>
      %swap3A_1197 = arith.constant 64 : index
      %swap3A_1198 = tpu.vector_load %arg7[%swap3A_1197] {strides = array<i32>} : memref<272xi32, #tpu.memory_space<vmem>>, vector<16xi32>,
      tpu.vector_store %arg7[%swap3A_1197], %broadcast_in_dim3A_1196 {strides = array<i32>} : memref<272xi32, #tpu.memory_space<vmem>>, vector<16xi32>,
      %broadcast_in_dim3A_1199 = arith.constant 0 : i32
      %broadcast_in_dim3A_1200 = vector.broadcast %broadcast_in_dim3A_1199 : i32 to vector<16xi32>
      %swap3A_1201 = arith.constant 80 : index
      %swap3A_1202 = tpu.vector_load %arg7[%swap3A_1201] {strides = array<i32>} : memref<272xi32, #tpu.memory_space<vmem>>, vector<16xi32>,
      tpu.vector_store %arg7[%swap3A_1201], %broadcast_in_dim3A_1200 {strides = array<i32>} : memref<272xi32, #tpu.memory_space<vmem>>, vector<16xi32>,
      %broadcast_in_dim3A_1203 = arith.constant 0 : i32
      %broadcast_in_dim3A_1204 = vector.broadcast %broadcast_in_dim3A_1203 : i32 to vector<16xi32>
      %swap3A_1205 = arith.constant 96 : index
      %swap3A_1206 = tpu.vector_load %arg7[%swap3A_1205] {strides = array<i32>} : memref<272xi32, #tpu.memory_space<vmem>>, vector<16xi32>,
      tpu.vector_store %arg7[%swap3A_1205], %broadcast_in_dim3A_1204 {strides = array<i32>} : memref<272xi32, #tpu.memory_space<vmem>>, vector<16xi32>,
      %broadcast_in_dim3A_1207 = arith.constant 0 : i32
      %broadcast_in_dim3A_1208 = vector.broadcast %broadcast_in_dim3A_1207 : i32 to vector<16xi32>
      %swap3A_1209 = arith.constant 112 : index
      %swap3A_1210 = tpu.vector_load %arg7[%swap3A_1209] {strides = array<i32>} : memref<272xi32, #tpu.memory_space<vmem>>, vector<16xi32>,
      tpu.vector_store %arg7[%swap3A_1209], %broadcast_in_dim3A_1208 {strides = array<i32>} : memref<272xi32, #tpu.memory_space<vmem>>, vector<16xi32>,
      %broadcast_in_dim3A_1211 = arith.constant 0 : i32
      %broadcast_in_dim3A_1212 = vector.broadcast %broadcast_in_dim3A_1211 : i32 to vector<16xi32>
      %swap3A_1213 = arith.constant 128 : index
      %swap3A_1214 = tpu.vector_load %arg7[%swap3A_1213] {strides = array<i32>} : memref<272xi32, #tpu.memory_space<vmem>>, vector<16xi32>,
      tpu.vector_store %arg7[%swap3A_1213], %broadcast_in_dim3A_1212 {strides = array<i32>} : memref<272xi32, #tpu.memory_space<vmem>>, vector<16xi32>,
      %broadcast_in_dim3A_1215 = arith.constant 0 : i32
      %broadcast_in_dim3A_1216 = vector.broadcast %broadcast_in_dim3A_1215 : i32 to vector<16xi32>
      %swap3A_1217 = arith.constant 144 : index
      %swap3A_1218 = tpu.vector_load %arg7[%swap3A_1217] {strides = array<i32>} : memref<272xi32, #tpu.memory_space<vmem>>, vector<16xi32>,
      tpu.vector_store %arg7[%swap3A_1217], %broadcast_in_dim3A_1216 {strides = array<i32>} : memref<272xi32, #tpu.memory_space<vmem>>, vector<16xi32>,
      %broadcast_in_dim3A_1219 = arith.constant 0 : i32
      %broadcast_in_dim3A_1220 = vector.broadcast %broadcast_in_dim3A_1219 : i32 to vector<16xi32>
      %swap3A_1221 = arith.constant 160 : index
      %swap3A_1222 = tpu.vector_load %arg7[%swap3A_1221] {strides = array<i32>} : memref<272xi32, #tpu.memory_space<vmem>>, vector<16xi32>,
      tpu.vector_store %arg7[%swap3A_1221], %broadcast_in_dim3A_1220 {strides = array<i32>} : memref<272xi32, #tpu.memory_space<vmem>>, vector<16xi32>,
      %broadcast_in_dim3A_1223 = arith.constant 0 : i32
      %broadcast_in_dim3A_1224 = vector.broadcast %broadcast_in_dim3A_1223 : i32 to vector<16xi32>
      %swap3A_1225 = arith.constant 176 : index
      %swap3A_1226 = tpu.vector_load %arg7[%swap3A_1225] {strides = array<i32>} : memref<272xi32, #tpu.memory_space<vmem>>, vector<16xi32>,
      tpu.vector_store %arg7[%swap3A_1225], %broadcast_in_dim3A_1224 {strides = array<i32>} : memref<272xi32, #tpu.memory_space<vmem>>, vector<16xi32>,
      %broadcast_in_dim3A_1227 = arith.constant 0 : i32
      %broadcast_in_dim3A_1228 = vector.broadcast %broadcast_in_dim3A_1227 : i32 to vector<16xi32>
      %swap3A_1229 = arith.constant 192 : index
      %swap3A_1230 = tpu.vector_load %arg7[%swap3A_1229] {strides = array<i32>} : memref<272xi32, #tpu.memory_space<vmem>>, vector<16xi32>,
      tpu.vector_store %arg7[%swap3A_1229], %broadcast_in_dim3A_1228 {strides = array<i32>} : memref<272xi32, #tpu.memory_space<vmem>>, vector<16xi32>,
      %broadcast_in_dim3A_1231 = arith.constant 0 : i32
      %broadcast_in_dim3A_1232 = vector.broadcast %broadcast_in_dim3A_1231 : i32 to vector<16xi32>
      %swap3A_1233 = arith.constant 208 : index
      %swap3A_1234 = tpu.vector_load %arg7[%swap3A_1233] {strides = array<i32>} : memref<272xi32, #tpu.memory_space<vmem>>, vector<16xi32>,
      tpu.vector_store %arg7[%swap3A_1233], %broadcast_in_dim3A_1232 {strides = array<i32>} : memref<272xi32, #tpu.memory_space<vmem>>, vector<16xi32>,
      %broadcast_in_dim3A_1235 = arith.constant 0 : i32
      %broadcast_in_dim3A_1236 = vector.broadcast %broadcast_in_dim3A_1235 : i32 to vector<16xi32>
      %swap3A_1237 = arith.constant 224 : index
      %swap3A_1238 = tpu.vector_load %arg7[%swap3A_1237] {strides = array<i32>} : memref<272xi32, #tpu.memory_space<vmem>>, vector<16xi32>,
      tpu.vector_store %arg7[%swap3A_1237], %broadcast_in_dim3A_1236 {strides = array<i32>} : memref<272xi32, #tpu.memory_space<vmem>>, vector<16xi32>,
      %broadcast_in_dim3A_1239 = arith.constant 0 : i32
      %broadcast_in_dim3A_1240 = vector.broadcast %broadcast_in_dim3A_1239 : i32 to vector<16xi32>
      %swap3A_1241 = arith.constant 240 : index
      %swap3A_1242 = tpu.vector_load %arg7[%swap3A_1241] {strides = array<i32>} : memref<272xi32, #tpu.memory_space<vmem>>, vector<16xi32>,
      tpu.vector_store %arg7[%swap3A_1241], %broadcast_in_dim3A_1240 {strides = array<i32>} : memref<272xi32, #tpu.memory_space<vmem>>, vector<16xi32>,
      %broadcast_in_dim3A_1243 = arith.constant 0 : i32
      %broadcast_in_dim3A_1244 = vector.broadcast %broadcast_in_dim3A_1243 : i32 to vector<16xi32>
      %swap3A_1245 = arith.constant 256 : index
      %swap3A_1246 = tpu.vector_load %arg7[%swap3A_1245] {strides = array<i32>} : memref<272xi32, #tpu.memory_space<vmem>>, vector<16xi32>,
      tpu.vector_store %arg7[%swap3A_1245], %broadcast_in_dim3A_1244 {strides = array<i32>} : memref<272xi32, #tpu.memory_space<vmem>>, vector<16xi32>,
      %parallel_loop3A_1247 = arith.constant 0 : i32
      %parallel_loop3A_1248 = arith.constant 256 : i32
      %parallel_loop3A_1249 = arith.constant 1 : i32
      scf.for %parallel_loop3A_1596 = %parallel_loop3A_1247 to %parallel_loop3A_1248 step %parallel_loop3A_1249  : i32 {
        %parallel_loop3A_1597 = arith.constant 16 : i32
        %parallel_loop3A_1598 = arith.muli %parallel_loop3A_1596, %parallel_loop3A_1597 : i32
        %parallel_loop3A_1599 = arith.index_cast %parallel_loop3A_1598 : i32 to index
        %parallel_loop3A_1600 = tpu.vector_load %arg5[%parallel_loop3A_1599] {strides = array<i32>} : memref<4096xi32, #tpu.memory_space<vmem>>, vector<16xi32>,
        %parallel_loop3A_1601 = arith.constant 8 : i32
        %parallel_loop3A_1602 = vector.broadcast %parallel_loop3A_1601 : i32 to vector<16xi32>
        %parallel_loop3A_1603 = arith.shrsi %parallel_loop3A_1600, %parallel_loop3A_1602 : vector<16xi32>
        %parallel_loop3A_1604 = vector.broadcast %or3A_1178 : i32 to vector<16xi32>
        %parallel_loop3A_1605 = arith.cmpi eq, %parallel_loop3A_1603, %parallel_loop3A_1604 : vector<16xi32>
        %parallel_loop3A_1606 = arith.constant 0 : i32
        %parallel_loop3A_1607 = vector.broadcast %parallel_loop3A_1606 : i32 to vector<16xi32>
        %parallel_loop3A_1608 = arith.shrsi %parallel_loop3A_1600, %parallel_loop3A_1607 : vector<16xi32>
        %parallel_loop3A_1609 = arith.constant 255 : i32
        %parallel_loop3A_1610 = vector.broadcast %parallel_loop3A_1609 : i32 to vector<16xi32>
        %parallel_loop3A_1611 = arith.andi %parallel_loop3A_1608, %parallel_loop3A_1610 : vector<16xi32>
        tpu.vector_store_idx %arg7[%parallel_loop3A_1611], %broadcast_in_dim3A_2 masked %parallel_loop3A_1605 {add = true} : memref<272xi32, #tpu.memory_space<vmem>>[vector<16xi32>], vector<16xi32>, vector<16xi1>
      } {sc.loop_unroll_factor = 16 : i64, sc.parallel_access}
      %get3A_1250 = arith.constant 0 : index
      %get3A_1251 = tpu.vector_load %arg7[%get3A_1250] {strides = array<i32>} : memref<272xi32, #tpu.memory_space<vmem>>, vector<16xi32>,
      %reduce_sum3A_1252 = arith.constant true
      %reduce_sum3A_1253 = vector.broadcast %reduce_sum3A_1252 : i1 to vector<16xi1>
      %reduce_sum3A_1254 = tpu.scan <sum>, %get3A_1251 masked %reduce_sum3A_1253 : vector<16xi32>, vector<16xi1> -> vector<16xi32>
      %reduce_sum3A_1255 = vector.extract %reduce_sum3A_1254[15] : i32 from vector<16xi32>
      %mul3A_1256 = arith.constant 0 : i32
      %mul3A_1257 = vector.broadcast %mul3A_1256 : i32 to vector<16xi32>
      %mul3A_1258 = arith.muli %iota3A, %mul3A_1257 : vector<16xi32>
      %add3A_1259 = arith.constant 0 : i32
      %add3A_1260 = vector.broadcast %add3A_1259 : i32 to vector<16xi32>
      %add3A_1261 = arith.addi %mul3A_1258, %add3A_1260 : vector<16xi32>
      %broadcast_in_dim3A_1262 = vector.broadcast %reduce_sum3A_1255 : i32 to vector<16xi32>
      %eq3A_1263 = arith.constant 0 : i32
      %eq3A_1264 = vector.broadcast %eq3A_1263 : i32 to vector<16xi32>
      %eq3A_1265 = arith.cmpi eq, %iota3A, %eq3A_1264 : vector<16xi32>
      tpu.vector_store_idx %arg8[%add3A_1261], %broadcast_in_dim3A_1262 masked %eq3A_1265 : memref<16xi32, #tpu.memory_space<vmem>>[vector<16xi32>], vector<16xi32>, vector<16xi1>
      %get3A_1266 = arith.constant 16 : index
      %get3A_1267 = tpu.vector_load %arg7[%get3A_1266] {strides = array<i32>} : memref<272xi32, #tpu.memory_space<vmem>>, vector<16xi32>,
      %reduce_sum3A_1268 = arith.constant true
      %reduce_sum3A_1269 = vector.broadcast %reduce_sum3A_1268 : i1 to vector<16xi1>
      %reduce_sum3A_1270 = tpu.scan <sum>, %get3A_1267 masked %reduce_sum3A_1269 : vector<16xi32>, vector<16xi1> -> vector<16xi32>
      %reduce_sum3A_1271 = vector.extract %reduce_sum3A_1270[15] : i32 from vector<16xi32>
      %mul3A_1272 = arith.constant 0 : i32
      %mul3A_1273 = vector.broadcast %mul3A_1272 : i32 to vector<16xi32>
      %mul3A_1274 = arith.muli %iota3A, %mul3A_1273 : vector<16xi32>
      %add3A_1275 = arith.constant 1 : i32
      %add3A_1276 = vector.broadcast %add3A_1275 : i32 to vector<16xi32>
      %add3A_1277 = arith.addi %mul3A_1274, %add3A_1276 : vector<16xi32>
      %broadcast_in_dim3A_1278 = vector.broadcast %reduce_sum3A_1271 : i32 to vector<16xi32>
      %eq3A_1279 = arith.constant 0 : i32
      %eq3A_1280 = vector.broadcast %eq3A_1279 : i32 to vector<16xi32>
      %eq3A_1281 = arith.cmpi eq, %iota3A, %eq3A_1280 : vector<16xi32>
      tpu.vector_store_idx %arg8[%add3A_1277], %broadcast_in_dim3A_1278 masked %eq3A_1281 : memref<16xi32, #tpu.memory_space<vmem>>[vector<16xi32>], vector<16xi32>, vector<16xi1>
      %get3A_1282 = arith.constant 32 : index
      %get3A_1283 = tpu.vector_load %arg7[%get3A_1282] {strides = array<i32>} : memref<272xi32, #tpu.memory_space<vmem>>, vector<16xi32>,
      %reduce_sum3A_1284 = arith.constant true
      %reduce_sum3A_1285 = vector.broadcast %reduce_sum3A_1284 : i1 to vector<16xi1>
      %reduce_sum3A_1286 = tpu.scan <sum>, %get3A_1283 masked %reduce_sum3A_1285 : vector<16xi32>, vector<16xi1> -> vector<16xi32>
      %reduce_sum3A_1287 = vector.extract %reduce_sum3A_1286[15] : i32 from vector<16xi32>
      %mul3A_1288 = arith.constant 0 : i32
      %mul3A_1289 = vector.broadcast %mul3A_1288 : i32 to vector<16xi32>
      %mul3A_1290 = arith.muli %iota3A, %mul3A_1289 : vector<16xi32>
      %add3A_1291 = arith.constant 2 : i32
      %add3A_1292 = vector.broadcast %add3A_1291 : i32 to vector<16xi32>
      %add3A_1293 = arith.addi %mul3A_1290, %add3A_1292 : vector<16xi32>
      %broadcast_in_dim3A_1294 = vector.broadcast %reduce_sum3A_1287 : i32 to vector<16xi32>
      %eq3A_1295 = arith.constant 0 : i32
      %eq3A_1296 = vector.broadcast %eq3A_1295 : i32 to vector<16xi32>
      %eq3A_1297 = arith.cmpi eq, %iota3A, %eq3A_1296 : vector<16xi32>
      tpu.vector_store_idx %arg8[%add3A_1293], %broadcast_in_dim3A_1294 masked %eq3A_1297 : memref<16xi32, #tpu.memory_space<vmem>>[vector<16xi32>], vector<16xi32>, vector<16xi1>
      %get3A_1298 = arith.constant 48 : index
      %get3A_1299 = tpu.vector_load %arg7[%get3A_1298] {strides = array<i32>} : memref<272xi32, #tpu.memory_space<vmem>>, vector<16xi32>,
      %reduce_sum3A_1300 = arith.constant true
      %reduce_sum3A_1301 = vector.broadcast %reduce_sum3A_1300 : i1 to vector<16xi1>
      %reduce_sum3A_1302 = tpu.scan <sum>, %get3A_1299 masked %reduce_sum3A_1301 : vector<16xi32>, vector<16xi1> -> vector<16xi32>
      %reduce_sum3A_1303 = vector.extract %reduce_sum3A_1302[15] : i32 from vector<16xi32>
      %mul3A_1304 = arith.constant 0 : i32
      %mul3A_1305 = vector.broadcast %mul3A_1304 : i32 to vector<16xi32>
      %mul3A_1306 = arith.muli %iota3A, %mul3A_1305 : vector<16xi32>
      %add3A_1307 = arith.constant 3 : i32
      %add3A_1308 = vector.broadcast %add3A_1307 : i32 to vector<16xi32>
      %add3A_1309 = arith.addi %mul3A_1306, %add3A_1308 : vector<16xi32>
      %broadcast_in_dim3A_1310 = vector.broadcast %reduce_sum3A_1303 : i32 to vector<16xi32>
      %eq3A_1311 = arith.constant 0 : i32
      %eq3A_1312 = vector.broadcast %eq3A_1311 : i32 to vector<16xi32>
      %eq3A_1313 = arith.cmpi eq, %iota3A, %eq3A_1312 : vector<16xi32>
      tpu.vector_store_idx %arg8[%add3A_1309], %broadcast_in_dim3A_1310 masked %eq3A_1313 : memref<16xi32, #tpu.memory_space<vmem>>[vector<16xi32>], vector<16xi32>, vector<16xi1>
      %get3A_1314 = arith.constant 64 : index
      %get3A_1315 = tpu.vector_load %arg7[%get3A_1314] {strides = array<i32>} : memref<272xi32, #tpu.memory_space<vmem>>, vector<16xi32>,
      %reduce_sum3A_1316 = arith.constant true
      %reduce_sum3A_1317 = vector.broadcast %reduce_sum3A_1316 : i1 to vector<16xi1>
      %reduce_sum3A_1318 = tpu.scan <sum>, %get3A_1315 masked %reduce_sum3A_1317 : vector<16xi32>, vector<16xi1> -> vector<16xi32>
      %reduce_sum3A_1319 = vector.extract %reduce_sum3A_1318[15] : i32 from vector<16xi32>
      %mul3A_1320 = arith.constant 0 : i32
      %mul3A_1321 = vector.broadcast %mul3A_1320 : i32 to vector<16xi32>
      %mul3A_1322 = arith.muli %iota3A, %mul3A_1321 : vector<16xi32>
      %add3A_1323 = arith.constant 4 : i32
      %add3A_1324 = vector.broadcast %add3A_1323 : i32 to vector<16xi32>
      %add3A_1325 = arith.addi %mul3A_1322, %add3A_1324 : vector<16xi32>
      %broadcast_in_dim3A_1326 = vector.broadcast %reduce_sum3A_1319 : i32 to vector<16xi32>
      %eq3A_1327 = arith.constant 0 : i32
      %eq3A_1328 = vector.broadcast %eq3A_1327 : i32 to vector<16xi32>
      %eq3A_1329 = arith.cmpi eq, %iota3A, %eq3A_1328 : vector<16xi32>
      tpu.vector_store_idx %arg8[%add3A_1325], %broadcast_in_dim3A_1326 masked %eq3A_1329 : memref<16xi32, #tpu.memory_space<vmem>>[vector<16xi32>], vector<16xi32>, vector<16xi1>
      %get3A_1330 = arith.constant 80 : index
      %get3A_1331 = tpu.vector_load %arg7[%get3A_1330] {strides = array<i32>} : memref<272xi32, #tpu.memory_space<vmem>>, vector<16xi32>,
      %reduce_sum3A_1332 = arith.constant true
      %reduce_sum3A_1333 = vector.broadcast %reduce_sum3A_1332 : i1 to vector<16xi1>
      %reduce_sum3A_1334 = tpu.scan <sum>, %get3A_1331 masked %reduce_sum3A_1333 : vector<16xi32>, vector<16xi1> -> vector<16xi32>
      %reduce_sum3A_1335 = vector.extract %reduce_sum3A_1334[15] : i32 from vector<16xi32>
      %mul3A_1336 = arith.constant 0 : i32
      %mul3A_1337 = vector.broadcast %mul3A_1336 : i32 to vector<16xi32>
      %mul3A_1338 = arith.muli %iota3A, %mul3A_1337 : vector<16xi32>
      %add3A_1339 = arith.constant 5 : i32
      %add3A_1340 = vector.broadcast %add3A_1339 : i32 to vector<16xi32>
      %add3A_1341 = arith.addi %mul3A_1338, %add3A_1340 : vector<16xi32>
      %broadcast_in_dim3A_1342 = vector.broadcast %reduce_sum3A_1335 : i32 to vector<16xi32>
      %eq3A_1343 = arith.constant 0 : i32
      %eq3A_1344 = vector.broadcast %eq3A_1343 : i32 to vector<16xi32>
      %eq3A_1345 = arith.cmpi eq, %iota3A, %eq3A_1344 : vector<16xi32>
      tpu.vector_store_idx %arg8[%add3A_1341], %broadcast_in_dim3A_1342 masked %eq3A_1345 : memref<16xi32, #tpu.memory_space<vmem>>[vector<16xi32>], vector<16xi32>, vector<16xi1>
      %get3A_1346 = arith.constant 96 : index
      %get3A_1347 = tpu.vector_load %arg7[%get3A_1346] {strides = array<i32>} : memref<272xi32, #tpu.memory_space<vmem>>, vector<16xi32>,
      %reduce_sum3A_1348 = arith.constant true
      %reduce_sum3A_1349 = vector.broadcast %reduce_sum3A_1348 : i1 to vector<16xi1>
      %reduce_sum3A_1350 = tpu.scan <sum>, %get3A_1347 masked %reduce_sum3A_1349 : vector<16xi32>, vector<16xi1> -> vector<16xi32>
      %reduce_sum3A_1351 = vector.extract %reduce_sum3A_1350[15] : i32 from vector<16xi32>
      %mul3A_1352 = arith.constant 0 : i32
      %mul3A_1353 = vector.broadcast %mul3A_1352 : i32 to vector<16xi32>
      %mul3A_1354 = arith.muli %iota3A, %mul3A_1353 : vector<16xi32>
      %add3A_1355 = arith.constant 6 : i32
      %add3A_1356 = vector.broadcast %add3A_1355 : i32 to vector<16xi32>
      %add3A_1357 = arith.addi %mul3A_1354, %add3A_1356 : vector<16xi32>
      %broadcast_in_dim3A_1358 = vector.broadcast %reduce_sum3A_1351 : i32 to vector<16xi32>
      %eq3A_1359 = arith.constant 0 : i32
      %eq3A_1360 = vector.broadcast %eq3A_1359 : i32 to vector<16xi32>
      %eq3A_1361 = arith.cmpi eq, %iota3A, %eq3A_1360 : vector<16xi32>
      tpu.vector_store_idx %arg8[%add3A_1357], %broadcast_in_dim3A_1358 masked %eq3A_1361 : memref<16xi32, #tpu.memory_space<vmem>>[vector<16xi32>], vector<16xi32>, vector<16xi1>
      %get3A_1362 = arith.constant 112 : index
      %get3A_1363 = tpu.vector_load %arg7[%get3A_1362] {strides = array<i32>} : memref<272xi32, #tpu.memory_space<vmem>>, vector<16xi32>,
      %reduce_sum3A_1364 = arith.constant true
      %reduce_sum3A_1365 = vector.broadcast %reduce_sum3A_1364 : i1 to vector<16xi1>
      %reduce_sum3A_1366 = tpu.scan <sum>, %get3A_1363 masked %reduce_sum3A_1365 : vector<16xi32>, vector<16xi1> -> vector<16xi32>
      %reduce_sum3A_1367 = vector.extract %reduce_sum3A_1366[15] : i32 from vector<16xi32>
      %mul3A_1368 = arith.constant 0 : i32
      %mul3A_1369 = vector.broadcast %mul3A_1368 : i32 to vector<16xi32>
      %mul3A_1370 = arith.muli %iota3A, %mul3A_1369 : vector<16xi32>
      %add3A_1371 = arith.constant 7 : i32
      %add3A_1372 = vector.broadcast %add3A_1371 : i32 to vector<16xi32>
      %add3A_1373 = arith.addi %mul3A_1370, %add3A_1372 : vector<16xi32>
      %broadcast_in_dim3A_1374 = vector.broadcast %reduce_sum3A_1367 : i32 to vector<16xi32>
      %eq3A_1375 = arith.constant 0 : i32
      %eq3A_1376 = vector.broadcast %eq3A_1375 : i32 to vector<16xi32>
      %eq3A_1377 = arith.cmpi eq, %iota3A, %eq3A_1376 : vector<16xi32>
      tpu.vector_store_idx %arg8[%add3A_1373], %broadcast_in_dim3A_1374 masked %eq3A_1377 : memref<16xi32, #tpu.memory_space<vmem>>[vector<16xi32>], vector<16xi32>, vector<16xi1>
      %get3A_1378 = arith.constant 128 : index
      %get3A_1379 = tpu.vector_load %arg7[%get3A_1378] {strides = array<i32>} : memref<272xi32, #tpu.memory_space<vmem>>, vector<16xi32>,
      %reduce_sum3A_1380 = arith.constant true
      %reduce_sum3A_1381 = vector.broadcast %reduce_sum3A_1380 : i1 to vector<16xi1>
      %reduce_sum3A_1382 = tpu.scan <sum>, %get3A_1379 masked %reduce_sum3A_1381 : vector<16xi32>, vector<16xi1> -> vector<16xi32>
      %reduce_sum3A_1383 = vector.extract %reduce_sum3A_1382[15] : i32 from vector<16xi32>
      %mul3A_1384 = arith.constant 0 : i32
      %mul3A_1385 = vector.broadcast %mul3A_1384 : i32 to vector<16xi32>
      %mul3A_1386 = arith.muli %iota3A, %mul3A_1385 : vector<16xi32>
      %add3A_1387 = arith.constant 8 : i32
      %add3A_1388 = vector.broadcast %add3A_1387 : i32 to vector<16xi32>
      %add3A_1389 = arith.addi %mul3A_1386, %add3A_1388 : vector<16xi32>
      %broadcast_in_dim3A_1390 = vector.broadcast %reduce_sum3A_1383 : i32 to vector<16xi32>
      %eq3A_1391 = arith.constant 0 : i32
      %eq3A_1392 = vector.broadcast %eq3A_1391 : i32 to vector<16xi32>
      %eq3A_1393 = arith.cmpi eq, %iota3A, %eq3A_1392 : vector<16xi32>
      tpu.vector_store_idx %arg8[%add3A_1389], %broadcast_in_dim3A_1390 masked %eq3A_1393 : memref<16xi32, #tpu.memory_space<vmem>>[vector<16xi32>], vector<16xi32>, vector<16xi1>
      %get3A_1394 = arith.constant 144 : index
      %get3A_1395 = tpu.vector_load %arg7[%get3A_1394] {strides = array<i32>} : memref<272xi32, #tpu.memory_space<vmem>>, vector<16xi32>,
      %reduce_sum3A_1396 = arith.constant true
      %reduce_sum3A_1397 = vector.broadcast %reduce_sum3A_1396 : i1 to vector<16xi1>
      %reduce_sum3A_1398 = tpu.scan <sum>, %get3A_1395 masked %reduce_sum3A_1397 : vector<16xi32>, vector<16xi1> -> vector<16xi32>
      %reduce_sum3A_1399 = vector.extract %reduce_sum3A_1398[15] : i32 from vector<16xi32>
      %mul3A_1400 = arith.constant 0 : i32
      %mul3A_1401 = vector.broadcast %mul3A_1400 : i32 to vector<16xi32>
      %mul3A_1402 = arith.muli %iota3A, %mul3A_1401 : vector<16xi32>
      %add3A_1403 = arith.constant 9 : i32
      %add3A_1404 = vector.broadcast %add3A_1403 : i32 to vector<16xi32>
      %add3A_1405 = arith.addi %mul3A_1402, %add3A_1404 : vector<16xi32>
      %broadcast_in_dim3A_1406 = vector.broadcast %reduce_sum3A_1399 : i32 to vector<16xi32>
      %eq3A_1407 = arith.constant 0 : i32
      %eq3A_1408 = vector.broadcast %eq3A_1407 : i32 to vector<16xi32>
      %eq3A_1409 = arith.cmpi eq, %iota3A, %eq3A_1408 : vector<16xi32>
      tpu.vector_store_idx %arg8[%add3A_1405], %broadcast_in_dim3A_1406 masked %eq3A_1409 : memref<16xi32, #tpu.memory_space<vmem>>[vector<16xi32>], vector<16xi32>, vector<16xi1>
      %get3A_1410 = arith.constant 160 : index
      %get3A_1411 = tpu.vector_load %arg7[%get3A_1410] {strides = array<i32>} : memref<272xi32, #tpu.memory_space<vmem>>, vector<16xi32>,
      %reduce_sum3A_1412 = arith.constant true
      %reduce_sum3A_1413 = vector.broadcast %reduce_sum3A_1412 : i1 to vector<16xi1>
      %reduce_sum3A_1414 = tpu.scan <sum>, %get3A_1411 masked %reduce_sum3A_1413 : vector<16xi32>, vector<16xi1> -> vector<16xi32>
      %reduce_sum3A_1415 = vector.extract %reduce_sum3A_1414[15] : i32 from vector<16xi32>
      %mul3A_1416 = arith.constant 0 : i32
      %mul3A_1417 = vector.broadcast %mul3A_1416 : i32 to vector<16xi32>
      %mul3A_1418 = arith.muli %iota3A, %mul3A_1417 : vector<16xi32>
      %add3A_1419 = arith.constant 10 : i32
      %add3A_1420 = vector.broadcast %add3A_1419 : i32 to vector<16xi32>
      %add3A_1421 = arith.addi %mul3A_1418, %add3A_1420 : vector<16xi32>
      %broadcast_in_dim3A_1422 = vector.broadcast %reduce_sum3A_1415 : i32 to vector<16xi32>
      %eq3A_1423 = arith.constant 0 : i32
      %eq3A_1424 = vector.broadcast %eq3A_1423 : i32 to vector<16xi32>
      %eq3A_1425 = arith.cmpi eq, %iota3A, %eq3A_1424 : vector<16xi32>
      tpu.vector_store_idx %arg8[%add3A_1421], %broadcast_in_dim3A_1422 masked %eq3A_1425 : memref<16xi32, #tpu.memory_space<vmem>>[vector<16xi32>], vector<16xi32>, vector<16xi1>
      %get3A_1426 = arith.constant 176 : index
      %get3A_1427 = tpu.vector_load %arg7[%get3A_1426] {strides = array<i32>} : memref<272xi32, #tpu.memory_space<vmem>>, vector<16xi32>,
      %reduce_sum3A_1428 = arith.constant true
      %reduce_sum3A_1429 = vector.broadcast %reduce_sum3A_1428 : i1 to vector<16xi1>
      %reduce_sum3A_1430 = tpu.scan <sum>, %get3A_1427 masked %reduce_sum3A_1429 : vector<16xi32>, vector<16xi1> -> vector<16xi32>
      %reduce_sum3A_1431 = vector.extract %reduce_sum3A_1430[15] : i32 from vector<16xi32>
      %mul3A_1432 = arith.constant 0 : i32
      %mul3A_1433 = vector.broadcast %mul3A_1432 : i32 to vector<16xi32>
      %mul3A_1434 = arith.muli %iota3A, %mul3A_1433 : vector<16xi32>
      %add3A_1435 = arith.constant 11 : i32
      %add3A_1436 = vector.broadcast %add3A_1435 : i32 to vector<16xi32>
      %add3A_1437 = arith.addi %mul3A_1434, %add3A_1436 : vector<16xi32>
      %broadcast_in_dim3A_1438 = vector.broadcast %reduce_sum3A_1431 : i32 to vector<16xi32>
      %eq3A_1439 = arith.constant 0 : i32
      %eq3A_1440 = vector.broadcast %eq3A_1439 : i32 to vector<16xi32>
      %eq3A_1441 = arith.cmpi eq, %iota3A, %eq3A_1440 : vector<16xi32>
      tpu.vector_store_idx %arg8[%add3A_1437], %broadcast_in_dim3A_1438 masked %eq3A_1441 : memref<16xi32, #tpu.memory_space<vmem>>[vector<16xi32>], vector<16xi32>, vector<16xi1>
      %get3A_1442 = arith.constant 192 : index
      %get3A_1443 = tpu.vector_load %arg7[%get3A_1442] {strides = array<i32>} : memref<272xi32, #tpu.memory_space<vmem>>, vector<16xi32>,
      %reduce_sum3A_1444 = arith.constant true
      %reduce_sum3A_1445 = vector.broadcast %reduce_sum3A_1444 : i1 to vector<16xi1>
      %reduce_sum3A_1446 = tpu.scan <sum>, %get3A_1443 masked %reduce_sum3A_1445 : vector<16xi32>, vector<16xi1> -> vector<16xi32>
      %reduce_sum3A_1447 = vector.extract %reduce_sum3A_1446[15] : i32 from vector<16xi32>
      %mul3A_1448 = arith.constant 0 : i32
      %mul3A_1449 = vector.broadcast %mul3A_1448 : i32 to vector<16xi32>
      %mul3A_1450 = arith.muli %iota3A, %mul3A_1449 : vector<16xi32>
      %add3A_1451 = arith.constant 12 : i32
      %add3A_1452 = vector.broadcast %add3A_1451 : i32 to vector<16xi32>
      %add3A_1453 = arith.addi %mul3A_1450, %add3A_1452 : vector<16xi32>
      %broadcast_in_dim3A_1454 = vector.broadcast %reduce_sum3A_1447 : i32 to vector<16xi32>
      %eq3A_1455 = arith.constant 0 : i32
      %eq3A_1456 = vector.broadcast %eq3A_1455 : i32 to vector<16xi32>
      %eq3A_1457 = arith.cmpi eq, %iota3A, %eq3A_1456 : vector<16xi32>
      tpu.vector_store_idx %arg8[%add3A_1453], %broadcast_in_dim3A_1454 masked %eq3A_1457 : memref<16xi32, #tpu.memory_space<vmem>>[vector<16xi32>], vector<16xi32>, vector<16xi1>
      %get3A_1458 = arith.constant 208 : index
      %get3A_1459 = tpu.vector_load %arg7[%get3A_1458] {strides = array<i32>} : memref<272xi32, #tpu.memory_space<vmem>>, vector<16xi32>,
      %reduce_sum3A_1460 = arith.constant true
      %reduce_sum3A_1461 = vector.broadcast %reduce_sum3A_1460 : i1 to vector<16xi1>
      %reduce_sum3A_1462 = tpu.scan <sum>, %get3A_1459 masked %reduce_sum3A_1461 : vector<16xi32>, vector<16xi1> -> vector<16xi32>
      %reduce_sum3A_1463 = vector.extract %reduce_sum3A_1462[15] : i32 from vector<16xi32>
      %mul3A_1464 = arith.constant 0 : i32
      %mul3A_1465 = vector.broadcast %mul3A_1464 : i32 to vector<16xi32>
      %mul3A_1466 = arith.muli %iota3A, %mul3A_1465 : vector<16xi32>
      %add3A_1467 = arith.constant 13 : i32
      %add3A_1468 = vector.broadcast %add3A_1467 : i32 to vector<16xi32>
      %add3A_1469 = arith.addi %mul3A_1466, %add3A_1468 : vector<16xi32>
      %broadcast_in_dim3A_1470 = vector.broadcast %reduce_sum3A_1463 : i32 to vector<16xi32>
      %eq3A_1471 = arith.constant 0 : i32
      %eq3A_1472 = vector.broadcast %eq3A_1471 : i32 to vector<16xi32>
      %eq3A_1473 = arith.cmpi eq, %iota3A, %eq3A_1472 : vector<16xi32>
      tpu.vector_store_idx %arg8[%add3A_1469], %broadcast_in_dim3A_1470 masked %eq3A_1473 : memref<16xi32, #tpu.memory_space<vmem>>[vector<16xi32>], vector<16xi32>, vector<16xi1>
      %get3A_1474 = arith.constant 224 : index
      %get3A_1475 = tpu.vector_load %arg7[%get3A_1474] {strides = array<i32>} : memref<272xi32, #tpu.memory_space<vmem>>, vector<16xi32>,
      %reduce_sum3A_1476 = arith.constant true
      %reduce_sum3A_1477 = vector.broadcast %reduce_sum3A_1476 : i1 to vector<16xi1>
      %reduce_sum3A_1478 = tpu.scan <sum>, %get3A_1475 masked %reduce_sum3A_1477 : vector<16xi32>, vector<16xi1> -> vector<16xi32>
      %reduce_sum3A_1479 = vector.extract %reduce_sum3A_1478[15] : i32 from vector<16xi32>
      %mul3A_1480 = arith.constant 0 : i32
      %mul3A_1481 = vector.broadcast %mul3A_1480 : i32 to vector<16xi32>
      %mul3A_1482 = arith.muli %iota3A, %mul3A_1481 : vector<16xi32>
      %add3A_1483 = arith.constant 14 : i32
      %add3A_1484 = vector.broadcast %add3A_1483 : i32 to vector<16xi32>
      %add3A_1485 = arith.addi %mul3A_1482, %add3A_1484 : vector<16xi32>
      %broadcast_in_dim3A_1486 = vector.broadcast %reduce_sum3A_1479 : i32 to vector<16xi32>
      %eq3A_1487 = arith.constant 0 : i32
      %eq3A_1488 = vector.broadcast %eq3A_1487 : i32 to vector<16xi32>
      %eq3A_1489 = arith.cmpi eq, %iota3A, %eq3A_1488 : vector<16xi32>
      tpu.vector_store_idx %arg8[%add3A_1485], %broadcast_in_dim3A_1486 masked %eq3A_1489 : memref<16xi32, #tpu.memory_space<vmem>>[vector<16xi32>], vector<16xi32>, vector<16xi1>
      %get3A_1490 = arith.constant 240 : index
      %get3A_1491 = tpu.vector_load %arg7[%get3A_1490] {strides = array<i32>} : memref<272xi32, #tpu.memory_space<vmem>>, vector<16xi32>,
      %reduce_sum3A_1492 = arith.constant true
      %reduce_sum3A_1493 = vector.broadcast %reduce_sum3A_1492 : i1 to vector<16xi1>
      %reduce_sum3A_1494 = tpu.scan <sum>, %get3A_1491 masked %reduce_sum3A_1493 : vector<16xi32>, vector<16xi1> -> vector<16xi32>
      %reduce_sum3A_1495 = vector.extract %reduce_sum3A_1494[15] : i32 from vector<16xi32>
      %mul3A_1496 = arith.constant 0 : i32
      %mul3A_1497 = vector.broadcast %mul3A_1496 : i32 to vector<16xi32>
      %mul3A_1498 = arith.muli %iota3A, %mul3A_1497 : vector<16xi32>
      %add3A_1499 = arith.constant 15 : i32
      %add3A_1500 = vector.broadcast %add3A_1499 : i32 to vector<16xi32>
      %add3A_1501 = arith.addi %mul3A_1498, %add3A_1500 : vector<16xi32>
      %broadcast_in_dim3A_1502 = vector.broadcast %reduce_sum3A_1495 : i32 to vector<16xi32>
      %eq3A_1503 = arith.constant 0 : i32
      %eq3A_1504 = vector.broadcast %eq3A_1503 : i32 to vector<16xi32>
      %eq3A_1505 = arith.cmpi eq, %iota3A, %eq3A_1504 : vector<16xi32>
      tpu.vector_store_idx %arg8[%add3A_1501], %broadcast_in_dim3A_1502 masked %eq3A_1505 : memref<16xi32, #tpu.memory_space<vmem>>[vector<16xi32>], vector<16xi32>, vector<16xi1>
      %get3A_1506 = arith.constant 0 : index
      %get3A_1507 = tpu.vector_load %arg8[%get3A_1506] {strides = array<i32>} : memref<16xi32, #tpu.memory_space<vmem>>, vector<16xi32>,
      %rev3A_1508 = arith.constant 15 : i32
      %rev3A_1509 = vector.broadcast %rev3A_1508 : i32 to vector<16xi32>
      %rev3A_1510 = tpu.iota {dimensions = array<i32: 0>} : vector<16xi32>
      %rev3A_1511 = arith.subi %rev3A_1509, %rev3A_1510 : vector<16xi32>
      %rev3A_1512 = tpu.dynamic_gather %get3A_1507[%rev3A_1511] in [0] : vector<16xi32>, vector<16xi32> -> vector<16xi32>
      %broadcast_in_dim3A_1513 = arith.constant true
      %broadcast_in_dim3A_1514 = vector.broadcast %broadcast_in_dim3A_1513 : i1 to vector<16xi1>
      %masked_cumsum3A_1515 = tpu.scan <sum>, %rev3A_1512 masked %broadcast_in_dim3A_1514 : vector<16xi32>, vector<16xi1> -> vector<16xi32>
      %lt3A_1516 = vector.broadcast %sub3A_1175 : i32 to vector<16xi32>
      %lt3A_1517 = arith.cmpi slt, %masked_cumsum3A_1515, %lt3A_1516 : vector<16xi32>
      %convert_element_type3A_1518 = arith.extui %lt3A_1517 : vector<16xi1> to vector<16xi32>
      %reduce_sum3A_1519 = arith.constant true
      %reduce_sum3A_1520 = vector.broadcast %reduce_sum3A_1519 : i1 to vector<16xi1>
      %reduce_sum3A_1521 = tpu.scan <sum>, %convert_element_type3A_1518 masked %reduce_sum3A_1520 : vector<16xi32>, vector<16xi1> -> vector<16xi32>
      %reduce_sum3A_1522 = vector.extract %reduce_sum3A_1521[15] : i32 from vector<16xi32>
      %sub3A_1523 = arith.constant 15 : i32
      %sub3A_1524 = arith.subi %sub3A_1523, %reduce_sum3A_1522 : i32
      %eq3A_1525 = vector.broadcast %reduce_sum3A_1522 : i32 to vector<16xi32>
      %eq3A_1526 = arith.cmpi eq, %iota3A, %eq3A_1525 : vector<16xi32>
      %sub3A_1527 = arith.subi %masked_cumsum3A_1515, %rev3A_1512 : vector<16xi32>
      %jit3A_1528 = arith.constant 0 : i32
      %broadcast_in_dim3A_1529 = vector.broadcast %jit3A_1528 : i32 to vector<16xi32>
      %select_n3A_1530 = arith.select %eq3A_1526, %sub3A_1527, %broadcast_in_dim3A_1529 : vector<16xi1>, vector<16xi32>
      %reduce_sum3A_1531 = arith.constant true
      %reduce_sum3A_1532 = vector.broadcast %reduce_sum3A_1531 : i1 to vector<16xi1>
      %reduce_sum3A_1533 = tpu.scan <sum>, %select_n3A_1530 masked %reduce_sum3A_1532 : vector<16xi32>, vector<16xi1> -> vector<16xi32>
      %reduce_sum3A_1534 = vector.extract %reduce_sum3A_1533[15] : i32 from vector<16xi32>
      %mul3A_1535 = arith.constant 16 : i32
      %mul3A_1536 = arith.muli %sub3A_1524, %mul3A_1535 : i32
      %get3A_1537 = arith.index_cast %mul3A_1536 : i32 to index
      %get3A_1538 = tpu.vector_load %arg7[%get3A_1537] {strides = array<i32>} : memref<272xi32, #tpu.memory_space<vmem>>, vector<16xi32>,
      %rev3A_1539 = arith.constant 15 : i32
      %rev3A_1540 = vector.broadcast %rev3A_1539 : i32 to vector<16xi32>
      %rev3A_1541 = tpu.iota {dimensions = array<i32: 0>} : vector<16xi32>
      %rev3A_1542 = arith.subi %rev3A_1540, %rev3A_1541 : vector<16xi32>
      %rev3A_1543 = tpu.dynamic_gather %get3A_1538[%rev3A_1542] in [0] : vector<16xi32>, vector<16xi32> -> vector<16xi32>
      %broadcast_in_dim3A_1544 = arith.constant true
      %broadcast_in_dim3A_1545 = vector.broadcast %broadcast_in_dim3A_1544 : i1 to vector<16xi1>
      %masked_cumsum3A_1546 = tpu.scan <sum>, %rev3A_1543 masked %broadcast_in_dim3A_1545 : vector<16xi32>, vector<16xi1> -> vector<16xi32>
      %add3A_1547 = vector.broadcast %reduce_sum3A_1534 : i32 to vector<16xi32>
      %add3A_1548 = arith.addi %masked_cumsum3A_1546, %add3A_1547 : vector<16xi32>
      %lt3A_1549 = vector.broadcast %sub3A_1175 : i32 to vector<16xi32>
      %lt3A_1550 = arith.cmpi slt, %add3A_1548, %lt3A_1549 : vector<16xi32>
      %convert_element_type3A_1551 = arith.extui %lt3A_1550 : vector<16xi1> to vector<16xi32>
      %reduce_sum3A_1552 = arith.constant true
      %reduce_sum3A_1553 = vector.broadcast %reduce_sum3A_1552 : i1 to vector<16xi1>
      %reduce_sum3A_1554 = tpu.scan <sum>, %convert_element_type3A_1551 masked %reduce_sum3A_1553 : vector<16xi32>, vector<16xi1> -> vector<16xi32>
      %reduce_sum3A_1555 = vector.extract %reduce_sum3A_1554[15] : i32 from vector<16xi32>
      %mul3A_1556 = arith.constant 16 : i32
      %mul3A_1557 = arith.muli %sub3A_1524, %mul3A_1556 : i32
      %add3A_1558 = arith.constant 15 : i32
      %add3A_1559 = arith.addi %mul3A_1557, %add3A_1558 : i32
      %sub3A_1560 = arith.subi %add3A_1559, %reduce_sum3A_1555 : i32
      %eq3A_1561 = vector.broadcast %reduce_sum3A_1555 : i32 to vector<16xi32>
      %eq3A_1562 = arith.cmpi eq, %iota3A, %eq3A_1561 : vector<16xi32>
      %sub3A_1563 = arith.subi %add3A_1548, %rev3A_1543 : vector<16xi32>
      %jit3A_1564 = arith.constant 0 : i32
      %broadcast_in_dim3A_1565 = vector.broadcast %jit3A_1564 : i32 to vector<16xi32>
      %select_n3A_1566 = arith.select %eq3A_1562, %sub3A_1563, %broadcast_in_dim3A_1565 : vector<16xi1>, vector<16xi32>
      %reduce_sum3A_1567 = arith.constant true
      %reduce_sum3A_1568 = vector.broadcast %reduce_sum3A_1567 : i1 to vector<16xi1>
      %reduce_sum3A_1569 = tpu.scan <sum>, %select_n3A_1566 masked %reduce_sum3A_1568 : vector<16xi32>, vector<16xi1> -> vector<16xi32>
      %reduce_sum3A_1570 = vector.extract %reduce_sum3A_1569[15] : i32 from vector<16xi32>
      %sub3A_1571 = arith.subi %sub3A_1175, %reduce_sum3A_1570 : i32
      %shift_left3A_1572 = arith.constant 8 : i32
      %shift_left3A_1573 = arith.shli %or3A_1178, %shift_left3A_1572 : i32
      %or3A_1574 = arith.ori %shift_left3A_1573, %sub3A_1560 : i32
      %and3A = arith.constant -16 : i32
      %and3A_1575 = arith.andi %sub3A_1560, %and3A : i32
      %get3A_1576 = arith.index_cast %and3A_1575 : i32 to index
      %get3A_1577 = tpu.vector_load %arg7[%get3A_1576] {strides = array<i32>} : memref<272xi32, #tpu.memory_space<vmem>>, vector<16xi32>,
      %and3A_1578 = arith.constant 15 : i32
      %and3A_1579 = arith.andi %sub3A_1560, %and3A_1578 : i32
      %eq3A_1580 = vector.broadcast %and3A_1579 : i32 to vector<16xi32>
      %eq3A_1581 = arith.cmpi eq, %iota3A, %eq3A_1580 : vector<16xi32>
      %jit3A_1582 = arith.constant 0 : i32
      %broadcast_in_dim3A_1583 = vector.broadcast %jit3A_1582 : i32 to vector<16xi32>
      %select_n3A_1584 = arith.select %eq3A_1581, %get3A_1577, %broadcast_in_dim3A_1583 : vector<16xi1>, vector<16xi32>
      %reduce_sum3A_1585 = arith.constant true
      %reduce_sum3A_1586 = vector.broadcast %reduce_sum3A_1585 : i1 to vector<16xi1>
      %reduce_sum3A_1587 = tpu.scan <sum>, %select_n3A_1584 masked %reduce_sum3A_1586 : vector<16xi32>, vector<16xi1> -> vector<16xi32>
      %reduce_sum3A_1588 = vector.extract %reduce_sum3A_1587[15] : i32 from vector<16xi32>
      %eq3A_1589 = arith.cmpi eq, %sub3A_1571, %reduce_sum3A_1588 : i32
      %convert_element_type3A_1590 = arith.extui %eq3A_1589 : i1 to i32
      %cond3A_1591 = arith.constant 0 : i32
      %cond3A_1592 = arith.cmpi ne, %convert_element_type3A_1590, %cond3A_1591 : i32
      scf.if %cond3A_1592 {
        %parallel_loop3A_1596 = arith.constant 0 : i32
        %parallel_loop3A_1597 = arith.constant 256 : i32
        %parallel_loop3A_1598 = arith.constant 1 : i32
        scf.for %parallel_loop3A_1599 = %parallel_loop3A_1596 to %parallel_loop3A_1597 step %parallel_loop3A_1598  : i32 {
          %parallel_loop3A_1600 = arith.constant 16 : i32
          %parallel_loop3A_1601 = arith.muli %parallel_loop3A_1599, %parallel_loop3A_1600 : i32
          %parallel_loop3A_1602 = arith.index_cast %parallel_loop3A_1601 : i32 to index
          %parallel_loop3A_1603 = tpu.vector_load %arg5[%parallel_loop3A_1602] {strides = array<i32>} : memref<4096xi32, #tpu.memory_space<vmem>>, vector<16xi32>,
          %parallel_loop3A_1604 = vector.broadcast %or3A_1574 : i32 to vector<16xi32>
          %parallel_loop3A_1605 = arith.cmpi sge, %parallel_loop3A_1603, %parallel_loop3A_1604 : vector<16xi32>
          %parallel_loop3A_1606 = arith.constant 1.000000e+00 : f32
          %parallel_loop3A_1607 = arith.constant 0.000000e+00 : f32
          %parallel_loop3A_1608 = vector.broadcast %parallel_loop3A_1606 : f32 to vector<16xf32>
          %parallel_loop3A_1609 = vector.broadcast %parallel_loop3A_1607 : f32 to vector<16xf32>
          %parallel_loop3A_1610 = arith.select %parallel_loop3A_1605, %parallel_loop3A_1608, %parallel_loop3A_1609 : vector<16xi1>, vector<16xf32>
          %parallel_loop3A_1611 = arith.constant 16 : i32
          %parallel_loop3A_1612 = arith.muli %parallel_loop3A_1599, %parallel_loop3A_1611 : i32
          %parallel_loop3A_1613 = arith.index_cast %parallel_loop3A_1612 : i32 to index
          %parallel_loop3A_1614 = tpu.vector_load %arg6[%parallel_loop3A_1613] {strides = array<i32>} : memref<4096xf32, #tpu.memory_space<vmem>>, vector<16xf32>,
          tpu.vector_store %arg6[%parallel_loop3A_1613], %parallel_loop3A_1610 {strides = array<i32>} : memref<4096xf32, #tpu.memory_space<vmem>>, vector<16xf32>,
        } {sc.loop_unroll_factor = 16 : i64, sc.parallel_access}
      } else {
      }
      %ne3A = arith.cmpi ne, %sub3A_1571, %reduce_sum3A_1588 : i32
      %convert_element_type3A_1593 = arith.extui %ne3A : i1 to i32
      %cond3A_1594 = arith.constant 0 : i32
      %cond3A_1595 = arith.cmpi ne, %convert_element_type3A_1593, %cond3A_1594 : i32
      scf.if %cond3A_1595 {
        %broadcast_in_dim3A_1596 = vector.broadcast %sub3A_1571 : i32 to vector<16xi32>
        %broadcast_in_dim3A_1597 = arith.constant 0 : i32
        %broadcast_in_dim3A_1598 = vector.broadcast %broadcast_in_dim3A_1597 : i32 to vector<16xi32>
        %parallel_loop3A_1599 = arith.constant 0 : i32
        %parallel_loop3A_1600 = arith.constant 256 : i32
        %parallel_loop3A_1601 = arith.constant 1 : i32
        %parallel_loop3A_1602 = scf.for %parallel_loop3A_1603 = %parallel_loop3A_1599 to %parallel_loop3A_1600 step %parallel_loop3A_1601 iter_args(%parallel_loop3A_1604 = %broadcast_in_dim3A_1598) -> (vector<16xi32>)  : i32 {
          %parallel_loop3A_1605 = arith.constant 16 : i32
          %parallel_loop3A_1606 = arith.muli %parallel_loop3A_1603, %parallel_loop3A_1605 : i32
          %parallel_loop3A_1607 = arith.index_cast %parallel_loop3A_1606 : i32 to index
          %parallel_loop3A_1608 = tpu.vector_load %arg5[%parallel_loop3A_1607] {strides = array<i32>} : memref<4096xi32, #tpu.memory_space<vmem>>, vector<16xi32>,
          %parallel_loop3A_1609 = vector.broadcast %or3A_1574 : i32 to vector<16xi32>
          %parallel_loop3A_1610 = arith.cmpi sgt, %parallel_loop3A_1608, %parallel_loop3A_1609 : vector<16xi32>
          %parallel_loop3A_1611 = vector.broadcast %or3A_1574 : i32 to vector<16xi32>
          %parallel_loop3A_1612 = arith.cmpi eq, %parallel_loop3A_1608, %parallel_loop3A_1611 : vector<16xi32>
          %parallel_loop3A_1613 = arith.extui %parallel_loop3A_1612 : vector<16xi1> to vector<16xi32>
          %parallel_loop3A_1614 = arith.constant true
          %parallel_loop3A_1615 = vector.broadcast %parallel_loop3A_1614 : i1 to vector<16xi1>
          %parallel_loop3A_1616 = tpu.scan <sum>, %parallel_loop3A_1613 masked %parallel_loop3A_1615 : vector<16xi32>, vector<16xi1> -> vector<16xi32>
          %parallel_loop3A_1617 = arith.subi %parallel_loop3A_1616, %parallel_loop3A_1613 : vector<16xi32>
          %parallel_loop3A_1618 = arith.addi %parallel_loop3A_1604, %parallel_loop3A_1617 : vector<16xi32>
          %parallel_loop3A_1619 = arith.cmpi slt, %parallel_loop3A_1618, %broadcast_in_dim3A_1596 : vector<16xi32>
          %parallel_loop3A_1620 = arith.andi %parallel_loop3A_1612, %parallel_loop3A_1619 : vector<16xi1>
          %parallel_loop3A_1621 = arith.ori %parallel_loop3A_1610, %parallel_loop3A_1620 : vector<16xi1>
          %parallel_loop3A_1622 = arith.constant 1.000000e+00 : f32
          %parallel_loop3A_1623 = arith.constant 0.000000e+00 : f32
          %parallel_loop3A_1624 = vector.broadcast %parallel_loop3A_1622 : f32 to vector<16xf32>
          %parallel_loop3A_1625 = vector.broadcast %parallel_loop3A_1623 : f32 to vector<16xf32>
          %parallel_loop3A_1626 = arith.select %parallel_loop3A_1621, %parallel_loop3A_1624, %parallel_loop3A_1625 : vector<16xi1>, vector<16xf32>
          %parallel_loop3A_1627 = arith.constant 16 : i32
          %parallel_loop3A_1628 = arith.muli %parallel_loop3A_1603, %parallel_loop3A_1627 : i32
          %parallel_loop3A_1629 = arith.index_cast %parallel_loop3A_1628 : i32 to index
          %parallel_loop3A_1630 = tpu.vector_load %arg6[%parallel_loop3A_1629] {strides = array<i32>} : memref<4096xf32, #tpu.memory_space<vmem>>, vector<16xf32>,
          tpu.vector_store %arg6[%parallel_loop3A_1629], %parallel_loop3A_1626 {strides = array<i32>} : memref<4096xf32, #tpu.memory_space<vmem>>, vector<16xf32>,
          %parallel_loop3A_1631 = tpu.all_reduce %parallel_loop3A_1612 {dim = 0 : i64, kind = #tpu.reduction_kind<sum>} : vector<16xi1> -> vector<16xi32>
          %parallel_loop3A_1632 = arith.addi %parallel_loop3A_1604, %parallel_loop3A_1631 : vector<16xi32>
          scf.yield %parallel_loop3A_1632 : vector<16xi32>
        } {sc.loop_unroll_factor = 16 : i64, sc.parallel_access}
      } else {
      }
      "tpu.region"() ({
        %run_scoped3A = tpu.sem_alloc : memref<!tpu.dma_semaphore, #tpu.memory_space<semaphore_mem>>
        %dma_start3A = arith.constant 0 : i32
        %dma_start3A_1596 = tpu.memref_slice %arg3[%arg1, %dma_start3A] : memref<8x4096xf32, #tpu.memory_space<hbm>> -> memref<1x4096xf32, #tpu.memory_space<hbm>>
        %dma_start3A_1597 = tpu.memref_squeeze %dma_start3A_1596 : memref<1x4096xf32, #tpu.memory_space<hbm>> -> memref<4096xf32, #tpu.memory_space<hbm>>
        %dma_start3A_1598 = arith.constant 0 : i32
        %dma_start3A_1599 = tpu.memref_slice %arg3[%arg1, %dma_start3A_1598] : memref<8x4096xf32, #tpu.memory_space<hbm>> -> memref<1x4096xf32, #tpu.memory_space<hbm>>
        %dma_start3A_1600 = tpu.memref_squeeze %dma_start3A_1599 : memref<1x4096xf32, #tpu.memory_space<hbm>> -> memref<4096xf32, #tpu.memory_space<hbm>>
        tpu.enqueue_dma source(%arg6 : memref<4096xf32, #tpu.memory_space<vmem>>) target(%dma_start3A_1600 : memref<4096xf32, #tpu.memory_space<hbm>>) target_semaphore(%run_scoped3A : memref<!tpu.dma_semaphore, #tpu.memory_space<semaphore_mem>>)
        %dma_wait3A = arith.constant 0 : i32
        %dma_wait3A_1601 = tpu.memref_slice %arg3[%arg1, %dma_wait3A] : memref<8x4096xf32, #tpu.memory_space<hbm>> -> memref<1x4096xf32, #tpu.memory_space<hbm>>
        %dma_wait3A_1602 = tpu.memref_squeeze %dma_wait3A_1601 : memref<1x4096xf32, #tpu.memory_space<hbm>> -> memref<4096xf32, #tpu.memory_space<hbm>>
        %dma_wait3A_1603 = arith.constant 0 : i32
        %dma_wait3A_1604 = tpu.memref_slice %arg3[%arg1, %dma_wait3A_1603] : memref<8x4096xf32, #tpu.memory_space<hbm>> -> memref<1x4096xf32, #tpu.memory_space<hbm>>
        %dma_wait3A_1605 = tpu.memref_squeeze %dma_wait3A_1604 : memref<1x4096xf32, #tpu.memory_space<hbm>> -> memref<4096xf32, #tpu.memory_space<hbm>>
        tpu.wait_dma2 semaphore(%run_scoped3A : memref<!tpu.dma_semaphore, #tpu.memory_space<semaphore_mem>>) src(%arg6 : memref<4096xf32, #tpu.memory_space<vmem>>) dst(%dma_wait3A_1605 : memref<4096xf32, #tpu.memory_space<hbm>>)
        tpu.yield
      }) : () -> ()
    } else {
    }
    return
  }
}

</mosaic_0001>

<sc_bundles>
// kernel: kernel.3.cloned.1.call-start
scs
__scs_entry_jumppad:
0x0: {  	(pc) =	sbr.rel $0x88, $3  }
0x1: {  	(tag) =	ssettag $0x0;
	lr =	simm.s32 $0x1  }
0x2: {  	[smem:$0x3FA0] =	sst lr;
	_ =	strace $0xD0000000  }
0x3: {  	_ = 	snop  }
0x4: {  	_ = 	snop  }
0x5: {  	_ = 	snop  }
0x6: {  	_ = 	snop  }
0x7: {  	_ = 	snop  }
__scs_overlays_trampoline_lowered:
0x8: {  	[smem:$0x3FAF] =	sst s0  }
0x9: {  	[smem:$0x3FB0] =	sst s1  }
0xa: {  	[smem:$0x3FB1] =	sst s2  }
0xb: {  	[smem:$0x3FB2] =	sst s3  }
0xc: {  	[smem:$0x3FB3] =	sst s4  }
0xd: {  	[smem:$0x3FB4] =	sst s5  }
0xe: {  	[smem:$0x3FB5] =	sst s6  }
0xf: {  	[smem:$0x3FB6] =	sst s7  }
0x10: {  	[smem:$0x3FB7] =	sst s8  }
0x11: {  	[smem:$0x3FB8] =	sst s9;
	s0 =	simm.s32 @!p0 $0x0  }
0x12: {  	s1 =	sld [smem:$0x3F9E];
	s0 =	simm.s32 @p0 $0x1  }
0x13: {  	[smem:$0x3FB9] =	sst s0;
	s0 =	simm.s32 @!p1 $0x0  }
0x14: {  	s2 =	sld [smem:$0x3F9D];
	s0 =	simm.s32 @p1 $0x1  }
0x15: {  	[smem:$0x3FBA] =	sst s0;
	s0 =	simm.s32 @!p2 $0x0  }
0x16: {  	s3 =	sld [smem:$0x3FDB];
	s0 =	simm.s32 @p2 $0x1  }
0x17: {  	s4 =	simm.s32 $0x1BF5;
	[smem:$0x3FBC] =	sst s0  }
0x18: {  	s0 =	sld [smem:$0x3F9F];
	_ =	swait.ge [sflag:s4], $0x0  }
0x19: {  	s7 =	sld [smem:$0x3FA0]  }
0x1a: {  	s8 =	sadd.s32 $0xFFFFE003, lr  }
0x1b: {  	s9 =	sadd.s32 $0xFFFFFEF7, lr;
	s5 =	simm.s32 $0xFFFFFFFF;
	p2 =	slt.u32 s8, $0xFFFFF086  }
0x1c: {  	p1 =	slt.u32 s9, $0xF7A;
	s5 =	simm.s32 @!p2 $0x0  }
0x1d: {  	s5 =	simm.s32 @p1 $0x1;
	p0 =	seq.s32 s7, s2  }
0x1e: {  	s7 =	smul.u32 @!p0 $0xF7A, s2;
	p2 =	seq.s32 @!p0 s5, $0x0  }
0x1f: {  	s9 =	smul.u32 $0xF7A, s1;
	s8 =	simm.s32 @!p0 $0x1BF5;
	p2 =	por !p2, p0  }
0x20: {  	[sflag:s8] =	ssyncset.s32 @!p0 $0xFFFFF086;
	s6 =	sadd.s32 @!p0 s3, s7;
	s7 =	simm.s32 @!p0 $0x108  }
0x21: {  	s3 =	sadd.s32 s3, s9;
	s6 =	sadd.s32 @!p0 $0x88, s6;
	s7 =	simm.s32 @p2 $0x1082  }
0x22: {  	[simem:s7], [sflag:s8] =	dma.local @!p0 [hbm:s6], $0xF7A  }
0x23: {  	s9 =	sor.u32 $0xD0000000, s2;
	s6 =	simm.s32 $0x108;
	_ =	swait.ge @!p0 [sflag:s8], $0x0  }
0x24: {  	s3 =	sadd.s32 $0x88, s3;
	s6 =	simm.s32 @!p1 $0x1082;
	[sflag:s4] =	ssyncset.s32 $0xFFFFF086  }
0x25: {  	[simem:s6], [sflag:s4] =	dma.local [hbm:s3], $0xF7A  }
0x26: {  	[smem:$0x3FA0] =	sst s1;
	(tag) =	ssettag s2;
	_ =	strace s9  }
0x27: {  	s1 =	sld [smem:$0x3FB0]  }
0x28: {  	s2 =	sld [smem:$0x3FB1]  }
0x29: {  	s4 =	sld [smem:$0x3FB3]  }
0x2a: {  	p0 =	seq.s32 s5, $0x0;
	s5 =	sld [smem:$0x3FB4]  }
0x2b: {  	s6 =	sld [smem:$0x3FB5]  }
0x2c: {  	s7 =	sld [smem:$0x3FB6]  }
0x2d: {  	s3 =	simm.s32 $0x108;
	s8 =	sld [smem:$0x3FB7]  }
0x2e: {  	s3 =	simm.s32 @!p0 $0x1082;
	s9 =	sld [smem:$0x3FB8]  }
0x2f: {  	lr =	sadd.s32 s0, s3;
	s0 =	sld [smem:$0x3FAF]  }
0x30: {  	s3 =	sld [smem:$0x3FB2]  }
0x31: {  	[smem:$0x3FBB] =	sst s10  }
0x32: {  	s10 =	sld [smem:$0x3FB9];
	_ =	sdelay $0x3  }
0x33: {  	p0 =	seq.s32 s10, $0x1;
	s10 =	sld [smem:$0x3FBB];
	_ =	sdelay $0x3  }
0x34: {  	[smem:$0x3FBB] =	sst s10  }
0x35: {  	s10 =	sld [smem:$0x3FBA];
	_ =	sdelay $0x3  }
0x36: {  	p1 =	seq.s32 s10, $0x1;
	s10 =	sld [smem:$0x3FBB];
	_ =	sdelay $0x3  }
0x37: {  	[smem:$0x3FBB] =	sst s10  }
0x38: {  	s10 =	sld [smem:$0x3FBC]  }
0x39: {  	_ = 	snop;
	(pc) =	sbr.ind lr, $3  }
0x3a: {  	_ = 	snop  }
0x3b: {  	_ = 	snop  }
0x3c: {  	p2 =	seq.s32 s10, $0x1;
	s10 =	sld [smem:$0x3FBB]  }
0x3d: {  	_ =	shalt  }
0x3e: {  	_ =	shalt  }
0x3f: {  	_ =	shalt  }
0x40: {  	_ =	shalt  }
0x41: {  	_ =	shalt  }
0x42: {  	_ =	shalt  }
0x43: {  	_ =	shalt  }
0x44: {  	_ =	shalt  }
0x45: {  	_ =	shalt  }
0x46: {  	_ =	shalt  }
0x47: {  	_ =	shalt  }
0x48: {  	_ =	shalt  }
0x49: {  	_ =	shalt  }
0x4a: {  	_ =	shalt  }
0x4b: {  	_ =	shalt  }
0x4c: {  	_ =	shalt  }
0x4d: {  	_ =	shalt  }
0x4e: {  	_ =	shalt  }
0x4f: {  	_ =	shalt  }
0x50: {  	_ =	shalt  }
0x51: {  	_ =	shalt  }
0x52: {  	_ =	shalt  }
0x53: {  	_ =	shalt  }
0x54: {  	_ =	shalt  }
0x55: {  	_ =	shalt  }
0x56: {  	_ =	shalt  }
0x57: {  	_ =	shalt  }
0x58: {  	_ =	shalt  }
0x59: {  	_ =	shalt  }
0x5a: {  	_ =	shalt  }
0x5b: {  	_ =	shalt  }
0x5c: {  	_ =	shalt  }
0x5d: {  	_ =	shalt  }
0x5e: {  	_ =	shalt  }
0x5f: {  	_ =	shalt  }
0x60: {  	_ =	shalt  }
0x61: {  	_ =	shalt  }
0x62: {  	_ =	shalt  }
0x63: {  	_ =	shalt  }
0x64: {  	_ =	shalt  }
0x65: {  	_ =	shalt  }
0x66: {  	_ =	shalt  }
0x67: {  	_ =	shalt  }
0x68: {  	_ =	shalt  }
0x69: {  	_ =	shalt  }
0x6a: {  	_ =	shalt  }
0x6b: {  	_ =	shalt  }
0x6c: {  	_ =	shalt  }
0x6d: {  	_ =	shalt  }
0x6e: {  	_ =	shalt  }
0x6f: {  	_ =	shalt  }
0x70: {  	_ =	shalt  }
0x71: {  	_ =	shalt  }
0x72: {  	_ =	shalt  }
0x73: {  	_ =	shalt  }
0x74: {  	_ =	shalt  }
0x75: {  	_ =	shalt  }
0x76: {  	_ =	shalt  }
0x77: {  	_ =	shalt  }
0x78: {  	_ =	shalt  }
0x79: {  	_ =	shalt  }
0x7a: {  	_ =	shalt  }
0x7b: {  	_ =	shalt  }
0x7c: {  	_ =	shalt  }
0x7d: {  	_ =	shalt  }
0x7e: {  	_ =	shalt  }
0x7f: {  	_ =	shalt  }
0x80: {  	_ =	shalt  }
0x81: {  	_ =	shalt  }
0x82: {  	_ =	shalt  }
0x83: {  	_ =	shalt  }
0x84: {  	_ =	shalt  }
0x85: {  	_ =	shalt  }
0x86: {  	_ =	shalt  }
0x87: {  	_ =	shalt  }
.Lfunc_end0:
.L_simem_size_0:
called_computation_lowered:
.L_overlay_start_0:
0x88: {  	s0 =	sld [smem:$0x3FD9]  }
0x89: {  	s1 =	sld [smem:$0x3FFE];
	_ =	sdelay $0x3  }
0x8a: {  	s0 =	sadd.s32 s1, s0  }
0x8b: {  	[smem:$0x3FC7] =	sst s0  }
0x8c: {  	_ = 	snop  }
0x8d: {  	s0 =	sld [smem:$0x3FD0];
	(tm) =	ssettm $0x1  }
0x8e: {  	s16 =	sld [smem:$0x3FFB];
	_ =	sdelay $0x3  }
0x8f: {  	_ =	strace s16  }
0x90: {  	s1 =	sld [smem:$0x3FFC];
	_ =	sdelay $0x3  }
0x91: {  	_ =	strace s1  }
0x92: {  	s1 =	sld [smem:$0x3FFD];
	_ =	sdelay $0x3  }
0x93: {  	_ =	strace s1  }
0x94: {  	_ =	strace $0x8FFFFFFF  }
0x95: {  	s17 =	sld [smem:$0x3FDB];
	_ =	sdelay $0x1  }
0x96: {  	s2 =	simm.s32 $_scs_section_size  }
0x97: {  	s3 =	simm.s32 $_size__tile_overlayer_lowered;
	s4 =	simm.s32 $_tile_overlayer_lowered  }
0x98: {  	s20 =	simm.s32 $0x1BFF;
	s19 =	sshll.u32 s4, $0x1;
	s1 =	sadd.s32 s2, s17  }
0x99: {  	s5 =	simm.s32 $0x0;
	s18 =	sshll.u32 s3, $0x1;
	s3 =	sadd.s32 s19, s1  }
0x9a: {  	[timem:s5], [sflag:s20] =	dma.local [hbm:s3], s18  }
0x9b: {  	_ =	swait.ge [sflag:s20], s18  }
0x9c: {  	s2 =	ssub.s32 $0x0, s18;
	[sflag:s20] =	ssyncset.done $0x0  }
0x9d: {  	[sflag:s20] =	ssyncadd.s32 s2;
	_ =	sdelay $0x1  }
0x9e: {  	s21 =	simm.s32 $0x1B8B  }
0x9f: {  	_ =	swait.ge [sflag:s21], $0x1  }
0xa0: {  	[sflag:s21] =	ssyncset.done $0x0  }
0xa1: {  	s23 =	simm.s32 $0x1B8E;
	s22 =	sld [smem:$0x3FFE];
	[sflag:s21] =	ssyncadd.s32 $0xFFFFFFFF  }
0xa2: {  	s24 =	simm.s32 $execute0_lowered;
	[smem:$0x3FD2] =	sst s23  }
0xa3: {  	s3 =	sshll.u32 s24, $0x1;
	_ =	strace $0x80000046;
	[dreg:$0x1] =	wrdreg $0xFFFFFFFF  }
0xa4: {  	s25 =	simm.s32 $_size_execute0_lowered;
	s1 =	sadd.s32 s1, s3;
	[dreg:$0x0] =	wrdreg $0x0  }
0xa5: {  	s3 =	sshll.u32 s25, $0x1;
	[dreg:$0x2] =	wrdreg s1  }
0xa6: {  	[dreg:$0x3] =	wrdreg s3  }
0xa7: {  	[dreg:$0x4] =	wrdreg $0xC0  }
0xa8: {  	_ =	task [dreg:s5], $0x5FFFF  }
0xa9: {  	[dreg:$0x1] =	wrdreg $0xFFFFFFFF  }
0xaa: {  	[dreg:$0x0] =	wrdreg $0x60  }
0xab: {  	[dreg:$0x2] =	wrdreg s22  }
0xac: {  	[dreg:$0x3] =	wrdreg s0  }
0xad: {  	[dreg:$0x4] =	wrdreg $0x9  }
0xae: {  	_ =	task.clear_ibuf [dreg:s5], $0x5FFFF;
	_ =	strace $0x90000046  }
0xaf: {  	s26 =	simm.s32 $0x9;
	_ =	strace $0x80000048  }
0xb0: {  	_ =	swait.ge [sflag:s26], $0x1  }
0xb1: {  	[sflag:s26] =	ssyncadd.s32 $0xFFFFFFFF  }
0xb2: {  	_ =	strace $0x90000048  }
0xb3: {  	_ =	sfence  }
0xb4: {  	s28 =	sld [smem:$0x0];
	_ =	sdelay $0x1  }
0xb5: {  	s29 =	srdreg.scid  }
0xb6: {  	s30 =	sshll.u32 s29, $0xD;
	s31 =	sshrl.u32 s29, $0x2  }
0xb7: {  	s2 =	sand.u32 $0x4000, s30;
	s1 =	sand.u32 $0x1, s29;
	s0 =	sadd.s32 s31, s28  }
0xb8: {  	s1 =	sor.u32 s2, s1;
	s0 =	sshll.u32 s0, $0x11  }
0xb9: {  	s0 =	sor.u32 s0, s1  }
0xba: {  	s0 =	sadd.s32 $0x8F2B, s0  }
0xbb: {  	[sflag:s0] =	ssyncadd.remote.s32 $0x1  }
0xbc: {  	_ =	sfence.sel $0xFFFF  }
0xbd: {  	[dreg:$0x0] =	wrdreg $0xFFFFFFFF;
	(pc) =	sbr.abs _section_cstart, $3  }
0xbe: {  	[dreg:$0x1] =	wrdreg $0xFFFFFFFF  }
0xbf: {  	_ =	task.clear_ibuf [dreg:s5], $0x2FFFF;
	_ =	strace $0x9FFFFFFF  }
0xc0: {  	(tm) =	ssettm $0x7FFFFFFF  }
0xc1: {  	_ =	shalt  }
tec
execute0_lowered:
.L_overlay_start_1:
0x0: {  	(tag) =	ssettag $0x1  }
0x1: {  	s1 =	stileid.u32  }
0x2: {  	p0 =	sgt.u32 s1, $0x7  }
.Ltmp0:
0x3: {  	_ = 	snop;
	(pc) =	sbr.rel @p0 .LBB2_17-.Ltmp0, $4  }
0x4: {  	s3 =	rddreg [dreg:$0x0]  }
0x5: {  	s2 =	rddreg [dreg:$0x1];
	s5 =	simm.s32 $0x0  }
0x6: {  	[smem:$0x7FF] =	sst s5  }
0x7: {  	s0 =	rddreg [dreg:$0x2];
	_ =	strace $0x80000047  }
0x8: {  	s4 =	sadd.s32 $0x400, s3;
	s28 =	sshll.u32 s1, $0x4;
	s29 =	simm.s32 $0x80  }
0x9: {  	s7 =	simm.s32 $0x400;
	s30 =	simm.s32 $0x1;
	s6 =	sadd.s32 s4, s28  }
0xa: {  	[tilespmem:s5], [sflag:$0x1] =	stream.strided.gather [hbm4b:s6+s29], $0x1000, s7, s29, $0x38;
	[tilespmem:$0x3200] =	vst v63  }
0xb: {  	_ =	swait.ge [sflag:s30], $0x1000  }
0xc: {  	[sflag:s30] =	ssyncset.done $0x0  }
0xd: {  	v0 =	vimm.s32 $0x0;
	[sflag:s30] =	ssyncadd.s32 $0xFFFFF000  }
0xe: {  	[tilespmem:$0x3000] =	vst v0  }
0xf: {  	[tilespmem:$0x3010] =	vst v0  }
0x10: {  	[tilespmem:$0x3020] =	vst v0  }
0x11: {  	[tilespmem:$0x3030] =	vst v0  }
0x12: {  	[tilespmem:$0x3040] =	vst v0  }
0x13: {  	[tilespmem:$0x3050] =	vst v0  }
0x14: {  	[tilespmem:$0x3060] =	vst v0  }
0x15: {  	[tilespmem:$0x3070] =	vst v0  }
0x16: {  	[tilespmem:$0x3080] =	vst v0  }
0x17: {  	[tilespmem:$0x3090] =	vst v0  }
0x18: {  	[tilespmem:$0x30A0] =	vst v0  }
0x19: {  	[tilespmem:$0x30B0] =	vst v0  }
0x1a: {  	[tilespmem:$0x30C0] =	vst v0  }
0x1b: {  	[tilespmem:$0x30D0] =	vst v0  }
0x1c: {  	[tilespmem:$0x30E0] =	vst v0  }
0x1d: {  	[tilespmem:$0x30F0] =	vst v0  }
0x1e: {  	[tilespmem:$0x3100] =	vst v0  }
0x1f: {  	v1 =	vld [tilespmem:s29+$0xFFFFFFA0]  }
0x20: {  	v2 =	vld [tilespmem:s29+$0x30]  }
0x21: {  	v0 =	vld [tilespmem:s29+$0xFFFFFFC0]  }
0x22: {  	v3 =	vld [tilespmem:s29+$0x60]  }
0x23: {  	v4 =	vld [tilespmem:s29+$0xFFFFFFD0]  }
0x24: {  	v6 =	vld [tilespmem:s29+$0x40]  }
0x25: {  	v14 =	vld [tilespmem:s29+$0x20];
	_ =	sdelay $0x1  }
0x26: {  	v5 =	vld [tilespmem:s29+$0x0]  }
0x27: {  	v7 =	vld [tilespmem:s29+$0xFFFFFF90];
	v8 =	vshra.s32 v2, $0x1F;
	v9 =	vshra.s32 v3, $0x1F  }
0x28: {  	v15 =	vld [tilespmem:s29+$0xFFFFFFF0];
	v10 =	vshra.s32 v4, $0x1F;
	v11 =	vshra.s32 v0, $0x1F;
	v12 =	vshra.s32 v1, $0x1F  }
0x29: {  	v20 =	vld [tilespmem:s29+$0x70];
	v13 =	vshra.s32 v6, $0x1F;
	v22 =	vshra.s32 v14, $0x1F;
	v8 =	vand.u32 $0x7FFFFFFF, v8  }
0x2a: {  	v9 =	vand.u32 $0x7FFFFFFF, v9;
	v11 =	vand.u32 $0x7FFFFFFF, v11;
	v12 =	vand.u32 $0x7FFFFFFF, v12  }
0x2b: {  	v13 =	vand.u32 $0x7FFFFFFF, v13;
	v3 =	vxor.u32 v3, v9;
	v9 =	vshra.s32 v5, $0x1F  }
0x2c: {  	v18 =	vld [tilespmem:s29+$0xFFFFFFB0];
	v11 =	vxor.u32 v0, v11;
	v0 =	vand.u32 $0x7FFFFFFF, v10;
	v10 =	vshra.s32 v7, $0x1F  }
0x2d: {  	v16 =	vld [tilespmem:s29+$0x10];
	v8 =	vxor.u32 v2, v8;
	v2 =	vshra.s32 v15, $0x1F;
	v13 =	vxor.u32 v6, v13  }
0x2e: {  	v6 =	vshra.s32 v20, $0x1F;
	v4 =	vxor.u32 v4, v0;
	v0 =	vshra.s32 v3, $0x18  }
0x2f: {  	v17 =	vshra.s32 v11, $0x18;
	v10 =	vand.u32 $0x7FFFFFFF, v10;
	v9 =	vand.u32 $0x7FFFFFFF, v9  }
0x30: {  	v2 =	vand.u32 $0x7FFFFFFF, v2;
	v19 =	vshra.s32 v4, $0x18;
	v5 =	vxor.u32 v5, v9  }
0x31: {  	s31 =	simm.s32 $0x1080;
	v9 =	vxor.u32 v1, v12;
	v15 =	vxor.u32 v15, v2;
	v2 =	vshra.s32 v18, $0x1F  }
0x32: {  	[tilespmem:s31+$0xFFFFFFD0] =	vst v4;
	v4 =	vand.u32 $0x7FFFFFFF, v6;
	v1 =	vadd.s32 $0x80, v19;
	v19 =	vshra.s32 v16, $0x1F  }
0x33: {  	[tilespmem:s31+$0x60] =	vst v3;
	v2 =	vand.u32 $0x7FFFFFFF, v2;
	v3 =	vand.u32 $0x7FFFFFFF, v19;
	v19 =	vxor.u32 v7, v10  }
0x34: {  	[tilespmem:s31+$0x30] =	vst v8;
	v12 =	vshra.s32 v5, $0x18;
	v18 =	vxor.u32 v18, v2;
	v2 =	vshra.s32 v19, $0x18  }
0x35: {  	v21 =	vld [tilespmem:s29+$0xFFFFFF80];
	[tilespmem:s31+$0x0] =	vst v5;
	v20 =	vxor.u32 v20, v4;
	v5 =	vshra.s32 v18, $0x18;
	v4 =	vadd.s32 $0x80, v2  }
0x36: {  	v23 =	vld [tilespmem:s29+$0xFFFFFFE0];
	[tilespmem:s31+$0x40] =	vst v13;
	v2 =	vadd.s32 $0x80, v5;
	v5 =	vshra.s32 v20, $0x18;
	(xrf1) =	vunique.msk.u32 $0xffff, v4  }
0x37: {  	v16 =	vxor.u32 v16, v3;
	v3 =	vshra.s32 v9, $0x18;
	v6 =	vadd.s32 $0x80, v5;
	(xrf1) =	vunique.msk.u32 $0xffff, v2  }
0x38: {  	v24 =	vld [tilespmem:s29+$0x50];
	v8 =	vshra.s32 v8, $0x18;
	v3 =	vadd.s32 $0x80, v3;
	v5 =	vshra.s32 v16, $0x18;
	(xrf1) =	vunique.msk.u32 $0xffff, v6  }
0x39: {  	[tilespmem:s31+$0xFFFFFFF0] =	vst v15;
	v7 =	vadd.s32 $0x80, v5;
	v5 =	vshra.s32 v15, $0x18;
	(xrf1) =	vunique.msk.u32 $0xffff, v3  }
0x3a: {  	s5 =	simm.s32 $0x180;
	[tilespmem:s31+$0xFFFFFFA0] =	vst v9;
	v9 =	vshra.s32 v21, $0x1F;
	v15 =	vadd.s32 $0x80, v17;
	v10 =	vadd.s32 $0x80, v5  }
0x3b: {  	[tilespmem:s31+$0xFFFFFFC0] =	vst v11;
	v17 =	vld [tilespmem:s5+$0x60];
	v5 =	vadd.s32 $0x80, v8;
	v8 =	vand.u32 $0x7FFFFFFF, v9;
	v9 =	vshra.s32 v23, $0x1F  }
0x3c: {  	v11 =	vshra.s32 v13, $0x18;
	[tilespmem:s31+$0x70] =	vst v20;
	v9 =	vand.u32 $0x7FFFFFFF, v9;
	(xrf1) =	vunique.msk.u32 $0xffff, v7  }
0x3d: {  	v29 =	vld [tilespmem:s5+$0xFFFFFFC0];
	[tilespmem:s31+$0x10] =	vst v16;
	v16 =	vshra.s32 v24, $0x1F;
	v9 =	vxor.u32 v23, v9;
	(xrf1) =	vunique.msk.u32 $0xffff, v15  }
0x3e: {  	v30 =	vxor.u32 v21, v8;
	v8 =	vadd.s32 $0x80, v11;
	v11 =	vshra.s32 v9, $0x18;
	(xrf1) =	vunique.msk.u32 $0xffff, v10  }
0x3f: {  	v26 =	vld [tilespmem:s5+$0x30];
	[tilespmem:s31+$0xFFFFFFE0] =	vst v9;
	v20 =	vadd.s32 $0x80, v11;
	v11 =	vand.u32 $0x7FFFFFFF, v16;
	(xrf1) =	vunique.msk.u32 $0xffff, v5  }
0x40: {  	v28 =	vld [tilespmem:s5+$0xFFFFFFD0];
	v9 =	vand.u32 $0x7FFFFFFF, v22;
	v33 =	vxor.u32 v24, v11;
	v11 =	vshra.s32 v17, $0x1F;
	(xrf1) =	vunique.msk.u32 $0xffff, v1  }
0x41: {  	v25 =	vld [tilespmem:s5+$0xFFFFFF90];
	v13 =	vshra.s32 v30, $0x18;
	v9 =	vxor.u32 v14, v9;
	v11 =	vand.u32 $0x7FFFFFFF, v11;
	(xrf1) =	vunique.msk.u32 $0xffff, v20  }
0x42: {  	v31 =	vld [tilespmem:s5+$0xFFFFFFA0];
	v16 =	vadd.s32 $0x80, v12;
	v12 =	vshra.s32 v9, $0x18;
	v24 =	vshra.s32 v29, $0x1F;
	(xrf1) =	vunique.msk.u32 $0xffff, v8  }
0x43: {  	v23 =	vld [tilespmem:s5+$0x0];
	v46 =	vxor.u32 v17, v11;
	v17 =	vadd.s32 $0x80, v12;
	v12 =	vand.u32 $0x7FFFFFFF, v24  }
0x44: {  	v13 =	vadd.s32 $0x80, v13;
	(xrf1) =	vunique.msk.u32 $0xffff, v16;
	_, v14, vm2 =	vpop (xrf1)  }
0x45: {  	v0 =	vadd.s32 $0x80, v0;
	v21 =	vld [tilespmem:s5+$0x40];
	(xrf1) =	vunique.msk.u32 $0xffff, v13;
	_, v11, vm0 =	vpop (xrf1)  }
0x46: {  	v38 =	vshra.s32 v25, $0x1F;
	[tilespmem:s31+$0xFFFFFF90] =	vst v19;
	_, v27, vm4 =	vpop (xrf1);
	(xrf1) =	vunique.msk.u32 $0xffff, v0  }
0x47: {  	[tilespmem:s31+$0xFFFFFFB0] =	vst v18;
	v18 =	vshra.s32 v26, $0x1F;
	v41 =	vxor.u32 v29, v12;
	_, v12, vm1 =	vpop (xrf1);
	(xrf1) =	vunique.msk.u32 $0xffff, v17  }
0x48: {  	v32 =	vld [tilespmem:s5+$0x10];
	v19 =	vshra.s32 v28, $0x1F;
	[tilespmem:s31+$0x20] =	vst v9;
	v9 =	vshra.s32 v31, $0x1F;
	v35 =	vshra.s32 v23, $0x1F  }
0x49: {  	v22 =	vand.u32 $0x7FFFFFFF, v18;
	v18 =	vld [tilespmem:s5+$0x20];
	v47 =	vand.u32 $0x7FFFFFFF, v9;
	v9 =	vand.u32 $0x7FFFFFFF, v19  }
0x4a: {  	v43 =	vld [tilespmem:s5+$0xFFFFFFF0];
	v42 =	vand.u32 $0x7FFFFFFF, v38;
	[tilespmem:s31+$0xFFFFFF80] =	vst v30;
	v45 =	vshra.s32 v21, $0x1F;
	v36 =	vxor.u32 v28, v9;
	_, v29, vm5 =	vpop (xrf1)  }
0x4b: {  	s4 =	simm.s32 $0x1180;
	v44 =	vld [tilespmem:s5+$0x70];
	v37 =	vshra.s32 v33, $0x18;
	[tilespmem:s31+$0x50] =	vst v33;
	v9 =	vshra.s32 v46, $0x18;
	v39 =	vshra.s32 v36, $0x18;
	_, v40, vm8 =	vpop (xrf1)  }
0x4c: {  	v24 =	vld [tilespmem:s5+$0xFFFFFF80];
	v28 =	vand.u32 $0x7FFFFFFF, v35;
	[tilespmem:s4+$0x60] =	vst v46;
	v19 =	vadd.s32 $0x80, v9;
	v9 =	vadd.s32 $0x80, v37;
	_, v35, vm7 =	vpop (xrf1)  }
0x4d: {  	s3 =	simm.s32 $0x3000;
	s8 =	simm.s32 $0x1180;
	v46 =	vxor.u32 v31, v47;
	v47 =	vld [tilespmem:s5+$0xFFFFFFB0];
	v38 =	vxor.u32 v23, v28;
	v37 =	vxor.u32 v26, v22;
	_, v23, vm3 =	vpop (xrf1);
	(xrf1) =	vunique.msk.u32 $0xffff, v9  }
0x4e: {  	s2 =	sadd.s32 s2, s28;
	s6 =	simm.s32 $0x10;
	s7 =	simm.s32 $0x280;
	v34 =	vshra.s32 v41, $0x18;
	v22 =	vld [tilespmem:s5+$0x50];
	v26 =	vshra.s32 v18, $0x1F;
	v28 =	vshra.s32 v38, $0x18;
	[tilespmem:s4+$0x30] =	vst v37;
	_, v31, vm6 =	vpop (xrf1)  }
.LBB2_2:
0x4f: {  	v30 =	vld [tilespmem:s7+$0xFFFFFFA0];
	s6 =	sadd.s32 $0x10, s6;
	[tilespmem:s4+$0xFFFFFFD0] =	vst v36;
	v48 =	vadd.s32 $0x80, v39;
	v36 =	vshra.s32 v43, $0x1F;
	v52 =	vand.u32 $0x7FFFFFFF, v45;
	s8 =	sadd.s32 $0x100, s8;
	_, v45, vm13 =	vpop (xrf1)  }
0x50: {  	v33 =	vld [tilespmem:s7+$0x30];
	p0 =	slt.u32 s6, $0xF0;
	v49 =	vand.u32 $0x7FFFFFFF, v36;
	[tilespmem:s4+$0x0] =	vst v38;
	v38 =	vshra.s32 v32, $0x1F;
	v21 =	vxor.u32 v21, v52;
	_, v50, vm11 =	vpop (xrf1)  }
0x51: {  	v51 =	vmovc v18;
	v39 =	vmovc v13;
	v36 =	vld [tilespmem:s7+$0xFFFFFFC0];
	v43 =	vxor.u32 v43, v49;
	v49 =	vand.u32 $0x7FFFFFFF, v38;
	[tilespmem:s4+$0x40] =	vst v21;
	v21 =	vshra.s32 v21, $0x18  }
0x52: {  	v18 =	vshra.s32 v44, $0x1F;
	v38 =	vld [tilespmem:s7+$0xFFFFFFD0];
	[tilespmem:s4+$0xFFFFFFC0] =	vst v41;
	v13 =	vxor.u32 v32, v49;
	v49 =	vadd.s32 $0x80, v21;
	_, v41, vm9 =	vpop (xrf1)  }
0x53: {  	v32 =	vshra.s32 v43, $0x18;
	v21 =	vshra.s32 v47, $0x1F;
	v54 =	vshra.s32 v13, $0x18;
	[tilespmem:v15+s3+$0x0] =	vst.idx.add.s32.msk vm8, v40;
	_, v40, vm8 =	vpop (xrf1)  }
0x54: {  	v18 =	vand.u32 $0x7FFFFFFF, v18;
	v53 =	vld [tilespmem:s7+$0x60];
	v15 =	vand.u32 $0x7FFFFFFF, v21;
	[tilespmem:s4+$0xFFFFFFF0] =	vst v43;
	v43 =	vadd.s32 $0x80, v54;
	_, v52, vm12 =	vpop (xrf1)  }
0x55: {  	v25 =	vxor.u32 v25, v42;
	[tilespmem:s4+$0xFFFFFFA0] =	vst v46;
	v46 =	vshra.s32 v46, $0x18;
	v47 =	vxor.u32 v47, v15;
	v54 =	vld [tilespmem:s5+$0xFFFFFFE0];
	_, v42, vm10 =	vpop (xrf1);
	s5 =	smov.u32 s7  }
0x56: {  	v56 =	vmovc v16;
	v44 =	vxor.u32 v44, v18;
	v15 =	vshra.s32 v25, $0x18;
	v57 =	vshra.s32 v47, $0x18;
	[tilespmem:v20+s3+$0x0] =	vst.idx.add.s32.msk vm13, v45  }
0x57: {  	v55 =	vmovc v17;
	v16 =	vadd.s32 $0x80, v15;
	v21 =	vld [tilespmem:s7+$0x40];
	v45 =	vadd.s32 $0x80, v57;
	[tilespmem:s4+$0x10] =	vst v13;
	v13 =	vshra.s32 v44, $0x18  }
0x58: {  	v17 =	vadd.s32 $0x80, v46;
	v13 =	vadd.s32 $0x80, v13;
	(xrf1) =	vunique.msk.u32 $0xffff, v16;
	[tilespmem:v10+s3+$0x0] =	vst.idx.add.s32.msk vm7, v35  }
0x59: {  	v15 =	vadd.s32 $0x80, v34;
	v10 =	vshra.s32 v37, $0x18;
	(xrf1) =	vunique.msk.u32 $0xffff, v45;
	[tilespmem:v6+s3+$0x0] =	vst.idx.add.s32.msk vm4, v27;
	v6 =	vmovc v13  }
0x5a: {  	v13 =	vshra.s32 v24, $0x1F;
	v27 =	vadd.s32 $0x80, v10;
	(xrf1) =	vunique.msk.u32 $0xffff, v6;
	[tilespmem:v7+s3+$0x0] =	vst.idx.add.s32.msk vm5, v29;
	v7 =	vmovc v43  }
0x5b: {  	v13 =	vand.u32 $0x7FFFFFFF, v13;
	v10 =	vshra.s32 v54, $0x1F;
	v37 =	vld [tilespmem:s7+$0x0];
	[tilespmem:s4+$0xFFFFFF90] =	vst v25;
	(xrf1) =	vunique.msk.u32 $0xffff, v17;
	_, v35, vm7 =	vpop (xrf1)  }
0x5c: {  	v20 =	vand.u32 $0x7FFFFFFF, v10;
	v10 =	vadd.s32 $0x80, v32;
	(xrf1) =	vunique.msk.u32 $0xffff, v7;
	[tilespmem:v0+s3+$0x0] =	vst.idx.add.s32.msk vm12, v52;
	v0 =	vmovc v19  }
0x5d: {  	v19 =	vxor.u32 v24, v13;
	v24 =	vxor.u32 v54, v20;
	v18 =	vld [tilespmem:s7+$0x20];
	[tilespmem:s4+$0xFFFFFFB0] =	vst v47;
	(xrf1) =	vunique.msk.u32 $0xffff, v15  }
0x5e: {  	v13 =	vshra.s32 v19, $0x18;
	v20 =	vshra.s32 v24, $0x18;
	v25 =	vld [tilespmem:s7+$0xFFFFFF90];
	[tilespmem:s4+$0x70] =	vst v44;
	(xrf1) =	vunique.msk.u32 $0xffff, v10  }
0x5f: {  	v29 =	vshra.s32 v22, $0x1F;
	v13 =	vadd.s32 $0x80, v13;
	(xrf1) =	vunique.msk.u32 $0xffff, v27;
	[tilespmem:v1+s3+$0x0] =	vst.idx.add.s32.msk vm6, v31;
	v1 =	vmovc v48  }
0x60: {  	v20 =	vadd.s32 $0x80, v20;
	v31 =	vshra.s32 v33, $0x1F;
	(xrf1) =	vunique.msk.u32 $0xffff, v1;
	[tilespmem:v4+s3+$0x0] =	vst.idx.add.s32.msk vm2, v14;
	v4 =	vmovc v16  }
0x61: {  	v14 =	vand.u32 $0x7FFFFFFF, v26;
	v16 =	vand.u32 $0x7FFFFFFF, v29;
	v32 =	vld [tilespmem:s7+$0x10];
	[tilespmem:s4+$0xFFFFFFE0] =	vst v24;
	(xrf1) =	vunique.msk.u32 $0xffff, v20  }
0x62: {  	v26 =	vand.u32 $0x7FFFFFFF, v31;
	v22 =	vxor.u32 v22, v16;
	(xrf1) =	vunique.msk.u32 $0xffff, v49;
	[tilespmem:v8+s3+$0x0] =	vst.idx.add.s32.msk vm11, v50;
	v8 =	vmovc v49  }
0x63: {  	v29 =	vshra.s32 v38, $0x1F;
	v16 =	vadd.s32 $0x80, v28;
	v28 =	vxor.u32 v51, v14;
	[tilespmem:v5+s3+$0x0] =	vst.idx.add.s32.msk vm3, v23;
	v5 =	vmovc v27  }
0x64: {  	v24 =	vshra.s32 v28, $0x18;
	v23 =	vshra.s32 v53, $0x1F;
	(xrf1) =	vunique.msk.u32 $0xffff, v16;
	[tilespmem:v2+s3+$0x0] =	vst.idx.add.s32.msk vm0, v11;
	v2 =	vmovc v45  }
0x65: {  	v34 =	vshra.s32 v36, $0x1F;
	v31 =	vand.u32 $0x7FFFFFFF, v23;
	(xrf1) =	vunique.msk.u32 $0xffff, v13;
	[tilespmem:v3+s3+$0x0] =	vst.idx.add.s32.msk vm1, v12;
	v3 =	vmovc v17  }
0x66: {  	v23 =	vxor.u32 v53, v31;
	v17 =	vadd.s32 $0x80, v24;
	v43 =	vld [tilespmem:s7+$0xFFFFFFF0];
	[tilespmem:s4+$0x20] =	vst v28;
	_, v14, vm2 =	vpop (xrf1);
	(xrf1) =	vunique.msk.u32 $0xffff, v0  }
0x67: {  	v45 =	vshra.s32 v21, $0x1F;
	v28 =	vshra.s32 v37, $0x1F;
	_, v11, vm0 =	vpop (xrf1);
	(xrf1) =	vunique.msk.u32 $0xffff, v17;
	[tilespmem:v56+s3+$0x0] =	vst.idx.add.s32.msk vm9, v41  }
0x68: {  	v47 =	vshra.s32 v30, $0x1F;
	v44 =	vshra.s32 v22, $0x18;
	v31 =	vand.u32 $0x7FFFFFFF, v34;
	v24 =	vld [tilespmem:s7+$0xFFFFFF80];
	[tilespmem:s4+$0xFFFFFF80] =	vst v19;
	_, v27, vm4 =	vpop (xrf1)  }
0x69: {  	v46 =	vand.u32 $0x7FFFFFFF, v47;
	v41 =	vxor.u32 v36, v31;
	v19 =	vand.u32 $0x7FFFFFFF, v29;
	_, v12, vm1 =	vpop (xrf1);
	[tilespmem:v39+s3+$0x0] =	vst.idx.add.s32.msk vm8, v40  }
.Ltmp1:
0x6a: {  	v31 =	vshra.s32 v25, $0x1F;
	v36 =	vxor.u32 v38, v19;
	v19 =	vshra.s32 v23, $0x18;
	_, v29, vm5 =	vpop (xrf1);
	[tilespmem:v55+s3+$0x0] =	vst.idx.add.s32.msk vm10, v42;
	(pc) =	sbr.rel @p0 .LBB2_2-.Ltmp1, $4  }
0x6b: {  	v34 =	vshra.s32 v41, $0x18;
	v19 =	vadd.s32 $0x80, v19;
	_, v40, vm8 =	vpop (xrf1);
	[tilespmem:v9+s3+$0x0] =	vst.idx.add.s32.msk vm7, v35;
	v9 =	vadd.s32 $0x80, v44  }
0x6c: {  	v28 =	vand.u32 $0x7FFFFFFF, v28;
	v42 =	vand.u32 $0x7FFFFFFF, v31;
	v39 =	vshra.s32 v36, $0x18;
	v44 =	vld [tilespmem:s7+$0x70];
	[tilespmem:s4+$0x50] =	vst v22;
	_, v35, vm7 =	vpop (xrf1);
	s4 =	smov.u32 s8  }
0x6d: {  	v38 =	vxor.u32 v37, v28;
	v37 =	vxor.u32 v33, v26;
	v22 =	vld [tilespmem:s7+$0x50];
	[tilespmem:s8+$0x60] =	vst v23;
	_, v23, vm3 =	vpop (xrf1);
	(xrf1) =	vunique.msk.u32 $0xffff, v9  }
0x6e: {  	v46 =	vxor.u32 v30, v46;
	v26 =	vshra.s32 v18, $0x1F;
	v28 =	vshra.s32 v38, $0x18;
	s7 =	sadd.s32 $0x100, s7;
	v47 =	vld [tilespmem:s5+$0xFFFFFFB0];
	[tilespmem:s8+$0x30] =	vst v37;
	_, v31, vm6 =	vpop (xrf1)  }
0x6f: {  	_ =	sdelay $0x1  }
0x70: {  	[tilespmem:s4+$0xFFFFFFD0] =	vst v36  }
0x71: {  	v30 =	vshra.s32 v43, $0x1F;
	[tilespmem:s4+$0x0] =	vst v38  }
0x72: {  	v33 =	vadd.s32 $0x80, v39;
	v57 =	vand.u32 $0x7FFFFFFF, v45;
	v58 =	vshra.s32 v32, $0x1F;
	[tilespmem:s4+$0xFFFFFFC0] =	vst v41  }
0x73: {  	v25 =	vxor.u32 v25, v42;
	[tilespmem:v15+s3+$0x0] =	vst.idx.add.s32.msk vm8, v40;
	v15 =	vshra.s32 v46, $0x18;
	v30 =	vand.u32 $0x7FFFFFFF, v30  }
0x74: {  	[tilespmem:s4+$0xFFFFFFA0] =	vst v46;
	v21 =	vxor.u32 v21, v57;
	v48 =	vshra.s32 v25, $0x18;
	v60 =	vshra.s32 v47, $0x1F  }
0x75: {  	[tilespmem:v10+s3+$0x0] =	vst.idx.add.s32.msk vm7, v35;
	v30 =	vxor.u32 v43, v30;
	v61 =	vshra.s32 v44, $0x1F;
	v43 =	vand.u32 $0x7FFFFFFF, v60  }
0x76: {  	v39 =	vshra.s32 v21, $0x18;
	[tilespmem:s4+$0x40] =	vst v21;
	v21 =	vand.u32 $0x7FFFFFFF, v61;
	v63 =	vxor.u32 v47, v43  }
0x77: {  	[tilespmem:v6+s3+$0x0] =	vst.idx.add.s32.msk vm4, v27;
	v21 =	vxor.u32 v44, v21;
	v43 =	vadd.s32 $0x80, v48;
	v50 =	vshra.s32 v63, $0x18  }
0x78: {  	_, v62, vm11 =	vpop (xrf1);
	v49 =	vld [tilespmem:s5+$0xFFFFFFE0];
	v59 =	vand.u32 $0x7FFFFFFF, v58;
	v44 =	vshra.s32 v21, $0x18;
	(xrf1) =	vunique.msk.u32 $0xffff, v43;
	v52 =	vadd.s32 $0x80, v50  }
0x79: {  	[tilespmem:v7+s3+$0x0] =	vst.idx.add.s32.msk vm5, v29;
	v51 =	vxor.u32 v32, v59;
	v53 =	vadd.s32 $0x80, v44;
	(xrf1) =	vunique.msk.u32 $0xffff, v52  }
0x7a: {  	[tilespmem:v1+s3+$0x0] =	vst.idx.add.s32.msk vm6, v31;
	_, v54, vm10 =	vpop (xrf1);
	v15 =	vadd.s32 $0x80, v15;
	v55 =	vshra.s32 v51, $0x18;
	(xrf1) =	vunique.msk.u32 $0xffff, v53  }
0x7b: {  	[tilespmem:v4+s3+$0x0] =	vst.idx.add.s32.msk vm2, v14;
	_, v56, vm9 =	vpop (xrf1);
	v45 =	vadd.s32 $0x80, v55;
	(xrf1) =	vunique.msk.u32 $0xffff, v15  }
0x7c: {  	[tilespmem:v5+s3+$0x0] =	vst.idx.add.s32.msk vm3, v23;
	_, v57, vm8 =	vpop (xrf1);
	(xrf1) =	vunique.msk.u32 $0xffff, v45  }
0x7d: {  	v10 =	vshra.s32 v24, $0x1F;
	[tilespmem:v2+s3+$0x0] =	vst.idx.add.s32.msk vm0, v11  }
0x7e: {  	v37 =	vshra.s32 v37, $0x18;
	v6 =	vand.u32 $0x7FFFFFFF, v10;
	[tilespmem:v20+s3+$0x0] =	vst.idx.add.s32.msk vm11, v62;
	_, v42, vm11 =	vpop (xrf1)  }
0x7f: {  	v26 =	vand.u32 $0x7FFFFFFF, v26;
	v6 =	vxor.u32 v24, v6;
	[tilespmem:s4+$0xFFFFFFF0] =	vst v30;
	v30 =	vshra.s32 v30, $0x18  }
0x80: {  	[tilespmem:v3+s3+$0x0] =	vst.idx.add.s32.msk vm1, v12;
	v7 =	vshra.s32 v6, $0x18;
	v58 =	vshra.s32 v49, $0x1F;
	v20 =	vadd.s32 $0x80, v34  }
0x81: {  	[tilespmem:s4+$0xFFFFFF90] =	vst v25;
	v30 =	vadd.s32 $0x80, v30;
	v34 =	vand.u32 $0x7FFFFFFF, v58;
	(xrf1) =	vunique.msk.u32 $0xffff, v20  }
0x82: {  	v18 =	vxor.u32 v18, v26;
	v59 =	vadd.s32 $0x80, v37;
	v34 =	vxor.u32 v49, v34;
	(xrf1) =	vunique.msk.u32 $0xffff, v30  }
0x83: {  	[tilespmem:s4+$0x20] =	vst v18;
	v60 =	vshra.s32 v34, $0x18;
	(xrf1) =	vunique.msk.u32 $0xffff, v59  }
0x84: {  	v10 =	vadd.s32 $0x80, v60;
	[tilespmem:v0+s3+$0x0] =	vst.idx.add.s32.msk vm11, v42;
	v0 =	vadd.s32 $0x80, v7;
	_, v7, vm7 =	vpop (xrf1);
	(xrf1) =	vunique.msk.u32 $0xffff, v33  }
0x85: {  	v61 =	vadd.s32 $0x80, v39;
	[tilespmem:s4+$0xFFFFFFB0] =	vst v63;
	_, v63, vm11 =	vpop (xrf1);
	(xrf1) =	vunique.msk.u32 $0xffff, v10  }
0x86: {  	v14 =	vshra.s32 v22, $0x1F;
	[tilespmem:s4+$0x70] =	vst v21;
	v62 =	vadd.s32 $0x80, v28;
	(xrf1) =	vunique.msk.u32 $0xffff, v61;
	_, v21, vm4 =	vpop (xrf1)  }
0x87: {  	[tilespmem:s4+$0x10] =	vst v51;
	v14 =	vand.u32 $0x7FFFFFFF, v14;
	(xrf1) =	vunique.msk.u32 $0xffff, v62;
	_, v1, vm2 =	vpop (xrf1)  }
0x88: {  	[tilespmem:s4+$0xFFFFFF80] =	vst v6;
	v11 =	vxor.u32 v22, v14;
	v14 =	vshra.s32 v18, $0x18;
	(xrf1) =	vunique.msk.u32 $0xffff, v0;
	_, v4, vm6 =	vpop (xrf1)  }
0x89: {  	v12 =	vadd.s32 $0x80, v14;
	v14 =	vshra.s32 v11, $0x18;
	[tilespmem:v8+s3+$0x0] =	vst.idx.add.s32.msk vm10, v54;
	(xrf1) =	vunique.msk.u32 $0xffff, v19;
	_, v8, vm5 =	vpop (xrf1)  }
0x8a: {  	[tilespmem:s4+$0x50] =	vst v11;
	v14 =	vadd.s32 $0x80, v14;
	_, v5, vm3 =	vpop (xrf1);
	(xrf1) =	vunique.msk.u32 $0xffff, v12  }
0x8b: {  	[tilespmem:s4+$0xFFFFFFE0] =	vst v34;
	(xrf1) =	vunique.msk.u32 $0xffff, v14  }
0x8c: {  	[tilespmem:v16+s3+$0x0] =	vst.idx.add.s32.msk vm9, v56  }
0x8d: {  	[tilespmem:v13+s3+$0x0] =	vst.idx.add.s32.msk vm8, v57  }
0x8e: {  	[tilespmem:v17+s3+$0x0] =	vst.idx.add.s32.msk vm7, v7  }
0x8f: {  	[tilespmem:v9+s3+$0x0] =	vst.idx.add.s32.msk vm11, v63;
	_, v2, vm0 =	vpop (xrf1)  }
0x90: {  	[tilespmem:v43+s3+$0x0] =	vst.idx.add.s32.msk vm4, v21;
	_, v3, vm1 =	vpop (xrf1)  }
0x91: {  	_, v18, vm10 =	vpop (xrf1);
	[tilespmem:v52+s3+$0x0] =	vst.idx.add.s32.msk vm2, v1  }
0x92: {  	_, v16, vm9 =	vpop (xrf1);
	[tilespmem:v53+s3+$0x0] =	vst.idx.add.s32.msk vm6, v4  }
0x93: {  	_, v6, vm12 =	vpop (xrf1);
	[tilespmem:v15+s3+$0x0] =	vst.idx.add.s32.msk vm5, v8  }
0x94: {  	_, v13, vm8 =	vpop (xrf1);
	[tilespmem:v45+s3+$0x0] =	vst.idx.add.s32.msk vm3, v5  }
0x95: {  	_, v7, vm7 =	vpop (xrf1);
	[tilespmem:v20+s3+$0x0] =	vst.idx.add.s32.msk vm0, v2  }
0x96: {  	_, v9, vm11 =	vpop (xrf1);
	[tilespmem:v30+s3+$0x0] =	vst.idx.add.s32.msk vm1, v3  }
0x97: {  	_, v11, vm13 =	vpop (xrf1);
	[tilespmem:v59+s3+$0x0] =	vst.idx.add.s32.msk vm10, v18  }
0x98: {  	[tilespmem:v33+s3+$0x0] =	vst.idx.add.s32.msk vm9, v16;
	_, v2, vm0 =	vpop (xrf1)  }
0x99: {  	[tilespmem:v10+s3+$0x0] =	vst.idx.add.s32.msk vm12, v6;
	_, v3, vm1 =	vpop (xrf1)  }
0x9a: {  	[tilespmem:v61+s3+$0x0] =	vst.idx.add.s32.msk vm8, v13  }
0x9b: {  	[tilespmem:v62+s3+$0x0] =	vst.idx.add.s32.msk vm7, v7  }
0x9c: {  	[tilespmem:v0+s3+$0x0] =	vst.idx.add.s32.msk vm11, v9  }
0x9d: {  	[tilespmem:v19+s3+$0x0] =	vst.idx.add.s32.msk vm13, v11  }
0x9e: {  	[tilespmem:v12+s3+$0x0] =	vst.idx.add.s32.msk vm0, v2  }
0x9f: {  	[tilespmem:v14+s3+$0x0] =	vst.idx.add.s32.msk vm1, v3  }
0xa0: {  	v0 =	vld [tilespmem:$0x3000];
	_ =	sdelay $0x4  }
0xa1: {  	(xrf0) =	vadd.scan.msk.s32 $0xffff, v0;
	_ =	sdelay $0x3  }
0xa2: {  	v4 =	vimm.s32 $0x0;
	_ =	sdelay $0x1  }
0xa3: {  	v0, _, _ =	vpop (xrf0)  }
0xa4: {  	v0 =	vbroadcast v0, $0xF  }
0xa5: {  	s28 =	simm.s32 $0x3180  }
0xa6: {  	[tilespmem:v4+s28+$0x0] =	vst.idx.msk $0x1, v0  }
0xa7: {  	v0 =	vld [tilespmem:$0x3010];
	_ =	sdelay $0x4  }
0xa8: {  	(xrf0) =	vadd.scan.msk.s32 $0xffff, v0;
	_ =	sdelay $0x3  }
0xa9: {  	v0 =	vimm.s32 $0x1;
	_ =	sdelay $0x1  }
0xaa: {  	v1, _, _ =	vpop (xrf0)  }
0xab: {  	v1 =	vbroadcast v1, $0xF;
	_ =	sdelay $0x1  }
0xac: {  	[tilespmem:v0+s28+$0x0] =	vst.idx.msk $0x1, v1  }
0xad: {  	v1 =	vld [tilespmem:$0x3020];
	_ =	sdelay $0x4  }
0xae: {  	(xrf0) =	vadd.scan.msk.s32 $0xffff, v1;
	_ =	sdelay $0x3  }
0xaf: {  	v1 =	vimm.s32 $0x2;
	_ =	sdelay $0x1  }
0xb0: {  	v2, _, _ =	vpop (xrf0)  }
0xb1: {  	v2 =	vbroadcast v2, $0xF;
	_ =	sdelay $0x1  }
0xb2: {  	[tilespmem:v1+s28+$0x0] =	vst.idx.msk $0x1, v2  }
0xb3: {  	v1 =	vld [tilespmem:$0x3030];
	_ =	sdelay $0x4  }
0xb4: {  	(xrf0) =	vadd.scan.msk.s32 $0xffff, v1;
	_ =	sdelay $0x3  }
0xb5: {  	v1 =	vimm.s32 $0x3;
	_ =	sdelay $0x1  }
0xb6: {  	v2, _, _ =	vpop (xrf0)  }
0xb7: {  	v2 =	vbroadcast v2, $0xF;
	_ =	sdelay $0x1  }
0xb8: {  	[tilespmem:v1+s28+$0x0] =	vst.idx.msk $0x1, v2  }
0xb9: {  	v1 =	vld [tilespmem:$0x3040];
	_ =	sdelay $0x4  }
0xba: {  	(xrf0) =	vadd.scan.msk.s32 $0xffff, v1;
	_ =	sdelay $0x3  }
0xbb: {  	v1 =	vimm.s32 $0x4;
	_ =	sdelay $0x1  }
0xbc: {  	v2, _, _ =	vpop (xrf0)  }
0xbd: {  	v2 =	vbroadcast v2, $0xF;
	_ =	sdelay $0x1  }
0xbe: {  	[tilespmem:v1+s28+$0x0] =	vst.idx.msk $0x1, v2  }
0xbf: {  	v1 =	vld [tilespmem:$0x3050];
	_ =	sdelay $0x4  }
0xc0: {  	(xrf0) =	vadd.scan.msk.s32 $0xffff, v1;
	_ =	sdelay $0x3  }
0xc1: {  	v1 =	vimm.s32 $0x5;
	_ =	sdelay $0x1  }
0xc2: {  	v2, _, _ =	vpop (xrf0)  }
0xc3: {  	v2 =	vbroadcast v2, $0xF;
	_ =	sdelay $0x1  }
0xc4: {  	[tilespmem:v1+s28+$0x0] =	vst.idx.msk $0x1, v2  }
0xc5: {  	v1 =	vld [tilespmem:$0x3060];
	_ =	sdelay $0x4  }
0xc6: {  	(xrf0) =	vadd.scan.msk.s32 $0xffff, v1;
	_ =	sdelay $0x3  }
0xc7: {  	v1 =	vimm.s32 $0x6;
	_ =	sdelay $0x1  }
0xc8: {  	v2, _, _ =	vpop (xrf0)  }
0xc9: {  	v2 =	vbroadcast v2, $0xF;
	_ =	sdelay $0x1  }
0xca: {  	[tilespmem:v1+s28+$0x0] =	vst.idx.msk $0x1, v2  }
0xcb: {  	v1 =	vld [tilespmem:$0x3070];
	_ =	sdelay $0x4  }
0xcc: {  	(xrf0) =	vadd.scan.msk.s32 $0xffff, v1;
	_ =	sdelay $0x3  }
0xcd: {  	v1 =	vimm.s32 $0x7;
	_ =	sdelay $0x1  }
0xce: {  	v2, _, _ =	vpop (xrf0)  }
0xcf: {  	v2 =	vbroadcast v2, $0xF;
	_ =	sdelay $0x1  }
0xd0: {  	[tilespmem:v1+s28+$0x0] =	vst.idx.msk $0x1, v2  }
0xd1: {  	v1 =	vld [tilespmem:$0x3080];
	_ =	sdelay $0x4  }
0xd2: {  	(xrf0) =	vadd.scan.msk.s32 $0xffff, v1;
	_ =	sdelay $0x3  }
0xd3: {  	v1 =	vimm.s32 $0x8;
	_ =	sdelay $0x1  }
0xd4: {  	v2, _, _ =	vpop (xrf0)  }
0xd5: {  	v2 =	vbroadcast v2, $0xF;
	_ =	sdelay $0x1  }
0xd6: {  	[tilespmem:v1+s28+$0x0] =	vst.idx.msk $0x1, v2  }
0xd7: {  	v1 =	vld [tilespmem:$0x3090];
	_ =	sdelay $0x4  }
0xd8: {  	(xrf0) =	vadd.scan.msk.s32 $0xffff, v1;
	_ =	sdelay $0x3  }
0xd9: {  	v1 =	vimm.s32 $0x9;
	_ =	sdelay $0x1  }
0xda: {  	v2, _, _ =	vpop (xrf0)  }
0xdb: {  	v2 =	vbroadcast v2, $0xF;
	_ =	sdelay $0x1  }
0xdc: {  	[tilespmem:v1+s28+$0x0] =	vst.idx.msk $0x1, v2  }
0xdd: {  	v1 =	vld [tilespmem:$0x30A0];
	_ =	sdelay $0x4  }
0xde: {  	(xrf0) =	vadd.scan.msk.s32 $0xffff, v1;
	_ =	sdelay $0x3  }
0xdf: {  	v1 =	vimm.s32 $0xA;
	_ =	sdelay $0x1  }
0xe0: {  	v2, _, _ =	vpop (xrf0)  }
0xe1: {  	v2 =	vbroadcast v2, $0xF;
	_ =	sdelay $0x1  }
0xe2: {  	[tilespmem:v1+s28+$0x0] =	vst.idx.msk $0x1, v2  }
0xe3: {  	v1 =	vld [tilespmem:$0x30B0];
	_ =	sdelay $0x4  }
0xe4: {  	(xrf0) =	vadd.scan.msk.s32 $0xffff, v1;
	_ =	sdelay $0x3  }
0xe5: {  	v1 =	vimm.s32 $0xB;
	_ =	sdelay $0x1  }
0xe6: {  	v2, _, _ =	vpop (xrf0)  }
0xe7: {  	v2 =	vbroadcast v2, $0xF;
	_ =	sdelay $0x1  }
0xe8: {  	[tilespmem:v1+s28+$0x0] =	vst.idx.msk $0x1, v2  }
0xe9: {  	v1 =	vld [tilespmem:$0x30C0];
	_ =	sdelay $0x4  }
0xea: {  	(xrf0) =	vadd.scan.msk.s32 $0xffff, v1;
	_ =	sdelay $0x3  }
0xeb: {  	v1 =	vimm.s32 $0xC;
	_ =	sdelay $0x1  }
0xec: {  	v2, _, _ =	vpop (xrf0)  }
0xed: {  	v2 =	vbroadcast v2, $0xF;
	_ =	sdelay $0x1  }
0xee: {  	[tilespmem:v1+s28+$0x0] =	vst.idx.msk $0x1, v2  }
0xef: {  	v1 =	vld [tilespmem:$0x30D0];
	_ =	sdelay $0x4  }
0xf0: {  	(xrf0) =	vadd.scan.msk.s32 $0xffff, v1;
	_ =	sdelay $0x3  }
0xf1: {  	v1 =	vimm.s32 $0xD;
	_ =	sdelay $0x1  }
0xf2: {  	v2, _, _ =	vpop (xrf0)  }
0xf3: {  	v2 =	vbroadcast v2, $0xF;
	_ =	sdelay $0x1  }
0xf4: {  	[tilespmem:v1+s28+$0x0] =	vst.idx.msk $0x1, v2  }
0xf5: {  	v1 =	vld [tilespmem:$0x30E0];
	_ =	sdelay $0x4  }
0xf6: {  	(xrf0) =	vadd.scan.msk.s32 $0xffff, v1;
	_ =	sdelay $0x3  }
0xf7: {  	v1 =	vimm.s32 $0xE;
	_ =	sdelay $0x1  }
0xf8: {  	v2, _, _ =	vpop (xrf0)  }
0xf9: {  	v2 =	vbroadcast v2, $0xF;
	_ =	sdelay $0x1  }
0xfa: {  	[tilespmem:v1+s28+$0x0] =	vst.idx.msk $0x1, v2  }
0xfb: {  	v1 =	vld [tilespmem:$0x30F0];
	_ =	sdelay $0x4  }
0xfc: {  	(xrf0) =	vadd.scan.msk.s32 $0xffff, v1;
	_ =	sdelay $0x3  }
0xfd: {  	v1 =	vimm.s32 $0xF;
	_ =	sdelay $0x1  }
0xfe: {  	v2, _, _ =	vpop (xrf0)  }
0xff: {  	v2 =	vbroadcast v2, $0xF;
	_ =	sdelay $0x1  }
0x100: {  	[tilespmem:v1+s28+$0x0] =	vst.idx.msk $0x1, v2  }
0x101: {  	v1 =	vld [tilespmem:$0x3180]  }
0x102: {  	v2 =	vlaneseq.u32  }
0x103: {  	v3 =	vmul.u32 $0xFFFFFFFF, v2;
	_ =	sdelay $0x1  }
0x104: {  	v3 =	vadd.s32 $0xF, v3  }
0x105: {  	v1 =	vperm.xlane v1, v3;
	_ =	sdelay $0x1  }
0x106: {  	(xrf0) =	vadd.scan.msk.s32 $0xffff, v1;
	_ =	sdelay $0x5  }
0x107: {  	v5, _, _ =	vpop (xrf0)  }
0x108: {  	vm0 =	vlt.s32 v5, $0x80  }
0x109: {  	v6 =	vsel vm0, $0x1, v4  }
0x10a: {  	(xrf0) =	vadd.scan.msk.s32 $0xffff, v6;
	_ =	sdelay $0x5  }
0x10b: {  	v6, _, _ =	vpop (xrf0)  }
0x10c: {  	(v2sf) =	vpush v6, $0xF;
	_ =	sdelay $0xe  }
0x10d: {  	s29 =	spop (v2sf)  }
0x10e: {  	s3 =	sshll.u32 s29, $0x4  }
0x10f: {  	s30 =	ssub.s32 $0x30F0, s3  }
0x110: {  	v7 =	vld [tilespmem:s30+$0x0]  }
0x111: {  	v6 =	vbroadcast v6, $0xF;
	_ =	sdelay $0x1  }
0x112: {  	v1 =	vsub.s32 v5, v1;
	vm0 =	veq.s32 v6, v2  }
0x113: {  	v1 =	vnsel vm0, $0x0, v1  }
0x114: {  	(xrf0) =	vadd.scan.msk.s32 $0xffff, v1;
	v1 =	vperm.xlane v7, v3;
	_ =	sdelay $0x1  }
0x115: {  	(xrf0) =	vadd.scan.msk.s32 $0xffff, v1;
	_ =	sdelay $0x3  }
0x116: {  	v2, _, _ =	vpop (xrf0)  }
0x117: {  	v2 =	vbroadcast v2, $0xF  }
0x118: {  	v3, _, _ =	vpop (xrf0)  }
0x119: {  	v2 =	vadd.s32 v3, v2  }
0x11a: {  	vm0 =	vlt.s32 v2, $0x80  }
0x11b: {  	v3 =	vsel vm0, $0x1, v4  }
0x11c: {  	(xrf0) =	vadd.scan.msk.s32 $0xffff, v3  }
0x11d: {  	[tilespmem:$0x3000] =	vst v4  }
0x11e: {  	[tilespmem:$0x3010] =	vst v4  }
0x11f: {  	[tilespmem:$0x3020] =	vst v4  }
0x120: {  	[tilespmem:$0x3030] =	vst v4  }
0x121: {  	[tilespmem:$0x3040] =	vst v4  }
0x122: {  	[tilespmem:$0x3050] =	vst v4;
	v3, _, _ =	vpop (xrf0)  }
0x123: {  	[tilespmem:$0x3060] =	vst v4;
	(v2sf) =	vpush v3, $0xF  }
0x124: {  	[tilespmem:$0x3070] =	vst v4  }
0x125: {  	[tilespmem:$0x3080] =	vst v4  }
0x126: {  	[tilespmem:$0x3090] =	vst v4  }
0x127: {  	[tilespmem:$0x30A0] =	vst v4  }
0x128: {  	[tilespmem:$0x30B0] =	vst v4  }
0x129: {  	[tilespmem:$0x30C0] =	vst v4  }
0x12a: {  	[tilespmem:$0x30D0] =	vst v4  }
0x12b: {  	[tilespmem:$0x30E0] =	vst v4  }
0x12c: {  	[tilespmem:$0x30F0] =	vst v4  }
0x12d: {  	s6 =	simm.s32 $0x1080;
	[tilespmem:$0x3100] =	vst v4  }
0x12e: {  	v5 =	vld [tilespmem:s6+$0xFFFFFF80]  }
0x12f: {  	v6 =	vld [tilespmem:s6+$0xFFFFFFE0]  }
0x130: {  	v7 =	vld [tilespmem:s6+$0x0]  }
0x131: {  	v8 =	vld [tilespmem:s6+$0xFFFFFFF0]  }
0x132: {  	v9 =	vld [tilespmem:s6+$0x10];
	s31 =	spop (v2sf)  }
0x133: {  	v14 =	vld [tilespmem:s6+$0xFFFFFFC0];
	s3 =	sadd.s32 s31, s3  }
0x134: {  	v13 =	vld [tilespmem:s6+$0xFFFFFFA0];
	v10 =	vshra.s32 v6, $0x18;
	s4 =	ssub.s32 $0x7F, s3  }
0x135: {  	v12 =	vld [tilespmem:s6+$0xFFFFFFD0];
	v6 =	vshrl.u32 v6, $0x10;
	v11 =	vshra.s32 v7, $0x18;
	v4 =	vmov s4  }
0x136: {  	v15 =	vshrl.u32 v7, $0x10;
	v7 =	vshra.s32 v8, $0x18;
	vm7 =	veq.s32 v10, v4;
	v10 =	vld [tilespmem:s6+$0xFFFFFFB0]  }
0x137: {  	v16 =	vld [tilespmem:s6+$0xFFFFFF90];
	v17 =	vshrl.u32 v9, $0x10;
	v8 =	vshrl.u32 v8, $0x10;
	vm3 =	veq.s32 v7, v4  }
0x138: {  	v9 =	vshra.s32 v9, $0x18;
	v18 =	vshra.s32 v14, $0x18;
	v7 =	vand.u32 $0xFF, v8  }
0x139: {  	v20 =	vshra.s32 v13, $0x18;
	v14 =	vshrl.u32 v14, $0x10;
	v6 =	vand.u32 $0xFF, v6  }
0x13a: {  	vm5 =	veq.s32 v11, v4;
	v8 =	vshra.s32 v12, $0x18;
	v11 =	vshrl.u32 v5, $0x10  }
0x13b: {  	v21 =	vld [tilespmem:s6+$0x60];
	vm0 =	veq.s32 v8, v4;
	v8 =	vand.u32 $0xFF, v11;
	v11 =	vshra.s32 v10, $0x18  }
0x13c: {  	s3 =	simm.s32 $0x3000;
	v19 =	vshrl.u32 v10, $0x10;
	v10 =	vld [tilespmem:s6+$0x50];
	vm1 =	veq.s32 v11, v4;
	v11 =	vshra.s32 v16, $0x18  }
0x13d: {  	v5 =	vshra.s32 v5, $0x18;
	[tilespmem:v7+s3+$0x0] =	vst.idx.add.s32.msk vm3, v0;
	vm2 =	veq.s32 v11, v4;
	v11 =	vshrl.u32 v16, $0x10  }
0x13e: {  	v17 =	vand.u32 $0xFF, v17;
	vm6 =	veq.s32 v5, v4;
	v5 =	vand.u32 $0xFF, v11;
	v11 =	vld [tilespmem:s6+$0x70]  }
0x13f: {  	v15 =	vand.u32 $0xFF, v15;
	vm4 =	veq.s32 v20, v4;
	[tilespmem:v6+s3+$0x0] =	vst.idx.add.s32.msk vm7, v0;
	vm7 =	veq.s32 v9, v4  }
0x140: {  	v12 =	vshrl.u32 v12, $0x10;
	vm3 =	veq.s32 v18, v4;
	v7 =	vand.u32 $0xFF, v19;
	v19 =	vld [tilespmem:s6+$0x40]  }
0x141: {  	v9 =	vshrl.u32 v13, $0x10;
	v6 =	vand.u32 $0xFF, v14;
	v18 =	vld [tilespmem:s6+$0x20];
	v13 =	vshra.s32 v21, $0x18  }
0x142: {  	s5 =	simm.s32 $0x0;
	v14 =	vshrl.u32 v21, $0x10;
	v9 =	vand.u32 $0xFF, v9;
	v16 =	vld [tilespmem:s6+$0x30];
	s6 =	simm.s32 $0x1180;
	v20 =	vshra.s32 v10, $0x18  }
.LBB2_4:
0x143: {  	v21 =	vld [tilespmem:s6+$0xFFFFFF80];
	s5 =	sadd.s32 $0x10, s5;
	vm8 =	veq.s32 v20, v4;
	v10 =	vshrl.u32 v10, $0x10;
	v20 =	vshra.s32 v11, $0x18  }
0x144: {  	v11 =	vshrl.u32 v11, $0x10;
	v22 =	vld [tilespmem:s6+$0xFFFFFF90];
	p0 =	slt.u32 s5, $0xF0;
	v10 =	vand.u32 $0xFF, v10;
	vm9 =	veq.s32 v20, v4  }
0x145: {  	v11 =	vand.u32 $0xFF, v11;
	[tilespmem:v17+s3+$0x0] =	vst.idx.add.s32.msk vm7, v0;
	v17 =	vshra.s32 v19, $0x18;
	v19 =	vshrl.u32 v19, $0x10  }
0x146: {  	v20 =	vld [tilespmem:s6+$0xFFFFFFA0];
	v23 =	vshra.s32 v18, $0x18;
	v18 =	vshrl.u32 v18, $0x10;
	v19 =	vand.u32 $0xFF, v19  }
0x147: {  	v12 =	vand.u32 $0xFF, v12;
	vm7 =	veq.s32 v17, v4;
	v24 =	vld [tilespmem:s6+$0x10];
	v25 =	vshra.s32 v16, $0x18  }
0x148: {  	vm10 =	veq.s32 v13, v4;
	[tilespmem:v15+s3+$0x0] =	vst.idx.add.s32.msk vm5, v0;
	vm5 =	veq.s32 v25, v4;
	v15 =	vshrl.u32 v16, $0x10  }
0x149: {  	v13 =	vand.u32 $0xFF, v14;
	[tilespmem:v8+s3+$0x0] =	vst.idx.add.s32.msk vm6, v0;
	vm6 =	veq.s32 v23, v4;
	v8 =	vand.u32 $0xFF, v15  }
0x14a: {  	v15 =	vand.u32 $0xFF, v18;
	v14 =	vld [tilespmem:s6+$0xFFFFFFB0]  }
0x14b: {  	v16 =	vld [tilespmem:s6+$0x0]  }
0x14c: {  	v18 =	vld [tilespmem:s6+$0xFFFFFFD0]  }
0x14d: {  	v17 =	vld [tilespmem:s6+$0xFFFFFFC0]  }
0x14e: {  	[tilespmem:v19+s3+$0x0] =	vst.idx.add.s32.msk vm7, v0  }
0x14f: {  	v19 =	vld [tilespmem:s6+$0xFFFFFFE0]  }
0x150: {  	v23 =	vld [tilespmem:s6+$0xFFFFFFF0]  }
0x151: {  	[tilespmem:v15+s3+$0x0] =	vst.idx.add.s32.msk vm6, v0  }
0x152: {  	[tilespmem:v13+s3+$0x0] =	vst.idx.add.s32.msk vm10, v0  }
0x153: {  	[tilespmem:v8+s3+$0x0] =	vst.idx.add.s32.msk vm5, v0  }
0x154: {  	v8 =	vshra.s32 v19, $0x18;
	v13 =	vshrl.u32 v19, $0x10;
	[tilespmem:v10+s3+$0x0] =	vst.idx.add.s32.msk vm8, v0  }
0x155: {  	v15 =	vshrl.u32 v16, $0x10;
	vm7 =	veq.s32 v8, v4;
	v8 =	vshra.s32 v16, $0x18;
	[tilespmem:v11+s3+$0x0] =	vst.idx.add.s32.msk vm9, v0  }
0x156: {  	v10 =	vshra.s32 v23, $0x18;
	v11 =	vshrl.u32 v23, $0x10;
	v16 =	vshrl.u32 v24, $0x10;
	[tilespmem:v12+s3+$0x0] =	vst.idx.add.s32.msk vm0, v0  }
0x157: {  	vm6 =	veq.s32 v10, v4;
	v11 =	vand.u32 $0xFF, v11;
	vm5 =	veq.s32 v8, v4;
	[tilespmem:v9+s3+$0x0] =	vst.idx.add.s32.msk vm4, v0  }
0x158: {  	v8 =	vshra.s32 v18, $0x18;
	v12 =	vshra.s32 v24, $0x18;
	v9 =	vand.u32 $0xFF, v13;
	[tilespmem:v7+s3+$0x0] =	vst.idx.add.s32.msk vm1, v0  }
0x159: {  	v13 =	vshra.s32 v17, $0x18;
	vm0 =	veq.s32 v8, v4;
	v7 =	vshrl.u32 v21, $0x10;
	[tilespmem:v5+s3+$0x0] =	vst.idx.add.s32.msk vm2, v0  }
0x15a: {  	v8 =	vand.u32 $0xFF, v7;
	v5 =	vshra.s32 v14, $0x18;
	v7 =	vshrl.u32 v14, $0x10;
	[tilespmem:v6+s3+$0x0] =	vst.idx.add.s32.msk vm3, v0  }
0x15b: {  	v6 =	vshra.s32 v20, $0x18;
	vm1 =	veq.s32 v5, v4;
	v14 =	vld [tilespmem:s6+$0x60]  }
0x15c: {  	v19 =	vshra.s32 v22, $0x18;
	v5 =	vshra.s32 v21, $0x18;
	vm4 =	veq.s32 v6, v4;
	v10 =	vld [tilespmem:s6+$0x50]  }
0x15d: {  	vm2 =	veq.s32 v19, v4;
	v6 =	vshrl.u32 v22, $0x10;
	[tilespmem:v11+s3+$0x0] =	vst.idx.add.s32.msk vm6, v0  }
.Ltmp2:
0x15e: {  	vm3 =	veq.s32 v13, v4;
	vm6 =	veq.s32 v5, v4;
	v5 =	vand.u32 $0xFF, v6;
	v11 =	vld [tilespmem:s6+$0x70];
	(pc) =	sbr.rel @p0 .LBB2_4-.Ltmp2, $4  }
0x15f: {  	v7 =	vand.u32 $0xFF, v7;
	v6 =	vshrl.u32 v17, $0x10;
	[tilespmem:v9+s3+$0x0] =	vst.idx.add.s32.msk vm7, v0;
	vm7 =	veq.s32 v12, v4  }
0x160: {  	v17 =	vand.u32 $0xFF, v16;
	v6 =	vand.u32 $0xFF, v6;
	v9 =	vshrl.u32 v20, $0x10;
	v19 =	vld [tilespmem:s6+$0x40]  }
0x161: {  	v12 =	vshrl.u32 v18, $0x10;
	v9 =	vand.u32 $0xFF, v9;
	v13 =	vshra.s32 v14, $0x18;
	v18 =	vld [tilespmem:s6+$0x20]  }
0x162: {  	v15 =	vand.u32 $0xFF, v15;
	v14 =	vshrl.u32 v14, $0x10;
	v20 =	vshra.s32 v10, $0x18;
	v16 =	vld [tilespmem:s6+$0x30];
	s6 =	sadd.s32 $0x100, s6  }
0x163: {  	_ =	sdelay $0x4  }
0x164: {  	[tilespmem:v17+s3+$0x0] =	vst.idx.add.s32.msk vm7, v0  }
0x165: {  	vm8 =	veq.s32 v20, v4;
	vm11 =	veq.s32 v13, v4;
	v14 =	vand.u32 $0xFF, v14;
	[tilespmem:v15+s3+$0x0] =	vst.idx.add.s32.msk vm5, v0  }
0x166: {  	v10 =	vshrl.u32 v10, $0x10;
	v15 =	vshra.s32 v11, $0x18;
	[tilespmem:v8+s3+$0x0] =	vst.idx.add.s32.msk vm6, v0;
	v8 =	vand.u32 $0xFF, v12  }
0x167: {  	[tilespmem:v9+s3+$0x0] =	vst.idx.add.s32.msk vm4, v0;
	v10 =	vand.u32 $0xFF, v10;
	v20 =	vshra.s32 v19, $0x18;
	v19 =	vshrl.u32 v19, $0x10  }
0x168: {  	[tilespmem:v7+s3+$0x0] =	vst.idx.add.s32.msk vm1, v0;
	v21 =	vshra.s32 v18, $0x18;
	vm9 =	veq.s32 v20, v4;
	v18 =	vshrl.u32 v18, $0x10  }
0x169: {  	[tilespmem:v5+s3+$0x0] =	vst.idx.add.s32.msk vm2, v0;
	v19 =	vand.u32 $0xFF, v19;
	vm10 =	veq.s32 v21, v4;
	v20 =	vshra.s32 v16, $0x18  }
0x16a: {  	[tilespmem:v6+s3+$0x0] =	vst.idx.add.s32.msk vm3, v0;
	v13 =	vand.u32 $0xFF, v18;
	v16 =	vshrl.u32 v16, $0x10;
	vm7 =	veq.s32 v20, v4  }
0x16b: {  	vm5 =	veq.s32 v15, v4;
	v16 =	vand.u32 $0xFF, v16;
	v4 =	vshrl.u32 v11, $0x10;
	[tilespmem:v8+s3+$0x0] =	vst.idx.add.s32.msk vm0, v0  }
0x16c: {  	v4 =	vand.u32 $0xFF, v4;
	[tilespmem:v14+s3+$0x0] =	vst.idx.add.s32.msk vm11, v0  }
0x16d: {  	[tilespmem:v10+s3+$0x0] =	vst.idx.add.s32.msk vm8, v0  }
0x16e: {  	[tilespmem:v19+s3+$0x0] =	vst.idx.add.s32.msk vm9, v0  }
0x16f: {  	[tilespmem:v13+s3+$0x0] =	vst.idx.add.s32.msk vm10, v0  }
0x170: {  	[tilespmem:v16+s3+$0x0] =	vst.idx.add.s32.msk vm7, v0  }
0x171: {  	[tilespmem:v4+s3+$0x0] =	vst.idx.add.s32.msk vm5, v0  }
0x172: {  	v0 =	vbroadcast v3, $0xF;
	v3 =	vld [tilespmem:$0x3000]  }
0x173: {  	v5 =	vlaneseq.u32  }
0x174: {  	vm0 =	veq.s32 v0, v5;
	v0 =	vsub.s32 v2, v1  }
0x175: {  	v0 =	vnsel vm0, $0x0, v0  }
0x176: {  	(xrf0) =	vadd.scan.msk.s32 $0xffff, v0  }
0x177: {  	(xrf0) =	vadd.scan.msk.s32 $0xffff, v3;
	_ =	sdelay $0x3  }
0x178: {  	v4 =	vimm.s32 $0x0  }
0x179: {  	v1, _, _ =	vpop (xrf0)  }
0x17a: {  	v0, _, _ =	vpop (xrf0)  }
0x17b: {  	v0 =	vbroadcast v0, $0xF  }
0x17c: {  	s29 =	simm.s32 $0x3180  }
0x17d: {  	[tilespmem:v4+s29+$0x0] =	vst.idx.msk $0x1, v0  }
0x17e: {  	v0 =	vld [tilespmem:$0x3010];
	_ =	sdelay $0x4  }
0x17f: {  	(xrf0) =	vadd.scan.msk.s32 $0xffff, v0;
	_ =	sdelay $0x3  }
0x180: {  	v0 =	vimm.s32 $0x1;
	_ =	sdelay $0x1  }
0x181: {  	v2, _, _ =	vpop (xrf0)  }
0x182: {  	v2 =	vbroadcast v2, $0xF;
	_ =	sdelay $0x1  }
0x183: {  	[tilespmem:v0+s29+$0x0] =	vst.idx.msk $0x1, v2  }
0x184: {  	v2 =	vld [tilespmem:$0x3020];
	_ =	sdelay $0x4  }
0x185: {  	(xrf0) =	vadd.scan.msk.s32 $0xffff, v2;
	_ =	sdelay $0x3  }
0x186: {  	v2 =	vimm.s32 $0x2;
	_ =	sdelay $0x1  }
0x187: {  	v3, _, _ =	vpop (xrf0)  }
0x188: {  	v3 =	vbroadcast v3, $0xF;
	_ =	sdelay $0x1  }
0x189: {  	[tilespmem:v2+s29+$0x0] =	vst.idx.msk $0x1, v3  }
0x18a: {  	v2 =	vld [tilespmem:$0x3030];
	_ =	sdelay $0x4  }
0x18b: {  	(xrf0) =	vadd.scan.msk.s32 $0xffff, v2;
	_ =	sdelay $0x3  }
0x18c: {  	v2 =	vimm.s32 $0x3;
	_ =	sdelay $0x1  }
0x18d: {  	v3, _, _ =	vpop (xrf0)  }
0x18e: {  	v3 =	vbroadcast v3, $0xF;
	_ =	sdelay $0x1  }
0x18f: {  	[tilespmem:v2+s29+$0x0] =	vst.idx.msk $0x1, v3  }
0x190: {  	v2 =	vld [tilespmem:$0x3040];
	_ =	sdelay $0x4  }
0x191: {  	(xrf0) =	vadd.scan.msk.s32 $0xffff, v2;
	_ =	sdelay $0x3  }
0x192: {  	v2 =	vimm.s32 $0x4;
	_ =	sdelay $0x1  }
0x193: {  	v3, _, _ =	vpop (xrf0)  }
0x194: {  	v3 =	vbroadcast v3, $0xF;
	_ =	sdelay $0x1  }
0x195: {  	[tilespmem:v2+s29+$0x0] =	vst.idx.msk $0x1, v3  }
0x196: {  	v2 =	vld [tilespmem:$0x3050];
	_ =	sdelay $0x4  }
0x197: {  	(xrf0) =	vadd.scan.msk.s32 $0xffff, v2;
	_ =	sdelay $0x3  }
0x198: {  	v2 =	vimm.s32 $0x5;
	_ =	sdelay $0x1  }
0x199: {  	v3, _, _ =	vpop (xrf0)  }
0x19a: {  	v3 =	vbroadcast v3, $0xF;
	_ =	sdelay $0x1  }
0x19b: {  	[tilespmem:v2+s29+$0x0] =	vst.idx.msk $0x1, v3  }
0x19c: {  	v2 =	vld [tilespmem:$0x3060];
	_ =	sdelay $0x4  }
0x19d: {  	(xrf0) =	vadd.scan.msk.s32 $0xffff, v2;
	_ =	sdelay $0x3  }
0x19e: {  	v2 =	vimm.s32 $0x6;
	_ =	sdelay $0x1  }
0x19f: {  	v3, _, _ =	vpop (xrf0)  }
0x1a0: {  	v3 =	vbroadcast v3, $0xF;
	_ =	sdelay $0x1  }
0x1a1: {  	[tilespmem:v2+s29+$0x0] =	vst.idx.msk $0x1, v3  }
0x1a2: {  	v2 =	vld [tilespmem:$0x3070];
	_ =	sdelay $0x4  }
0x1a3: {  	(xrf0) =	vadd.scan.msk.s32 $0xffff, v2;
	_ =	sdelay $0x3  }
0x1a4: {  	v2 =	vimm.s32 $0x7;
	_ =	sdelay $0x1  }
0x1a5: {  	v3, _, _ =	vpop (xrf0)  }
0x1a6: {  	v3 =	vbroadcast v3, $0xF;
	_ =	sdelay $0x1  }
0x1a7: {  	[tilespmem:v2+s29+$0x0] =	vst.idx.msk $0x1, v3  }
0x1a8: {  	v2 =	vld [tilespmem:$0x3080];
	_ =	sdelay $0x4  }
0x1a9: {  	(xrf0) =	vadd.scan.msk.s32 $0xffff, v2;
	_ =	sdelay $0x3  }
0x1aa: {  	v2 =	vimm.s32 $0x8;
	_ =	sdelay $0x1  }
0x1ab: {  	v3, _, _ =	vpop (xrf0)  }
0x1ac: {  	v3 =	vbroadcast v3, $0xF;
	_ =	sdelay $0x1  }
0x1ad: {  	[tilespmem:v2+s29+$0x0] =	vst.idx.msk $0x1, v3  }
0x1ae: {  	v2 =	vld [tilespmem:$0x3090];
	_ =	sdelay $0x4  }
0x1af: {  	(xrf0) =	vadd.scan.msk.s32 $0xffff, v2;
	_ =	sdelay $0x3  }
0x1b0: {  	v2 =	vimm.s32 $0x9;
	_ =	sdelay $0x1  }
0x1b1: {  	v3, _, _ =	vpop (xrf0)  }
0x1b2: {  	v3 =	vbroadcast v3, $0xF;
	_ =	sdelay $0x1  }
0x1b3: {  	[tilespmem:v2+s29+$0x0] =	vst.idx.msk $0x1, v3  }
0x1b4: {  	v2 =	vld [tilespmem:$0x30A0];
	_ =	sdelay $0x4  }
0x1b5: {  	(xrf0) =	vadd.scan.msk.s32 $0xffff, v2;
	_ =	sdelay $0x3  }
0x1b6: {  	v2 =	vimm.s32 $0xA;
	_ =	sdelay $0x1  }
0x1b7: {  	v3, _, _ =	vpop (xrf0)  }
0x1b8: {  	v3 =	vbroadcast v3, $0xF;
	_ =	sdelay $0x1  }
0x1b9: {  	[tilespmem:v2+s29+$0x0] =	vst.idx.msk $0x1, v3  }
0x1ba: {  	v2 =	vld [tilespmem:$0x30B0];
	_ =	sdelay $0x4  }
0x1bb: {  	(xrf0) =	vadd.scan.msk.s32 $0xffff, v2;
	_ =	sdelay $0x3  }
0x1bc: {  	v2 =	vimm.s32 $0xB;
	_ =	sdelay $0x1  }
0x1bd: {  	v3, _, _ =	vpop (xrf0)  }
0x1be: {  	v3 =	vbroadcast v3, $0xF;
	_ =	sdelay $0x1  }
0x1bf: {  	[tilespmem:v2+s29+$0x0] =	vst.idx.msk $0x1, v3  }
0x1c0: {  	v2 =	vld [tilespmem:$0x30C0];
	_ =	sdelay $0x4  }
0x1c1: {  	(xrf0) =	vadd.scan.msk.s32 $0xffff, v2;
	_ =	sdelay $0x3  }
0x1c2: {  	v2 =	vimm.s32 $0xC;
	_ =	sdelay $0x1  }
0x1c3: {  	v3, _, _ =	vpop (xrf0)  }
0x1c4: {  	v3 =	vbroadcast v3, $0xF;
	_ =	sdelay $0x1  }
0x1c5: {  	[tilespmem:v2+s29+$0x0] =	vst.idx.msk $0x1, v3  }
0x1c6: {  	v2 =	vld [tilespmem:$0x30D0];
	_ =	sdelay $0x4  }
0x1c7: {  	(xrf0) =	vadd.scan.msk.s32 $0xffff, v2;
	_ =	sdelay $0x3  }
0x1c8: {  	v2 =	vimm.s32 $0xD;
	_ =	sdelay $0x1  }
0x1c9: {  	v3, _, _ =	vpop (xrf0)  }
0x1ca: {  	v3 =	vbroadcast v3, $0xF;
	_ =	sdelay $0x1  }
0x1cb: {  	[tilespmem:v2+s29+$0x0] =	vst.idx.msk $0x1, v3  }
0x1cc: {  	v2 =	vld [tilespmem:$0x30E0];
	_ =	sdelay $0x4  }
0x1cd: {  	(xrf0) =	vadd.scan.msk.s32 $0xffff, v2;
	_ =	sdelay $0x3  }
0x1ce: {  	v2 =	vimm.s32 $0xE;
	_ =	sdelay $0x1  }
0x1cf: {  	v3, _, _ =	vpop (xrf0)  }
0x1d0: {  	v3 =	vbroadcast v3, $0xF;
	_ =	sdelay $0x1  }
0x1d1: {  	[tilespmem:v2+s29+$0x0] =	vst.idx.msk $0x1, v3  }
0x1d2: {  	v2 =	vld [tilespmem:$0x30F0];
	_ =	sdelay $0x4  }
0x1d3: {  	(xrf0) =	vadd.scan.msk.s32 $0xffff, v2;
	_ =	sdelay $0x3  }
0x1d4: {  	v2 =	vimm.s32 $0xF;
	_ =	sdelay $0x1  }
0x1d5: {  	v3, _, _ =	vpop (xrf0)  }
0x1d6: {  	(v2sf) =	vpush v1, $0xF;
	v1 =	vbroadcast v3, $0xF;
	_ =	sdelay $0x1  }
0x1d7: {  	[tilespmem:v2+s29+$0x0] =	vst.idx.msk $0x1, v1  }
0x1d8: {  	v1 =	vld [tilespmem:$0x3180];
	_ =	sdelay $0x1  }
0x1d9: {  	v2 =	vmul.u32 $0xFFFFFFFF, v5;
	_ =	sdelay $0x1  }
0x1da: {  	v2 =	vadd.s32 $0xF, v2  }
0x1db: {  	v1 =	vperm.xlane v1, v2;
	_ =	sdelay $0x1  }
0x1dc: {  	(xrf0) =	vadd.scan.msk.s32 $0xffff, v1;
	_ =	sdelay $0x4  }
0x1dd: {  	s30 =	spop (v2sf)  }
0x1de: {  	s3 =	ssub.s32 $0x80, s30;
	v3, _, _ =	vpop (xrf0)  }
0x1df: {  	vm0 =	vlt.s32 v3, s3  }
0x1e0: {  	v6 =	vsel vm0, $0x1, v4  }
0x1e1: {  	(xrf0) =	vadd.scan.msk.s32 $0xffff, v6;
	_ =	sdelay $0x5  }
0x1e2: {  	v6, _, _ =	vpop (xrf0)  }
0x1e3: {  	(v2sf) =	vpush v6, $0xF;
	_ =	sdelay $0xe  }
0x1e4: {  	s5 =	spop (v2sf)  }
0x1e5: {  	s5 =	sshll.u32 s5, $0x4  }
0x1e6: {  	s6 =	ssub.s32 $0x30F0, s5  }
0x1e7: {  	v7 =	vld [tilespmem:s6+$0x0]  }
0x1e8: {  	v6 =	vbroadcast v6, $0xF;
	_ =	sdelay $0x1  }
0x1e9: {  	v1 =	vsub.s32 v3, v1;
	vm0 =	veq.s32 v6, v5  }
0x1ea: {  	v1 =	vnsel vm0, $0x0, v1  }
0x1eb: {  	(xrf0) =	vadd.scan.msk.s32 $0xffff, v1;
	v1 =	vperm.xlane v7, v2;
	_ =	sdelay $0x1  }
0x1ec: {  	(xrf0) =	vadd.scan.msk.s32 $0xffff, v1;
	_ =	sdelay $0x3  }
0x1ed: {  	v2, _, _ =	vpop (xrf0)  }
0x1ee: {  	v2 =	vbroadcast v2, $0xF  }
0x1ef: {  	v3, _, _ =	vpop (xrf0)  }
0x1f0: {  	v2 =	vadd.s32 v3, v2  }
0x1f1: {  	vm0 =	vlt.s32 v2, s3  }
0x1f2: {  	v3 =	vsel vm0, $0x1, v4  }
0x1f3: {  	(xrf0) =	vadd.scan.msk.s32 $0xffff, v3;
	_ =	sdelay $0x1  }
0x1f4: {  	[tilespmem:$0x3000] =	vst v4  }
0x1f5: {  	[tilespmem:$0x3010] =	vst v4  }
0x1f6: {  	[tilespmem:$0x3020] =	vst v4  }
0x1f7: {  	[tilespmem:$0x3030] =	vst v4  }
0x1f8: {  	[tilespmem:$0x3040] =	vst v4;
	v3, _, _ =	vpop (xrf0)  }
0x1f9: {  	[tilespmem:$0x3050] =	vst v4;
	(v2sf) =	vpush v3, $0xF  }
0x1fa: {  	[tilespmem:$0x3060] =	vst v4  }
0x1fb: {  	[tilespmem:$0x3070] =	vst v4  }
0x1fc: {  	[tilespmem:$0x3080] =	vst v4  }
0x1fd: {  	[tilespmem:$0x3090] =	vst v4  }
0x1fe: {  	[tilespmem:$0x30A0] =	vst v4  }
0x1ff: {  	[tilespmem:$0x30B0] =	vst v4  }
0x200: {  	[tilespmem:$0x30C0] =	vst v4  }
0x201: {  	[tilespmem:$0x30D0] =	vst v4  }
0x202: {  	[tilespmem:$0x30E0] =	vst v4  }
0x203: {  	[tilespmem:$0x30F0] =	vst v4  }
0x204: {  	s7 =	simm.s32 $0x1080;
	[tilespmem:$0x3100] =	vst v4  }
0x205: {  	v5 =	vld [tilespmem:s7+$0xFFFFFF80]  }
0x206: {  	v6 =	vld [tilespmem:s7+$0xFFFFFFE0]  }
0x207: {  	v7 =	vld [tilespmem:s7+$0x0]  }
0x208: {  	v8 =	vld [tilespmem:s7+$0xFFFFFFF0];
	s31 =	spop (v2sf)  }
0x209: {  	v9 =	vld [tilespmem:s7+$0x10];
	s5 =	sadd.s32 s31, s5  }
0x20a: {  	s4 =	sshll.u32 s4, $0x8;
	v14 =	vld [tilespmem:s7+$0xFFFFFFC0];
	s5 =	ssub.s32 $0xFF, s5  }
0x20b: {  	v13 =	vld [tilespmem:s7+$0xFFFFFFA0];
	v10 =	vshra.s32 v6, $0x10;
	s4 =	sor.u32 s4, s5  }
0x20c: {  	v12 =	vld [tilespmem:s7+$0xFFFFFFD0];
	v6 =	vshrl.u32 v6, $0x8;
	v11 =	vshra.s32 v7, $0x10;
	v4 =	vmov s4  }
0x20d: {  	v15 =	vshrl.u32 v7, $0x8;
	v7 =	vshra.s32 v8, $0x10;
	vm7 =	veq.s32 v10, v4;
	v10 =	vld [tilespmem:s7+$0xFFFFFFB0]  }
0x20e: {  	v16 =	vld [tilespmem:s7+$0xFFFFFF90];
	v17 =	vshrl.u32 v9, $0x8;
	v8 =	vshrl.u32 v8, $0x8;
	vm3 =	veq.s32 v7, v4  }
0x20f: {  	v9 =	vshra.s32 v9, $0x10;
	v18 =	vshra.s32 v14, $0x10;
	v7 =	vand.u32 $0xFF, v8  }
0x210: {  	v20 =	vshra.s32 v13, $0x10;
	v14 =	vshrl.u32 v14, $0x8;
	v6 =	vand.u32 $0xFF, v6  }
0x211: {  	vm5 =	veq.s32 v11, v4;
	v8 =	vshra.s32 v12, $0x10;
	v11 =	vshrl.u32 v5, $0x8  }
0x212: {  	v21 =	vld [tilespmem:s7+$0x60];
	vm0 =	veq.s32 v8, v4;
	v8 =	vand.u32 $0xFF, v11;
	v11 =	vshra.s32 v10, $0x10  }
0x213: {  	s5 =	simm.s32 $0x3000;
	v19 =	vshrl.u32 v10, $0x8;
	v10 =	vld [tilespmem:s7+$0x50];
	vm1 =	veq.s32 v11, v4;
	v11 =	vshra.s32 v16, $0x10  }
0x214: {  	v5 =	vshra.s32 v5, $0x10;
	[tilespmem:v7+s5+$0x0] =	vst.idx.add.s32.msk vm3, v0;
	vm2 =	veq.s32 v11, v4;
	v11 =	vshrl.u32 v16, $0x8  }
0x215: {  	v17 =	vand.u32 $0xFF, v17;
	vm6 =	veq.s32 v5, v4;
	v5 =	vand.u32 $0xFF, v11;
	v11 =	vld [tilespmem:s7+$0x70]  }
0x216: {  	v15 =	vand.u32 $0xFF, v15;
	vm4 =	veq.s32 v20, v4;
	[tilespmem:v6+s5+$0x0] =	vst.idx.add.s32.msk vm7, v0;
	vm7 =	veq.s32 v9, v4  }
0x217: {  	v12 =	vshrl.u32 v12, $0x8;
	vm3 =	veq.s32 v18, v4;
	v7 =	vand.u32 $0xFF, v19;
	v19 =	vld [tilespmem:s7+$0x40]  }
0x218: {  	v9 =	vshrl.u32 v13, $0x8;
	v6 =	vand.u32 $0xFF, v14;
	v18 =	vld [tilespmem:s7+$0x20];
	v13 =	vshra.s32 v21, $0x10  }
0x219: {  	s6 =	simm.s32 $0x0;
	v14 =	vshrl.u32 v21, $0x8;
	v9 =	vand.u32 $0xFF, v9;
	v16 =	vld [tilespmem:s7+$0x30];
	s7 =	simm.s32 $0x1180;
	v20 =	vshra.s32 v10, $0x10  }
.LBB2_6:
0x21a: {  	v21 =	vld [tilespmem:s7+$0xFFFFFF80];
	s6 =	sadd.s32 $0x10, s6;
	vm8 =	veq.s32 v20, v4;
	v10 =	vshrl.u32 v10, $0x8;
	v20 =	vshra.s32 v11, $0x10  }
0x21b: {  	v11 =	vshrl.u32 v11, $0x8;
	v22 =	vld [tilespmem:s7+$0xFFFFFF90];
	p0 =	slt.u32 s6, $0xF0;
	v10 =	vand.u32 $0xFF, v10;
	vm9 =	veq.s32 v20, v4  }
0x21c: {  	v11 =	vand.u32 $0xFF, v11;
	[tilespmem:v17+s5+$0x0] =	vst.idx.add.s32.msk vm7, v0;
	v17 =	vshra.s32 v19, $0x10;
	v19 =	vshrl.u32 v19, $0x8  }
0x21d: {  	v20 =	vld [tilespmem:s7+$0xFFFFFFA0];
	v23 =	vshra.s32 v18, $0x10;
	v18 =	vshrl.u32 v18, $0x8;
	v19 =	vand.u32 $0xFF, v19  }
0x21e: {  	v12 =	vand.u32 $0xFF, v12;
	vm7 =	veq.s32 v17, v4;
	v24 =	vld [tilespmem:s7+$0x10];
	v25 =	vshra.s32 v16, $0x10  }
0x21f: {  	vm10 =	veq.s32 v13, v4;
	[tilespmem:v15+s5+$0x0] =	vst.idx.add.s32.msk vm5, v0;
	vm5 =	veq.s32 v25, v4;
	v15 =	vshrl.u32 v16, $0x8  }
0x220: {  	v13 =	vand.u32 $0xFF, v14;
	[tilespmem:v8+s5+$0x0] =	vst.idx.add.s32.msk vm6, v0;
	vm6 =	veq.s32 v23, v4;
	v8 =	vand.u32 $0xFF, v15  }
0x221: {  	v15 =	vand.u32 $0xFF, v18;
	v14 =	vld [tilespmem:s7+$0xFFFFFFB0]  }
0x222: {  	v16 =	vld [tilespmem:s7+$0x0]  }
0x223: {  	v18 =	vld [tilespmem:s7+$0xFFFFFFD0]  }
0x224: {  	v17 =	vld [tilespmem:s7+$0xFFFFFFC0]  }
0x225: {  	[tilespmem:v19+s5+$0x0] =	vst.idx.add.s32.msk vm7, v0  }
0x226: {  	v19 =	vld [tilespmem:s7+$0xFFFFFFE0]  }
0x227: {  	v23 =	vld [tilespmem:s7+$0xFFFFFFF0]  }
0x228: {  	[tilespmem:v15+s5+$0x0] =	vst.idx.add.s32.msk vm6, v0  }
0x229: {  	[tilespmem:v13+s5+$0x0] =	vst.idx.add.s32.msk vm10, v0  }
0x22a: {  	[tilespmem:v8+s5+$0x0] =	vst.idx.add.s32.msk vm5, v0  }
0x22b: {  	v8 =	vshra.s32 v19, $0x10;
	v13 =	vshrl.u32 v19, $0x8;
	[tilespmem:v10+s5+$0x0] =	vst.idx.add.s32.msk vm8, v0  }
0x22c: {  	v15 =	vshrl.u32 v16, $0x8;
	vm7 =	veq.s32 v8, v4;
	v8 =	vshra.s32 v16, $0x10;
	[tilespmem:v11+s5+$0x0] =	vst.idx.add.s32.msk vm9, v0  }
0x22d: {  	v10 =	vshra.s32 v23, $0x10;
	v11 =	vshrl.u32 v23, $0x8;
	v16 =	vshrl.u32 v24, $0x8;
	[tilespmem:v12+s5+$0x0] =	vst.idx.add.s32.msk vm0, v0  }
0x22e: {  	vm6 =	veq.s32 v10, v4;
	v11 =	vand.u32 $0xFF, v11;
	vm5 =	veq.s32 v8, v4;
	[tilespmem:v9+s5+$0x0] =	vst.idx.add.s32.msk vm4, v0  }
0x22f: {  	v8 =	vshra.s32 v18, $0x10;
	v12 =	vshra.s32 v24, $0x10;
	v9 =	vand.u32 $0xFF, v13;
	[tilespmem:v7+s5+$0x0] =	vst.idx.add.s32.msk vm1, v0  }
0x230: {  	v13 =	vshra.s32 v17, $0x10;
	vm0 =	veq.s32 v8, v4;
	v7 =	vshrl.u32 v21, $0x8;
	[tilespmem:v5+s5+$0x0] =	vst.idx.add.s32.msk vm2, v0  }
0x231: {  	v8 =	vand.u32 $0xFF, v7;
	v5 =	vshra.s32 v14, $0x10;
	v7 =	vshrl.u32 v14, $0x8;
	[tilespmem:v6+s5+$0x0] =	vst.idx.add.s32.msk vm3, v0  }
0x232: {  	v6 =	vshra.s32 v20, $0x10;
	vm1 =	veq.s32 v5, v4;
	v14 =	vld [tilespmem:s7+$0x60]  }
0x233: {  	v19 =	vshra.s32 v22, $0x10;
	v5 =	vshra.s32 v21, $0x10;
	vm4 =	veq.s32 v6, v4;
	v10 =	vld [tilespmem:s7+$0x50]  }
0x234: {  	vm2 =	veq.s32 v19, v4;
	v6 =	vshrl.u32 v22, $0x8;
	[tilespmem:v11+s5+$0x0] =	vst.idx.add.s32.msk vm6, v0  }
.Ltmp3:
0x235: {  	vm3 =	veq.s32 v13, v4;
	vm6 =	veq.s32 v5, v4;
	v5 =	vand.u32 $0xFF, v6;
	v11 =	vld [tilespmem:s7+$0x70];
	(pc) =	sbr.rel @p0 .LBB2_6-.Ltmp3, $4  }
0x236: {  	v7 =	vand.u32 $0xFF, v7;
	v6 =	vshrl.u32 v17, $0x8;
	[tilespmem:v9+s5+$0x0] =	vst.idx.add.s32.msk vm7, v0;
	vm7 =	veq.s32 v12, v4  }
0x237: {  	v17 =	vand.u32 $0xFF, v16;
	v6 =	vand.u32 $0xFF, v6;
	v9 =	vshrl.u32 v20, $0x8;
	v19 =	vld [tilespmem:s7+$0x40]  }
0x238: {  	v12 =	vshrl.u32 v18, $0x8;
	v9 =	vand.u32 $0xFF, v9;
	v13 =	vshra.s32 v14, $0x10;
	v18 =	vld [tilespmem:s7+$0x20]  }
0x239: {  	v15 =	vand.u32 $0xFF, v15;
	v14 =	vshrl.u32 v14, $0x8;
	v20 =	vshra.s32 v10, $0x10;
	v16 =	vld [tilespmem:s7+$0x30];
	s7 =	sadd.s32 $0x100, s7  }
0x23a: {  	_ =	sdelay $0x4  }
0x23b: {  	[tilespmem:v17+s5+$0x0] =	vst.idx.add.s32.msk vm7, v0  }
0x23c: {  	vm8 =	veq.s32 v20, v4;
	vm11 =	veq.s32 v13, v4;
	v14 =	vand.u32 $0xFF, v14;
	[tilespmem:v15+s5+$0x0] =	vst.idx.add.s32.msk vm5, v0  }
0x23d: {  	v10 =	vshrl.u32 v10, $0x8;
	v41 =	vshra.s32 v11, $0x10;
	[tilespmem:v8+s5+$0x0] =	vst.idx.add.s32.msk vm6, v0;
	v8 =	vand.u32 $0xFF, v12  }
0x23e: {  	[tilespmem:v9+s5+$0x0] =	vst.idx.add.s32.msk vm4, v0;
	v10 =	vand.u32 $0xFF, v10;
	v35 =	vshra.s32 v19, $0x10;
	v36 =	vshrl.u32 v19, $0x8  }
0x23f: {  	[tilespmem:v7+s5+$0x0] =	vst.idx.add.s32.msk vm1, v0;
	v21 =	vshra.s32 v18, $0x10;
	vm9 =	veq.s32 v35, v4;
	v37 =	vshrl.u32 v18, $0x8  }
0x240: {  	[tilespmem:v5+s5+$0x0] =	vst.idx.add.s32.msk vm2, v0;
	v19 =	vand.u32 $0xFF, v36;
	vm10 =	veq.s32 v21, v4;
	v38 =	vshra.s32 v16, $0x10  }
0x241: {  	[tilespmem:v6+s5+$0x0] =	vst.idx.add.s32.msk vm3, v0;
	v39 =	vand.u32 $0xFF, v37;
	v40 =	vshrl.u32 v16, $0x8;
	vm7 =	veq.s32 v38, v4  }
0x242: {  	vm5 =	veq.s32 v41, v4;
	v16 =	vand.u32 $0xFF, v40;
	v4 =	vshrl.u32 v11, $0x8;
	[tilespmem:v8+s5+$0x0] =	vst.idx.add.s32.msk vm0, v0  }
0x243: {  	v4 =	vand.u32 $0xFF, v4;
	[tilespmem:v14+s5+$0x0] =	vst.idx.add.s32.msk vm11, v0  }
0x244: {  	[tilespmem:v10+s5+$0x0] =	vst.idx.add.s32.msk vm8, v0  }
0x245: {  	[tilespmem:v19+s5+$0x0] =	vst.idx.add.s32.msk vm9, v0  }
0x246: {  	[tilespmem:v39+s5+$0x0] =	vst.idx.add.s32.msk vm10, v0  }
0x247: {  	[tilespmem:v16+s5+$0x0] =	vst.idx.add.s32.msk vm7, v0  }
0x248: {  	[tilespmem:v4+s5+$0x0] =	vst.idx.add.s32.msk vm5, v0  }
0x249: {  	v0 =	vbroadcast v3, $0xF;
	v3 =	vld [tilespmem:$0x3000]  }
0x24a: {  	v5 =	vlaneseq.u32  }
0x24b: {  	vm0 =	veq.s32 v0, v5;
	v0 =	vsub.s32 v2, v1  }
0x24c: {  	v0 =	vnsel vm0, $0x0, v0  }
0x24d: {  	(xrf0) =	vadd.scan.msk.s32 $0xffff, v0  }
0x24e: {  	(xrf0) =	vadd.scan.msk.s32 $0xffff, v3;
	_ =	sdelay $0x3  }
0x24f: {  	v4 =	vimm.s32 $0x0  }
0x250: {  	v1, _, _ =	vpop (xrf0)  }
0x251: {  	v0, _, _ =	vpop (xrf0)  }
0x252: {  	v0 =	vbroadcast v0, $0xF  }
0x253: {  	s29 =	simm.s32 $0x3180  }
0x254: {  	[tilespmem:v4+s29+$0x0] =	vst.idx.msk $0x1, v0  }
0x255: {  	v0 =	vld [tilespmem:$0x3010];
	_ =	sdelay $0x4  }
0x256: {  	(xrf0) =	vadd.scan.msk.s32 $0xffff, v0;
	_ =	sdelay $0x3  }
0x257: {  	v0 =	vimm.s32 $0x1;
	_ =	sdelay $0x1  }
0x258: {  	v2, _, _ =	vpop (xrf0)  }
0x259: {  	v2 =	vbroadcast v2, $0xF;
	_ =	sdelay $0x1  }
0x25a: {  	[tilespmem:v0+s29+$0x0] =	vst.idx.msk $0x1, v2  }
0x25b: {  	v2 =	vld [tilespmem:$0x3020];
	_ =	sdelay $0x4  }
0x25c: {  	(xrf0) =	vadd.scan.msk.s32 $0xffff, v2;
	_ =	sdelay $0x3  }
0x25d: {  	v2 =	vimm.s32 $0x2;
	_ =	sdelay $0x1  }
0x25e: {  	v3, _, _ =	vpop (xrf0)  }
0x25f: {  	v3 =	vbroadcast v3, $0xF;
	_ =	sdelay $0x1  }
0x260: {  	[tilespmem:v2+s29+$0x0] =	vst.idx.msk $0x1, v3  }
0x261: {  	v2 =	vld [tilespmem:$0x3030];
	_ =	sdelay $0x4  }
0x262: {  	(xrf0) =	vadd.scan.msk.s32 $0xffff, v2;
	_ =	sdelay $0x3  }
0x263: {  	v2 =	vimm.s32 $0x3;
	_ =	sdelay $0x1  }
0x264: {  	v3, _, _ =	vpop (xrf0)  }
0x265: {  	v3 =	vbroadcast v3, $0xF;
	_ =	sdelay $0x1  }
0x266: {  	[tilespmem:v2+s29+$0x0] =	vst.idx.msk $0x1, v3  }
0x267: {  	v2 =	vld [tilespmem:$0x3040];
	_ =	sdelay $0x4  }
0x268: {  	(xrf0) =	vadd.scan.msk.s32 $0xffff, v2;
	_ =	sdelay $0x3  }
0x269: {  	v2 =	vimm.s32 $0x4;
	_ =	sdelay $0x1  }
0x26a: {  	v3, _, _ =	vpop (xrf0)  }
0x26b: {  	v3 =	vbroadcast v3, $0xF;
	_ =	sdelay $0x1  }
0x26c: {  	[tilespmem:v2+s29+$0x0] =	vst.idx.msk $0x1, v3  }
0x26d: {  	v2 =	vld [tilespmem:$0x3050];
	_ =	sdelay $0x4  }
0x26e: {  	(xrf0) =	vadd.scan.msk.s32 $0xffff, v2;
	_ =	sdelay $0x3  }
0x26f: {  	v2 =	vimm.s32 $0x5;
	_ =	sdelay $0x1  }
0x270: {  	v3, _, _ =	vpop (xrf0)  }
0x271: {  	v3 =	vbroadcast v3, $0xF;
	_ =	sdelay $0x1  }
0x272: {  	[tilespmem:v2+s29+$0x0] =	vst.idx.msk $0x1, v3  }
0x273: {  	v2 =	vld [tilespmem:$0x3060];
	_ =	sdelay $0x4  }
0x274: {  	(xrf0) =	vadd.scan.msk.s32 $0xffff, v2;
	_ =	sdelay $0x3  }
0x275: {  	v2 =	vimm.s32 $0x6;
	_ =	sdelay $0x1  }
0x276: {  	v3, _, _ =	vpop (xrf0)  }
0x277: {  	v3 =	vbroadcast v3, $0xF;
	_ =	sdelay $0x1  }
0x278: {  	[tilespmem:v2+s29+$0x0] =	vst.idx.msk $0x1, v3  }
0x279: {  	v2 =	vld [tilespmem:$0x3070];
	_ =	sdelay $0x4  }
0x27a: {  	(xrf0) =	vadd.scan.msk.s32 $0xffff, v2;
	_ =	sdelay $0x3  }
0x27b: {  	v2 =	vimm.s32 $0x7;
	_ =	sdelay $0x1  }
0x27c: {  	v3, _, _ =	vpop (xrf0)  }
0x27d: {  	v3 =	vbroadcast v3, $0xF;
	_ =	sdelay $0x1  }
0x27e: {  	[tilespmem:v2+s29+$0x0] =	vst.idx.msk $0x1, v3  }
0x27f: {  	v2 =	vld [tilespmem:$0x3080];
	_ =	sdelay $0x4  }
0x280: {  	(xrf0) =	vadd.scan.msk.s32 $0xffff, v2;
	_ =	sdelay $0x3  }
0x281: {  	v2 =	vimm.s32 $0x8;
	_ =	sdelay $0x1  }
0x282: {  	v3, _, _ =	vpop (xrf0)  }
0x283: {  	v3 =	vbroadcast v3, $0xF;
	_ =	sdelay $0x1  }
0x284: {  	[tilespmem:v2+s29+$0x0] =	vst.idx.msk $0x1, v3  }
0x285: {  	v2 =	vld [tilespmem:$0x3090];
	_ =	sdelay $0x4  }
0x286: {  	(xrf0) =	vadd.scan.msk.s32 $0xffff, v2;
	_ =	sdelay $0x3  }
0x287: {  	v2 =	vimm.s32 $0x9;
	_ =	sdelay $0x1  }
0x288: {  	v3, _, _ =	vpop (xrf0)  }
0x289: {  	v3 =	vbroadcast v3, $0xF;
	_ =	sdelay $0x1  }
0x28a: {  	[tilespmem:v2+s29+$0x0] =	vst.idx.msk $0x1, v3  }
0x28b: {  	v2 =	vld [tilespmem:$0x30A0];
	_ =	sdelay $0x4  }
0x28c: {  	(xrf0) =	vadd.scan.msk.s32 $0xffff, v2;
	_ =	sdelay $0x3  }
0x28d: {  	v2 =	vimm.s32 $0xA;
	_ =	sdelay $0x1  }
0x28e: {  	v3, _, _ =	vpop (xrf0)  }
0x28f: {  	v3 =	vbroadcast v3, $0xF;
	_ =	sdelay $0x1  }
0x290: {  	[tilespmem:v2+s29+$0x0] =	vst.idx.msk $0x1, v3  }
0x291: {  	v2 =	vld [tilespmem:$0x30B0];
	_ =	sdelay $0x4  }
0x292: {  	(xrf0) =	vadd.scan.msk.s32 $0xffff, v2;
	_ =	sdelay $0x3  }
0x293: {  	v2 =	vimm.s32 $0xB;
	_ =	sdelay $0x1  }
0x294: {  	v3, _, _ =	vpop (xrf0)  }
0x295: {  	v3 =	vbroadcast v3, $0xF;
	_ =	sdelay $0x1  }
0x296: {  	[tilespmem:v2+s29+$0x0] =	vst.idx.msk $0x1, v3  }
0x297: {  	v2 =	vld [tilespmem:$0x30C0];
	_ =	sdelay $0x4  }
0x298: {  	(xrf0) =	vadd.scan.msk.s32 $0xffff, v2;
	_ =	sdelay $0x3  }
0x299: {  	v2 =	vimm.s32 $0xC;
	_ =	sdelay $0x1  }
0x29a: {  	v3, _, _ =	vpop (xrf0)  }
0x29b: {  	v3 =	vbroadcast v3, $0xF;
	_ =	sdelay $0x1  }
0x29c: {  	[tilespmem:v2+s29+$0x0] =	vst.idx.msk $0x1, v3  }
0x29d: {  	v2 =	vld [tilespmem:$0x30D0];
	_ =	sdelay $0x4  }
0x29e: {  	(xrf0) =	vadd.scan.msk.s32 $0xffff, v2;
	_ =	sdelay $0x3  }
0x29f: {  	v2 =	vimm.s32 $0xD;
	_ =	sdelay $0x1  }
0x2a0: {  	v3, _, _ =	vpop (xrf0)  }
0x2a1: {  	v3 =	vbroadcast v3, $0xF;
	_ =	sdelay $0x1  }
0x2a2: {  	[tilespmem:v2+s29+$0x0] =	vst.idx.msk $0x1, v3  }
0x2a3: {  	v2 =	vld [tilespmem:$0x30E0];
	_ =	sdelay $0x4  }
0x2a4: {  	(xrf0) =	vadd.scan.msk.s32 $0xffff, v2;
	_ =	sdelay $0x3  }
0x2a5: {  	v2 =	vimm.s32 $0xE;
	_ =	sdelay $0x1  }
0x2a6: {  	v3, _, _ =	vpop (xrf0)  }
0x2a7: {  	v3 =	vbroadcast v3, $0xF;
	_ =	sdelay $0x1  }
0x2a8: {  	[tilespmem:v2+s29+$0x0] =	vst.idx.msk $0x1, v3  }
0x2a9: {  	v2 =	vld [tilespmem:$0x30F0];
	_ =	sdelay $0x4  }
0x2aa: {  	(xrf0) =	vadd.scan.msk.s32 $0xffff, v2;
	_ =	sdelay $0x3  }
0x2ab: {  	v2 =	vimm.s32 $0xF;
	_ =	sdelay $0x1  }
0x2ac: {  	v3, _, _ =	vpop (xrf0)  }
0x2ad: {  	(v2sf) =	vpush v1, $0xF;
	v1 =	vbroadcast v3, $0xF;
	_ =	sdelay $0x1  }
0x2ae: {  	[tilespmem:v2+s29+$0x0] =	vst.idx.msk $0x1, v1  }
0x2af: {  	v1 =	vld [tilespmem:$0x3180];
	_ =	sdelay $0x1  }
0x2b0: {  	v2 =	vmul.u32 $0xFFFFFFFF, v5;
	_ =	sdelay $0x1  }
0x2b1: {  	v2 =	vadd.s32 $0xF, v2  }
0x2b2: {  	v1 =	vperm.xlane v1, v2;
	_ =	sdelay $0x1  }
0x2b3: {  	(xrf0) =	vadd.scan.msk.s32 $0xffff, v1;
	_ =	sdelay $0x4  }
0x2b4: {  	s30 =	spop (v2sf)  }
0x2b5: {  	s3 =	ssub.s32 s3, s30;
	v3, _, _ =	vpop (xrf0)  }
0x2b6: {  	vm0 =	vlt.s32 v3, s3  }
0x2b7: {  	v6 =	vsel vm0, $0x1, v4  }
0x2b8: {  	(xrf0) =	vadd.scan.msk.s32 $0xffff, v6;
	_ =	sdelay $0x5  }
0x2b9: {  	v6, _, _ =	vpop (xrf0)  }
0x2ba: {  	(v2sf) =	vpush v6, $0xF;
	_ =	sdelay $0xe  }
0x2bb: {  	s31 =	spop (v2sf)  }
0x2bc: {  	s6 =	sshll.u32 s31, $0x4  }
0x2bd: {  	s5 =	ssub.s32 $0x30F0, s6  }
0x2be: {  	v7 =	vld [tilespmem:s5+$0x0]  }
0x2bf: {  	v6 =	vbroadcast v6, $0xF;
	_ =	sdelay $0x1  }
0x2c0: {  	v1 =	vsub.s32 v3, v1;
	vm0 =	veq.s32 v6, v5  }
0x2c1: {  	v1 =	vnsel vm0, $0x0, v1  }
0x2c2: {  	(xrf0) =	vadd.scan.msk.s32 $0xffff, v1;
	v1 =	vperm.xlane v7, v2;
	_ =	sdelay $0x1  }
0x2c3: {  	(xrf0) =	vadd.scan.msk.s32 $0xffff, v1;
	_ =	sdelay $0x3  }
0x2c4: {  	v2, _, _ =	vpop (xrf0)  }
0x2c5: {  	v2 =	vbroadcast v2, $0xF  }
0x2c6: {  	v3, _, _ =	vpop (xrf0)  }
0x2c7: {  	v2 =	vadd.s32 v3, v2  }
0x2c8: {  	vm0 =	vlt.s32 v2, s3  }
0x2c9: {  	v3 =	vsel vm0, $0x1, v4  }
0x2ca: {  	(xrf0) =	vadd.scan.msk.s32 $0xffff, v3;
	_ =	sdelay $0x2  }
0x2cb: {  	[tilespmem:$0x3000] =	vst v4  }
0x2cc: {  	[tilespmem:$0x3010] =	vst v4  }
0x2cd: {  	[tilespmem:$0x3020] =	vst v4  }
0x2ce: {  	[tilespmem:$0x3030] =	vst v4;
	v3, _, _ =	vpop (xrf0)  }
0x2cf: {  	[tilespmem:$0x3040] =	vst v4;
	(v2sf) =	vpush v3, $0xF  }
0x2d0: {  	[tilespmem:$0x3050] =	vst v4  }
0x2d1: {  	[tilespmem:$0x3060] =	vst v4  }
0x2d2: {  	[tilespmem:$0x3070] =	vst v4  }
0x2d3: {  	[tilespmem:$0x3080] =	vst v4  }
0x2d4: {  	[tilespmem:$0x3090] =	vst v4  }
0x2d5: {  	[tilespmem:$0x30A0] =	vst v4  }
0x2d6: {  	[tilespmem:$0x30B0] =	vst v4  }
0x2d7: {  	[tilespmem:$0x30C0] =	vst v4  }
0x2d8: {  	[tilespmem:$0x30D0] =	vst v4  }
0x2d9: {  	[tilespmem:$0x30E0] =	vst v4  }
0x2da: {  	[tilespmem:$0x30F0] =	vst v4  }
0x2db: {  	[tilespmem:$0x3100] =	vst v4;
	s5 =	simm.s32 $0x1080  }
0x2dc: {  	v5 =	vld [tilespmem:s5+$0xFFFFFFD0]  }
0x2dd: {  	v6 =	vld [tilespmem:s5+$0xFFFFFF80]  }
0x2de: {  	v8 =	vld [tilespmem:s5+$0x70];
	s7 =	spop (v2sf)  }
0x2df: {  	v9 =	vld [tilespmem:s5+$0x60];
	s6 =	sadd.s32 s7, s6  }
0x2e0: {  	s4 =	sshll.u32 s4, $0x8;
	v10 =	vld [tilespmem:s5+$0x50];
	s6 =	ssub.s32 $0xFF, s6  }
0x2e1: {  	v43 =	vld [tilespmem:s5+$0x40];
	s4 =	sor.u32 s4, s6  }
0x2e2: {  	v44 =	vld [tilespmem:s5+$0x30];
	v42 =	vshra.s32 v6, $0x8;
	v4 =	vmov s4  }
0x2e3: {  	v13 =	vld [tilespmem:s5+$0x20];
	vm0 =	veq.s32 v42, v4  }
0x2e4: {  	v46 =	vld [tilespmem:s5+$0x10];
	v6 =	vand.u32 $0xFF, v6  }
0x2e5: {  	v47 =	vld [tilespmem:s5+$0x0];
	v45 =	vshra.s32 v8, $0x8  }
0x2e6: {  	v16 =	vld [tilespmem:s5+$0xFFFFFFF0];
	v51 =	vshra.s32 v10, $0x8;
	vm1 =	veq.s32 v45, v4  }
0x2e7: {  	v49 =	vld [tilespmem:s5+$0xFFFFFFE0];
	v8 =	vand.u32 $0xFF, v8;
	v48 =	vshra.s32 v43, $0x8;
	vm3 =	veq.s32 v51, v4  }
0x2e8: {  	v52 =	vld [tilespmem:s5+$0xFFFFFFC0];
	v10 =	vand.u32 $0xFF, v10;
	s6 =	simm.s32 $0x3000;
	vm2 =	veq.s32 v48, v4  }
0x2e9: {  	v53 =	vshra.s32 v13, $0x8;
	[tilespmem:v6+s6+$0x0] =	vst.idx.add.s32.msk vm0, v0;
	v6 =	vand.u32 $0xFF, v43  }
0x2ea: {  	v55 =	vld [tilespmem:s5+$0xFFFFFFA0];
	v50 =	vshra.s32 v44, $0x8;
	v11 =	vand.u32 $0xFF, v44;
	vm4 =	veq.s32 v53, v4  }
0x2eb: {  	v7 =	vld [tilespmem:s5+$0xFFFFFFB0];
	v54 =	vshra.s32 v47, $0x8;
	v13 =	vand.u32 $0xFF, v13;
	vm0 =	veq.s32 v50, v4  }
0x2ec: {  	v56 =	vshra.s32 v16, $0x8;
	v14 =	vand.u32 $0xFF, v47;
	[tilespmem:v8+s6+$0x0] =	vst.idx.add.s32.msk vm1, v0;
	vm1 =	veq.s32 v54, v4  }
0x2ed: {  	v59 =	vshra.s32 v52, $0x8;
	v61 =	vshra.s32 v5, $0x8;
	vm6 =	veq.s32 v56, v4;
	[tilespmem:v10+s6+$0x0] =	vst.idx.add.s32.msk vm3, v0  }
0x2ee: {  	vm7 =	veq.s32 v59, v4;
	v8 =	vshra.s32 v9, $0x8;
	[tilespmem:v6+s6+$0x0] =	vst.idx.add.s32.msk vm2, v0;
	v6 =	vand.u32 $0xFF, v16  }
0x2ef: {  	v62 =	vand.u32 $0xFF, v52;
	vm15 =	veq.s32 v61, v4;
	vm5 =	veq.s32 v8, v4;
	v8 =	vld [tilespmem:s5+$0xFFFFFF90]  }
0x2f0: {  	v57 =	vshra.s32 v46, $0x8;
	v63 =	vand.u32 $0xFF, v5;
	[tilespmem:v13+s6+$0x0] =	vst.idx.add.s32.msk vm4, v0  }
0x2f1: {  	v58 =	vshra.s32 v49, $0x8;
	v9 =	vand.u32 $0xFF, v9;
	vm2 =	veq.s32 v57, v4;
	[tilespmem:v11+s6+$0x0] =	vst.idx.add.s32.msk vm0, v0  }
0x2f2: {  	v15 =	vand.u32 $0xFF, v46;
	v5 =	vshra.s32 v7, $0x8;
	vm0 =	veq.s32 v58, v4;
	[tilespmem:v14+s6+$0x0] =	vst.idx.add.s32.msk vm1, v0  }
0x2f3: {  	v60 =	vand.u32 $0xFF, v49;
	vm1 =	veq.s32 v5, v4;
	[tilespmem:v6+s6+$0x0] =	vst.idx.add.s32.msk vm6, v0;
	v6 =	vshra.s32 v55, $0x8  }
0x2f4: {  	v7 =	vand.u32 $0xFF, v7;
	[tilespmem:v62+s6+$0x0] =	vst.idx.add.s32.msk vm7, v0;
	v5 =	vshra.s32 v8, $0x8;
	vm3 =	veq.s32 v6, v4  }
0x2f5: {  	[tilespmem:v63+s6+$0x0] =	vst.idx.add.s32.msk vm15, v0;
	vm4 =	veq.s32 v5, v4;
	v5 =	vand.u32 $0xFF, v55  }
0x2f6: {  	[tilespmem:v9+s6+$0x0] =	vst.idx.add.s32.msk vm5, v0;
	v6 =	vand.u32 $0xFF, v8  }
0x2f7: {  	[tilespmem:v15+s6+$0x0] =	vst.idx.add.s32.msk vm2, v0  }
0x2f8: {  	s7 =	simm.s32 $0x0;
	[tilespmem:v60+s6+$0x0] =	vst.idx.add.s32.msk vm0, v0  }
.LBB2_8:
0x2f9: {  	s7 =	sadd.s32 $0x10, s7;
	[tilespmem:v7+s6+$0x0] =	vst.idx.add.s32.msk vm1, v0;
	s5 =	sadd.s32 $0x100, s5  }
0x2fa: {  	p0 =	slt.u32 s7, $0xF0;
	[tilespmem:v5+s6+$0x0] =	vst.idx.add.s32.msk vm3, v0  }
0x2fb: {  	[tilespmem:v6+s6+$0x0] =	vst.idx.add.s32.msk vm4, v0  }
0x2fc: {  	v5 =	vld [tilespmem:s5+$0xFFFFFFD0]  }
0x2fd: {  	v6 =	vld [tilespmem:s5+$0xFFFFFF80]  }
0x2fe: {  	v7 =	vld [tilespmem:s5+$0xFFFFFFB0]  }
0x2ff: {  	v8 =	vld [tilespmem:s5+$0x70]  }
0x300: {  	v9 =	vld [tilespmem:s5+$0x60]  }
0x301: {  	v10 =	vld [tilespmem:s5+$0x50]  }
0x302: {  	v11 =	vshra.s32 v6, $0x8;
	v12 =	vld [tilespmem:s5+$0x40]  }
0x303: {  	vm2 =	veq.s32 v11, v4;
	v11 =	vld [tilespmem:s5+$0x30]  }
0x304: {  	v6 =	vand.u32 $0xFF, v6;
	v13 =	vld [tilespmem:s5+$0x20];
	v14 =	vshra.s32 v8, $0x8  }
0x305: {  	v15 =	vld [tilespmem:s5+$0x10];
	v16 =	vshra.s32 v9, $0x8;
	vm3 =	veq.s32 v14, v4  }
0x306: {  	v8 =	vand.u32 $0xFF, v8;
	v14 =	vld [tilespmem:s5+$0x0];
	v17 =	vshra.s32 v10, $0x8  }
0x307: {  	v9 =	vand.u32 $0xFF, v9;
	vm0 =	veq.s32 v16, v4;
	v18 =	vld [tilespmem:s5+$0xFFFFFFF0];
	v19 =	vshra.s32 v12, $0x8  }
0x308: {  	vm1 =	veq.s32 v17, v4;
	v16 =	vld [tilespmem:s5+$0xFFFFFFE0];
	v20 =	vshra.s32 v11, $0x8;
	vm4 =	veq.s32 v19, v4  }
0x309: {  	v12 =	vand.u32 $0xFF, v12;
	[tilespmem:v6+s6+$0x0] =	vst.idx.add.s32.msk vm2, v0;
	v6 =	vand.u32 $0xFF, v13;
	vm5 =	veq.s32 v20, v4  }
0x30a: {  	v11 =	vand.u32 $0xFF, v11;
	v13 =	vshra.s32 v13, $0x8;
	v17 =	vld [tilespmem:s5+$0xFFFFFFC0];
	v19 =	vshra.s32 v15, $0x8  }
0x30b: {  	v10 =	vand.u32 $0xFF, v10;
	vm6 =	veq.s32 v13, v4;
	v20 =	vshra.s32 v14, $0x8;
	[tilespmem:v8+s6+$0x0] =	vst.idx.add.s32.msk vm3, v0  }
0x30c: {  	vm2 =	veq.s32 v19, v4;
	v8 =	vld [tilespmem:s5+$0xFFFFFFA0];
	v13 =	vand.u32 $0xFF, v18;
	vm7 =	veq.s32 v20, v4  }
0x30d: {  	v14 =	vand.u32 $0xFF, v14;
	v18 =	vshra.s32 v18, $0x8;
	v19 =	vld [tilespmem:s5+$0xFFFFFF90];
	v20 =	vand.u32 $0xFF, v16  }
0x30e: {  	v21 =	vand.u32 $0xFF, v5;
	v16 =	vshra.s32 v16, $0x8;
	vm8 =	veq.s32 v18, v4;
	[tilespmem:v12+s6+$0x0] =	vst.idx.add.s32.msk vm4, v0  }
0x30f: {  	v5 =	vshra.s32 v5, $0x8;
	v15 =	vand.u32 $0xFF, v15;
	v12 =	vshra.s32 v17, $0x8;
	[tilespmem:v11+s6+$0x0] =	vst.idx.add.s32.msk vm5, v0  }
0x310: {  	vm9 =	veq.s32 v16, v4;
	v11 =	vshra.s32 v7, $0x8;
	vm5 =	veq.s32 v12, v4;
	[tilespmem:v10+s6+$0x0] =	vst.idx.add.s32.msk vm1, v0  }
0x311: {  	vm1 =	veq.s32 v11, v4;
	v11 =	vand.u32 $0xFF, v17;
	v10 =	vshra.s32 v8, $0x8;
	[tilespmem:v6+s6+$0x0] =	vst.idx.add.s32.msk vm6, v0  }
0x312: {  	vm6 =	veq.s32 v5, v4;
	v6 =	vshra.s32 v19, $0x8;
	vm3 =	veq.s32 v10, v4;
	[tilespmem:v14+s6+$0x0] =	vst.idx.add.s32.msk vm7, v0  }
0x313: {  	v7 =	vand.u32 $0xFF, v7;
	v5 =	vand.u32 $0xFF, v8;
	vm4 =	veq.s32 v6, v4;
	[tilespmem:v9+s6+$0x0] =	vst.idx.add.s32.msk vm0, v0  }
.Ltmp4:
0x314: {  	v6 =	vand.u32 $0xFF, v19;
	[tilespmem:v13+s6+$0x0] =	vst.idx.add.s32.msk vm8, v0;
	(pc) =	sbr.rel @p0 .LBB2_8-.Ltmp4, $4  }
0x315: {  	[tilespmem:v15+s6+$0x0] =	vst.idx.add.s32.msk vm2, v0  }
0x316: {  	[tilespmem:v20+s6+$0x0] =	vst.idx.add.s32.msk vm9, v0  }
0x317: {  	[tilespmem:v11+s6+$0x0] =	vst.idx.add.s32.msk vm5, v0  }
0x318: {  	[tilespmem:v21+s6+$0x0] =	vst.idx.add.s32.msk vm6, v0  }
0x319: {  	_ =	sdelay $0x4  }
0x31a: {  	[tilespmem:v7+s6+$0x0] =	vst.idx.add.s32.msk vm1, v0  }
0x31b: {  	[tilespmem:v5+s6+$0x0] =	vst.idx.add.s32.msk vm3, v0  }
0x31c: {  	[tilespmem:v6+s6+$0x0] =	vst.idx.add.s32.msk vm4, v0  }
0x31d: {  	v0 =	vbroadcast v3, $0xF;
	v4 =	vld [tilespmem:$0x3000]  }
0x31e: {  	v3 =	vlaneseq.u32  }
0x31f: {  	vm0 =	veq.s32 v0, v3;
	v0 =	vsub.s32 v2, v1  }
0x320: {  	v0 =	vnsel vm0, $0x0, v0  }
0x321: {  	(xrf0) =	vadd.scan.msk.s32 $0xffff, v0  }
0x322: {  	(xrf0) =	vadd.scan.msk.s32 $0xffff, v4;
	_ =	sdelay $0x3  }
0x323: {  	v0 =	vimm.s32 $0x0  }
0x324: {  	v1, _, _ =	vpop (xrf0)  }
0x325: {  	v2, _, _ =	vpop (xrf0)  }
0x326: {  	v2 =	vbroadcast v2, $0xF  }
0x327: {  	s5 =	simm.s32 $0x3180  }
0x328: {  	[tilespmem:v0+s5+$0x0] =	vst.idx.msk $0x1, v2  }
0x329: {  	v2 =	vld [tilespmem:$0x3010];
	_ =	sdelay $0x4  }
0x32a: {  	(xrf0) =	vadd.scan.msk.s32 $0xffff, v2;
	_ =	sdelay $0x3  }
0x32b: {  	v2 =	vimm.s32 $0x1;
	_ =	sdelay $0x1  }
0x32c: {  	v44, _, _ =	vpop (xrf0)  }
0x32d: {  	v4 =	vbroadcast v44, $0xF;
	_ =	sdelay $0x1  }
0x32e: {  	[tilespmem:v2+s5+$0x0] =	vst.idx.msk $0x1, v4  }
0x32f: {  	v2 =	vld [tilespmem:$0x3020];
	_ =	sdelay $0x4  }
0x330: {  	(xrf0) =	vadd.scan.msk.s32 $0xffff, v2;
	_ =	sdelay $0x3  }
0x331: {  	v2 =	vimm.s32 $0x2;
	_ =	sdelay $0x1  }
0x332: {  	v45, _, _ =	vpop (xrf0)  }
0x333: {  	v4 =	vbroadcast v45, $0xF;
	_ =	sdelay $0x1  }
0x334: {  	[tilespmem:v2+s5+$0x0] =	vst.idx.msk $0x1, v4  }
0x335: {  	v2 =	vld [tilespmem:$0x3030];
	_ =	sdelay $0x4  }
0x336: {  	(xrf0) =	vadd.scan.msk.s32 $0xffff, v2;
	_ =	sdelay $0x3  }
0x337: {  	v2 =	vimm.s32 $0x3;
	_ =	sdelay $0x1  }
0x338: {  	v46, _, _ =	vpop (xrf0)  }
0x339: {  	v4 =	vbroadcast v46, $0xF;
	_ =	sdelay $0x1  }
0x33a: {  	[tilespmem:v2+s5+$0x0] =	vst.idx.msk $0x1, v4  }
0x33b: {  	v2 =	vld [tilespmem:$0x3040];
	_ =	sdelay $0x4  }
0x33c: {  	(xrf0) =	vadd.scan.msk.s32 $0xffff, v2;
	_ =	sdelay $0x3  }
0x33d: {  	v2 =	vimm.s32 $0x4;
	_ =	sdelay $0x1  }
0x33e: {  	v47, _, _ =	vpop (xrf0)  }
0x33f: {  	v4 =	vbroadcast v47, $0xF;
	_ =	sdelay $0x1  }
0x340: {  	[tilespmem:v2+s5+$0x0] =	vst.idx.msk $0x1, v4  }
0x341: {  	v2 =	vld [tilespmem:$0x3050];
	_ =	sdelay $0x4  }
0x342: {  	(xrf0) =	vadd.scan.msk.s32 $0xffff, v2;
	_ =	sdelay $0x3  }
0x343: {  	v2 =	vimm.s32 $0x5;
	_ =	sdelay $0x1  }
0x344: {  	v48, _, _ =	vpop (xrf0)  }
0x345: {  	v4 =	vbroadcast v48, $0xF;
	_ =	sdelay $0x1  }
0x346: {  	[tilespmem:v2+s5+$0x0] =	vst.idx.msk $0x1, v4  }
0x347: {  	v2 =	vld [tilespmem:$0x3060];
	_ =	sdelay $0x4  }
0x348: {  	(xrf0) =	vadd.scan.msk.s32 $0xffff, v2;
	_ =	sdelay $0x3  }
0x349: {  	v2 =	vimm.s32 $0x6;
	_ =	sdelay $0x1  }
0x34a: {  	v49, _, _ =	vpop (xrf0)  }
0x34b: {  	v4 =	vbroadcast v49, $0xF;
	_ =	sdelay $0x1  }
0x34c: {  	[tilespmem:v2+s5+$0x0] =	vst.idx.msk $0x1, v4  }
0x34d: {  	v2 =	vld [tilespmem:$0x3070];
	_ =	sdelay $0x4  }
0x34e: {  	(xrf0) =	vadd.scan.msk.s32 $0xffff, v2;
	_ =	sdelay $0x3  }
0x34f: {  	v2 =	vimm.s32 $0x7;
	_ =	sdelay $0x1  }
0x350: {  	v50, _, _ =	vpop (xrf0)  }
0x351: {  	v4 =	vbroadcast v50, $0xF;
	_ =	sdelay $0x1  }
0x352: {  	[tilespmem:v2+s5+$0x0] =	vst.idx.msk $0x1, v4  }
0x353: {  	v2 =	vld [tilespmem:$0x3080];
	_ =	sdelay $0x4  }
0x354: {  	(xrf0) =	vadd.scan.msk.s32 $0xffff, v2;
	_ =	sdelay $0x3  }
0x355: {  	v2 =	vimm.s32 $0x8;
	_ =	sdelay $0x1  }
0x356: {  	v51, _, _ =	vpop (xrf0)  }
0x357: {  	v4 =	vbroadcast v51, $0xF;
	_ =	sdelay $0x1  }
0x358: {  	[tilespmem:v2+s5+$0x0] =	vst.idx.msk $0x1, v4  }
0x359: {  	v2 =	vld [tilespmem:$0x3090];
	_ =	sdelay $0x4  }
0x35a: {  	(xrf0) =	vadd.scan.msk.s32 $0xffff, v2;
	_ =	sdelay $0x3  }
0x35b: {  	v2 =	vimm.s32 $0x9;
	_ =	sdelay $0x1  }
0x35c: {  	v52, _, _ =	vpop (xrf0)  }
0x35d: {  	v4 =	vbroadcast v52, $0xF;
	_ =	sdelay $0x1  }
0x35e: {  	[tilespmem:v2+s5+$0x0] =	vst.idx.msk $0x1, v4  }
0x35f: {  	v2 =	vld [tilespmem:$0x30A0];
	_ =	sdelay $0x4  }
0x360: {  	(xrf0) =	vadd.scan.msk.s32 $0xffff, v2;
	_ =	sdelay $0x3  }
0x361: {  	v2 =	vimm.s32 $0xA;
	_ =	sdelay $0x1  }
0x362: {  	v53, _, _ =	vpop (xrf0)  }
0x363: {  	v4 =	vbroadcast v53, $0xF;
	_ =	sdelay $0x1  }
0x364: {  	[tilespmem:v2+s5+$0x0] =	vst.idx.msk $0x1, v4  }
0x365: {  	v2 =	vld [tilespmem:$0x30B0];
	_ =	sdelay $0x4  }
0x366: {  	(xrf0) =	vadd.scan.msk.s32 $0xffff, v2;
	_ =	sdelay $0x3  }
0x367: {  	v2 =	vimm.s32 $0xB;
	_ =	sdelay $0x1  }
0x368: {  	v54, _, _ =	vpop (xrf0)  }
0x369: {  	v4 =	vbroadcast v54, $0xF;
	_ =	sdelay $0x1  }
0x36a: {  	[tilespmem:v2+s5+$0x0] =	vst.idx.msk $0x1, v4  }
0x36b: {  	v2 =	vld [tilespmem:$0x30C0];
	_ =	sdelay $0x4  }
0x36c: {  	(xrf0) =	vadd.scan.msk.s32 $0xffff, v2;
	_ =	sdelay $0x3  }
0x36d: {  	v2 =	vimm.s32 $0xC;
	_ =	sdelay $0x1  }
0x36e: {  	v55, _, _ =	vpop (xrf0)  }
0x36f: {  	v4 =	vbroadcast v55, $0xF;
	_ =	sdelay $0x1  }
0x370: {  	[tilespmem:v2+s5+$0x0] =	vst.idx.msk $0x1, v4  }
0x371: {  	v2 =	vld [tilespmem:$0x30D0];
	_ =	sdelay $0x4  }
0x372: {  	(xrf0) =	vadd.scan.msk.s32 $0xffff, v2;
	_ =	sdelay $0x3  }
0x373: {  	v2 =	vimm.s32 $0xD;
	_ =	sdelay $0x1  }
0x374: {  	v56, _, _ =	vpop (xrf0)  }
0x375: {  	v4 =	vbroadcast v56, $0xF;
	_ =	sdelay $0x1  }
0x376: {  	[tilespmem:v2+s5+$0x0] =	vst.idx.msk $0x1, v4  }
0x377: {  	v2 =	vld [tilespmem:$0x30E0];
	_ =	sdelay $0x4  }
0x378: {  	(xrf0) =	vadd.scan.msk.s32 $0xffff, v2;
	_ =	sdelay $0x3  }
0x379: {  	v2 =	vimm.s32 $0xE;
	_ =	sdelay $0x1  }
0x37a: {  	v57, _, _ =	vpop (xrf0)  }
0x37b: {  	v4 =	vbroadcast v57, $0xF;
	_ =	sdelay $0x1  }
0x37c: {  	[tilespmem:v2+s5+$0x0] =	vst.idx.msk $0x1, v4  }
0x37d: {  	v2 =	vld [tilespmem:$0x30F0];
	_ =	sdelay $0x4  }
0x37e: {  	(xrf0) =	vadd.scan.msk.s32 $0xffff, v2;
	_ =	sdelay $0x3  }
0x37f: {  	v2 =	vimm.s32 $0xF;
	_ =	sdelay $0x1  }
0x380: {  	v58, _, _ =	vpop (xrf0)  }
0x381: {  	(v2sf) =	vpush v1, $0xF;
	v1 =	vbroadcast v58, $0xF;
	_ =	sdelay $0x1  }
0x382: {  	[tilespmem:v2+s5+$0x0] =	vst.idx.msk $0x1, v1  }
0x383: {  	v1 =	vld [tilespmem:$0x3180];
	_ =	sdelay $0x1  }
0x384: {  	v2 =	vmul.u32 $0xFFFFFFFF, v3;
	_ =	sdelay $0x1  }
0x385: {  	v2 =	vadd.s32 $0xF, v2  }
0x386: {  	v1 =	vperm.xlane v1, v2;
	_ =	sdelay $0x1  }
0x387: {  	(xrf0) =	vadd.scan.msk.s32 $0xffff, v1;
	_ =	sdelay $0x4  }
0x388: {  	s23 =	spop (v2sf)  }
0x389: {  	s3 =	ssub.s32 s3, s23;
	v59, _, _ =	vpop (xrf0)  }
0x38a: {  	vm11 =	vlt.s32 v59, s3  }
0x38b: {  	v60 =	vsel vm11, $0x1, v0  }
0x38c: {  	(xrf0) =	vadd.scan.msk.s32 $0xffff, v60;
	_ =	sdelay $0x5  }
0x38d: {  	v5, _, _ =	vpop (xrf0)  }
0x38e: {  	(v2sf) =	vpush v5, $0xF;
	_ =	sdelay $0xe  }
0x38f: {  	s24 =	spop (v2sf)  }
0x390: {  	s5 =	sshll.u32 s24, $0x4  }
0x391: {  	s25 =	ssub.s32 $0x30F0, s5  }
0x392: {  	v6 =	vld [tilespmem:s25+$0x0]  }
0x393: {  	v5 =	vbroadcast v5, $0xF;
	_ =	sdelay $0x1  }
0x394: {  	v1 =	vsub.s32 v59, v1;
	vm12 =	veq.s32 v5, v3  }
0x395: {  	v1 =	vnsel vm12, $0x0, v1  }
0x396: {  	(xrf0) =	vadd.scan.msk.s32 $0xffff, v1;
	v1 =	vperm.xlane v6, v2;
	_ =	sdelay $0x1  }
0x397: {  	(xrf0) =	vadd.scan.msk.s32 $0xffff, v1;
	_ =	sdelay $0x3  }
0x398: {  	v2, _, _ =	vpop (xrf0)  }
0x399: {  	v2 =	vbroadcast v2, $0xF  }
0x39a: {  	v61, _, _ =	vpop (xrf0)  }
0x39b: {  	v2 =	vadd.s32 v61, v2  }
0x39c: {  	vm13 =	vlt.s32 v2, s3  }
0x39d: {  	v62 =	vsel vm13, $0x1, v0  }
0x39e: {  	(xrf0) =	vadd.scan.msk.s32 $0xffff, v62;
	_ =	sdelay $0x5  }
0x39f: {  	v4, _, _ =	vpop (xrf0)  }
0x3a0: {  	(v2sf) =	vpush v4, $0xF;
	_ =	sdelay $0xe  }
0x3a1: {  	s26 =	spop (v2sf)  }
0x3a2: {  	s5 =	sadd.s32 s26, s5  }
0x3a3: {  	s5 =	ssub.s32 $0xFF, s5  }
0x3a4: {  	s28 =	sand.u32 $0xFFFFFFF0, s5  }
0x3a5: {  	v63 =	vld [tilespmem:s28+$0x3000]  }
0x3a6: {  	v4 =	vbroadcast v4, $0xF  }
0x3a7: {  	s29 =	sand.u32 $0xF, s5  }
0x3a8: {  	v1 =	vsub.s32 v2, v1;
	vm14 =	veq.s32 v4, v3;
	v2 =	vmov s29  }
0x3a9: {  	v1 =	vnsel vm14, $0x0, v1;
	vm15 =	veq.s32 v2, v3  }
0x3aa: {  	(xrf0) =	vadd.scan.msk.s32 $0xffff, v1;
	v1 =	vnsel vm15, $0x0, v63  }
0x3ab: {  	(xrf0) =	vadd.scan.msk.s32 $0xffff, v1;
	_ =	sdelay $0x4  }
0x3ac: {  	v1, _, _ =	vpop (xrf0)  }
0x3ad: {  	(v2sf) =	vpush v1, $0xF;
	v1, _, _ =	vpop (xrf0)  }
0x3ae: {  	(v2sf) =	vpush v1, $0xF;
	_ =	sdelay $0xd  }
0x3af: {  	s30 =	spop (v2sf)  }
0x3b0: {  	s3 =	ssub.s32 s3, s30;
	s31 =	spop (v2sf)  }
0x3b1: {  	p0 =	sne.s32 s3, s31  }
.Ltmp5:
0x3b2: {  	_ = 	snop;
	(pc) =	sbr.rel @p0 .LBB2_13-.Ltmp5, $3  }
0x3b3: {  	_ =	sdelay $0x1  }
0x3b4: {  	s4 =	sshll.u32 s4, $0x8  }
0x3b5: {  	s5 =	sor.u32 s4, s5  }
0x3b6: {  	s6 =	simm.s32 $0x1080  }
0x3b7: {  	v2 =	vld [tilespmem:s6+$0x70]  }
0x3b8: {  	v3 =	vld [tilespmem:s6+$0xFFFFFF90]  }
0x3b9: {  	v4 =	vld [tilespmem:s6+$0xFFFFFFA0]  }
0x3ba: {  	v5 =	vld [tilespmem:s6+$0xFFFFFFB0]  }
0x3bb: {  	v1 =	vmov s5;
	v6 =	vld [tilespmem:s6+$0xFFFFFFC0]  }
0x3bc: {  	v0 =	vimm.f32 $1.000000000e+00;
	v7 =	vld [tilespmem:s6+$0xFFFFFFD0];
	vm0 =	vlt.s32 v2, v1  }
0x3bd: {  	s3 =	simm.s32 $0x2080;
	vm1 =	vlt.s32 v3, v1;
	v2 =	vld [tilespmem:s6+$0xFFFFFFE0];
	v3 =	vsel vm0, $0x0, v0  }
0x3be: {  	v8 =	vsel vm1, $0x0, v0;
	vm0 =	vlt.s32 v4, v1;
	v4 =	vld [tilespmem:s6+$0xFFFFFFF0];
	[tilespmem:s3+$0x70] =	vst v3  }
0x3bf: {  	[tilespmem:s3+$0xFFFFFF90] =	vst v8;
	v3 =	vsel vm0, $0x0, v0;
	vm0 =	vlt.s32 v5, v1;
	v5 =	vld [tilespmem:s6+$0x0]  }
0x3c0: {  	[tilespmem:s3+$0xFFFFFFA0] =	vst v3;
	v3 =	vsel vm0, $0x0, v0;
	vm0 =	vlt.s32 v6, v1;
	v6 =	vld [tilespmem:s6+$0x10]  }
0x3c1: {  	v8 =	vld [tilespmem:s6+$0x20];
	[tilespmem:s3+$0xFFFFFFB0] =	vst v3;
	v3 =	vsel vm0, $0x0, v0;
	vm0 =	vlt.s32 v7, v1  }
0x3c2: {  	[tilespmem:s3+$0xFFFFFFC0] =	vst v3;
	v3 =	vsel vm0, $0x0, v0;
	vm0 =	vlt.s32 v2, v1;
	v2 =	vld [tilespmem:s6+$0x30]  }
0x3c3: {  	[tilespmem:s3+$0xFFFFFFD0] =	vst v3;
	v7 =	vsel vm0, $0x0, v0;
	vm0 =	vlt.s32 v4, v1;
	v3 =	vld [tilespmem:s6+$0x40]  }
0x3c4: {  	v4 =	vld [tilespmem:s6+$0x50];
	[tilespmem:s3+$0xFFFFFFE0] =	vst v7;
	v7 =	vsel vm0, $0x0, v0;
	vm0 =	vlt.s32 v5, v1  }
0x3c5: {  	v5 =	vld [tilespmem:s6+$0x60];
	[tilespmem:s3+$0xFFFFFFF0] =	vst v7;
	v7 =	vsel vm0, $0x0, v0;
	vm0 =	vlt.s32 v6, v1  }
0x3c6: {  	s4 =	simm.s32 $0x0;
	s5 =	simm.s32 $0x1180;
	v6 =	vld [tilespmem:s6+$0xFFFFFF80];
	[tilespmem:s3+$0x0] =	vst v7;
	v7 =	vsel vm0, $0x0, v0;
	vm0 =	vlt.s32 v8, v1  }
.LBB2_11:
0x3c7: {  	v8 =	vld [tilespmem:s5+$0x70];
	s4 =	sadd.s32 $0x10, s4;
	[tilespmem:s3+$0x10] =	vst v7;
	v7 =	vsel vm0, $0x0, v0;
	vm0 =	vlt.s32 v2, v1  }
0x3c8: {  	v2 =	vld [tilespmem:s5+$0xFFFFFF90];
	p0 =	slt.u32 s4, $0xF0;
	[tilespmem:s3+$0x20] =	vst v7;
	v7 =	vsel vm0, $0x0, v0;
	vm0 =	vlt.s32 v3, v1  }
0x3c9: {  	v3 =	vld [tilespmem:s5+$0xFFFFFFA0];
	[tilespmem:s3+$0x30] =	vst v7;
	v7 =	vsel vm0, $0x0, v0;
	vm0 =	vlt.s32 v4, v1  }
0x3ca: {  	v4 =	vld [tilespmem:s5+$0xFFFFFFB0];
	[tilespmem:s3+$0x40] =	vst v7;
	v7 =	vsel vm0, $0x0, v0;
	vm0 =	vlt.s32 v5, v1  }
0x3cb: {  	v5 =	vld [tilespmem:s5+$0xFFFFFFC0];
	vm1 =	vlt.s32 v6, v1;
	[tilespmem:s3+$0x50] =	vst v7;
	v6 =	vsel vm0, $0x0, v0  }
0x3cc: {  	v7 =	vld [tilespmem:s5+$0xFFFFFFD0];
	vm0 =	vlt.s32 v8, v1;
	v8 =	vsel vm1, $0x0, v0;
	[tilespmem:s3+$0x60] =	vst v6  }
0x3cd: {  	vm1 =	vlt.s32 v2, v1;
	v2 =	vld [tilespmem:s5+$0xFFFFFFE0];
	v6 =	vsel vm0, $0x0, v0;
	[tilespmem:s3+$0xFFFFFF80] =	vst v8;
	s3 =	sadd.s32 $0x100, s3  }
0x3ce: {  	v8 =	vsel vm1, $0x0, v0;
	vm0 =	vlt.s32 v3, v1;
	v3 =	vld [tilespmem:s5+$0xFFFFFFF0];
	[tilespmem:s3+$0x70] =	vst v6  }
0x3cf: {  	[tilespmem:s3+$0xFFFFFF90] =	vst v8;
	v6 =	vsel vm0, $0x0, v0;
	vm0 =	vlt.s32 v4, v1;
	v4 =	vld [tilespmem:s5+$0x0]  }
0x3d0: {  	[tilespmem:s3+$0xFFFFFFA0] =	vst v6;
	v6 =	vsel vm0, $0x0, v0;
	vm0 =	vlt.s32 v5, v1;
	v5 =	vld [tilespmem:s5+$0x10]  }
0x3d1: {  	[tilespmem:s3+$0xFFFFFFB0] =	vst v6;
	v6 =	vsel vm0, $0x0, v0;
	vm0 =	vlt.s32 v7, v1;
	v8 =	vld [tilespmem:s5+$0x20]  }
.Ltmp6:
0x3d2: {  	[tilespmem:s3+$0xFFFFFFC0] =	vst v6;
	v6 =	vsel vm0, $0x0, v0;
	vm0 =	vlt.s32 v2, v1;
	v2 =	vld [tilespmem:s5+$0x30];
	(pc) =	sbr.rel @p0 .LBB2_11-.Ltmp6, $4  }
0x3d3: {  	[tilespmem:s3+$0xFFFFFFD0] =	vst v6;
	v6 =	vsel vm0, $0x0, v0;
	vm0 =	vlt.s32 v3, v1;
	v3 =	vld [tilespmem:s5+$0x40]  }
0x3d4: {  	[tilespmem:s3+$0xFFFFFFE0] =	vst v6;
	v6 =	vsel vm0, $0x0, v0;
	vm0 =	vlt.s32 v4, v1;
	v4 =	vld [tilespmem:s5+$0x50]  }
0x3d5: {  	[tilespmem:s3+$0xFFFFFFF0] =	vst v6;
	v7 =	vsel vm0, $0x0, v0;
	vm0 =	vlt.s32 v5, v1;
	v5 =	vld [tilespmem:s5+$0x60]  }
0x3d6: {  	v6 =	vld [tilespmem:s5+$0xFFFFFF80];
	[tilespmem:s3+$0x0] =	vst v7;
	v7 =	vsel vm0, $0x0, v0;
	vm0 =	vlt.s32 v8, v1;
	s5 =	sadd.s32 $0x100, s5  }
0x3d7: {  	[tilespmem:s3+$0x10] =	vst v7;
	v59 =	vsel vm0, $0x0, v0;
	vm12 =	vlt.s32 v2, v1  }
0x3d8: {  	[tilespmem:s3+$0x20] =	vst v59;
	v2 =	vsel vm12, $0x0, v0;
	vm13 =	vlt.s32 v3, v1  }
.Ltmp7:
0x3d9: {  	[tilespmem:s3+$0x30] =	vst v2;
	v60 =	vsel vm13, $0x0, v0;
	vm14 =	vlt.s32 v4, v1;
	(pc) =	sbr.rel .LBB2_16-.Ltmp7, $4  }
0x3da: {  	[tilespmem:s3+$0x40] =	vst v60;
	v61 =	vsel vm14, $0x0, v0;
	vm15 =	vlt.s32 v5, v1  }
0x3db: {  	vm1 =	vlt.s32 v6, v1;
	[tilespmem:s3+$0x50] =	vst v61;
	v62 =	vsel vm15, $0x0, v0  }
0x3dc: {  	v63 =	vsel vm1, $0x0, v0;
	[tilespmem:s3+$0x60] =	vst v62  }
0x3dd: {  	[tilespmem:s3+$0xFFFFFF80] =	vst v63  }
.LBB2_13:
0x3de: {  	s4 =	simm.s32 $0x1080  }
0x3df: {  	v6 =	vld [tilespmem:s4+$0xFFFFFF80]  }
0x3e0: {  	v8 =	vld [tilespmem:s4+$0xFFFFFF90]  }
0x3e1: {  	v7 =	vld [tilespmem:s4+$0xFFFFFFA0]  }
0x3e2: {  	v4 =	vld [tilespmem:s4+$0xFFFFFFB0]  }
0x3e3: {  	v5 =	vld [tilespmem:s4+$0xFFFFFFC0]  }
0x3e4: {  	v3 =	vld [tilespmem:s4+$0xFFFFFFD0]  }
0x3e5: {  	v1 =	vmov s5;
	v53 =	vimm.s32 $0x0;
	v9 =	vld [tilespmem:s4+$0xFFFFFFE0]  }
0x3e6: {  	v56 =	vimm.s32 $0x0;
	v10 =	vld [tilespmem:s4+$0xFFFFFFF0];
	vm5 =	veq.s32 v6, v1;
	vm1 =	veq.s32 v8, v1  }
0x3e7: {  	vm3 =	veq.s32 v7, v1;
	vm0 =	veq.s32 v4, v1;
	v11 =	vsel vm5, $0x1, v0  }
0x3e8: {  	vm2 =	veq.s32 v5, v1;
	v2 =	vmpcnt.ones.xlane vm5;
	(xrf0) =	vadd.scan.msk.s32 $0xffff, v11;
	v11 =	vimm.s32 $0x0  }
0x3e9: {  	vm4 =	veq.s32 v3, v1;
	v12 =	vmpcnt.ones.xlane vm1;
	v11 =	vsel vm0, $0xFFFFFFFF, v11  }
0x3ea: {  	vm7 =	veq.s32 v9, v1;
	v17 =	vadd.s32 v0, v2;
	v2 =	vmpcnt.ones.xlane vm3;
	[tilespmem:$0x1FDF0] =	vst v11  }
0x3eb: {  	vm6 =	veq.s32 v10, v1;
	v13 =	vsel vm1, $0x1, v0;
	v19 =	vadd.s32 v17, v12;
	v11 =	vld [tilespmem:s4+$0x0]  }
0x3ec: {  	v58 =	vsel vm3, $0x1, v0;
	v12 =	vld [tilespmem:s4+$0x10];
	v16 =	vadd.s32 v19, v2;
	v2 =	vimm.s32 $0x0  }
0x3ed: {  	v15 =	vmpcnt.ones.xlane vm0;
	v14 =	vsel vm0, $0x1, v0;
	(xrf0) =	vadd.scan.msk.s32 $0xffff, v13;
	v13 =	vld [tilespmem:s4+$0x20];
	v2 =	vsel vm2, $0xFFFFFFFF, v2  }
0x3ee: {  	v21 =	vmpcnt.ones.xlane vm2;
	v18 =	vsel vm4, $0x1, v0;
	(xrf0) =	vadd.scan.msk.s32 $0xffff, v58;
	[tilespmem:$0x1FE00] =	vst v2  }
0x3ef: {  	v23 =	vmpcnt.ones.xlane vm4;
	(xrf0) =	vadd.scan.msk.s32 $0xffff, v14;
	v20 =	vadd.s32 v16, v15;
	v2 =	vsel vm2, $0x1, v0;
	v14 =	vld [tilespmem:s4+$0x30]  }
0x3f0: {  	v25 =	vsel vm6, $0x1, v0;
	v59 =	vmpcnt.ones.xlane vm7;
	v22 =	vadd.s32 v20, v21;
	(xrf0) =	vadd.scan.msk.s32 $0xffff, v2;
	v15 =	vld [tilespmem:s4+$0x40]  }
0x3f1: {  	v60 =	vmpcnt.ones.xlane vm6;
	v2 =	vsel vm7, $0x1, v0;
	v21 =	vld [tilespmem:s4+$0x60];
	v23 =	vadd.s32 v22, v23;
	(xrf0) =	vadd.scan.msk.s32 $0xffff, v18  }
0x3f2: {  	v24, _, _ =	vpop (xrf0);
	v33 =	vld [tilespmem:s4+$0x70];
	vm8 =	veq.s32 v11, v1;
	(xrf0) =	vadd.scan.msk.s32 $0xffff, v2;
	vm10 =	veq.s32 v12, v1;
	vm9 =	veq.s32 v13, v1  }
0x3f3: {  	v18 =	vld [tilespmem:s4+$0x50];
	v26, _, _ =	vpop (xrf0);
	v2 =	vsel vm8, $0x1, v0;
	(xrf0) =	vadd.scan.msk.s32 $0xffff, v25;
	v27 =	vsel vm10, $0x1, v0;
	v25 =	vadd.s32 v23, v59  }
0x3f4: {  	v28, _, _ =	vpop (xrf0);
	v61 =	vmpcnt.ones.xlane vm8;
	v62 =	vmpcnt.ones.xlane vm9;
	v58 =	vsel vm8, $0xFFFFFFFF, v0;
	(xrf0) =	vadd.scan.msk.s32 $0xffff, v2  }
0x3f5: {  	v29, _, _ =	vpop (xrf0);
	v59 =	vsel vm10, $0xFFFFFFFF, v0;
	v2 =	vsel vm9, $0x1, v0;
	vm12 =	veq.s32 v14, v1;
	(xrf0) =	vadd.scan.msk.s32 $0xffff, v27  }
0x3f6: {  	vm15 =	veq.s32 v15, v1;
	vm0 =	veq.s32 v21, v1;
	v30 =	vsel vm12, $0x1, v0;
	v31, _, _ =	vpop (xrf0);
	(xrf0) =	vadd.scan.msk.s32 $0xffff, v2  }
0x3f7: {  	v27 =	vadd.s32 v25, v60;
	vm13 =	veq.s32 v33, v1;
	v60 =	vimm.s32 $0x0;
	v32, _, _ =	vpop (xrf0);
	(xrf0) =	vadd.scan.msk.s32 $0xffff, v30  }
0x3f8: {  	vm14 =	veq.s32 v18, v1;
	v2 =	vsel vm15, $0x1, v0;
	v36 =	vsel vm0, $0x1, v0;
	v35, _, _ =	vpop (xrf0)  }
0x3f9: {  	v40 =	vmpcnt.ones.xlane vm15;
	v52 =	vmpcnt.ones.xlane vm0;
	v34 =	vsel vm14, $0x1, v0;
	(xrf0) =	vadd.scan.msk.s32 $0xffff, v2;
	v37, _, _ =	vpop (xrf0)  }
0x3fa: {  	v44 =	vsel vm13, $0x1, v0;
	v54 =	vmpcnt.ones.xlane vm13;
	v2 =	vmpcnt.ones.xlane vm10;
	(xrf0) =	vadd.scan.msk.s32 $0xffff, v34;
	v38, _, _ =	vpop (xrf0)  }
0x3fb: {  	v55 =	vsel vm13, $0xFFFFFFFF, v0;
	v49 =	vsel vm12, $0xFFFFFFFF, v0;
	v30 =	vadd.s32 v27, v61;
	(xrf0) =	vadd.scan.msk.s32 $0xffff, v36;
	v39, _, _ =	vpop (xrf0)  }
0x3fc: {  	v50 =	vsel vm15, $0xFFFFFFFF, v0;
	v36 =	vadd.s32 v30, v2;
	v2 =	vmpcnt.ones.xlane vm12;
	v41, _, _ =	vpop (xrf0)  }
0x3fd: {  	v57 =	vsel vm14, $0xFFFFFFFF, v0;
	v27 =	vadd.s32 v58, v27;
	v34 =	vadd.s32 v36, v62;
	v43, _, _ =	vpop (xrf0);
	(xrf0) =	vadd.scan.msk.s32 $0xffff, v44  }
0x3fe: {  	v61 =	vsel vm9, $0xFFFFFFFF, v0;
	v42 =	vadd.s32 v34, v2;
	v2 =	vmpcnt.ones.xlane vm14  }
0x3ff: {  	v30 =	vadd.s32 v59, v30;
	v27 =	vadd.s32 v38, v27;
	v40 =	vadd.s32 v42, v40;
	v45, _, _ =	vpop (xrf0)  }
0x400: {  	v62 =	vsel vm5, $0xFFFFFFFF, v0;
	v46 =	vadd.s32 v40, v2;
	v2 =	vsel vm0, $0xFFFFFFFF, v0;
	v63, _, _ =	vpop (xrf0)  }
0x401: {  	v38 =	vsel vm3, $0xFFFFFFFF, v0;
	v34 =	vadd.s32 v49, v34;
	v47 =	vadd.s32 v2, v46;
	v48, _, _ =	vpop (xrf0)  }
0x402: {  	v2 =	vmov s3;
	v46 =	vadd.s32 v46, v52;
	v47 =	vadd.s32 v48, v47  }
0x403: {  	v30 =	vadd.s32 v39, v30;
	v48 =	vadd.s32 v55, v46;
	vm11 =	vlt.s32 v47, v2;
	v51, _, _ =	vpop (xrf0)  }
0x404: {  	v42 =	vadd.s32 v50, v42;
	vm0 =	vmand vm0, vm11;
	v48 =	vadd.s32 v51, v48  }
0x405: {  	v34 =	vadd.s32 v43, v34;
	v47 =	vsel vm0, $0xFFFFFFFF, v53;
	vm0 =	vlt.s32 v48, v2  }
0x406: {  	v42 =	vadd.s32 v45, v42;
	vm13 =	vmand vm13, vm0;
	vm0 =	vlt.s32 v34, v2  }
0x407: {  	v19 =	vadd.s32 v38, v19;
	vm11 =	vlt.s32 v42, v2;
	vm0 =	vmand vm12, vm0  }
0x408: {  	v19 =	vadd.s32 v28, v19;
	vm15 =	vmand vm15, vm11;
	v34 =	vsel vm0, $0xFFFFFFFF, v56  }
0x409: {  	vm11 =	vlt.s32 v27, v2;
	vm12 =	vlt.s32 v30, v2;
	[tilespmem:$0x1FE20] =	vst v34;
	v34 =	vadd.s32 v57, v40  }
0x40a: {  	v39 =	vld [tilespmem:$0x1FDF0];
	v30 =	vadd.s32 v62, v0;
	v34 =	vadd.s32 v63, v34;
	v63 =	vsel vm7, $0xFFFFFFFF, v0  }
0x40b: {  	v24 =	vadd.s32 v24, v30;
	vm0 =	vlt.s32 v34, v2;
	v23 =	vadd.s32 v63, v23  }
0x40c: {  	vm2 =	vmand vm14, vm0;
	vm0 =	vmand vm8, vm11;
	vm14 =	vmand vm10, vm12  }
0x40d: {  	v23 =	vadd.s32 v35, v23;
	v35 =	vsel vm6, $0xFFFFFFFF, v0;
	vm11 =	vlt.s32 v19, v2  }
0x40e: {  	v27 =	vsel vm0, $0xFFFFFFFF, v60;
	vm10 =	vlt.s32 v23, v2;
	v23 =	vadd.s32 v35, v25  }
0x40f: {  	vm0 =	vnez.u8 v39;
	[tilespmem:$0x1FE30] =	vst v27;
	v27 =	vadd.s32 v61, v36;
	v36 =	vsel vm1, $0xFFFFFFFF, v0  }
0x410: {  	v40 =	vld [tilespmem:$0x1FE00];
	v23 =	vadd.s32 v37, v23;
	v27 =	vadd.s32 v41, v27;
	v17 =	vadd.s32 v36, v17  }
0x411: {  	v41 =	vsel vm4, $0xFFFFFFFF, v0;
	vm8 =	vlt.s32 v27, v2;
	v17 =	vadd.s32 v26, v17  }
0x412: {  	v42 =	vadd.s32 v41, v22;
	vm9 =	vmand vm9, vm8;
	vm8 =	vlt.s32 v24, v2  }
0x413: {  	vm12 =	vmand vm5, vm8;
	vm8 =	vmand vm7, vm10;
	vm5 =	vlt.s32 v23, v2  }
0x414: {  	vm10 =	vmand vm6, vm5;
	vm5 =	vlt.s32 v17, v2;
	v17 =	vsel vm0, $0xFFFFFFFF, v0  }
0x415: {  	[tilespmem:$0x1FE10] =	vst v47;
	vm6 =	vmand vm1, vm5;
	vm5 =	vnez.u8 v40;
	v16 =	vadd.s32 v17, v16  }
0x416: {  	v43 =	vld [tilespmem:$0x1FE10];
	vm7 =	vmand vm3, vm11;
	v19 =	vsel vm5, $0xFFFFFFFF, v0;
	v16 =	vadd.s32 v29, v16  }
0x417: {  	v17 =	vadd.s32 v32, v42;
	v19 =	vadd.s32 v19, v20;
	vm1 =	vlt.s32 v16, v2  }
0x418: {  	v19 =	vadd.s32 v31, v19;
	vm3 =	vmand vm0, vm1;
	vm0 =	vlt.s32 v17, v2  }
0x419: {  	v45 =	vld [tilespmem:$0x1FE20];
	vm1 =	vlt.s32 v19, v2;
	vm4 =	vmand vm4, vm0;
	vm0 =	vgt.s32 v18, v1  }
0x41a: {  	vm11 =	vmand vm5, vm1;
	vm2 =	vmor vm0, vm2;
	vm0 =	vgt.s32 v15, v1  }
0x41b: {  	vm1 =	vgt.s32 v21, v1;
	vm5 =	vmor vm0, vm15;
	vm0 =	vnez.u8 v43  }
0x41c: {  	vm0 =	vmor vm1, vm0;
	vm1 =	vgt.s32 v33, v1  }
0x41d: {  	v44 =	vimm.s32 $0x0;
	vm13 =	vmor vm1, vm13;
	vm1 =	vgt.s32 v12, v1  }
0x41e: {  	vm15 =	vgt.s32 v13, v1;
	vm1 =	vmor vm1, vm14;
	vm14 =	vnez.u8 v45  }
0x41f: {  	v12 =	vsel vm1, $0xFFFFFFFF, v44;
	vm1 =	vmor vm15, vm9;
	vm9 =	vgt.s32 v14, v1  }
0x420: {  	vm9 =	vmor vm9, vm14;
	vm14 =	vgt.s32 v9, v1  }
0x421: {  	v9 =	vimm.s32 $0x0;
	vm8 =	vmor vm14, vm8  }
0x422: {  	v9 =	vsel vm8, $0xFFFFFFFF, v9  }
0x423: {  	[tilespmem:$0x1FE60] =	vst v9;
	v9 =	vld [tilespmem:$0x1FE30];
	_ =	sdelay $0x2  }
0x424: {  	vm15 =	vgt.s32 v10, v1  }
0x425: {  	vm8 =	vmor vm15, vm10;
	vm15 =	vgt.s32 v8, v1  }
0x426: {  	vm10 =	vgt.s32 v11, v1;
	vm6 =	vmor vm15, vm6;
	vm14 =	vnez.u8 v9  }
0x427: {  	vm14 =	vmor vm10, vm14;
	vm10 =	vgt.s32 v6, v1;
	v6 =	vimm.s32 $0x0  }
0x428: {  	v6 =	vsel vm6, $0xFFFFFFFF, v6;
	vm6 =	vgt.s32 v7, v1  }
0x429: {  	[tilespmem:$0x1FE50] =	vst v6;
	vm6 =	vmor vm6, vm7;
	v6 =	vimm.s32 $0x0  }
0x42a: {  	v6 =	vsel vm6, $0xFFFFFFFF, v6;
	vm6 =	vgt.s32 v4, v1  }
0x42b: {  	s3 =	simm.s32 $0x1180;
	[tilespmem:$0x1FE40] =	vst v12;
	v4 =	vimm.s32 $0x0;
	vm3 =	vmor vm6, vm3  }
0x42c: {  	vm7 =	vgt.s32 v5, v1;
	v23 =	vld [tilespmem:s3+$0xFFFFFF80];
	[tilespmem:$0x1FE70] =	vst v6;
	v4 =	vsel vm3, $0xFFFFFFFF, v4  }
0x42d: {  	v22 =	vld [tilespmem:s3+$0xFFFFFF90];
	vm3 =	vmor vm7, vm11;
	[tilespmem:$0x1FE80] =	vst v4;
	v4 =	vimm.s32 $0x0  }
0x42e: {  	v4 =	vsel vm3, $0xFFFFFFFF, v4;
	vm3 =	vgt.s32 v3, v1  }
0x42f: {  	v3 =	vimm.s32 $0x0;
	vm3 =	vmor vm3, vm4  }
0x430: {  	[tilespmem:$0x1FE90] =	vst v4;
	v3 =	vsel vm3, $0xFFFFFFFF, v3  }
0x431: {  	v21 =	vld [tilespmem:s3+$0xFFFFFFA0];
	[tilespmem:$0x1FEA0] =	vst v3;
	v3 =	vimm.f32 $0.0e+00  }
0x432: {  	v4 =	vsel vm2, $0x3F800000, v3  }
0x433: {  	[tilespmem:$0x1FF30] =	vst v4;
	v4 =	vsel vm1, $0x3F800000, v3  }
0x434: {  	v10 =	vld [tilespmem:s3+$0xFFFFFFB0];
	[tilespmem:$0x1FF80] =	vst v4;
	v4 =	vsel vm9, $0x3F800000, v3  }
0x435: {  	[tilespmem:$0x1FF40] =	vst v4  }
0x436: {  	v11 =	vld [tilespmem:s3+$0xFFFFFFC0];
	_ =	sdelay $0x3  }
0x437: {  	v12 =	vld [tilespmem:s3+$0xFFFFFFD0]  }
0x438: {  	v6 =	vimm.s32 $0x0;
	v24 =	vsel vm0, $0x3F800000, v3;
	v13 =	vld [tilespmem:s3+$0xFFFFFFE0];
	vm0 =	veq.s32 v11, v1  }
0x439: {  	v27 =	vadd.s32 v46, v54;
	vm6 =	veq.s32 v23, v1;
	v14 =	vld [tilespmem:s3+$0xFFFFFFF0];
	v6 =	vsel vm0, $0xFFFFFFFF, v6  }
0x43a: {  	v5 =	vsel vm6, $0x1, v0;
	v25 =	vsel vm13, $0x3F800000, v3;
	vm13 =	veq.s32 v22, v1;
	v15 =	vld [tilespmem:s3+$0x0];
	[tilespmem:$0x1FF90] =	vst v6  }
0x43b: {  	v9 =	vsel vm5, $0x3F800000, v3;
	v47 =	vsel vm13, $0x1, v0;
	v4 =	vmpcnt.ones.xlane vm6;
	v16 =	vld [tilespmem:s3+$0x10]  }
0x43c: {  	(xrf0) =	vadd.scan.msk.s32 $0xffff, v5;
	vm9 =	veq.s32 v21, v1;
	vm1 =	veq.s32 v12, v1;
	v6 =	vimm.s32 $0x0;
	v17 =	vld [tilespmem:s3+$0x20]  }
0x43d: {  	v46 =	vmpcnt.ones.xlane vm13;
	(xrf0) =	vadd.scan.msk.s32 $0xffff, v47;
	v5 =	vsel vm9, $0x1, v0;
	v18 =	vld [tilespmem:s3+$0x30];
	v6 =	vsel vm1, $0xFFFFFFFF, v6  }
0x43e: {  	v28 =	vadd.s32 v27, v4;
	v4 =	vmpcnt.ones.xlane vm9;
	vm15 =	veq.s32 v10, v1;
	[tilespmem:$0x1FFA0] =	vst v6;
	v6 =	vld [tilespmem:$0x1FE40]  }
0x43f: {  	v43 =	vsel vm8, $0x3F800000, v3;
	(xrf0) =	vadd.scan.msk.s32 $0xffff, v5;
	v30 =	vadd.s32 v28, v46;
	v49 =	vsel vm15, $0x1, v0  }
0x440: {  	v26 =	vadd.s32 v30, v4;
	v48 =	vmpcnt.ones.xlane vm15;
	(xrf0) =	vadd.scan.msk.s32 $0xffff, v49;
	v4 =	vsel vm0, $0x1, v0  }
0x441: {  	vm11 =	veq.s32 v13, v1;
	vm7 =	veq.s32 v14, v1;
	v50 =	vsel vm1, $0x1, v0;
	(xrf0) =	vadd.scan.msk.s32 $0xffff, v4  }
0x442: {  	vm5 =	veq.s32 v15, v1;
	v5 =	vmpcnt.ones.xlane vm0;
	v4 =	vsel vm11, $0x1, v0;
	(xrf0) =	vadd.scan.msk.s32 $0xffff, v50  }
0x443: {  	v36, _, _ =	vpop (xrf0);
	v29 =	vadd.s32 v26, v48;
	v52 =	vsel vm7, $0x1, v0;
	(xrf0) =	vadd.scan.msk.s32 $0xffff, v4;
	vm8 =	vnez.u8 v6;
	v6 =	vld [tilespmem:$0x1FE50]  }
0x444: {  	v34, _, _ =	vpop (xrf0);
	v31 =	vadd.s32 v29, v5;
	v5 =	vsel vm5, $0x1, v0;
	(xrf0) =	vadd.scan.msk.s32 $0xffff, v52;
	vm4 =	veq.s32 v16, v1  }
0x445: {  	vm12 =	vmor vm10, vm12;
	v37, _, _ =	vpop (xrf0);
	v19 =	vld [tilespmem:s3+$0x40];
	(xrf0) =	vadd.scan.msk.s32 $0xffff, v5;
	vm10 =	veq.s32 v17, v1;
	v54 =	vsel vm4, $0x1, v0  }
0x446: {  	v20 =	vld [tilespmem:s3+$0x50];
	v32, _, _ =	vpop (xrf0);
	vm2 =	veq.s32 v18, v1;
	v5 =	vsel vm10, $0x1, v0;
	(xrf0) =	vadd.scan.msk.s32 $0xffff, v54  }
0x447: {  	v33, _, _ =	vpop (xrf0);
	v56 =	vsel vm2, $0x1, v0;
	(xrf0) =	vadd.scan.msk.s32 $0xffff, v5  }
0x448: {  	v35, _, _ =	vpop (xrf0);
	(xrf0) =	vadd.scan.msk.s32 $0xffff, v56;
	v56 =	vsel vm12, $0x3F800000, v3;
	vm12 =	vnez.u8 v6;
	v6 =	vld [tilespmem:$0x1FE60];
	_ =	sdelay $0x1  }
0x449: {  	v51 =	vmpcnt.ones.xlane vm1;
	vm1 =	veq.s32 v19, v1  }
0x44a: {  	v4 =	vld [tilespmem:s3+$0x60];
	vm3 =	veq.s32 v20, v1;
	v57 =	vsel vm1, $0x1, v0  }
0x44b: {  	v53 =	vmpcnt.ones.xlane vm11;
	v55 =	vmpcnt.ones.xlane vm7;
	v44, _, _ =	vpop (xrf0);
	v59 =	vsel vm3, $0x1, v0;
	(xrf0) =	vadd.scan.msk.s32 $0xffff, v57  }
0x44c: {  	v38 =	vadd.s32 v31, v51;
	v46, _, _ =	vpop (xrf0);
	(xrf0) =	vadd.scan.msk.s32 $0xffff, v59;
	v59 =	vsel vm12, $0x3F800000, v3;
	vm12 =	vnez.u8 v6;
	v6 =	vld [tilespmem:$0x1FE70]  }
0x44d: {  	v58 =	vmpcnt.ones.xlane vm5;
	v41 =	vadd.s32 v38, v53;
	v5 =	vld [tilespmem:s3+$0x70]  }
0x44e: {  	v39 =	vadd.s32 v41, v55  }
0x44f: {  	v40 =	vadd.s32 v39, v58;
	vm0 =	veq.s32 v4, v1  }
0x450: {  	v60 =	vmpcnt.ones.xlane vm4;
	v62 =	vmpcnt.ones.xlane vm10;
	v61 =	vsel vm0, $0x1, v0  }
0x451: {  	v63 =	vmpcnt.ones.xlane vm2;
	v48, _, _ =	vpop (xrf0);
	(xrf0) =	vadd.scan.msk.s32 $0xffff, v61;
	v61 =	vsel vm12, $0x3F800000, v3;
	vm12 =	vnez.u8 v6;
	v6 =	vld [tilespmem:$0x1FE80]  }
0x452: {  	v7 =	vld [tilespmem:$0x1FE90];
	v51 =	vsel vm8, $0x3F800000, v3;
	v42 =	vadd.s32 v40, v60;
	v50, _, _ =	vpop (xrf0);
	vm8 =	veq.s32 v5, v1  }
0x453: {  	v8 =	vld [tilespmem:$0x1FEA0];
	v52 =	vmpcnt.ones.xlane vm1;
	v47 =	vadd.s32 v42, v62;
	v53, _, _ =	vpop (xrf0);
	v57 =	vsel vm8, $0x1, v0  }
0x454: {  	v54 =	vmpcnt.ones.xlane vm3;
	v49 =	vadd.s32 v47, v63;
	v55, _, _ =	vpop (xrf0)  }
0x455: {  	v60 =	vsel vm0, $0xFFFFFFFF, v0;
	v52 =	vadd.s32 v49, v52;
	v58, _, _ =	vpop (xrf0)  }
0x456: {  	v54 =	vadd.s32 v52, v54;
	(xrf0) =	vadd.scan.msk.s32 $0xffff, v57;
	v57, _, _ =	vpop (xrf0);
	v62 =	vsel vm12, $0x3F800000, v3;
	vm12 =	vnez.u8 v6  }
0x457: {  	v60 =	vadd.s32 v60, v54;
	v63, _, _ =	vpop (xrf0);
	v6 =	vsel vm12, $0x3F800000, v3;
	vm12 =	vnez.u8 v7  }
0x458: {  	v60 =	vadd.s32 v63, v60;
	v7 =	vsel vm12, $0x3F800000, v3;
	vm12 =	vnez.u8 v8  }
0x459: {  	v8 =	vsel vm12, $0x3F800000, v3;
	vm12 =	vlt.s32 v60, v2  }
0x45a: {  	v63 =	vmpcnt.ones.xlane vm0;
	v60 =	vimm.s32 $0x0;
	vm0 =	vmand vm0, vm12  }
0x45b: {  	v60 =	vsel vm0, $0xFFFFFFFF, v60  }
0x45c: {  	[tilespmem:$0x1FEB0] =	vst v60;
	v60 =	vsel vm2, $0xFFFFFFFF, v0  }
0x45d: {  	v45 =	vsel vm14, $0x3F800000, v3;
	v47 =	vadd.s32 v60, v47;
	v60 =	vsel vm1, $0xFFFFFFFF, v0  }
0x45e: {  	v54 =	vadd.s32 v54, v63;
	v63 =	vsel vm8, $0xFFFFFFFF, v0;
	v49 =	vadd.s32 v60, v49  }
0x45f: {  	v47 =	vadd.s32 v55, v47;
	v55 =	vadd.s32 v63, v54;
	v63 =	vsel vm3, $0xFFFFFFFF, v0  }
0x460: {  	v49 =	vadd.s32 v58, v49;
	v58 =	vmpcnt.ones.xlane vm8;
	vm12 =	vlt.s32 v47, v2  }
0x461: {  	v52 =	vadd.s32 v63, v52;
	v63 =	vsel vm10, $0xFFFFFFFF, v0;
	v60, _, _ =	vpop (xrf0);
	vm14 =	vlt.s32 v49, v2  }
0x462: {  	v49 =	vimm.s32 $0x0;
	v42 =	vadd.s32 v63, v42;
	v55 =	vadd.s32 v60, v55  }
0x463: {  	v60 =	vsel vm4, $0xFFFFFFFF, v0;
	v42 =	vadd.s32 v53, v42;
	vm0 =	vlt.s32 v55, v2  }
0x464: {  	v55 =	vimm.s32 $0x0;
	v40 =	vadd.s32 v60, v40;
	vm0 =	vmand vm8, vm0  }
0x465: {  	v60 =	vsel vm11, $0xFFFFFFFF, v0;
	v47 =	vsel vm0, $0xFFFFFFFF, v49;
	vm0 =	vmand vm2, vm12  }
0x466: {  	vm8 =	vmand vm1, vm14;
	v40 =	vadd.s32 v50, v40;
	[tilespmem:$0x1FEC0] =	vst v47;
	v47 =	vsel vm0, $0xFFFFFFFF, v55  }
0x467: {  	v50 =	vadd.s32 v57, v52;
	v52 =	vimm.s32 $0x0;
	[tilespmem:$0x1FED0] =	vst v47;
	v47 =	vsel vm5, $0xFFFFFFFF, v0  }
0x468: {  	v57 =	vsel vm6, $0xFFFFFFFF, v0;
	v38 =	vadd.s32 v60, v38;
	v39 =	vadd.s32 v47, v39  }
0x469: {  	vm2 =	vlt.s32 v40, v2;
	v27 =	vadd.s32 v57, v27;
	v39 =	vadd.s32 v48, v39  }
0x46a: {  	v38 =	vadd.s32 v44, v38;
	vm0 =	vlt.s32 v50, v2;
	vm1 =	vlt.s32 v39, v2  }
0x46b: {  	v55 =	vimm.s32 $0x0;
	vm3 =	vmand vm3, vm0;
	vm0 =	vmand vm5, vm1  }
0x46c: {  	v27 =	vadd.s32 v36, v27;
	v39 =	vsel vm0, $0xFFFFFFFF, v52;
	vm0 =	vmand vm4, vm2  }
0x46d: {  	v47 =	vimm.s32 $0x0;
	[tilespmem:$0x1FEE0] =	vst v39;
	v39 =	vsel vm0, $0xFFFFFFFF, v55;
	vm0 =	vlt.s32 v42, v2  }
0x46e: {  	v48 =	vimm.s32 $0x0;
	vm1 =	vlt.s32 v27, v2;
	vm0 =	vmand vm10, vm0  }
0x46f: {  	vm2 =	vlt.s32 v38, v2;
	[tilespmem:$0x1FEF0] =	vst v39;
	v27 =	vsel vm0, $0xFFFFFFFF, v47;
	vm0 =	vmand vm6, vm1  }
0x470: {  	v49 =	vimm.s32 $0x0;
	[tilespmem:$0x1FF00] =	vst v27;
	v27 =	vsel vm0, $0xFFFFFFFF, v48;
	vm0 =	vmand vm11, vm2  }
0x471: {  	[tilespmem:$0x1FF10] =	vst v27;
	v27 =	vsel vm0, $0xFFFFFFFF, v49  }
0x472: {  	s4 =	simm.s32 $0x2080;
	[tilespmem:$0x1FF20] =	vst v27  }
0x473: {  	[tilespmem:s4+$0x70] =	vst v25  }
0x474: {  	[tilespmem:s4+$0x60] =	vst v24  }
0x475: {  	v55 =	vld [tilespmem:$0x1FF30];
	_ =	sdelay $0x3  }
0x476: {  	[tilespmem:s4+$0x40] =	vst v9  }
0x477: {  	[tilespmem:s4+$0x50] =	vst v55  }
0x478: {  	v53 =	vsel vm7, $0xFFFFFFFF, v0;
	v57 =	vld [tilespmem:$0x1FF40]  }
0x479: {  	v27 =	vadd.s32 v53, v41  }
0x47a: {  	v50 =	vsel vm13, $0xFFFFFFFF, v0;
	v9 =	vadd.s32 v46, v27  }
0x47b: {  	v52 =	vsel vm9, $0xFFFFFFFF, v0;
	v24 =	vadd.s32 v50, v28;
	vm0 =	vlt.s32 v9, v2  }
0x47c: {  	v24 =	vadd.s32 v34, v24;
	v9 =	vimm.s32 $0x0;
	vm0 =	vmand vm7, vm0  }
0x47d: {  	v25 =	vadd.s32 v52, v30;
	vm1 =	vlt.s32 v24, v2;
	v9 =	vsel vm0, $0xFFFFFFFF, v9;
	[tilespmem:s4+$0x30] =	vst v57  }
0x47e: {  	v25 =	vadd.s32 v37, v25;
	vm0 =	vmand vm13, vm1;
	[tilespmem:$0x1FF50] =	vst v9;
	v9 =	vimm.s32 $0x0  }
0x47f: {  	vm2 =	vlt.s32 v25, v2;
	v9 =	vsel vm0, $0xFFFFFFFF, v9  }
0x480: {  	vm0 =	vmand vm9, vm2;
	[tilespmem:$0x1FF60] =	vst v9;
	v9 =	vimm.s32 $0x0  }
0x481: {  	v9 =	vsel vm0, $0xFFFFFFFF, v9  }
0x482: {  	[tilespmem:$0x1FF70] =	vst v9;
	v9 =	vld [tilespmem:$0x1FF80];
	_ =	sdelay $0x3  }
0x483: {  	[tilespmem:s4+$0x10] =	vst v51  }
0x484: {  	[tilespmem:s4+$0x20] =	vst v9  }
0x485: {  	v60 =	vld [tilespmem:$0x1FF90];
	_ =	sdelay $0x1  }
0x486: {  	v63 =	vld [tilespmem:$0x1FFA0]  }
0x487: {  	v9 =	vsel vm15, $0xFFFFFFFF, v0  }
0x488: {  	v9 =	vadd.s32 v9, v26  }
0x489: {  	vm5 =	vmmov vm3;
	v9 =	vadd.s32 v32, v9;
	vm3 =	vnez.u8 v60  }
0x48a: {  	vm0 =	vlt.s32 v9, v2;
	v24 =	vsel vm3, $0xFFFFFFFF, v0  }
0x48b: {  	[tilespmem:s4+$0x0] =	vst v45;
	v9 =	vimm.s32 $0x0;
	vm4 =	vnez.u8 v63;
	v24 =	vadd.s32 v24, v29  }
0x48c: {  	[tilespmem:s4+$0xFFFFFFF0] =	vst v43;
	vm0 =	vmand vm15, vm0;
	v25 =	vsel vm4, $0xFFFFFFFF, v0;
	v24 =	vadd.s32 v33, v24  }
0x48d: {  	[tilespmem:s4+$0xFFFFFFE0] =	vst v61;
	v9 =	vsel vm0, $0xFFFFFFFF, v9;
	v25 =	vadd.s32 v25, v31;
	vm1 =	vlt.s32 v24, v2  }
0x48e: {  	[tilespmem:$0x1FFB0] =	vst v9;
	v9 =	vimm.s32 $0x0;
	v25 =	vadd.s32 v35, v25;
	vm0 =	vmand vm3, vm1  }
0x48f: {  	vm2 =	vlt.s32 v25, v2;
	v9 =	vsel vm0, $0xFFFFFFFF, v9  }
0x490: {  	vm0 =	vmand vm4, vm2;
	[tilespmem:$0x1FFC0] =	vst v9;
	v9 =	vimm.s32 $0x0  }
0x491: {  	v9 =	vsel vm0, $0xFFFFFFFF, v9  }
0x492: {  	[tilespmem:$0x1FFD0] =	vst v9  }
0x493: {  	[tilespmem:s4+$0xFFFFFF80] =	vst v56  }
0x494: {  	vm9 =	vgt.s32 v10, v1;
	v10 =	vimm.s32 $0x0;
	vm2 =	vgt.s32 v11, v1;
	[tilespmem:s4+$0xFFFFFF90] =	vst v59  }
0x495: {  	v10 =	vsel vm2, $0xFFFFFFFF, v10;
	[tilespmem:s4+$0xFFFFFFA0] =	vst v62  }
0x496: {  	vm14 =	vgt.s32 v22, v1;
	[tilespmem:$0x1FFE0] =	vst v10  }
0x497: {  	vm12 =	vgt.s32 v18, v1;
	vm2 =	vgt.s32 v12, v1;
	[tilespmem:s4+$0xFFFFFFB0] =	vst v6;
	v6 =	vimm.s32 $0x0  }
0x498: {  	vm10 =	vgt.s32 v13, v1;
	vm11 =	vgt.s32 v15, v1;
	v6 =	vsel vm2, $0xFFFFFFFF, v6  }
0x499: {  	vm7 =	vgt.s32 v19, v1;
	vm13 =	vgt.s32 v23, v1;
	vm15 =	vgt.s32 v14, v1;
	[tilespmem:$0x1FFF0] =	vst v6  }
0x49a: {  	vm1 =	vmmov vm8;
	vm3 =	vgt.s32 v17, v1;
	vm4 =	vgt.s32 v20, v1;
	[tilespmem:s4+$0xFFFFFFC0] =	vst v7  }
0x49b: {  	s5 =	simm.s32 $0x10;
	vm0 =	vgt.s32 v21, v1;
	v9 =	vadd.s32 v54, v58;
	vm2 =	vgt.s32 v16, v1;
	[tilespmem:s4+$0xFFFFFFD0] =	vst v8  }
.LBB2_14:
0x49c: {  	vm8 =	vgt.s32 v4, v1;
	v4 =	vld [tilespmem:$0x1FEB0];
	_ =	sdelay $0x4  }
0x49d: {  	vm7 =	vmor vm7, vm1;
	vm1 =	vnez.u8 v4;
	v4 =	vld [tilespmem:$0x1FEC0];
	_ =	sdelay $0x4  }
0x49e: {  	vm8 =	vmor vm8, vm1;
	vm1 =	vnez.u8 v4;
	v4 =	vld [tilespmem:$0x1FEF0];
	_ =	sdelay $0x3  }
0x49f: {  	vm4 =	vmor vm4, vm5;
	vm5 =	vgt.s32 v5, v1  }
0x4a0: {  	vm5 =	vmor vm5, vm1;
	vm1 =	vnez.u8 v4;
	v4 =	vld [tilespmem:$0x1FF00];
	_ =	sdelay $0x4  }
0x4a1: {  	vm6 =	vmor vm2, vm1;
	vm1 =	vnez.u8 v4;
	v4 =	vld [tilespmem:$0x1FED0];
	_ =	sdelay $0x4  }
0x4a2: {  	vm3 =	vmor vm3, vm1;
	vm1 =	vnez.u8 v4;
	v4 =	vld [tilespmem:$0x1FF20];
	_ =	sdelay $0x4  }
0x4a3: {  	vm12 =	vmor vm12, vm1;
	vm1 =	vnez.u8 v4  }
0x4a4: {  	v4 =	vimm.s32 $0x0;
	vm1 =	vmor vm10, vm1  }
0x4a5: {  	v4 =	vsel vm1, $0xFFFFFFFF, v4  }
0x4a6: {  	[tilespmem:$0x1FCC0] =	vst v4;
	v4 =	vld [tilespmem:$0x1FF50];
	_ =	sdelay $0x4  }
0x4a7: {  	vm1 =	vnez.u8 v4;
	v4 =	vld [tilespmem:$0x1FEE0];
	_ =	sdelay $0x4  }
0x4a8: {  	vm10 =	vmor vm15, vm1;
	vm1 =	vnez.u8 v4;
	v4 =	vld [tilespmem:$0x1FF10];
	_ =	sdelay $0x4  }
0x4a9: {  	vm11 =	vmor vm11, vm1;
	vm1 =	vnez.u8 v4;
	v4 =	vld [tilespmem:$0x1FF60];
	_ =	sdelay $0x4  }
0x4aa: {  	vm15 =	vmor vm13, vm1;
	vm1 =	vnez.u8 v4;
	v4 =	vld [tilespmem:$0x1FF70];
	_ =	sdelay $0x4  }
0x4ab: {  	vm14 =	vmor vm14, vm1;
	vm1 =	vnez.u8 v4;
	v4 =	vld [tilespmem:$0x1FFB0];
	_ =	sdelay $0x4  }
0x4ac: {  	vm1 =	vmor vm0, vm1;
	vm0 =	vnez.u8 v4;
	v4 =	vld [tilespmem:$0x1FFC0];
	_ =	sdelay $0x4  }
0x4ad: {  	vm9 =	vmor vm9, vm0;
	vm0 =	vnez.u8 v4;
	v4 =	vld [tilespmem:$0x1FFE0];
	_ =	sdelay $0x2  }
0x4ae: {  	s3 =	sadd.s32 $0x100, s3;
	s4 =	sadd.s32 $0x100, s4;
	v8 =	vsel vm8, $0x3F800000, v3  }
0x4af: {  	v49 =	vimm.s32 $0x0;
	v50 =	vimm.s32 $0x0;
	v37 =	vimm.s32 $0x0;
	[tilespmem:s4+$0x60] =	vst v8;
	v8 =	vld [tilespmem:s3+$0xFFFFFFB0]  }
0x4b0: {  	v39 =	vimm.s32 $0x0;
	v40 =	vimm.s32 $0x0;
	vm13 =	vnez.u8 v4;
	v4 =	vld [tilespmem:$0x1FFD0]  }
0x4b1: {  	v58 =	vimm.s32 $0x0;
	v43 =	vimm.s32 $0x0;
	v7 =	vsel vm5, $0x3F800000, v3  }
0x4b2: {  	v44 =	vimm.s32 $0x0;
	v60 =	vimm.s32 $0x0;
	[tilespmem:s4+$0x70] =	vst v7;
	v7 =	vld [tilespmem:s3+$0xFFFFFFA0];
	v12 =	vsel vm12, $0x3F800000, v3  }
0x4b3: {  	v45 =	vimm.s32 $0x0;
	v61 =	vimm.s32 $0x0;
	v14 =	vld [tilespmem:s3+$0x0];
	[tilespmem:s4+$0x30] =	vst v12;
	v18 =	vsel vm11, $0x3F800000, v3  }
0x4b4: {  	v46 =	vimm.s32 $0x0;
	v48 =	vimm.s32 $0x0;
	v5 =	vsel vm4, $0x3F800000, v3;
	[tilespmem:s4+$0x0] =	vst v18;
	v18 =	vld [tilespmem:s3+$0x30]  }
0x4b5: {  	vm4 =	veq.s32 v8, v1;
	vm13 =	vmor vm13, vm0;
	vm0 =	vnez.u8 v4;
	v4 =	vld [tilespmem:$0x1FFF0]  }
0x4b6: {  	v11 =	vsel vm7, $0x3F800000, v3;
	[tilespmem:s4+$0x50] =	vst v5;
	v5 =	vimm.s32 $0x0;
	v39 =	vsel vm4, $0xFFFFFFFF, v39  }
0x4b7: {  	v54 =	vsel vm4, $0x1, v0;
	v13 =	vsel vm3, $0x3F800000, v3;
	vm3 =	veq.s32 v7, v1;
	v10 =	vld [tilespmem:$0x1FCC0]  }
0x4b8: {  	v6 =	vld [tilespmem:s3+$0xFFFFFF90];
	v17 =	vsel vm6, $0x3F800000, v3;
	v37 =	vsel vm3, $0xFFFFFFFF, v37;
	v53 =	vsel vm3, $0x1, v0  }
0x4b9: {  	[tilespmem:s4+$0x40] =	vst v11;
	v11 =	vld [tilespmem:s3+$0xFFFFFFD0];
	v19 =	vsel vm10, $0x3F800000, v3;
	v26 =	vsel vm15, $0x3F800000, v3;
	vm12 =	veq.s32 v18, v1  }
0x4ba: {  	v51 =	vmpcnt.ones.xlane vm12;
	v27 =	vsel vm14, $0x3F800000, v3;
	vm2 =	vnez.u8 v4;
	v4 =	vld [tilespmem:s3+$0xFFFFFF80]  }
0x4bb: {  	[tilespmem:$0x1FDC0] =	vst v39;
	v28 =	vsel vm1, $0x3F800000, v3;
	v29 =	vsel vm9, $0x3F800000, v3;
	vm9 =	veq.s32 v14, v1  }
0x4bc: {  	[tilespmem:s4+$0x20] =	vst v13;
	v39 =	vsel vm9, $0xFFFFFFFF, v58;
	vm0 =	vmor vm2, vm0;
	vm2 =	vnez.u8 v10;
	v10 =	vld [tilespmem:s3+$0xFFFFFFC0]  }
0x4bd: {  	[tilespmem:$0x1FDB0] =	vst v37;
	v59 =	vsel vm9, $0x1, v0;
	v30 =	vsel vm13, $0x3F800000, v3;
	v20 =	vsel vm2, $0x3F800000, v3  }
0x4be: {  	[tilespmem:s4+$0xFFFFFF90] =	vst v27;
	v31 =	vsel vm0, $0x3F800000, v3;
	vm2 =	veq.s32 v6, v1;
	vm0 =	veq.s32 v11, v1  }
0x4bf: {  	[tilespmem:s4+$0xFFFFFFA0] =	vst v28;
	v15 =	vsel vm2, $0x1, v0;
	v13 =	vsel vm2, $0xFFFFFFFF, v50;
	vm1 =	vgt.s32 v4, v1  }
0x4c0: {  	v22 =	vmpcnt.ones.xlane vm2;
	[tilespmem:$0x1FDA0] =	vst v13;
	v13 =	vld [tilespmem:s3+$0xFFFFFFF0];
	v5 =	vsel vm1, $0xFFFFFFFF, v5;
	vm1 =	veq.s32 v4, v1  }
0x4c1: {  	v56 =	vsel vm0, $0x1, v0;
	[tilespmem:s4+$0xFFFFFFF0] =	vst v19;
	v19 =	vld [tilespmem:s3+$0x40];
	vm5 =	veq.s32 v10, v1;
	v4 =	vsel vm1, $0x1, v0  }
0x4c2: {  	[tilespmem:$0x1FD30] =	vst v5;
	v5 =	vmpcnt.ones.xlane vm1;
	v12 =	vsel vm1, $0xFFFFFFFF, v49;
	v40 =	vsel vm5, $0xFFFFFFFF, v40  }
0x4c3: {  	v55 =	vsel vm5, $0x1, v0;
	v49 =	vsel vm3, $0xFFFFFFFF, v0;
	v50 =	vsel vm5, $0xFFFFFFFF, v0;
	[tilespmem:$0x1FD70] =	vst v12  }
0x4c4: {  	v12 =	vld [tilespmem:s3+$0xFFFFFFE0];
	(xrf0) =	vadd.scan.msk.s32 $0xffff, v4;
	v4 =	vmpcnt.ones.xlane vm3;
	[tilespmem:s4+$0xFFFFFFE0] =	vst v20;
	v21 =	vadd.s32 v9, v5  }
0x4c5: {  	v16 =	vmovc v9;
	[tilespmem:$0x1FDD0] =	vst v40;
	v5 =	vmpcnt.ones.xlane vm4;
	v9 =	vimm.s32 $0x0;
	vm6 =	veq.s32 v13, v1  }
0x4c6: {  	v20 =	vld [tilespmem:s3+$0x50];
	(xrf0) =	vadd.scan.msk.s32 $0xffff, v15;
	vm13 =	veq.s32 v19, v1;
	v22 =	vadd.s32 v21, v22;
	v9 =	vsel vm0, $0xFFFFFFFF, v9  }
0x4c7: {  	v15 =	vld [tilespmem:s3+$0x10];
	[tilespmem:s4+$0x10] =	vst v17;
	v57 =	vsel vm6, $0x1, v0;
	v45 =	vsel vm13, $0xFFFFFFFF, v45;
	v40 =	vsel vm13, $0xFFFFFFFF, v0  }
0x4c8: {  	v17 =	vld [tilespmem:s3+$0x20];
	v23 =	vadd.s32 v22, v4;
	v4 =	vmpcnt.ones.xlane vm5;
	[tilespmem:$0x1FDE0] =	vst v9;
	v9 =	vimm.s32 $0x0  }
0x4c9: {  	[tilespmem:$0x1FD00] =	vst v45;
	v45 =	vsel vm13, $0x1, v0;
	v22 =	vadd.s32 v49, v22;
	v25 =	vadd.s32 v23, v5  }
0x4ca: {  	[tilespmem:s4+$0xFFFFFFB0] =	vst v29;
	v5 =	vmpcnt.ones.xlane vm0;
	v9 =	vsel vm6, $0xFFFFFFFF, v9;
	vm7 =	veq.s32 v12, v1  }
0x4cb: {  	v32 =	vadd.s32 v25, v4;
	[tilespmem:$0x1FD90] =	vst v9;
	v9 =	vmpcnt.ones.xlane vm9;
	vm11 =	veq.s32 v20, v1  }
0x4cc: {  	[tilespmem:$0x1FD40] =	vst v39;
	v25 =	vadd.s32 v50, v25;
	v4 =	vmpcnt.ones.xlane vm7;
	v33 =	vadd.s32 v32, v5  }
0x4cd: {  	[tilespmem:s4+$0xFFFFFF80] =	vst v26;
	v5 =	vmpcnt.ones.xlane vm6;
	vm10 =	veq.s32 v15, v1;
	vm8 =	veq.s32 v17, v1  }
0x4ce: {  	[tilespmem:s4+$0xFFFFFFC0] =	vst v30;
	v52 =	vmpcnt.ones.xlane vm11;
	v42 =	vsel vm7, $0x1, v0;
	v37 =	vsel vm11, $0xFFFFFFFF, v61  }
0x4cf: {  	[tilespmem:s4+$0xFFFFFFD0] =	vst v31;
	v24, _, _ =	vpop (xrf0);
	v39 =	vsel vm7, $0xFFFFFFFF, v0;
	v35 =	vmpcnt.ones.xlane vm10;
	v34 =	vadd.s32 v33, v4  }
0x4d0: {  	v26, _, _ =	vpop (xrf0);
	(xrf0) =	vadd.scan.msk.s32 $0xffff, v53;
	v43 =	vsel vm10, $0xFFFFFFFF, v43;
	v62 =	vsel vm10, $0x1, v0;
	v27 =	vadd.s32 v34, v5  }
0x4d1: {  	v63 =	vsel vm8, $0x1, v0;
	(xrf0) =	vadd.scan.msk.s32 $0xffff, v54;
	v28 =	vadd.s32 v27, v9;
	v9 =	vmpcnt.ones.xlane vm8  }
0x4d2: {  	v44 =	vsel vm8, $0xFFFFFFFF, v44;
	[tilespmem:$0x1FD10] =	vst v37;
	(xrf0) =	vadd.scan.msk.s32 $0xffff, v55;
	v29 =	vadd.s32 v28, v35  }
0x4d3: {  	v37 =	vsel vm11, $0x1, v0;
	(xrf0) =	vadd.scan.msk.s32 $0xffff, v56;
	v30 =	vadd.s32 v29, v9;
	v9 =	vmpcnt.ones.xlane vm13  }
0x4d4: {  	v53 =	vsel vm6, $0xFFFFFFFF, v0;
	[tilespmem:$0x1FD50] =	vst v43;
	(xrf0) =	vadd.scan.msk.s32 $0xffff, v42;
	v31 =	vadd.s32 v30, v51  }
0x4d5: {  	[tilespmem:$0x1FD60] =	vst v44;
	v44 =	vsel vm12, $0xFFFFFFFF, v60;
	(xrf0) =	vadd.scan.msk.s32 $0xffff, v57;
	v36 =	vadd.s32 v31, v9  }
0x4d6: {  	v4 =	vld [tilespmem:s3+$0x60];
	v54 =	vsel vm9, $0xFFFFFFFF, v0;
	v43 =	vsel vm10, $0xFFFFFFFF, v0;
	v35 =	vadd.s32 v36, v52;
	v52, _, _ =	vpop (xrf0);
	(xrf0) =	vadd.scan.msk.s32 $0xffff, v59  }
0x4d7: {  	v33 =	vadd.s32 v39, v33;
	v39 =	vimm.s32 $0x0;
	[tilespmem:$0x1FCF0] =	vst v44;
	v55, _, _ =	vpop (xrf0);
	(xrf0) =	vadd.scan.msk.s32 $0xffff, v62  }
0x4d8: {  	v5 =	vld [tilespmem:s3+$0x70];
	v44 =	vsel vm12, $0x1, v0;
	v34 =	vadd.s32 v53, v34;
	v56 =	vsel vm8, $0xFFFFFFFF, v0;
	v58, _, _ =	vpop (xrf0);
	(xrf0) =	vadd.scan.msk.s32 $0xffff, v63  }
0x4d9: {  	v27 =	vadd.s32 v54, v27;
	v42 =	vsel vm1, $0xFFFFFFFF, v0;
	v28 =	vadd.s32 v43, v28;
	v61, _, _ =	vpop (xrf0);
	(xrf0) =	vadd.scan.msk.s32 $0xffff, v44  }
0x4da: {  	v57 =	vsel vm12, $0xFFFFFFFF, v0;
	v29 =	vadd.s32 v56, v29;
	v51 =	vsel vm0, $0xFFFFFFFF, v0;
	v59, _, _ =	vpop (xrf0);
	(xrf0) =	vadd.scan.msk.s32 $0xffff, v45  }
0x4db: {  	v16 =	vadd.s32 v42, v16;
	vm15 =	veq.s32 v4, v1;
	v30 =	vadd.s32 v57, v30;
	v44, _, _ =	vpop (xrf0);
	(xrf0) =	vadd.scan.msk.s32 $0xffff, v37  }
0x4dc: {  	v16 =	vadd.s32 v24, v16;
	v9 =	vmpcnt.ones.xlane vm15;
	v46 =	vsel vm15, $0xFFFFFFFF, v46;
	v45, _, _ =	vpop (xrf0)  }
0x4dd: {  	vm14 =	veq.s32 v5, v1;
	v32 =	vadd.s32 v51, v32;
	[tilespmem:$0x1FCD0] =	vst v46;
	v46 =	vsel vm15, $0x1, v0;
	v51, _, _ =	vpop (xrf0)  }
0x4de: {  	v60 =	vsel vm15, $0xFFFFFFFF, v0;
	v31 =	vadd.s32 v40, v31;
	v47 =	vsel vm14, $0x1, v0;
	(xrf0) =	vadd.scan.msk.s32 $0xffff, v46;
	v53, _, _ =	vpop (xrf0)  }
0x4df: {  	vm6 =	vlt.s32 v16, v2;
	v38 =	vmpcnt.ones.xlane vm14;
	v48 =	vsel vm14, $0xFFFFFFFF, v48;
	(xrf0) =	vadd.scan.msk.s32 $0xffff, v47;
	v54, _, _ =	vpop (xrf0)  }
0x4e0: {  	v41 =	vadd.s32 v35, v9;
	v9 =	vimm.s32 $0x0;
	v62 =	vsel vm11, $0xFFFFFFFF, v0;
	v56, _, _ =	vpop (xrf0)  }
0x4e1: {  	[tilespmem:$0x1FCE0] =	vst v48;
	v48 =	vsel vm2, $0xFFFFFFFF, v0;
	v9 =	vsel vm7, $0xFFFFFFFF, v9;
	v36 =	vadd.s32 v62, v36;
	v57, _, _ =	vpop (xrf0)  }
0x4e2: {  	v62 =	vsel vm14, $0xFFFFFFFF, v0;
	v33 =	vadd.s32 v59, v33;
	v59 =	vadd.s32 v57, v36;
	v36 =	vld [tilespmem:$0x1FCD0]  }
0x4e3: {  	v35 =	vadd.s32 v60, v35;
	[tilespmem:$0x1FD80] =	vst v9;
	v9 =	vadd.s32 v41, v38;
	v38 =	vsel vm4, $0xFFFFFFFF, v0  }
0x4e4: {  	v22 =	vadd.s32 v52, v22;
	v21 =	vadd.s32 v48, v21;
	v23 =	vadd.s32 v38, v23;
	v38 =	vld [tilespmem:$0x1FCE0];
	v60, _, _ =	vpop (xrf0)  }
0x4e5: {  	v63 =	vadd.s32 v62, v41;
	v21 =	vadd.s32 v26, v21;
	v26 =	vadd.s32 v60, v35;
	v62, _, _ =	vpop (xrf0)  }
0x4e6: {  	v40 =	vld [tilespmem:$0x1FCF0];
	vm0 =	vlt.s32 v59, v2;
	v35 =	vadd.s32 v62, v63;
	v63 =	vimm.s32 $0x0  }
0x4e7: {  	v43 =	vld [tilespmem:$0x1FD10];
	vm5 =	vlt.s32 v26, v2;
	v24 =	vsel vm0, $0xFFFFFFFF, v63;
	vm13 =	vnez.u8 v36  }
0x4e8: {  	v42 =	vld [tilespmem:$0x1FD00];
	v37 =	vimm.s32 $0x0;
	v34 =	vadd.s32 v44, v34;
	[tilespmem:$0x1FD20] =	vst v24;
	vm5 =	vmand vm13, vm5  }
0x4e9: {  	vm7 =	vlt.s32 v35, v2;
	v44 =	vld [tilespmem:$0x1FD20];
	v16 =	vsel vm5, $0xFFFFFFFF, v37;
	vm5 =	vnez.u8 v38  }
0x4ea: {  	v41 =	vimm.s32 $0x0;
	v46 =	vld [tilespmem:$0x1FD40];
	v30 =	vadd.s32 v54, v30;
	vm5 =	vmand vm5, vm7  }
0x4eb: {  	vm0 =	vlt.s32 v30, v2;
	[tilespmem:$0x1FEB0] =	vst v16;
	v16 =	vsel vm5, $0xFFFFFFFF, v39;
	vm5 =	vnez.u8 v40  }
0x4ec: {  	v48 =	vld [tilespmem:$0x1FD50];
	v27 =	vadd.s32 v45, v27;
	v31 =	vadd.s32 v56, v31;
	vm0 =	vmand vm5, vm0  }
0x4ed: {  	vm1 =	vlt.s32 v31, v2;
	[tilespmem:$0x1FEC0] =	vst v16;
	v16 =	vsel vm0, $0xFFFFFFFF, v41;
	vm0 =	vnez.u8 v42  }
0x4ee: {  	v50 =	vld [tilespmem:$0x1FD60];
	vm5 =	vnez.u8 v44;
	vm1 =	vmand vm0, vm1;
	vm0 =	vnez.u8 v43  }
0x4ef: {  	vm2 =	vlt.s32 v27, v2;
	vm5 =	vmand vm0, vm5;
	vm0 =	vnez.u8 v46  }
0x4f0: {  	v52 =	vld [tilespmem:$0x1FD70];
	v47 =	vimm.s32 $0x0;
	v28 =	vadd.s32 v51, v28;
	vm0 =	vmand vm0, vm2  }
0x4f1: {  	vm3 =	vlt.s32 v28, v2;
	[tilespmem:$0x1FED0] =	vst v16;
	v16 =	vsel vm0, $0xFFFFFFFF, v47;
	vm0 =	vnez.u8 v48  }
0x4f2: {  	v49 =	vimm.s32 $0x0;
	v29 =	vadd.s32 v53, v29;
	v54 =	vld [tilespmem:$0x1FD80];
	vm0 =	vmand vm0, vm3  }
0x4f3: {  	vm14 =	vlt.s32 v29, v2;
	[tilespmem:$0x1FEE0] =	vst v16;
	v16 =	vsel vm0, $0xFFFFFFFF, v49;
	vm0 =	vnez.u8 v50  }
0x4f4: {  	v51 =	vimm.s32 $0x0;
	v56 =	vld [tilespmem:$0x1FD90];
	vm0 =	vmand vm0, vm14  }
0x4f5: {  	[tilespmem:$0x1FEF0] =	vst v16;
	v16 =	vsel vm0, $0xFFFFFFFF, v51;
	vm0 =	vnez.u8 v52  }
0x4f6: {  	v25 =	vadd.s32 v58, v25;
	v58 =	vld [tilespmem:$0x1FDA0];
	v53 =	vimm.s32 $0x0;
	vm0 =	vmand vm0, vm6  }
0x4f7: {  	vm4 =	vlt.s32 v33, v2;
	[tilespmem:$0x1FF00] =	vst v16;
	v16 =	vsel vm0, $0xFFFFFFFF, v53;
	vm0 =	vnez.u8 v54  }
0x4f8: {  	v23 =	vadd.s32 v55, v23;
	v55 =	vimm.s32 $0x0;
	v60 =	vld [tilespmem:$0x1FDB0];
	vm0 =	vmand vm0, vm4  }
0x4f9: {  	vm15 =	vlt.s32 v34, v2;
	[tilespmem:$0x1FF10] =	vst v16;
	v16 =	vsel vm0, $0xFFFFFFFF, v55;
	vm0 =	vnez.u8 v56  }
0x4fa: {  	v57 =	vimm.s32 $0x0;
	v62 =	vld [tilespmem:$0x1FDC0];
	vm0 =	vmand vm0, vm15  }
0x4fb: {  	vm12 =	vlt.s32 v21, v2;
	[tilespmem:$0x1FF20] =	vst v16;
	v16 =	vsel vm0, $0xFFFFFFFF, v57;
	vm0 =	vnez.u8 v58  }
0x4fc: {  	v59 =	vimm.s32 $0x0;
	vm14 =	vgt.s32 v6, v1;
	v6 =	vld [tilespmem:$0x1FDD0];
	vm0 =	vmand vm0, vm12  }
0x4fd: {  	vm8 =	vlt.s32 v22, v2;
	[tilespmem:$0x1FF50] =	vst v16;
	v16 =	vsel vm0, $0xFFFFFFFF, v59;
	vm0 =	vnez.u8 v60  }
0x4fe: {  	v32 =	vadd.s32 v61, v32;
	v61 =	vimm.s32 $0x0;
	vm0 =	vmand vm0, vm8  }
0x4ff: {  	vm9 =	vlt.s32 v23, v2;
	[tilespmem:$0x1FF60] =	vst v16;
	v16 =	vsel vm0, $0xFFFFFFFF, v61;
	vm0 =	vnez.u8 v62  }
0x500: {  	v63 =	vimm.s32 $0x0;
	vm0 =	vmand vm0, vm9  }
0x501: {  	vm11 =	vlt.s32 v25, v2;
	[tilespmem:$0x1FF70] =	vst v16;
	v16 =	vsel vm0, $0xFFFFFFFF, v63;
	vm0 =	vnez.u8 v6  }
0x502: {  	v6 =	vimm.s32 $0x0;
	vm0 =	vmand vm0, vm11  }
0x503: {  	v6 =	vsel vm0, $0xFFFFFFFF, v6  }
0x504: {  	[tilespmem:$0x1FFC0] =	vst v6;
	v6 =	vld [tilespmem:$0x1FDE0];
	_ =	sdelay $0x1  }
0x505: {  	v45 =	vld [tilespmem:$0x1FD30];
	_ =	sdelay $0x2  }
0x506: {  	vm10 =	vlt.s32 v32, v2;
	vm0 =	vnez.u8 v6  }
0x507: {  	s5 =	sadd.s32 $0x10, s5;
	v6 =	vimm.s32 $0x0;
	vm0 =	vmand vm0, vm10  }
0x508: {  	p0 =	slt.u32 s5, $0xF0;
	vm13 =	vnez.u8 v45;
	vm7 =	vgt.s32 v19, v1;
	v6 =	vsel vm0, $0xFFFFFFFF, v6  }
.Ltmp8:
0x509: {  	vm2 =	vgt.s32 v10, v1;
	vm3 =	vgt.s32 v17, v1;
	[tilespmem:$0x1FFD0] =	vst v6;
	v6 =	vimm.s32 $0x0;
	(pc) =	sbr.rel @p0 .LBB2_14-.Ltmp8, $4  }
0x50a: {  	vm4 =	vgt.s32 v20, v1;
	vm15 =	vgt.s32 v13, v1;
	v6 =	vsel vm2, $0xFFFFFFFF, v6  }
0x50b: {  	vm12 =	vgt.s32 v18, v1;
	vm2 =	vgt.s32 v11, v1;
	[tilespmem:$0x1FFE0] =	vst v6;
	v6 =	vimm.s32 $0x0  }
0x50c: {  	vm9 =	vgt.s32 v8, v1;
	[tilespmem:$0x1FFB0] =	vst v16;
	vm11 =	vgt.s32 v14, v1;
	v6 =	vsel vm2, $0xFFFFFFFF, v6  }
0x50d: {  	vm10 =	vgt.s32 v12, v1;
	vm0 =	vgt.s32 v7, v1;
	vm2 =	vgt.s32 v15, v1;
	[tilespmem:$0x1FFF0] =	vst v6  }
0x50e: {  	v44 =	vld [tilespmem:$0x1FEC0];
	_ =	sdelay $0x3  }
0x50f: {  	v0 =	vimm.s32 $0x0;
	vm8 =	vmmov vm5;
	v45 =	vld [tilespmem:$0x1FEB0]  }
0x510: {  	v0 =	vsel vm1, $0xFFFFFFFF, v0;
	vm1 =	vgt.s32 v5, v1;
	vm5 =	vnez.u8 v44  }
0x511: {  	vm1 =	vmor vm1, vm5  }
0x512: {  	s3 =	sadd.s32 $0x100, s4;
	[tilespmem:$0x1FCB0] =	vst v0;
	v46 =	vsel vm1, $0x3F800000, v3  }
0x513: {  	[tilespmem:s3+$0x70] =	vst v46  }
0x514: {  	vm6 =	vnez.u8 v45;
	vm5 =	vgt.s32 v4, v1;
	v0 =	vld [tilespmem:$0x1FCB0]  }
0x515: {  	vm5 =	vmor vm5, vm6  }
0x516: {  	v47 =	vsel vm5, $0x3F800000, v3  }
0x517: {  	[tilespmem:s3+$0x60] =	vst v47  }
0x518: {  	vm1 =	vmor vm4, vm8;
	v1 =	vld [tilespmem:$0x1FED0]  }
0x519: {  	v48 =	vsel vm1, $0x3F800000, v3;
	vm8 =	vnez.u8 v0  }
0x51a: {  	[tilespmem:s3+$0x50] =	vst v48;
	vm4 =	vmor vm7, vm8  }
0x51b: {  	v0 =	vld [tilespmem:$0x1FF00];
	v49 =	vsel vm4, $0x3F800000, v3  }
0x51c: {  	[tilespmem:s3+$0x40] =	vst v49  }
0x51d: {  	vm7 =	vnez.u8 v1;
	v1 =	vld [tilespmem:$0x1FEF0]  }
0x51e: {  	vm1 =	vmor vm12, vm7  }
0x51f: {  	v50 =	vsel vm1, $0x3F800000, v3  }
0x520: {  	[tilespmem:s3+$0x30] =	vst v50;
	vm8 =	vnez.u8 v0  }
0x521: {  	v0 =	vld [tilespmem:$0x1FEE0];
	vm3 =	vmor vm3, vm8  }
0x522: {  	v51 =	vsel vm3, $0x3F800000, v3;
	vm12 =	vnez.u8 v1  }
0x523: {  	[tilespmem:s3+$0x20] =	vst v51;
	vm1 =	vmor vm2, vm12  }
0x524: {  	v1 =	vld [tilespmem:$0x1FF50];
	v52 =	vsel vm1, $0x3F800000, v3  }
0x525: {  	[tilespmem:s3+$0x10] =	vst v52  }
0x526: {  	vm4 =	vnez.u8 v0;
	v0 =	vld [tilespmem:$0x1FF20]  }
0x527: {  	vm2 =	vmor vm11, vm4  }
0x528: {  	v53 =	vsel vm2, $0x3F800000, v3  }
0x529: {  	[tilespmem:s3+$0x0] =	vst v53;
	vm5 =	vnez.u8 v1  }
0x52a: {  	v1 =	vld [tilespmem:$0x1FF10];
	vm1 =	vmor vm15, vm5  }
0x52b: {  	v54 =	vsel vm1, $0x3F800000, v3;
	vm6 =	vnez.u8 v0  }
0x52c: {  	[tilespmem:s3+$0xFFFFFFF0] =	vst v54;
	vm2 =	vmor vm10, vm6  }
0x52d: {  	v0 =	vld [tilespmem:$0x1FF60];
	v55 =	vsel vm2, $0x3F800000, v3  }
0x52e: {  	[tilespmem:s3+$0xFFFFFFE0] =	vst v55  }
0x52f: {  	vm7 =	vnez.u8 v1;
	v1 =	vld [tilespmem:$0x1FF70]  }
0x530: {  	vm1 =	vmor vm13, vm7  }
0x531: {  	v56 =	vsel vm1, $0x3F800000, v3  }
0x532: {  	[tilespmem:s3+$0xFFFFFF80] =	vst v56;
	vm8 =	vnez.u8 v0  }
0x533: {  	v0 =	vld [tilespmem:$0x1FFB0];
	vm2 =	vmor vm14, vm8  }
0x534: {  	v57 =	vsel vm2, $0x3F800000, v3;
	vm10 =	vnez.u8 v1  }
0x535: {  	[tilespmem:s3+$0xFFFFFF90] =	vst v57;
	vm0 =	vmor vm0, vm10  }
0x536: {  	v1 =	vld [tilespmem:$0x1FFC0];
	v58 =	vsel vm0, $0x3F800000, v3  }
0x537: {  	v59 =	vld [tilespmem:$0x1FFE0];
	[tilespmem:s3+$0xFFFFFFA0] =	vst v58  }
0x538: {  	vm11 =	vnez.u8 v0;
	v0 =	vld [tilespmem:$0x1FFD0]  }
0x539: {  	v61 =	vld [tilespmem:$0x1FFF0];
	_ =	sdelay $0x2  }
0x53a: {  	vm1 =	vmor vm9, vm11  }
0x53b: {  	v60 =	vsel vm1, $0x3F800000, v3;
	vm12 =	vnez.u8 v1;
	vm13 =	vnez.u8 v59  }
0x53c: {  	vm0 =	vmor vm13, vm12;
	vm14 =	vnez.u8 v0;
	vm15 =	vnez.u8 v61  }
0x53d: {  	[tilespmem:s3+$0xFFFFFFB0] =	vst v60;
	v62 =	vsel vm0, $0x3F800000, v3;
	vm1 =	vmor vm15, vm14  }
0x53e: {  	[tilespmem:s3+$0xFFFFFFC0] =	vst v62;
	v63 =	vsel vm1, $0x3F800000, v3  }
0x53f: {  	[tilespmem:s3+$0xFFFFFFD0] =	vst v63  }
.LBB2_16:
0x540: {  	s3 =	simm.s32 $0x80  }
0x541: {  	s4 =	simm.s32 $0x400;
	s5 =	simm.s32 $0x2000;
	s31 =	simm.s32 $0x1  }
0x542: {  	[hbm4b:s2+s3] =	stream.strided.scatter [tilespmem:s5], [sflag:$0x1], $0x1000, s4, s3, $0x38;
	[tilespmem:$0x3200] =	vst v63  }
0x543: {  	_ =	swait.ge [sflag:s31], $0x1000  }
0x544: {  	[sflag:s31] =	ssyncset.done $0x0  }
0x545: {  	[sflag:s31] =	ssyncadd.s32 $0xFFFFF000  }
.LBB2_17:
0x546: {  	_ =	sfence.sel $0x180000  }
0x547: {  	[bflag:$0x0] =	sbarrier.arrive $0xFFFF  }
0x548: {  	p0 =	sne.s32 s1, $0x0;
	_ =	strace $0x90000047  }
0x549: {  	s0 =	sadd.s32 @!p0 $0x100000, s0;
	[bflag:$0x2] =	sbarrier.arrive $0xFFFF  }
0x54a: {  	[sflag:s0] =	ssyncadd.tile.s32 @!p0 $0x1;
	_ =	shalt  }
.Lfunc_end2:
_tile_overlayer_lowered:
.L_overlay_start_2:
0x54b: {  	(tag) =	ssettag $0x2  }
0x54c: {  	s0 =	rddreg [dreg:$0x0];
	s2 =	stileid.u32  }
0x54d: {  	s1 =	rddreg [dreg:$0x1];
	p0 =	sne.s32 s2, $0x0  }
0x54e: {  	s3 =	rddreg [dreg:$0x2];
	[bflag:$0x3] =	sbarrier.arrive $0xFFFF;
	s2 =	simm.s32 @!p0 $0x1C01  }
0x54f: {  	[timem:s3], [sflag:s2] =	dma.local @!p0 [hbm:s0], s1  }
0x550: {  	s0 =	simm.s32 @!p0 $0x1  }
0x551: {  	_ =	swait.ge @!p0 [sflag:s0], s1  }
0x552: {  	s1 =	ssub.s32 @!p0 $0x0, s1;
	[sflag:s0] =	ssyncset.done @!p0 $0x0  }
0x553: {  	[sflag:s0] =	ssyncadd.s32 @!p0 s1  }
0x554: {  	[bflag:$0x3] =	sbarrier.arrive $0xFFFF  }
0x555: {  	_ =	shalt  }

</sc_bundles>
